<compile_context>
chip_gen: v7x
topology: tpu7x:2x2x1
jax: 0.10.2.dev20260603
libtpu: 0.0.44.dev20260713+nightly
codegen_flags: <defaults>
</compile_context>

<pallas_src>
import functools

import jax
import jax.numpy as jnp
from jax import lax
from jax.experimental import pallas as pl
from jax.experimental.pallas import tpu as pltpu
from jax.experimental.pallas import tpu_sc as plsc

N = 10000
E = 320000
D = 128
NB = 64

NC = 2
NS = 16
NW = NC * NS
K = 128
CH = 81
NTRI = CH // 3
EPW = CH * K
EPAD = NW * EPW
SINK = 64
NA = N + SINK
RPS = 624
TAIL = N - NS * RPS
ZR = 208

R = 2000
GRID = N // R



@functools.cache
def _make_sc_edge_agg():
    mesh = plsc.VectorSubcoreMesh(core_axis_name="c", subcore_axis_name="s")

    @functools.partial(
        pl.kernel, mesh=mesh,
        out_type=jax.ShapeDtypeStruct((NC, N, D), jnp.float32),
        scratch_types=[
            pltpu.VMEM((2, K), jnp.int32),
            pltpu.VMEM((2, K), jnp.int32),
            pltpu.VMEM((2, K), jnp.int32),
            pltpu.VMEM((K, D), jnp.float32),
            pltpu.VMEM((K, D), jnp.float32),
            pltpu.VMEM((K, D), jnp.float32),
            pltpu.VMEM_SHARED((NA, D), jnp.float32),
            pltpu.SemaphoreType.DMA,
            pltpu.SemaphoreType.DMA,
        ],
    )
    def sc_edge_agg(hp_hbm, sd_hbm, zrows_hbm, out_hbm,
                    sd0, sd1, sd2, r0, r1, r2, acc, gsem, ssem):
        c = lax.axis_index("c")
        s = lax.axis_index("s")
        wid = c * NS + s
        for j in range(RPS // ZR):
            pltpu.sync_copy(zrows_hbm, acc.at[pl.ds(s * RPS + j * ZR, ZR)])

        @pl.when(s == 0)
        def _():
            pltpu.sync_copy(zrows_hbm.at[pl.ds(0, TAIL)],
                            acc.at[pl.ds(NS * RPS, TAIL)])
        plsc.subcore_barrier()

        bufs = ((sd0, r0), (sd1, r1), (sd2, r2))
        pltpu.sync_copy(sd_hbm.at[wid, 0], sd0)
        pltpu.async_copy(hp_hbm.at[sd0.at[0]], r0, gsem)
        pltpu.sync_copy(sd_hbm.at[wid, 1], sd1)
        pltpu.async_copy(hp_hbm.at[sd1.at[0]], r1, gsem)

        def tri(j, carry):
            for t in range(3):
                i = 3 * j + t
                sdX, rX = bufs[t]
                sdY, rY = bufs[(t + 2) % 3]
                pltpu.make_async_copy(hp_hbm.at[sdX.at[0]], rX, gsem).wait()
                pltpu.async_copy(rX, acc.at[sdX.at[1]], ssem, add=True)

                def drain_prev():
                    pltpu.make_async_copy(
                        rY, acc.at[sdY.at[1]], ssem).wait()

                def fetch_next():
                    pltpu.sync_copy(sd_hbm.at[wid, i + 2], sdY)
                    pltpu.async_copy(hp_hbm.at[sdY.at[0]], rY, gsem)

                if t == 0:
                    pl.when(j > 0)(drain_prev)
                    fetch_next()
                else:
                    drain_prev()
                    pl.when(j < NTRI - 1)(fetch_next)
            return carry

        lax.fori_loop(0, NTRI, tri, 0)
        pltpu.make_async_copy(r2, acc.at[sd2.at[1]], ssem).wait()
        plsc.subcore_barrier()
        pltpu.sync_copy(acc.at[pl.ds(s * RPS, RPS)],
                        out_hbm.at[c, pl.ds(s * RPS, RPS)])

        @pl.when(s == 0)
        def _():
            pltpu.sync_copy(acc.at[pl.ds(NS * RPS, TAIL)],
                            out_hbm.at[c, pl.ds(NS * RPS, TAIL)])

    return sc_edge_agg


def _sc_edge_agg(hp, sd, zrows):
    return _make_sc_edge_agg()(hp, sd, zrows)


@functools.cache
def _make_sc_deg():
    mesh = plsc.VectorSubcoreMesh(core_axis_name="c", subcore_axis_name="s")

    @functools.partial(
        pl.kernel, mesh=mesh,
        out_type=jax.ShapeDtypeStruct((NC, N, D), jnp.float32),
        scratch_types=[
            pltpu.VMEM((CH, K), jnp.int32),
            pltpu.VMEM((K, D), jnp.float32),
            pltpu.VMEM_SHARED((NA, D), jnp.float32),
            pltpu.SemaphoreType.DMA,
        ],
    )
    def sc_deg(dst3_hbm, ones_hbm, zrows_hbm, out_hbm, dsts_v, ones_v, acc,
               ssem):
        c = lax.axis_index("c")
        s = lax.axis_index("s")
        wid = c * NS + s
        pltpu.sync_copy(dst3_hbm.at[wid], dsts_v)
        for j in range(RPS // ZR):
            pltpu.sync_copy(zrows_hbm, acc.at[pl.ds(s * RPS + j * ZR, ZR)])

        @pl.when(s == 0)
        def _():
            pltpu.sync_copy(zrows_hbm.at[pl.ds(0, TAIL)],
                            acc.at[pl.ds(NS * RPS, TAIL)])
        pltpu.sync_copy(ones_hbm, ones_v)
        plsc.subcore_barrier()

        def step(i, carry):
            pltpu.async_copy(ones_v, acc.at[dsts_v.at[i]], ssem, add=True)

            @pl.when(i >= 4)
            def _():
                pltpu.make_async_copy(
                    ones_v, acc.at[dsts_v.at[0]], ssem).wait()
            return carry

        lax.fori_loop(0, CH, step, 0)
        for _ in range(4):
            pltpu.make_async_copy(ones_v, acc.at[dsts_v.at[0]], ssem).wait()
        plsc.subcore_barrier()
        pltpu.sync_copy(acc.at[pl.ds(s * RPS, RPS)],
                        out_hbm.at[c, pl.ds(s * RPS, RPS)])

        @pl.when(s == 0)
        def _():
            pltpu.sync_copy(acc.at[pl.ds(NS * RPS, TAIL)],
                            out_hbm.at[c, pl.ds(NS * RPS, TAIL)])

    return sc_deg


def _sc_deg(dst3, onesr, zrows):
    return _make_sc_deg()(dst3, onesr, zrows)



def _lead_body(x_ref, w_ref, b_ref, degp_ref, h_ref, hp_ref, dis_ref):
    deg = degp_ref[0, :, 0:1] + degp_ref[1, :, 0:1] + 1.0
    dis = lax.rsqrt(deg)
    h = jnp.dot(x_ref[...], w_ref[...], preferred_element_type=jnp.float32)
    h = h + b_ref[...]
    h_ref[...] = h
    hp_ref[...] = h * dis
    dis_ref[...] = dis


def _tc_lead(x, w, b, degp):
    return pl.pallas_call(
        _lead_body,
        grid=(GRID,),
        in_specs=[
            pl.BlockSpec((R, D), lambda i: (i, 0)),
            pl.BlockSpec((D, D), lambda i: (0, 0)),
            pl.BlockSpec((1, D), lambda i: (0, 0)),
            pl.BlockSpec((NC, R, D), lambda i: (0, i, 0)),
        ],
        out_specs=[
            pl.BlockSpec((R, D), lambda i: (i, 0)),
            pl.BlockSpec((R, D), lambda i: (i, 0)),
            pl.BlockSpec((R, 1), lambda i: (i, 0)),
        ],
        out_shape=[
            jax.ShapeDtypeStruct((N, D), jnp.float32),
            jax.ShapeDtypeStruct((N, D), jnp.float32),
            jax.ShapeDtypeStruct((N, 1), jnp.float32),
        ],
    )(x, w, b, degp)


def _relu_stats_body(p_ref, h_ref, dis_ref, y_ref, ssum_ref, ssq_ref):
    dis = dis_ref[...]
    agg = dis * (p_ref[0] + p_ref[1]) + (dis * dis) * h_ref[...]
    y = jnp.maximum(agg, 0.0)
    y_ref[...] = y

    @pl.when(pl.program_id(0) == 0)
    def _():
        ssum_ref[...] = jnp.zeros_like(ssum_ref)
        ssq_ref[...] = jnp.zeros_like(ssq_ref)

    ssum_ref[...] += jnp.sum(y, axis=0, keepdims=True)
    ssq_ref[...] += jnp.sum(y * y, axis=0, keepdims=True)


def _tc_relu_stats(p, h, dis):
    return pl.pallas_call(
        _relu_stats_body,
        grid=(GRID,),
        in_specs=[
            pl.BlockSpec((NC, R, D), lambda i: (0, i, 0)),
            pl.BlockSpec((R, D), lambda i: (i, 0)),
            pl.BlockSpec((R, 1), lambda i: (i, 0)),
        ],
        out_specs=[
            pl.BlockSpec((R, D), lambda i: (i, 0)),
            pl.BlockSpec((1, D), lambda i: (0, 0)),
            pl.BlockSpec((1, D), lambda i: (0, 0)),
        ],
        out_shape=[
            jax.ShapeDtypeStruct((N, D), jnp.float32),
            jax.ShapeDtypeStruct((1, D), jnp.float32),
            jax.ShapeDtypeStruct((1, D), jnp.float32),
        ],
    )(p, h, dis)


def _bn_matmul_body(y_ref, ssum_ref, ssq_ref, g_ref, be_ref, w_ref, b_ref,
                    dis_ref, h_ref, hp_ref):
    mu = ssum_ref[...] / N
    var = ssq_ref[...] / N - mu * mu
    rstd = lax.rsqrt(var + 1e-5)
    xn = (y_ref[...] - mu) * (rstd * g_ref[...]) + be_ref[...]
    h = jnp.dot(xn, w_ref[...], preferred_element_type=jnp.float32)
    h = h + b_ref[...]
    h_ref[...] = h
    hp_ref[...] = h * dis_ref[...]


def _tc_bn_matmul(y, ssum, ssq, g, be, w, b, dis):
    return pl.pallas_call(
        _bn_matmul_body,
        grid=(GRID,),
        in_specs=[
            pl.BlockSpec((R, D), lambda i: (i, 0)),
            pl.BlockSpec((1, D), lambda i: (0, 0)),
            pl.BlockSpec((1, D), lambda i: (0, 0)),
            pl.BlockSpec((1, D), lambda i: (0, 0)),
            pl.BlockSpec((1, D), lambda i: (0, 0)),
            pl.BlockSpec((D, D), lambda i: (0, 0)),
            pl.BlockSpec((1, D), lambda i: (0, 0)),
            pl.BlockSpec((R, 1), lambda i: (i, 0)),
        ],
        out_specs=[
            pl.BlockSpec((R, D), lambda i: (i, 0)),
            pl.BlockSpec((R, D), lambda i: (i, 0)),
        ],
        out_shape=[
            jax.ShapeDtypeStruct((N, D), jnp.float32),
            jax.ShapeDtypeStruct((N, D), jnp.float32),
        ],
    )(y, ssum, ssq, g, be, w, b, dis)


def _bn_pool_body(y_ref, ssum_ref, ssq_ref, g_ref, be_ref, batch_ref,
                  segs_ref, cnt_ref):
    mu = ssum_ref[...] / N
    var = ssq_ref[...] / N - mu * mu
    rstd = lax.rsqrt(var + 1e-5)
    xn = (y_ref[...] - mu) * (rstd * g_ref[...]) + be_ref[...]
    seg_ids = lax.broadcasted_iota(jnp.int32, (1, NB), 1)
    oneh = jnp.where(batch_ref[...] == seg_ids, 1.0, 0.0)

    @pl.when(pl.program_id(0) == 0)
    def _():
        segs_ref[...] = jnp.zeros_like(segs_ref)
        cnt_ref[...] = jnp.zeros_like(cnt_ref)

    segs_ref[...] += lax.dot_general(oneh, xn, (((0,), (0,)), ((), ())),
                                     preferred_element_type=jnp.float32)
    ones_col = jnp.ones((R, 1), jnp.float32)
    cnt_ref[...] += lax.dot_general(oneh, ones_col, (((0,), (0,)), ((), ())),
                                    preferred_element_type=jnp.float32)


def _tc_bn_pool(y, ssum, ssq, g, be, batch2):
    return pl.pallas_call(
        _bn_pool_body,
        grid=(GRID,),
        in_specs=[
            pl.BlockSpec((R, D), lambda i: (i, 0)),
            pl.BlockSpec((1, D), lambda i: (0, 0)),
            pl.BlockSpec((1, D), lambda i: (0, 0)),
            pl.BlockSpec((1, D), lambda i: (0, 0)),
            pl.BlockSpec((1, D), lambda i: (0, 0)),
            pl.BlockSpec((R, 1), lambda i: (i, 0)),
        ],
        out_specs=[
            pl.BlockSpec((NB, D), lambda i: (0, 0)),
            pl.BlockSpec((NB, 1), lambda i: (0, 0)),
        ],
        out_shape=[
            jax.ShapeDtypeStruct((NB, D), jnp.float32),
            jax.ShapeDtypeStruct((NB, 1), jnp.float32),
        ],
    )(y, ssum, ssq, g, be, batch2)


def _head_body(segs_ref, cnt_ref, w1_ref, b1_ref, w2_ref, b2_ref, out_ref):
    pooled = segs_ref[...] / jnp.maximum(cnt_ref[...], 1.0)
    o = jnp.dot(pooled, w1_ref[...], preferred_element_type=jnp.float32)
    o = o + b1_ref[...]
    o = jnp.dot(o, w2_ref[...], preferred_element_type=jnp.float32)
    o = o + b2_ref[...]
    m = jnp.max(o, axis=-1, keepdims=True)
    lse = m + jnp.log(jnp.sum(jnp.exp(o - m), axis=-1, keepdims=True))
    out_ref[...] = o - lse


def _tc_head(segs, cnt, l1W, l1b, l2W, l2b):
    return pl.pallas_call(
        _head_body,
        out_shape=jax.ShapeDtypeStruct((NB, 4), jnp.float32),
    )(segs, cnt, l1W, l1b.reshape(1, -1), l2W, l2b.reshape(1, -1))



def kernel(x, edge_index, batch, W1, b1, g1, be1, W2, b2, g2, be2,
           l1W, l1b, l2W, l2b):
    src = edge_index[0]
    dst = edge_index[1]
    batch2 = batch.astype(jnp.int32).reshape(N, 1)
    zrows = jnp.zeros((ZR, D), jnp.float32)
    onesr = jnp.ones((K, D), jnp.float32)

    ppw = EPW - E // NW
    pad_ar = jnp.arange(ppw, dtype=src.dtype)
    src_pad = jnp.tile(pad_ar[None, :], (NW, 1))
    dst_pad = jnp.tile(N + (pad_ar % SINK)[None, :], (NW, 1))
    src3 = jnp.concatenate(
        [src.reshape(NW, -1), src_pad], axis=1).reshape(NW, CH, K)
    dst3 = jnp.concatenate(
        [dst.reshape(NW, -1), dst_pad], axis=1).reshape(NW, CH, K)
    sd = jnp.stack([src3, dst3], axis=2)

    degp = _sc_deg(dst3, onesr, zrows)

    Ws = [W1[0], W1[1], W1[2], W2[0], W2[1], W2[2]]
    bs = [b1[0].reshape(1, D), b1[1].reshape(1, D), b1[2].reshape(1, D),
          b2[0].reshape(1, D), b2[1].reshape(1, D), b2[2].reshape(1, D)]
    gs = [g1[0].reshape(1, D), g1[1].reshape(1, D), g1[2].reshape(1, D),
          g2[0].reshape(1, D), g2[1].reshape(1, D), g2[2].reshape(1, D)]
    bes = [be1[0].reshape(1, D), be1[1].reshape(1, D), be1[2].reshape(1, D),
           be2[0].reshape(1, D), be2[1].reshape(1, D), be2[2].reshape(1, D)]

    h, hp, dis = _tc_lead(x, Ws[0], bs[0], degp)
    segs = cnt = None
    for l in range(6):
        p = _sc_edge_agg(hp, sd, zrows)
        y, ssum, ssq = _tc_relu_stats(p, h, dis)
        if l < 5:
            h, hp = _tc_bn_matmul(y, ssum, ssq, gs[l], bes[l],
                                  Ws[l + 1], bs[l + 1], dis)
        else:
            segs, cnt = _tc_bn_pool(y, ssum, ssq, gs[l], bes[l], batch2)
    return _tc_head(segs, cnt, l1W, l1b, l2W, l2b)

# --- scband reference (transcript-rebuilt; emitter-appended) ---
"""Pipeline reference for scband-diff-pool-87187836109057 (READ-ONLY COPY).

The authoritative reference and input builder live on the scoring server;
editing this copy changes nothing except your own understanding.
"""

import jax, jax.numpy as jnp
import numpy as np

N = 10000
E = 320000
D = 128
B = 64


def setup_inputs(seed: int = 0) -> dict:
    key = jax.random.key(seed)
    ks = jax.random.split(key, 16)
    x = jax.random.normal(ks[0], (N, D), dtype=jnp.float32)
    edge_index = jax.random.randint(ks[1], (2, E), 0, N)
    batch = jnp.sort(jax.random.randint(ks[2], (N,), 0, B))
    # gnn1_pool params: 3 GCN layers (all 128x128) + 3 batchnorms
    W1 = jax.random.normal(ks[3], (3, D, D), dtype=jnp.float32) * 0.05
    b1 = jnp.zeros((3, D), dtype=jnp.float32)
    g1 = jnp.ones((3, D), dtype=jnp.float32)
    be1 = jnp.zeros((3, D), dtype=jnp.float32)
    # gnn1_embed params
    W2 = jax.random.normal(ks[4], (3, D, D), dtype=jnp.float32) * 0.05
    b2 = jnp.zeros((3, D), dtype=jnp.float32)
    g2 = jnp.ones((3, D), dtype=jnp.float32)
    be2 = jnp.zeros((3, D), dtype=jnp.float32)
    l1W = jax.random.normal(ks[5], (D, 64), dtype=jnp.float32) * 0.05
    l1b = jnp.zeros((64,), dtype=jnp.float32)
    l2W = jax.random.normal(ks[6], (64, 4), dtype=jnp.float32) * 0.05
    l2b = jnp.zeros((4,), dtype=jnp.float32)
    return {"x": x, "edge_index": edge_index, "batch": batch,
            "W1": W1, "b1": b1, "g1": g1, "be1": be1,
            "W2": W2, "b2": b2, "g2": g2, "be2": be2,
            "l1W": l1W, "l1b": l1b, "l2W": l2W, "l2b": l2b}


def _gcn(x, W, b, src, dst, dis):
    # GCNConv: h = W x; aggregate with symmetric normalization incl. self loops
    h = x @ W + b
    norm = dis[src] * dis[dst]
    agg = jnp.zeros_like(h).at[dst].add(h[src] * norm[:, None])
    agg = agg + h * (dis * dis)[:, None]  # self-loop contribution
    return agg


def _bn(x, g, be):
    mu = jnp.mean(x, axis=0)
    var = jnp.var(x, axis=0)
    return (x - mu) / jnp.sqrt(var + 1e-5) * g + be


def _gnn(x, W, b, g, be, src, dst, dis):
    for i in range(3):
        x = _bn(jax.nn.relu(_gcn(x, W[i], b[i], src, dst, dis)), g[i], be[i])
    return x


def reference(x, edge_index, batch, W1, b1, g1, be1, W2, b2, g2, be2, l1W, l1b, l2W, l2b):
    src = edge_index[0]
    dst = edge_index[1]
    deg = jnp.zeros((N,), dtype=jnp.float32).at[dst].add(1.0) + 1.0  # + self loop
    dis = deg ** -0.5
    h = _gnn(x, W1, b1, g1, be1, src, dst, dis)   # gnn1_pool
    h = _gnn(h, W2, b2, g2, be2, src, dst, dis)   # gnn1_embed
    # global_mean_pool over batch assignment
    s = jax.ops.segment_sum(h, batch, num_segments=B)
    cnt = jax.ops.segment_sum(jnp.ones((N,), dtype=jnp.float32), batch, num_segments=B)
    pooled = s / jnp.clip(cnt, 1.0)[:, None]
    out = pooled @ l1W + l1b
    out = out @ l2W + l2b
    return jax.nn.log_softmax(out, axis=-1)

if __name__ == "__main__":
    import jax
    _d = setup_inputs()
    print(jax.jit(kernel)(*tuple(_d.values())))

</pallas_src>

<mosaic_0001>
#map = affine_map<(d0, d1) -> (0, 0)>
#map1 = affine_map<(d0, d1) -> (0, 0, 0, 0)>
#map2 = affine_map<(d0, d1) -> (0, 0, 0)>
module attributes {stable_mosaic.version = 14 : i64} {
  func.func @sc_edge_agg(%arg0: i32, %arg1: i32, %arg2: memref<10000x128xf32, #tpu.memory_space<hbm>>, %arg3: memref<32x81x2x128xi32, #tpu.memory_space<hbm>>, %arg4: memref<208x128xf32, #tpu.memory_space<hbm>>, %arg5: memref<2x10000x128xf32, #tpu.memory_space<hbm>>, %arg6: memref<2x128xi32, #tpu.memory_space<vmem>>, %arg7: memref<2x128xi32, #tpu.memory_space<vmem>>, %arg8: memref<2x128xi32, #tpu.memory_space<vmem>>, %arg9: memref<128x128xf32, #tpu.memory_space<vmem>>, %arg10: memref<128x128xf32, #tpu.memory_space<vmem>>, %arg11: memref<128x128xf32, #tpu.memory_space<vmem>>, %arg12: memref<10064x128xf32, #tpu.memory_space<vmem_shared>>, %arg13: memref<!tpu.dma_semaphore, #tpu.memory_space<semaphore_mem>>, %arg14: memref<!tpu.dma_semaphore, #tpu.memory_space<semaphore_mem>>) attributes {dimension_semantics = [#tpu.dimension_semantics<core_parallel>, #tpu.dimension_semantics<subcore_parallel>], iteration_bounds = array<i64: 2, 16>, scalar_prefetch = 0 : i64, scratch_operands = 9 : i64, tpu.core_type = #tpu.core_type<sc_vector_subcore>, window_params = [{transform_indices = #map}, {transform_indices = #map1}, {transform_indices = #map}, {transform_indices = #map2}]} {
    %mul3A = arith.constant 16 : i32
    %mul3A_0 = arith.muli %arg0, %mul3A : i32
    %add3A = arith.addi %mul3A_0, %arg1 : i32
    %mul3A_1 = arith.constant 624 : i32
    %mul3A_2 = arith.muli %arg1, %mul3A_1 : i32
    %add3A_3 = arith.constant 0 : i32
    %add3A_4 = arith.addi %mul3A_2, %add3A_3 : i32
    "tpu.region"() ({
      %run_scoped3A_50 = tpu.sem_alloc : memref<!tpu.dma_semaphore, #tpu.memory_space<semaphore_mem>>
      %dma_start3A_51 = arith.constant 0 : i32
      %dma_start3A_52 = tpu.memref_slice %arg12[%add3A_4, %dma_start3A_51] : memref<10064x128xf32, #tpu.memory_space<vmem_shared>> -> memref<208x128xf32, #tpu.memory_space<vmem_shared>>
      tpu.enqueue_dma source(%arg4 : memref<208x128xf32, #tpu.memory_space<hbm>>) target(%dma_start3A_52 : memref<208x128xf32, #tpu.memory_space<vmem_shared>>) target_semaphore(%run_scoped3A_50 : memref<!tpu.dma_semaphore, #tpu.memory_space<semaphore_mem>>)
      %dma_wait3A_53 = arith.constant 0 : i32
      %dma_wait3A_54 = tpu.memref_slice %arg12[%add3A_4, %dma_wait3A_53] : memref<10064x128xf32, #tpu.memory_space<vmem_shared>> -> memref<208x128xf32, #tpu.memory_space<vmem_shared>>
      tpu.wait_dma2 semaphore(%run_scoped3A_50 : memref<!tpu.dma_semaphore, #tpu.memory_space<semaphore_mem>>) src(%arg4 : memref<208x128xf32, #tpu.memory_space<hbm>>) dst(%dma_wait3A_54 : memref<208x128xf32, #tpu.memory_space<vmem_shared>>)
      tpu.yield
    }) : () -> ()
    %mul3A_5 = arith.constant 624 : i32
    %mul3A_6 = arith.muli %arg1, %mul3A_5 : i32
    %add3A_7 = arith.constant 208 : i32
    %add3A_8 = arith.addi %mul3A_6, %add3A_7 : i32
    "tpu.region"() ({
      %run_scoped3A_50 = tpu.sem_alloc : memref<!tpu.dma_semaphore, #tpu.memory_space<semaphore_mem>>
      %dma_start3A_51 = arith.constant 0 : i32
      %dma_start3A_52 = tpu.memref_slice %arg12[%add3A_8, %dma_start3A_51] : memref<10064x128xf32, #tpu.memory_space<vmem_shared>> -> memref<208x128xf32, #tpu.memory_space<vmem_shared>>
      tpu.enqueue_dma source(%arg4 : memref<208x128xf32, #tpu.memory_space<hbm>>) target(%dma_start3A_52 : memref<208x128xf32, #tpu.memory_space<vmem_shared>>) target_semaphore(%run_scoped3A_50 : memref<!tpu.dma_semaphore, #tpu.memory_space<semaphore_mem>>)
      %dma_wait3A_53 = arith.constant 0 : i32
      %dma_wait3A_54 = tpu.memref_slice %arg12[%add3A_8, %dma_wait3A_53] : memref<10064x128xf32, #tpu.memory_space<vmem_shared>> -> memref<208x128xf32, #tpu.memory_space<vmem_shared>>
      tpu.wait_dma2 semaphore(%run_scoped3A_50 : memref<!tpu.dma_semaphore, #tpu.memory_space<semaphore_mem>>) src(%arg4 : memref<208x128xf32, #tpu.memory_space<hbm>>) dst(%dma_wait3A_54 : memref<208x128xf32, #tpu.memory_space<vmem_shared>>)
      tpu.yield
    }) : () -> ()
    %mul3A_9 = arith.constant 624 : i32
    %mul3A_10 = arith.muli %arg1, %mul3A_9 : i32
    %add3A_11 = arith.constant 416 : i32
    %add3A_12 = arith.addi %mul3A_10, %add3A_11 : i32
    "tpu.region"() ({
      %run_scoped3A_50 = tpu.sem_alloc : memref<!tpu.dma_semaphore, #tpu.memory_space<semaphore_mem>>
      %dma_start3A_51 = arith.constant 0 : i32
      %dma_start3A_52 = tpu.memref_slice %arg12[%add3A_12, %dma_start3A_51] : memref<10064x128xf32, #tpu.memory_space<vmem_shared>> -> memref<208x128xf32, #tpu.memory_space<vmem_shared>>
      tpu.enqueue_dma source(%arg4 : memref<208x128xf32, #tpu.memory_space<hbm>>) target(%dma_start3A_52 : memref<208x128xf32, #tpu.memory_space<vmem_shared>>) target_semaphore(%run_scoped3A_50 : memref<!tpu.dma_semaphore, #tpu.memory_space<semaphore_mem>>)
      %dma_wait3A_53 = arith.constant 0 : i32
      %dma_wait3A_54 = tpu.memref_slice %arg12[%add3A_12, %dma_wait3A_53] : memref<10064x128xf32, #tpu.memory_space<vmem_shared>> -> memref<208x128xf32, #tpu.memory_space<vmem_shared>>
      tpu.wait_dma2 semaphore(%run_scoped3A_50 : memref<!tpu.dma_semaphore, #tpu.memory_space<semaphore_mem>>) src(%arg4 : memref<208x128xf32, #tpu.memory_space<hbm>>) dst(%dma_wait3A_54 : memref<208x128xf32, #tpu.memory_space<vmem_shared>>)
      tpu.yield
    }) : () -> ()
    %eq3A = arith.constant 0 : i32
    %eq3A_13 = arith.cmpi eq, %arg1, %eq3A : i32
    %convert_element_type3A = arith.extui %eq3A_13 : i1 to i32
    %cond3A = arith.constant 0 : i32
    %cond3A_14 = arith.cmpi ne, %convert_element_type3A, %cond3A : i32
    scf.if %cond3A_14 {
      "tpu.region"() ({
        %run_scoped3A_50 = tpu.sem_alloc : memref<!tpu.dma_semaphore, #tpu.memory_space<semaphore_mem>>
        %dma_start3A_51 = arith.constant 9984 : i32
        %dma_start3A_52 = arith.constant 0 : i32
        %dma_start3A_53 = tpu.memref_slice %arg12[%dma_start3A_51, %dma_start3A_52] : memref<10064x128xf32, #tpu.memory_space<vmem_shared>> -> memref<16x128xf32, #tpu.memory_space<vmem_shared>>
        %dma_start3A_54 = arith.constant 0 : i32
        %dma_start3A_55 = arith.constant 0 : i32
        %dma_start3A_56 = tpu.memref_slice %arg4[%dma_start3A_54, %dma_start3A_55] : memref<208x128xf32, #tpu.memory_space<hbm>> -> memref<16x128xf32, #tpu.memory_space<hbm>>
        tpu.enqueue_dma source(%dma_start3A_56 : memref<16x128xf32, #tpu.memory_space<hbm>>) target(%dma_start3A_53 : memref<16x128xf32, #tpu.memory_space<vmem_shared>>) target_semaphore(%run_scoped3A_50 : memref<!tpu.dma_semaphore, #tpu.memory_space<semaphore_mem>>)
        %dma_wait3A_57 = arith.constant 9984 : i32
        %dma_wait3A_58 = arith.constant 0 : i32
        %dma_wait3A_59 = tpu.memref_slice %arg12[%dma_wait3A_57, %dma_wait3A_58] : memref<10064x128xf32, #tpu.memory_space<vmem_shared>> -> memref<16x128xf32, #tpu.memory_space<vmem_shared>>
        %dma_wait3A_60 = arith.constant 0 : i32
        %dma_wait3A_61 = arith.constant 0 : i32
        %dma_wait3A_62 = tpu.memref_slice %arg4[%dma_wait3A_60, %dma_wait3A_61] : memref<208x128xf32, #tpu.memory_space<hbm>> -> memref<16x128xf32, #tpu.memory_space<hbm>>
        tpu.wait_dma2 semaphore(%run_scoped3A_50 : memref<!tpu.dma_semaphore, #tpu.memory_space<semaphore_mem>>) src(%dma_wait3A_62 : memref<16x128xf32, #tpu.memory_space<hbm>>) dst(%dma_wait3A_59 : memref<16x128xf32, #tpu.memory_space<vmem_shared>>)
        tpu.yield
      }) : () -> ()
    } else {
    }
    %barrier3A = arith.constant 0 : index
    tpu.barrier barrier_id(%barrier3A)
    %run_scoped3A = arith.constant 0 : i32
    "tpu.region"() ({
      %run_scoped3A_50 = tpu.sem_alloc : memref<!tpu.dma_semaphore, #tpu.memory_space<semaphore_mem>>
      %dma_start3A_51 = arith.constant 0 : i32
      %dma_start3A_52 = arith.constant 0 : i32
      %dma_start3A_53 = tpu.memref_slice %arg3[%add3A, %run_scoped3A, %dma_start3A_51, %dma_start3A_52] : memref<32x81x2x128xi32, #tpu.memory_space<hbm>> -> memref<1x1x2x128xi32, #tpu.memory_space<hbm>>
      %dma_start3A_54 = tpu.memref_squeeze %dma_start3A_53 : memref<1x1x2x128xi32, #tpu.memory_space<hbm>> -> memref<2x128xi32, #tpu.memory_space<hbm>>
      %dma_start3A_55 = arith.constant 0 : i32
      %dma_start3A_56 = arith.constant 0 : i32
      %dma_start3A_57 = tpu.memref_slice %arg3[%add3A, %run_scoped3A, %dma_start3A_55, %dma_start3A_56] : memref<32x81x2x128xi32, #tpu.memory_space<hbm>> -> memref<1x1x2x128xi32, #tpu.memory_space<hbm>>
      %dma_start3A_58 = tpu.memref_squeeze %dma_start3A_57 : memref<1x1x2x128xi32, #tpu.memory_space<hbm>> -> memref<2x128xi32, #tpu.memory_space<hbm>>
      tpu.enqueue_dma source(%dma_start3A_58 : memref<2x128xi32, #tpu.memory_space<hbm>>) target(%arg6 : memref<2x128xi32, #tpu.memory_space<vmem>>) target_semaphore(%run_scoped3A_50 : memref<!tpu.dma_semaphore, #tpu.memory_space<semaphore_mem>>)
      %dma_wait3A_59 = arith.constant 0 : i32
      %dma_wait3A_60 = arith.constant 0 : i32
      %dma_wait3A_61 = tpu.memref_slice %arg3[%add3A, %run_scoped3A, %dma_wait3A_59, %dma_wait3A_60] : memref<32x81x2x128xi32, #tpu.memory_space<hbm>> -> memref<1x1x2x128xi32, #tpu.memory_space<hbm>>
      %dma_wait3A_62 = tpu.memref_squeeze %dma_wait3A_61 : memref<1x1x2x128xi32, #tpu.memory_space<hbm>> -> memref<2x128xi32, #tpu.memory_space<hbm>>
      %dma_wait3A_63 = arith.constant 0 : i32
      %dma_wait3A_64 = arith.constant 0 : i32
      %dma_wait3A_65 = tpu.memref_slice %arg3[%add3A, %run_scoped3A, %dma_wait3A_63, %dma_wait3A_64] : memref<32x81x2x128xi32, #tpu.memory_space<hbm>> -> memref<1x1x2x128xi32, #tpu.memory_space<hbm>>
      %dma_wait3A_66 = tpu.memref_squeeze %dma_wait3A_65 : memref<1x1x2x128xi32, #tpu.memory_space<hbm>> -> memref<2x128xi32, #tpu.memory_space<hbm>>
      tpu.wait_dma2 semaphore(%run_scoped3A_50 : memref<!tpu.dma_semaphore, #tpu.memory_space<semaphore_mem>>) src(%dma_wait3A_66 : memref<2x128xi32, #tpu.memory_space<hbm>>) dst(%arg6 : memref<2x128xi32, #tpu.memory_space<vmem>>)
      tpu.yield
    }) : () -> ()
    %dma_start3A = arith.constant 0 : i32
    %dma_start3A_15 = arith.constant 0 : i32
    %dma_start3A_16 = tpu.memref_slice %arg6[%dma_start3A, %dma_start3A_15] : memref<2x128xi32, #tpu.memory_space<vmem>> -> memref<1x128xi32, #tpu.memory_space<vmem>>
    %dma_start3A_17 = tpu.memref_squeeze %dma_start3A_16 : memref<1x128xi32, #tpu.memory_space<vmem>> -> memref<128xi32, #tpu.memory_space<vmem>>
    %dma_start3A_18 = arith.constant 0 : i32
    %dma_start3A_19 = arith.constant 0 : i32
    %dma_start3A_20 = tpu.memref_slice %arg2[%dma_start3A_18, %dma_start3A_19] : memref<10000x128xf32, #tpu.memory_space<hbm>> -> memref<10000x128xf32, #tpu.memory_space<hbm>>
    tpu.enqueue_indirect_dma source(%dma_start3A_20 : memref<10000x128xf32, #tpu.memory_space<hbm>>) target(%arg9 : memref<128x128xf32, #tpu.memory_space<vmem>>) offsets(%dma_start3A_17 : memref<128xi32, #tpu.memory_space<vmem>>) semaphore(%arg13 : memref<!tpu.dma_semaphore, #tpu.memory_space<semaphore_mem>>)
    %run_scoped3A_21 = arith.constant 1 : i32
    "tpu.region"() ({
      %run_scoped3A_50 = tpu.sem_alloc : memref<!tpu.dma_semaphore, #tpu.memory_space<semaphore_mem>>
      %dma_start3A_51 = arith.constant 0 : i32
      %dma_start3A_52 = arith.constant 0 : i32
      %dma_start3A_53 = tpu.memref_slice %arg3[%add3A, %run_scoped3A_21, %dma_start3A_51, %dma_start3A_52] : memref<32x81x2x128xi32, #tpu.memory_space<hbm>> -> memref<1x1x2x128xi32, #tpu.memory_space<hbm>>
      %dma_start3A_54 = tpu.memref_squeeze %dma_start3A_53 : memref<1x1x2x128xi32, #tpu.memory_space<hbm>> -> memref<2x128xi32, #tpu.memory_space<hbm>>
      %dma_start3A_55 = arith.constant 0 : i32
      %dma_start3A_56 = arith.constant 0 : i32
      %dma_start3A_57 = tpu.memref_slice %arg3[%add3A, %run_scoped3A_21, %dma_start3A_55, %dma_start3A_56] : memref<32x81x2x128xi32, #tpu.memory_space<hbm>> -> memref<1x1x2x128xi32, #tpu.memory_space<hbm>>
      %dma_start3A_58 = tpu.memref_squeeze %dma_start3A_57 : memref<1x1x2x128xi32, #tpu.memory_space<hbm>> -> memref<2x128xi32, #tpu.memory_space<hbm>>
      tpu.enqueue_dma source(%dma_start3A_58 : memref<2x128xi32, #tpu.memory_space<hbm>>) target(%arg7 : memref<2x128xi32, #tpu.memory_space<vmem>>) target_semaphore(%run_scoped3A_50 : memref<!tpu.dma_semaphore, #tpu.memory_space<semaphore_mem>>)
      %dma_wait3A_59 = arith.constant 0 : i32
      %dma_wait3A_60 = arith.constant 0 : i32
      %dma_wait3A_61 = tpu.memref_slice %arg3[%add3A, %run_scoped3A_21, %dma_wait3A_59, %dma_wait3A_60] : memref<32x81x2x128xi32, #tpu.memory_space<hbm>> -> memref<1x1x2x128xi32, #tpu.memory_space<hbm>>
      %dma_wait3A_62 = tpu.memref_squeeze %dma_wait3A_61 : memref<1x1x2x128xi32, #tpu.memory_space<hbm>> -> memref<2x128xi32, #tpu.memory_space<hbm>>
      %dma_wait3A_63 = arith.constant 0 : i32
      %dma_wait3A_64 = arith.constant 0 : i32
      %dma_wait3A_65 = tpu.memref_slice %arg3[%add3A, %run_scoped3A_21, %dma_wait3A_63, %dma_wait3A_64] : memref<32x81x2x128xi32, #tpu.memory_space<hbm>> -> memref<1x1x2x128xi32, #tpu.memory_space<hbm>>
      %dma_wait3A_66 = tpu.memref_squeeze %dma_wait3A_65 : memref<1x1x2x128xi32, #tpu.memory_space<hbm>> -> memref<2x128xi32, #tpu.memory_space<hbm>>
      tpu.wait_dma2 semaphore(%run_scoped3A_50 : memref<!tpu.dma_semaphore, #tpu.memory_space<semaphore_mem>>) src(%dma_wait3A_66 : memref<2x128xi32, #tpu.memory_space<hbm>>) dst(%arg7 : memref<2x128xi32, #tpu.memory_space<vmem>>)
      tpu.yield
    }) : () -> ()
    %dma_start3A_22 = arith.constant 0 : i32
    %dma_start3A_23 = arith.constant 0 : i32
    %dma_start3A_24 = tpu.memref_slice %arg7[%dma_start3A_22, %dma_start3A_23] : memref<2x128xi32, #tpu.memory_space<vmem>> -> memref<1x128xi32, #tpu.memory_space<vmem>>
    %dma_start3A_25 = tpu.memref_squeeze %dma_start3A_24 : memref<1x128xi32, #tpu.memory_space<vmem>> -> memref<128xi32, #tpu.memory_space<vmem>>
    %dma_start3A_26 = arith.constant 0 : i32
    %dma_start3A_27 = arith.constant 0 : i32
    %dma_start3A_28 = tpu.memref_slice %arg2[%dma_start3A_26, %dma_start3A_27] : memref<10000x128xf32, #tpu.memory_space<hbm>> -> memref<10000x128xf32, #tpu.memory_space<hbm>>
    tpu.enqueue_indirect_dma source(%dma_start3A_28 : memref<10000x128xf32, #tpu.memory_space<hbm>>) target(%arg10 : memref<128x128xf32, #tpu.memory_space<vmem>>) offsets(%dma_start3A_25 : memref<128xi32, #tpu.memory_space<vmem>>) semaphore(%arg13 : memref<!tpu.dma_semaphore, #tpu.memory_space<semaphore_mem>>)
    %scan3A = arith.constant 0 : i32
    %scan3A_29 = arith.constant 0 : i32
    %scan3A_30 = arith.constant 27 : i32
    %scan3A_31 = arith.addi %scan3A_29, %scan3A_30 : i32
    %scan3A_32 = arith.constant 1 : i32
    scf.for %scan3A_50 = %scan3A_29 to %scan3A_31 step %scan3A_32  : i32 {
      %mul3A_51 = arith.constant 3 : i32
      %mul3A_52 = arith.muli %mul3A_51, %scan3A_50 : i32
      %add3A_53 = arith.constant 0 : i32
      %add3A_54 = arith.addi %mul3A_52, %add3A_53 : i32
      %dma_wait3A_55 = arith.constant 0 : i32
      %dma_wait3A_56 = arith.constant 0 : i32
      %dma_wait3A_57 = tpu.memref_slice %arg6[%dma_wait3A_55, %dma_wait3A_56] : memref<2x128xi32, #tpu.memory_space<vmem>> -> memref<1x128xi32, #tpu.memory_space<vmem>>
      %dma_wait3A_58 = tpu.memref_squeeze %dma_wait3A_57 : memref<1x128xi32, #tpu.memory_space<vmem>> -> memref<128xi32, #tpu.memory_space<vmem>>
      %dma_wait3A_59 = arith.constant 0 : i32
      %dma_wait3A_60 = arith.constant 0 : i32
      %dma_wait3A_61 = tpu.memref_slice %arg2[%dma_wait3A_59, %dma_wait3A_60] : memref<10000x128xf32, #tpu.memory_space<hbm>> -> memref<10000x128xf32, #tpu.memory_space<hbm>>
      tpu.wait_indirect_dma semaphore(%arg13 : memref<!tpu.dma_semaphore, #tpu.memory_space<semaphore_mem>>) src(%dma_wait3A_61 : memref<10000x128xf32, #tpu.memory_space<hbm>>) dst(%arg9 : memref<128x128xf32, #tpu.memory_space<vmem>>)
      %dma_start3A_62 = arith.constant 1 : i32
      %dma_start3A_63 = arith.constant 0 : i32
      %dma_start3A_64 = tpu.memref_slice %arg6[%dma_start3A_62, %dma_start3A_63] : memref<2x128xi32, #tpu.memory_space<vmem>> -> memref<1x128xi32, #tpu.memory_space<vmem>>
      %dma_start3A_65 = tpu.memref_squeeze %dma_start3A_64 : memref<1x128xi32, #tpu.memory_space<vmem>> -> memref<128xi32, #tpu.memory_space<vmem>>
      %dma_start3A_66 = arith.constant 0 : i32
      %dma_start3A_67 = arith.constant 0 : i32
      %dma_start3A_68 = tpu.memref_slice %arg12[%dma_start3A_66, %dma_start3A_67] : memref<10064x128xf32, #tpu.memory_space<vmem_shared>> -> memref<10064x128xf32, #tpu.memory_space<vmem_shared>>
      tpu.enqueue_indirect_dma source(%arg9 : memref<128x128xf32, #tpu.memory_space<vmem>>) target(%dma_start3A_68 : memref<10064x128xf32, #tpu.memory_space<vmem_shared>>) offsets(%dma_start3A_65 : memref<128xi32, #tpu.memory_space<vmem>>) semaphore(%arg14 : memref<!tpu.dma_semaphore, #tpu.memory_space<semaphore_mem>>) {add = true}
      %gt3A = arith.constant 0 : i32
      %gt3A_69 = arith.cmpi sgt, %scan3A_50, %gt3A : i32
      %convert_element_type3A_70 = arith.extui %gt3A_69 : i1 to i32
      %cond3A_71 = arith.constant 0 : i32
      %cond3A_72 = arith.cmpi ne, %convert_element_type3A_70, %cond3A_71 : i32
      scf.if %cond3A_72 {
        %dma_wait3A_141 = arith.constant 1 : i32
        %dma_wait3A_142 = arith.constant 0 : i32
        %dma_wait3A_143 = tpu.memref_slice %arg8[%dma_wait3A_141, %dma_wait3A_142] : memref<2x128xi32, #tpu.memory_space<vmem>> -> memref<1x128xi32, #tpu.memory_space<vmem>>
        %dma_wait3A_144 = tpu.memref_squeeze %dma_wait3A_143 : memref<1x128xi32, #tpu.memory_space<vmem>> -> memref<128xi32, #tpu.memory_space<vmem>>
        %dma_wait3A_145 = arith.constant 0 : i32
        %dma_wait3A_146 = arith.constant 0 : i32
        %dma_wait3A_147 = tpu.memref_slice %arg12[%dma_wait3A_145, %dma_wait3A_146] : memref<10064x128xf32, #tpu.memory_space<vmem_shared>> -> memref<10064x128xf32, #tpu.memory_space<vmem_shared>>
        tpu.wait_indirect_dma semaphore(%arg14 : memref<!tpu.dma_semaphore, #tpu.memory_space<semaphore_mem>>) src(%arg11 : memref<128x128xf32, #tpu.memory_space<vmem>>) dst(%dma_wait3A_147 : memref<10064x128xf32, #tpu.memory_space<vmem_shared>>)
      } else {
      }
      %add3A_73 = arith.constant 2 : i32
      %add3A_74 = arith.addi %add3A_54, %add3A_73 : i32
      "tpu.region"() ({
        %run_scoped3A_141 = tpu.sem_alloc : memref<!tpu.dma_semaphore, #tpu.memory_space<semaphore_mem>>
        %dma_start3A_142 = arith.constant 0 : i32
        %dma_start3A_143 = arith.constant 0 : i32
        %dma_start3A_144 = tpu.memref_slice %arg3[%add3A, %add3A_74, %dma_start3A_142, %dma_start3A_143] : memref<32x81x2x128xi32, #tpu.memory_space<hbm>> -> memref<1x1x2x128xi32, #tpu.memory_space<hbm>>
        %dma_start3A_145 = tpu.memref_squeeze %dma_start3A_144 : memref<1x1x2x128xi32, #tpu.memory_space<hbm>> -> memref<2x128xi32, #tpu.memory_space<hbm>>
        %dma_start3A_146 = arith.constant 0 : i32
        %dma_start3A_147 = arith.constant 0 : i32
        %dma_start3A_148 = tpu.memref_slice %arg3[%add3A, %add3A_74, %dma_start3A_146, %dma_start3A_147] : memref<32x81x2x128xi32, #tpu.memory_space<hbm>> -> memref<1x1x2x128xi32, #tpu.memory_space<hbm>>
        %dma_start3A_149 = tpu.memref_squeeze %dma_start3A_148 : memref<1x1x2x128xi32, #tpu.memory_space<hbm>> -> memref<2x128xi32, #tpu.memory_space<hbm>>
        tpu.enqueue_dma source(%dma_start3A_149 : memref<2x128xi32, #tpu.memory_space<hbm>>) target(%arg8 : memref<2x128xi32, #tpu.memory_space<vmem>>) target_semaphore(%run_scoped3A_141 : memref<!tpu.dma_semaphore, #tpu.memory_space<semaphore_mem>>)
        %dma_wait3A_150 = arith.constant 0 : i32
        %dma_wait3A_151 = arith.constant 0 : i32
        %dma_wait3A_152 = tpu.memref_slice %arg3[%add3A, %add3A_74, %dma_wait3A_150, %dma_wait3A_151] : memref<32x81x2x128xi32, #tpu.memory_space<hbm>> -> memref<1x1x2x128xi32, #tpu.memory_space<hbm>>
        %dma_wait3A_153 = tpu.memref_squeeze %dma_wait3A_152 : memref<1x1x2x128xi32, #tpu.memory_space<hbm>> -> memref<2x128xi32, #tpu.memory_space<hbm>>
        %dma_wait3A_154 = arith.constant 0 : i32
        %dma_wait3A_155 = arith.constant 0 : i32
        %dma_wait3A_156 = tpu.memref_slice %arg3[%add3A, %add3A_74, %dma_wait3A_154, %dma_wait3A_155] : memref<32x81x2x128xi32, #tpu.memory_space<hbm>> -> memref<1x1x2x128xi32, #tpu.memory_space<hbm>>
        %dma_wait3A_157 = tpu.memref_squeeze %dma_wait3A_156 : memref<1x1x2x128xi32, #tpu.memory_space<hbm>> -> memref<2x128xi32, #tpu.memory_space<hbm>>
        tpu.wait_dma2 semaphore(%run_scoped3A_141 : memref<!tpu.dma_semaphore, #tpu.memory_space<semaphore_mem>>) src(%dma_wait3A_157 : memref<2x128xi32, #tpu.memory_space<hbm>>) dst(%arg8 : memref<2x128xi32, #tpu.memory_space<vmem>>)
        tpu.yield
      }) : () -> ()
      %dma_start3A_75 = arith.constant 0 : i32
      %dma_start3A_76 = arith.constant 0 : i32
      %dma_start3A_77 = tpu.memref_slice %arg8[%dma_start3A_75, %dma_start3A_76] : memref<2x128xi32, #tpu.memory_space<vmem>> -> memref<1x128xi32, #tpu.memory_space<vmem>>
      %dma_start3A_78 = tpu.memref_squeeze %dma_start3A_77 : memref<1x128xi32, #tpu.memory_space<vmem>> -> memref<128xi32, #tpu.memory_space<vmem>>
      %dma_start3A_79 = arith.constant 0 : i32
      %dma_start3A_80 = arith.constant 0 : i32
      %dma_start3A_81 = tpu.memref_slice %arg2[%dma_start3A_79, %dma_start3A_80] : memref<10000x128xf32, #tpu.memory_space<hbm>> -> memref<10000x128xf32, #tpu.memory_space<hbm>>
      tpu.enqueue_indirect_dma source(%dma_start3A_81 : memref<10000x128xf32, #tpu.memory_space<hbm>>) target(%arg11 : memref<128x128xf32, #tpu.memory_space<vmem>>) offsets(%dma_start3A_78 : memref<128xi32, #tpu.memory_space<vmem>>) semaphore(%arg13 : memref<!tpu.dma_semaphore, #tpu.memory_space<semaphore_mem>>)
      %mul3A_82 = arith.constant 3 : i32
      %mul3A_83 = arith.muli %mul3A_82, %scan3A_50 : i32
      %add3A_84 = arith.constant 1 : i32
      %add3A_85 = arith.addi %mul3A_83, %add3A_84 : i32
      %dma_wait3A_86 = arith.constant 0 : i32
      %dma_wait3A_87 = arith.constant 0 : i32
      %dma_wait3A_88 = tpu.memref_slice %arg7[%dma_wait3A_86, %dma_wait3A_87] : memref<2x128xi32, #tpu.memory_space<vmem>> -> memref<1x128xi32, #tpu.memory_space<vmem>>
      %dma_wait3A_89 = tpu.memref_squeeze %dma_wait3A_88 : memref<1x128xi32, #tpu.memory_space<vmem>> -> memref<128xi32, #tpu.memory_space<vmem>>
      %dma_wait3A_90 = arith.constant 0 : i32
      %dma_wait3A_91 = arith.constant 0 : i32
      %dma_wait3A_92 = tpu.memref_slice %arg2[%dma_wait3A_90, %dma_wait3A_91] : memref<10000x128xf32, #tpu.memory_space<hbm>> -> memref<10000x128xf32, #tpu.memory_space<hbm>>
      tpu.wait_indirect_dma semaphore(%arg13 : memref<!tpu.dma_semaphore, #tpu.memory_space<semaphore_mem>>) src(%dma_wait3A_92 : memref<10000x128xf32, #tpu.memory_space<hbm>>) dst(%arg10 : memref<128x128xf32, #tpu.memory_space<vmem>>)
      %dma_start3A_93 = arith.constant 1 : i32
      %dma_start3A_94 = arith.constant 0 : i32
      %dma_start3A_95 = tpu.memref_slice %arg7[%dma_start3A_93, %dma_start3A_94] : memref<2x128xi32, #tpu.memory_space<vmem>> -> memref<1x128xi32, #tpu.memory_space<vmem>>
      %dma_start3A_96 = tpu.memref_squeeze %dma_start3A_95 : memref<1x128xi32, #tpu.memory_space<vmem>> -> memref<128xi32, #tpu.memory_space<vmem>>
      %dma_start3A_97 = arith.constant 0 : i32
      %dma_start3A_98 = arith.constant 0 : i32
      %dma_start3A_99 = tpu.memref_slice %arg12[%dma_start3A_97, %dma_start3A_98] : memref<10064x128xf32, #tpu.memory_space<vmem_shared>> -> memref<10064x128xf32, #tpu.memory_space<vmem_shared>>
      tpu.enqueue_indirect_dma source(%arg10 : memref<128x128xf32, #tpu.memory_space<vmem>>) target(%dma_start3A_99 : memref<10064x128xf32, #tpu.memory_space<vmem_shared>>) offsets(%dma_start3A_96 : memref<128xi32, #tpu.memory_space<vmem>>) semaphore(%arg14 : memref<!tpu.dma_semaphore, #tpu.memory_space<semaphore_mem>>) {add = true}
      %dma_wait3A_100 = arith.constant 1 : i32
      %dma_wait3A_101 = arith.constant 0 : i32
      %dma_wait3A_102 = tpu.memref_slice %arg6[%dma_wait3A_100, %dma_wait3A_101] : memref<2x128xi32, #tpu.memory_space<vmem>> -> memref<1x128xi32, #tpu.memory_space<vmem>>
      %dma_wait3A_103 = tpu.memref_squeeze %dma_wait3A_102 : memref<1x128xi32, #tpu.memory_space<vmem>> -> memref<128xi32, #tpu.memory_space<vmem>>
      %dma_wait3A_104 = arith.constant 0 : i32
      %dma_wait3A_105 = arith.constant 0 : i32
      %dma_wait3A_106 = tpu.memref_slice %arg12[%dma_wait3A_104, %dma_wait3A_105] : memref<10064x128xf32, #tpu.memory_space<vmem_shared>> -> memref<10064x128xf32, #tpu.memory_space<vmem_shared>>
      tpu.wait_indirect_dma semaphore(%arg14 : memref<!tpu.dma_semaphore, #tpu.memory_space<semaphore_mem>>) src(%arg9 : memref<128x128xf32, #tpu.memory_space<vmem>>) dst(%dma_wait3A_106 : memref<10064x128xf32, #tpu.memory_space<vmem_shared>>)
      %lt3A = arith.constant 26 : i32
      %lt3A_107 = arith.cmpi slt, %scan3A_50, %lt3A : i32
      %convert_element_type3A_108 = arith.extui %lt3A_107 : i1 to i32
      %cond3A_109 = arith.constant 0 : i32
      %cond3A_110 = arith.cmpi ne, %convert_element_type3A_108, %cond3A_109 : i32
      scf.if %cond3A_110 {
        %add3A_141 = arith.constant 2 : i32
        %add3A_142 = arith.addi %add3A_85, %add3A_141 : i32
        "tpu.region"() ({
          %run_scoped3A_150 = tpu.sem_alloc : memref<!tpu.dma_semaphore, #tpu.memory_space<semaphore_mem>>
          %dma_start3A_151 = arith.constant 0 : i32
          %dma_start3A_152 = arith.constant 0 : i32
          %dma_start3A_153 = tpu.memref_slice %arg3[%add3A, %add3A_142, %dma_start3A_151, %dma_start3A_152] : memref<32x81x2x128xi32, #tpu.memory_space<hbm>> -> memref<1x1x2x128xi32, #tpu.memory_space<hbm>>
          %dma_start3A_154 = tpu.memref_squeeze %dma_start3A_153 : memref<1x1x2x128xi32, #tpu.memory_space<hbm>> -> memref<2x128xi32, #tpu.memory_space<hbm>>
          %dma_start3A_155 = arith.constant 0 : i32
          %dma_start3A_156 = arith.constant 0 : i32
          %dma_start3A_157 = tpu.memref_slice %arg3[%add3A, %add3A_142, %dma_start3A_155, %dma_start3A_156] : memref<32x81x2x128xi32, #tpu.memory_space<hbm>> -> memref<1x1x2x128xi32, #tpu.memory_space<hbm>>
          %dma_start3A_158 = tpu.memref_squeeze %dma_start3A_157 : memref<1x1x2x128xi32, #tpu.memory_space<hbm>> -> memref<2x128xi32, #tpu.memory_space<hbm>>
          tpu.enqueue_dma source(%dma_start3A_158 : memref<2x128xi32, #tpu.memory_space<hbm>>) target(%arg6 : memref<2x128xi32, #tpu.memory_space<vmem>>) target_semaphore(%run_scoped3A_150 : memref<!tpu.dma_semaphore, #tpu.memory_space<semaphore_mem>>)
          %dma_wait3A_159 = arith.constant 0 : i32
          %dma_wait3A_160 = arith.constant 0 : i32
          %dma_wait3A_161 = tpu.memref_slice %arg3[%add3A, %add3A_142, %dma_wait3A_159, %dma_wait3A_160] : memref<32x81x2x128xi32, #tpu.memory_space<hbm>> -> memref<1x1x2x128xi32, #tpu.memory_space<hbm>>
          %dma_wait3A_162 = tpu.memref_squeeze %dma_wait3A_161 : memref<1x1x2x128xi32, #tpu.memory_space<hbm>> -> memref<2x128xi32, #tpu.memory_space<hbm>>
          %dma_wait3A_163 = arith.constant 0 : i32
          %dma_wait3A_164 = arith.constant 0 : i32
          %dma_wait3A_165 = tpu.memref_slice %arg3[%add3A, %add3A_142, %dma_wait3A_163, %dma_wait3A_164] : memref<32x81x2x128xi32, #tpu.memory_space<hbm>> -> memref<1x1x2x128xi32, #tpu.memory_space<hbm>>
          %dma_wait3A_166 = tpu.memref_squeeze %dma_wait3A_165 : memref<1x1x2x128xi32, #tpu.memory_space<hbm>> -> memref<2x128xi32, #tpu.memory_space<hbm>>
          tpu.wait_dma2 semaphore(%run_scoped3A_150 : memref<!tpu.dma_semaphore, #tpu.memory_space<semaphore_mem>>) src(%dma_wait3A_166 : memref<2x128xi32, #tpu.memory_space<hbm>>) dst(%arg6 : memref<2x128xi32, #tpu.memory_space<vmem>>)
          tpu.yield
        }) : () -> ()
        %dma_start3A_143 = arith.constant 0 : i32
        %dma_start3A_144 = arith.constant 0 : i32
        %dma_start3A_145 = tpu.memref_slice %arg6[%dma_start3A_143, %dma_start3A_144] : memref<2x128xi32, #tpu.memory_space<vmem>> -> memref<1x128xi32, #tpu.memory_space<vmem>>
        %dma_start3A_146 = tpu.memref_squeeze %dma_start3A_145 : memref<1x128xi32, #tpu.memory_space<vmem>> -> memref<128xi32, #tpu.memory_space<vmem>>
        %dma_start3A_147 = arith.constant 0 : i32
        %dma_start3A_148 = arith.constant 0 : i32
        %dma_start3A_149 = tpu.memref_slice %arg2[%dma_start3A_147, %dma_start3A_148] : memref<10000x128xf32, #tpu.memory_space<hbm>> -> memref<10000x128xf32, #tpu.memory_space<hbm>>
        tpu.enqueue_indirect_dma source(%dma_start3A_149 : memref<10000x128xf32, #tpu.memory_space<hbm>>) target(%arg9 : memref<128x128xf32, #tpu.memory_space<vmem>>) offsets(%dma_start3A_146 : memref<128xi32, #tpu.memory_space<vmem>>) semaphore(%arg13 : memref<!tpu.dma_semaphore, #tpu.memory_space<semaphore_mem>>)
      } else {
      }
      %mul3A_111 = arith.constant 3 : i32
      %mul3A_112 = arith.muli %mul3A_111, %scan3A_50 : i32
      %add3A_113 = arith.constant 2 : i32
      %add3A_114 = arith.addi %mul3A_112, %add3A_113 : i32
      %dma_wait3A_115 = arith.constant 0 : i32
      %dma_wait3A_116 = arith.constant 0 : i32
      %dma_wait3A_117 = tpu.memref_slice %arg8[%dma_wait3A_115, %dma_wait3A_116] : memref<2x128xi32, #tpu.memory_space<vmem>> -> memref<1x128xi32, #tpu.memory_space<vmem>>
      %dma_wait3A_118 = tpu.memref_squeeze %dma_wait3A_117 : memref<1x128xi32, #tpu.memory_space<vmem>> -> memref<128xi32, #tpu.memory_space<vmem>>
      %dma_wait3A_119 = arith.constant 0 : i32
      %dma_wait3A_120 = arith.constant 0 : i32
      %dma_wait3A_121 = tpu.memref_slice %arg2[%dma_wait3A_119, %dma_wait3A_120] : memref<10000x128xf32, #tpu.memory_space<hbm>> -> memref<10000x128xf32, #tpu.memory_space<hbm>>
      tpu.wait_indirect_dma semaphore(%arg13 : memref<!tpu.dma_semaphore, #tpu.memory_space<semaphore_mem>>) src(%dma_wait3A_121 : memref<10000x128xf32, #tpu.memory_space<hbm>>) dst(%arg11 : memref<128x128xf32, #tpu.memory_space<vmem>>)
      %dma_start3A_122 = arith.constant 1 : i32
      %dma_start3A_123 = arith.constant 0 : i32
      %dma_start3A_124 = tpu.memref_slice %arg8[%dma_start3A_122, %dma_start3A_123] : memref<2x128xi32, #tpu.memory_space<vmem>> -> memref<1x128xi32, #tpu.memory_space<vmem>>
      %dma_start3A_125 = tpu.memref_squeeze %dma_start3A_124 : memref<1x128xi32, #tpu.memory_space<vmem>> -> memref<128xi32, #tpu.memory_space<vmem>>
      %dma_start3A_126 = arith.constant 0 : i32
      %dma_start3A_127 = arith.constant 0 : i32
      %dma_start3A_128 = tpu.memref_slice %arg12[%dma_start3A_126, %dma_start3A_127] : memref<10064x128xf32, #tpu.memory_space<vmem_shared>> -> memref<10064x128xf32, #tpu.memory_space<vmem_shared>>
      tpu.enqueue_indirect_dma source(%arg11 : memref<128x128xf32, #tpu.memory_space<vmem>>) target(%dma_start3A_128 : memref<10064x128xf32, #tpu.memory_space<vmem_shared>>) offsets(%dma_start3A_125 : memref<128xi32, #tpu.memory_space<vmem>>) semaphore(%arg14 : memref<!tpu.dma_semaphore, #tpu.memory_space<semaphore_mem>>) {add = true}
      %dma_wait3A_129 = arith.constant 1 : i32
      %dma_wait3A_130 = arith.constant 0 : i32
      %dma_wait3A_131 = tpu.memref_slice %arg7[%dma_wait3A_129, %dma_wait3A_130] : memref<2x128xi32, #tpu.memory_space<vmem>> -> memref<1x128xi32, #tpu.memory_space<vmem>>
      %dma_wait3A_132 = tpu.memref_squeeze %dma_wait3A_131 : memref<1x128xi32, #tpu.memory_space<vmem>> -> memref<128xi32, #tpu.memory_space<vmem>>
      %dma_wait3A_133 = arith.constant 0 : i32
      %dma_wait3A_134 = arith.constant 0 : i32
      %dma_wait3A_135 = tpu.memref_slice %arg12[%dma_wait3A_133, %dma_wait3A_134] : memref<10064x128xf32, #tpu.memory_space<vmem_shared>> -> memref<10064x128xf32, #tpu.memory_space<vmem_shared>>
      tpu.wait_indirect_dma semaphore(%arg14 : memref<!tpu.dma_semaphore, #tpu.memory_space<semaphore_mem>>) src(%arg10 : memref<128x128xf32, #tpu.memory_space<vmem>>) dst(%dma_wait3A_135 : memref<10064x128xf32, #tpu.memory_space<vmem_shared>>)
      %lt3A_136 = arith.constant 26 : i32
      %lt3A_137 = arith.cmpi slt, %scan3A_50, %lt3A_136 : i32
      %convert_element_type3A_138 = arith.extui %lt3A_137 : i1 to i32
      %cond3A_139 = arith.constant 0 : i32
      %cond3A_140 = arith.cmpi ne, %convert_element_type3A_138, %cond3A_139 : i32
      scf.if %cond3A_140 {
        %add3A_141 = arith.constant 2 : i32
        %add3A_142 = arith.addi %add3A_114, %add3A_141 : i32
        "tpu.region"() ({
          %run_scoped3A_150 = tpu.sem_alloc : memref<!tpu.dma_semaphore, #tpu.memory_space<semaphore_mem>>
          %dma_start3A_151 = arith.constant 0 : i32
          %dma_start3A_152 = arith.constant 0 : i32
          %dma_start3A_153 = tpu.memref_slice %arg3[%add3A, %add3A_142, %dma_start3A_151, %dma_start3A_152] : memref<32x81x2x128xi32, #tpu.memory_space<hbm>> -> memref<1x1x2x128xi32, #tpu.memory_space<hbm>>
          %dma_start3A_154 = tpu.memref_squeeze %dma_start3A_153 : memref<1x1x2x128xi32, #tpu.memory_space<hbm>> -> memref<2x128xi32, #tpu.memory_space<hbm>>
          %dma_start3A_155 = arith.constant 0 : i32
          %dma_start3A_156 = arith.constant 0 : i32
          %dma_start3A_157 = tpu.memref_slice %arg3[%add3A, %add3A_142, %dma_start3A_155, %dma_start3A_156] : memref<32x81x2x128xi32, #tpu.memory_space<hbm>> -> memref<1x1x2x128xi32, #tpu.memory_space<hbm>>
          %dma_start3A_158 = tpu.memref_squeeze %dma_start3A_157 : memref<1x1x2x128xi32, #tpu.memory_space<hbm>> -> memref<2x128xi32, #tpu.memory_space<hbm>>
          tpu.enqueue_dma source(%dma_start3A_158 : memref<2x128xi32, #tpu.memory_space<hbm>>) target(%arg7 : memref<2x128xi32, #tpu.memory_space<vmem>>) target_semaphore(%run_scoped3A_150 : memref<!tpu.dma_semaphore, #tpu.memory_space<semaphore_mem>>)
          %dma_wait3A_159 = arith.constant 0 : i32
          %dma_wait3A_160 = arith.constant 0 : i32
          %dma_wait3A_161 = tpu.memref_slice %arg3[%add3A, %add3A_142, %dma_wait3A_159, %dma_wait3A_160] : memref<32x81x2x128xi32, #tpu.memory_space<hbm>> -> memref<1x1x2x128xi32, #tpu.memory_space<hbm>>
          %dma_wait3A_162 = tpu.memref_squeeze %dma_wait3A_161 : memref<1x1x2x128xi32, #tpu.memory_space<hbm>> -> memref<2x128xi32, #tpu.memory_space<hbm>>
          %dma_wait3A_163 = arith.constant 0 : i32
          %dma_wait3A_164 = arith.constant 0 : i32
          %dma_wait3A_165 = tpu.memref_slice %arg3[%add3A, %add3A_142, %dma_wait3A_163, %dma_wait3A_164] : memref<32x81x2x128xi32, #tpu.memory_space<hbm>> -> memref<1x1x2x128xi32, #tpu.memory_space<hbm>>
          %dma_wait3A_166 = tpu.memref_squeeze %dma_wait3A_165 : memref<1x1x2x128xi32, #tpu.memory_space<hbm>> -> memref<2x128xi32, #tpu.memory_space<hbm>>
          tpu.wait_dma2 semaphore(%run_scoped3A_150 : memref<!tpu.dma_semaphore, #tpu.memory_space<semaphore_mem>>) src(%dma_wait3A_166 : memref<2x128xi32, #tpu.memory_space<hbm>>) dst(%arg7 : memref<2x128xi32, #tpu.memory_space<vmem>>)
          tpu.yield
        }) : () -> ()
        %dma_start3A_143 = arith.constant 0 : i32
        %dma_start3A_144 = arith.constant 0 : i32
        %dma_start3A_145 = tpu.memref_slice %arg7[%dma_start3A_143, %dma_start3A_144] : memref<2x128xi32, #tpu.memory_space<vmem>> -> memref<1x128xi32, #tpu.memory_space<vmem>>
        %dma_start3A_146 = tpu.memref_squeeze %dma_start3A_145 : memref<1x128xi32, #tpu.memory_space<vmem>> -> memref<128xi32, #tpu.memory_space<vmem>>
        %dma_start3A_147 = arith.constant 0 : i32
        %dma_start3A_148 = arith.constant 0 : i32
        %dma_start3A_149 = tpu.memref_slice %arg2[%dma_start3A_147, %dma_start3A_148] : memref<10000x128xf32, #tpu.memory_space<hbm>> -> memref<10000x128xf32, #tpu.memory_space<hbm>>
        tpu.enqueue_indirect_dma source(%dma_start3A_149 : memref<10000x128xf32, #tpu.memory_space<hbm>>) target(%arg10 : memref<128x128xf32, #tpu.memory_space<vmem>>) offsets(%dma_start3A_146 : memref<128xi32, #tpu.memory_space<vmem>>) semaphore(%arg13 : memref<!tpu.dma_semaphore, #tpu.memory_space<semaphore_mem>>)
      } else {
      }
    }
    %scan3A_33 = arith.constant 27 : i32
    %dma_wait3A = arith.constant 1 : i32
    %dma_wait3A_34 = arith.constant 0 : i32
    %dma_wait3A_35 = tpu.memref_slice %arg8[%dma_wait3A, %dma_wait3A_34] : memref<2x128xi32, #tpu.memory_space<vmem>> -> memref<1x128xi32, #tpu.memory_space<vmem>>
    %dma_wait3A_36 = tpu.memref_squeeze %dma_wait3A_35 : memref<1x128xi32, #tpu.memory_space<vmem>> -> memref<128xi32, #tpu.memory_space<vmem>>
    %dma_wait3A_37 = arith.constant 0 : i32
    %dma_wait3A_38 = arith.constant 0 : i32
    %dma_wait3A_39 = tpu.memref_slice %arg12[%dma_wait3A_37, %dma_wait3A_38] : memref<10064x128xf32, #tpu.memory_space<vmem_shared>> -> memref<10064x128xf32, #tpu.memory_space<vmem_shared>>
    tpu.wait_indirect_dma semaphore(%arg14 : memref<!tpu.dma_semaphore, #tpu.memory_space<semaphore_mem>>) src(%arg11 : memref<128x128xf32, #tpu.memory_space<vmem>>) dst(%dma_wait3A_39 : memref<10064x128xf32, #tpu.memory_space<vmem_shared>>)
    %barrier3A_40 = arith.constant 0 : index
    tpu.barrier barrier_id(%barrier3A_40)
    %mul3A_41 = arith.constant 624 : i32
    %mul3A_42 = arith.muli %arg1, %mul3A_41 : i32
    %mul3A_43 = arith.constant 624 : i32
    %mul3A_44 = arith.muli %arg1, %mul3A_43 : i32
    "tpu.region"() ({
      %run_scoped3A_50 = tpu.sem_alloc : memref<!tpu.dma_semaphore, #tpu.memory_space<semaphore_mem>>
      %dma_start3A_51 = arith.constant 0 : i32
      %dma_start3A_52 = tpu.memref_slice %arg5[%arg0, %mul3A_44, %dma_start3A_51] : memref<2x10000x128xf32, #tpu.memory_space<hbm>> -> memref<1x624x128xf32, #tpu.memory_space<hbm>>
      %dma_start3A_53 = tpu.memref_squeeze %dma_start3A_52 : memref<1x624x128xf32, #tpu.memory_space<hbm>> -> memref<624x128xf32, #tpu.memory_space<hbm>>
      %dma_start3A_54 = arith.constant 0 : i32
      %dma_start3A_55 = tpu.memref_slice %arg12[%mul3A_42, %dma_start3A_54] : memref<10064x128xf32, #tpu.memory_space<vmem_shared>> -> memref<624x128xf32, #tpu.memory_space<vmem_shared>>
      tpu.enqueue_dma source(%dma_start3A_55 : memref<624x128xf32, #tpu.memory_space<vmem_shared>>) target(%dma_start3A_53 : memref<624x128xf32, #tpu.memory_space<hbm>>) target_semaphore(%run_scoped3A_50 : memref<!tpu.dma_semaphore, #tpu.memory_space<semaphore_mem>>)
      %dma_wait3A_56 = arith.constant 0 : i32
      %dma_wait3A_57 = tpu.memref_slice %arg5[%arg0, %mul3A_44, %dma_wait3A_56] : memref<2x10000x128xf32, #tpu.memory_space<hbm>> -> memref<1x624x128xf32, #tpu.memory_space<hbm>>
      %dma_wait3A_58 = tpu.memref_squeeze %dma_wait3A_57 : memref<1x624x128xf32, #tpu.memory_space<hbm>> -> memref<624x128xf32, #tpu.memory_space<hbm>>
      %dma_wait3A_59 = arith.constant 0 : i32
      %dma_wait3A_60 = tpu.memref_slice %arg12[%mul3A_42, %dma_wait3A_59] : memref<10064x128xf32, #tpu.memory_space<vmem_shared>> -> memref<624x128xf32, #tpu.memory_space<vmem_shared>>
      tpu.wait_dma2 semaphore(%run_scoped3A_50 : memref<!tpu.dma_semaphore, #tpu.memory_space<semaphore_mem>>) src(%dma_wait3A_60 : memref<624x128xf32, #tpu.memory_space<vmem_shared>>) dst(%dma_wait3A_58 : memref<624x128xf32, #tpu.memory_space<hbm>>)
      tpu.yield
    }) : () -> ()
    %eq3A_45 = arith.constant 0 : i32
    %eq3A_46 = arith.cmpi eq, %arg1, %eq3A_45 : i32
    %convert_element_type3A_47 = arith.extui %eq3A_46 : i1 to i32
    %cond3A_48 = arith.constant 0 : i32
    %cond3A_49 = arith.cmpi ne, %convert_element_type3A_47, %cond3A_48 : i32
    scf.if %cond3A_49 {
      "tpu.region"() ({
        %run_scoped3A_50 = tpu.sem_alloc : memref<!tpu.dma_semaphore, #tpu.memory_space<semaphore_mem>>
        %dma_start3A_51 = arith.constant 9984 : i32
        %dma_start3A_52 = arith.constant 0 : i32
        %dma_start3A_53 = tpu.memref_slice %arg5[%arg0, %dma_start3A_51, %dma_start3A_52] : memref<2x10000x128xf32, #tpu.memory_space<hbm>> -> memref<1x16x128xf32, #tpu.memory_space<hbm>>
        %dma_start3A_54 = tpu.memref_squeeze %dma_start3A_53 : memref<1x16x128xf32, #tpu.memory_space<hbm>> -> memref<16x128xf32, #tpu.memory_space<hbm>>
        %dma_start3A_55 = arith.constant 9984 : i32
        %dma_start3A_56 = arith.constant 0 : i32
        %dma_start3A_57 = tpu.memref_slice %arg12[%dma_start3A_55, %dma_start3A_56] : memref<10064x128xf32, #tpu.memory_space<vmem_shared>> -> memref<16x128xf32, #tpu.memory_space<vmem_shared>>
        tpu.enqueue_dma source(%dma_start3A_57 : memref<16x128xf32, #tpu.memory_space<vmem_shared>>) target(%dma_start3A_54 : memref<16x128xf32, #tpu.memory_space<hbm>>) target_semaphore(%run_scoped3A_50 : memref<!tpu.dma_semaphore, #tpu.memory_space<semaphore_mem>>)
        %dma_wait3A_58 = arith.constant 9984 : i32
        %dma_wait3A_59 = arith.constant 0 : i32
        %dma_wait3A_60 = tpu.memref_slice %arg5[%arg0, %dma_wait3A_58, %dma_wait3A_59] : memref<2x10000x128xf32, #tpu.memory_space<hbm>> -> memref<1x16x128xf32, #tpu.memory_space<hbm>>
        %dma_wait3A_61 = tpu.memref_squeeze %dma_wait3A_60 : memref<1x16x128xf32, #tpu.memory_space<hbm>> -> memref<16x128xf32, #tpu.memory_space<hbm>>
        %dma_wait3A_62 = arith.constant 9984 : i32
        %dma_wait3A_63 = arith.constant 0 : i32
        %dma_wait3A_64 = tpu.memref_slice %arg12[%dma_wait3A_62, %dma_wait3A_63] : memref<10064x128xf32, #tpu.memory_space<vmem_shared>> -> memref<16x128xf32, #tpu.memory_space<vmem_shared>>
        tpu.wait_dma2 semaphore(%run_scoped3A_50 : memref<!tpu.dma_semaphore, #tpu.memory_space<semaphore_mem>>) src(%dma_wait3A_64 : memref<16x128xf32, #tpu.memory_space<vmem_shared>>) dst(%dma_wait3A_61 : memref<16x128xf32, #tpu.memory_space<hbm>>)
        tpu.yield
      }) : () -> ()
    } else {
    }
    return
  }
}

#map = affine_map<(d0, d1) -> (0, 0, 0)>
#map1 = affine_map<(d0, d1) -> (0, 0)>
module attributes {stable_mosaic.version = 14 : i64} {
  func.func @sc_deg(%arg0: i32, %arg1: i32, %arg2: memref<32x81x128xi32, #tpu.memory_space<hbm>>, %arg3: memref<128x128xf32, #tpu.memory_space<hbm>>, %arg4: memref<208x128xf32, #tpu.memory_space<hbm>>, %arg5: memref<2x10000x128xf32, #tpu.memory_space<hbm>>, %arg6: memref<81x128xi32, #tpu.memory_space<vmem>>, %arg7: memref<128x128xf32, #tpu.memory_space<vmem>>, %arg8: memref<10064x128xf32, #tpu.memory_space<vmem_shared>>, %arg9: memref<!tpu.dma_semaphore, #tpu.memory_space<semaphore_mem>>) attributes {dimension_semantics = [#tpu.dimension_semantics<core_parallel>, #tpu.dimension_semantics<subcore_parallel>], iteration_bounds = array<i64: 2, 16>, scalar_prefetch = 0 : i64, scratch_operands = 4 : i64, tpu.core_type = #tpu.core_type<sc_vector_subcore>, window_params = [{transform_indices = #map}, {transform_indices = #map1}, {transform_indices = #map1}, {transform_indices = #map}]} {
    %mul3A = arith.constant 16 : i32
    %mul3A_0 = arith.muli %arg0, %mul3A : i32
    %add3A = arith.addi %mul3A_0, %arg1 : i32
    "tpu.region"() ({
      %run_scoped3A = tpu.sem_alloc : memref<!tpu.dma_semaphore, #tpu.memory_space<semaphore_mem>>
      %dma_start3A = arith.constant 0 : i32
      %dma_start3A_57 = arith.constant 0 : i32
      %dma_start3A_58 = tpu.memref_slice %arg2[%add3A, %dma_start3A, %dma_start3A_57] : memref<32x81x128xi32, #tpu.memory_space<hbm>> -> memref<1x81x128xi32, #tpu.memory_space<hbm>>
      %dma_start3A_59 = tpu.memref_squeeze %dma_start3A_58 : memref<1x81x128xi32, #tpu.memory_space<hbm>> -> memref<81x128xi32, #tpu.memory_space<hbm>>
      %dma_start3A_60 = arith.constant 0 : i32
      %dma_start3A_61 = arith.constant 0 : i32
      %dma_start3A_62 = tpu.memref_slice %arg2[%add3A, %dma_start3A_60, %dma_start3A_61] : memref<32x81x128xi32, #tpu.memory_space<hbm>> -> memref<1x81x128xi32, #tpu.memory_space<hbm>>
      %dma_start3A_63 = tpu.memref_squeeze %dma_start3A_62 : memref<1x81x128xi32, #tpu.memory_space<hbm>> -> memref<81x128xi32, #tpu.memory_space<hbm>>
      tpu.enqueue_dma source(%dma_start3A_63 : memref<81x128xi32, #tpu.memory_space<hbm>>) target(%arg6 : memref<81x128xi32, #tpu.memory_space<vmem>>) target_semaphore(%run_scoped3A : memref<!tpu.dma_semaphore, #tpu.memory_space<semaphore_mem>>)
      %dma_wait3A_64 = arith.constant 0 : i32
      %dma_wait3A_65 = arith.constant 0 : i32
      %dma_wait3A_66 = tpu.memref_slice %arg2[%add3A, %dma_wait3A_64, %dma_wait3A_65] : memref<32x81x128xi32, #tpu.memory_space<hbm>> -> memref<1x81x128xi32, #tpu.memory_space<hbm>>
      %dma_wait3A_67 = tpu.memref_squeeze %dma_wait3A_66 : memref<1x81x128xi32, #tpu.memory_space<hbm>> -> memref<81x128xi32, #tpu.memory_space<hbm>>
      %dma_wait3A_68 = arith.constant 0 : i32
      %dma_wait3A_69 = arith.constant 0 : i32
      %dma_wait3A_70 = tpu.memref_slice %arg2[%add3A, %dma_wait3A_68, %dma_wait3A_69] : memref<32x81x128xi32, #tpu.memory_space<hbm>> -> memref<1x81x128xi32, #tpu.memory_space<hbm>>
      %dma_wait3A_71 = tpu.memref_squeeze %dma_wait3A_70 : memref<1x81x128xi32, #tpu.memory_space<hbm>> -> memref<81x128xi32, #tpu.memory_space<hbm>>
      tpu.wait_dma2 semaphore(%run_scoped3A : memref<!tpu.dma_semaphore, #tpu.memory_space<semaphore_mem>>) src(%dma_wait3A_71 : memref<81x128xi32, #tpu.memory_space<hbm>>) dst(%arg6 : memref<81x128xi32, #tpu.memory_space<vmem>>)
      tpu.yield
    }) : () -> ()
    %mul3A_1 = arith.constant 624 : i32
    %mul3A_2 = arith.muli %arg1, %mul3A_1 : i32
    %add3A_3 = arith.constant 0 : i32
    %add3A_4 = arith.addi %mul3A_2, %add3A_3 : i32
    "tpu.region"() ({
      %run_scoped3A = tpu.sem_alloc : memref<!tpu.dma_semaphore, #tpu.memory_space<semaphore_mem>>
      %dma_start3A = arith.constant 0 : i32
      %dma_start3A_57 = tpu.memref_slice %arg8[%add3A_4, %dma_start3A] : memref<10064x128xf32, #tpu.memory_space<vmem_shared>> -> memref<208x128xf32, #tpu.memory_space<vmem_shared>>
      tpu.enqueue_dma source(%arg4 : memref<208x128xf32, #tpu.memory_space<hbm>>) target(%dma_start3A_57 : memref<208x128xf32, #tpu.memory_space<vmem_shared>>) target_semaphore(%run_scoped3A : memref<!tpu.dma_semaphore, #tpu.memory_space<semaphore_mem>>)
      %dma_wait3A_58 = arith.constant 0 : i32
      %dma_wait3A_59 = tpu.memref_slice %arg8[%add3A_4, %dma_wait3A_58] : memref<10064x128xf32, #tpu.memory_space<vmem_shared>> -> memref<208x128xf32, #tpu.memory_space<vmem_shared>>
      tpu.wait_dma2 semaphore(%run_scoped3A : memref<!tpu.dma_semaphore, #tpu.memory_space<semaphore_mem>>) src(%arg4 : memref<208x128xf32, #tpu.memory_space<hbm>>) dst(%dma_wait3A_59 : memref<208x128xf32, #tpu.memory_space<vmem_shared>>)
      tpu.yield
    }) : () -> ()
    %mul3A_5 = arith.constant 624 : i32
    %mul3A_6 = arith.muli %arg1, %mul3A_5 : i32
    %add3A_7 = arith.constant 208 : i32
    %add3A_8 = arith.addi %mul3A_6, %add3A_7 : i32
    "tpu.region"() ({
      %run_scoped3A = tpu.sem_alloc : memref<!tpu.dma_semaphore, #tpu.memory_space<semaphore_mem>>
      %dma_start3A = arith.constant 0 : i32
      %dma_start3A_57 = tpu.memref_slice %arg8[%add3A_8, %dma_start3A] : memref<10064x128xf32, #tpu.memory_space<vmem_shared>> -> memref<208x128xf32, #tpu.memory_space<vmem_shared>>
      tpu.enqueue_dma source(%arg4 : memref<208x128xf32, #tpu.memory_space<hbm>>) target(%dma_start3A_57 : memref<208x128xf32, #tpu.memory_space<vmem_shared>>) target_semaphore(%run_scoped3A : memref<!tpu.dma_semaphore, #tpu.memory_space<semaphore_mem>>)
      %dma_wait3A_58 = arith.constant 0 : i32
      %dma_wait3A_59 = tpu.memref_slice %arg8[%add3A_8, %dma_wait3A_58] : memref<10064x128xf32, #tpu.memory_space<vmem_shared>> -> memref<208x128xf32, #tpu.memory_space<vmem_shared>>
      tpu.wait_dma2 semaphore(%run_scoped3A : memref<!tpu.dma_semaphore, #tpu.memory_space<semaphore_mem>>) src(%arg4 : memref<208x128xf32, #tpu.memory_space<hbm>>) dst(%dma_wait3A_59 : memref<208x128xf32, #tpu.memory_space<vmem_shared>>)
      tpu.yield
    }) : () -> ()
    %mul3A_9 = arith.constant 624 : i32
    %mul3A_10 = arith.muli %arg1, %mul3A_9 : i32
    %add3A_11 = arith.constant 416 : i32
    %add3A_12 = arith.addi %mul3A_10, %add3A_11 : i32
    "tpu.region"() ({
      %run_scoped3A = tpu.sem_alloc : memref<!tpu.dma_semaphore, #tpu.memory_space<semaphore_mem>>
      %dma_start3A = arith.constant 0 : i32
      %dma_start3A_57 = tpu.memref_slice %arg8[%add3A_12, %dma_start3A] : memref<10064x128xf32, #tpu.memory_space<vmem_shared>> -> memref<208x128xf32, #tpu.memory_space<vmem_shared>>
      tpu.enqueue_dma source(%arg4 : memref<208x128xf32, #tpu.memory_space<hbm>>) target(%dma_start3A_57 : memref<208x128xf32, #tpu.memory_space<vmem_shared>>) target_semaphore(%run_scoped3A : memref<!tpu.dma_semaphore, #tpu.memory_space<semaphore_mem>>)
      %dma_wait3A_58 = arith.constant 0 : i32
      %dma_wait3A_59 = tpu.memref_slice %arg8[%add3A_12, %dma_wait3A_58] : memref<10064x128xf32, #tpu.memory_space<vmem_shared>> -> memref<208x128xf32, #tpu.memory_space<vmem_shared>>
      tpu.wait_dma2 semaphore(%run_scoped3A : memref<!tpu.dma_semaphore, #tpu.memory_space<semaphore_mem>>) src(%arg4 : memref<208x128xf32, #tpu.memory_space<hbm>>) dst(%dma_wait3A_59 : memref<208x128xf32, #tpu.memory_space<vmem_shared>>)
      tpu.yield
    }) : () -> ()
    %eq3A = arith.constant 0 : i32
    %eq3A_13 = arith.cmpi eq, %arg1, %eq3A : i32
    %convert_element_type3A = arith.extui %eq3A_13 : i1 to i32
    %cond3A = arith.constant 0 : i32
    %cond3A_14 = arith.cmpi ne, %convert_element_type3A, %cond3A : i32
    scf.if %cond3A_14 {
      "tpu.region"() ({
        %run_scoped3A = tpu.sem_alloc : memref<!tpu.dma_semaphore, #tpu.memory_space<semaphore_mem>>
        %dma_start3A = arith.constant 9984 : i32
        %dma_start3A_57 = arith.constant 0 : i32
        %dma_start3A_58 = tpu.memref_slice %arg8[%dma_start3A, %dma_start3A_57] : memref<10064x128xf32, #tpu.memory_space<vmem_shared>> -> memref<16x128xf32, #tpu.memory_space<vmem_shared>>
        %dma_start3A_59 = arith.constant 0 : i32
        %dma_start3A_60 = arith.constant 0 : i32
        %dma_start3A_61 = tpu.memref_slice %arg4[%dma_start3A_59, %dma_start3A_60] : memref<208x128xf32, #tpu.memory_space<hbm>> -> memref<16x128xf32, #tpu.memory_space<hbm>>
        tpu.enqueue_dma source(%dma_start3A_61 : memref<16x128xf32, #tpu.memory_space<hbm>>) target(%dma_start3A_58 : memref<16x128xf32, #tpu.memory_space<vmem_shared>>) target_semaphore(%run_scoped3A : memref<!tpu.dma_semaphore, #tpu.memory_space<semaphore_mem>>)
        %dma_wait3A_62 = arith.constant 9984 : i32
        %dma_wait3A_63 = arith.constant 0 : i32
        %dma_wait3A_64 = tpu.memref_slice %arg8[%dma_wait3A_62, %dma_wait3A_63] : memref<10064x128xf32, #tpu.memory_space<vmem_shared>> -> memref<16x128xf32, #tpu.memory_space<vmem_shared>>
        %dma_wait3A_65 = arith.constant 0 : i32
        %dma_wait3A_66 = arith.constant 0 : i32
        %dma_wait3A_67 = tpu.memref_slice %arg4[%dma_wait3A_65, %dma_wait3A_66] : memref<208x128xf32, #tpu.memory_space<hbm>> -> memref<16x128xf32, #tpu.memory_space<hbm>>
        tpu.wait_dma2 semaphore(%run_scoped3A : memref<!tpu.dma_semaphore, #tpu.memory_space<semaphore_mem>>) src(%dma_wait3A_67 : memref<16x128xf32, #tpu.memory_space<hbm>>) dst(%dma_wait3A_64 : memref<16x128xf32, #tpu.memory_space<vmem_shared>>)
        tpu.yield
      }) : () -> ()
    } else {
    }
    "tpu.region"() ({
      %run_scoped3A = tpu.sem_alloc : memref<!tpu.dma_semaphore, #tpu.memory_space<semaphore_mem>>
      tpu.enqueue_dma source(%arg3 : memref<128x128xf32, #tpu.memory_space<hbm>>) target(%arg7 : memref<128x128xf32, #tpu.memory_space<vmem>>) target_semaphore(%run_scoped3A : memref<!tpu.dma_semaphore, #tpu.memory_space<semaphore_mem>>)
      tpu.wait_dma2 semaphore(%run_scoped3A : memref<!tpu.dma_semaphore, #tpu.memory_space<semaphore_mem>>) src(%arg3 : memref<128x128xf32, #tpu.memory_space<hbm>>) dst(%arg7 : memref<128x128xf32, #tpu.memory_space<vmem>>)
      tpu.yield
    }) : () -> ()
    %barrier3A = arith.constant 0 : index
    tpu.barrier barrier_id(%barrier3A)
    %scan3A = arith.constant 0 : i32
    %scan3A_15 = arith.constant 0 : i32
    %scan3A_16 = arith.constant 81 : i32
    %scan3A_17 = arith.addi %scan3A_15, %scan3A_16 : i32
    %scan3A_18 = arith.constant 1 : i32
    scf.for %scan3A_57 = %scan3A_15 to %scan3A_17 step %scan3A_18  : i32 {
      %dma_start3A = arith.constant 0 : i32
      %dma_start3A_58 = tpu.memref_slice %arg6[%scan3A_57, %dma_start3A] : memref<81x128xi32, #tpu.memory_space<vmem>> -> memref<1x128xi32, #tpu.memory_space<vmem>>
      %dma_start3A_59 = tpu.memref_squeeze %dma_start3A_58 : memref<1x128xi32, #tpu.memory_space<vmem>> -> memref<128xi32, #tpu.memory_space<vmem>>
      %dma_start3A_60 = arith.constant 0 : i32
      %dma_start3A_61 = arith.constant 0 : i32
      %dma_start3A_62 = tpu.memref_slice %arg8[%dma_start3A_60, %dma_start3A_61] : memref<10064x128xf32, #tpu.memory_space<vmem_shared>> -> memref<10064x128xf32, #tpu.memory_space<vmem_shared>>
      tpu.enqueue_indirect_dma source(%arg7 : memref<128x128xf32, #tpu.memory_space<vmem>>) target(%dma_start3A_62 : memref<10064x128xf32, #tpu.memory_space<vmem_shared>>) offsets(%dma_start3A_59 : memref<128xi32, #tpu.memory_space<vmem>>) semaphore(%arg9 : memref<!tpu.dma_semaphore, #tpu.memory_space<semaphore_mem>>) {add = true}
      %ge3A = arith.constant 4 : i32
      %ge3A_63 = arith.cmpi sge, %scan3A_57, %ge3A : i32
      %convert_element_type3A_64 = arith.extui %ge3A_63 : i1 to i32
      %cond3A_65 = arith.constant 0 : i32
      %cond3A_66 = arith.cmpi ne, %convert_element_type3A_64, %cond3A_65 : i32
      scf.if %cond3A_66 {
        %dma_wait3A_67 = arith.constant 0 : i32
        %dma_wait3A_68 = arith.constant 0 : i32
        %dma_wait3A_69 = tpu.memref_slice %arg6[%dma_wait3A_67, %dma_wait3A_68] : memref<81x128xi32, #tpu.memory_space<vmem>> -> memref<1x128xi32, #tpu.memory_space<vmem>>
        %dma_wait3A_70 = tpu.memref_squeeze %dma_wait3A_69 : memref<1x128xi32, #tpu.memory_space<vmem>> -> memref<128xi32, #tpu.memory_space<vmem>>
        %dma_wait3A_71 = arith.constant 0 : i32
        %dma_wait3A_72 = arith.constant 0 : i32
        %dma_wait3A_73 = tpu.memref_slice %arg8[%dma_wait3A_71, %dma_wait3A_72] : memref<10064x128xf32, #tpu.memory_space<vmem_shared>> -> memref<10064x128xf32, #tpu.memory_space<vmem_shared>>
        tpu.wait_indirect_dma semaphore(%arg9 : memref<!tpu.dma_semaphore, #tpu.memory_space<semaphore_mem>>) src(%arg7 : memref<128x128xf32, #tpu.memory_space<vmem>>) dst(%dma_wait3A_73 : memref<10064x128xf32, #tpu.memory_space<vmem_shared>>)
      } else {
      }
    }
    %scan3A_19 = arith.constant 81 : i32
    %dma_wait3A = arith.constant 0 : i32
    %dma_wait3A_20 = arith.constant 0 : i32
    %dma_wait3A_21 = tpu.memref_slice %arg6[%dma_wait3A, %dma_wait3A_20] : memref<81x128xi32, #tpu.memory_space<vmem>> -> memref<1x128xi32, #tpu.memory_space<vmem>>
    %dma_wait3A_22 = tpu.memref_squeeze %dma_wait3A_21 : memref<1x128xi32, #tpu.memory_space<vmem>> -> memref<128xi32, #tpu.memory_space<vmem>>
    %dma_wait3A_23 = arith.constant 0 : i32
    %dma_wait3A_24 = arith.constant 0 : i32
    %dma_wait3A_25 = tpu.memref_slice %arg8[%dma_wait3A_23, %dma_wait3A_24] : memref<10064x128xf32, #tpu.memory_space<vmem_shared>> -> memref<10064x128xf32, #tpu.memory_space<vmem_shared>>
    tpu.wait_indirect_dma semaphore(%arg9 : memref<!tpu.dma_semaphore, #tpu.memory_space<semaphore_mem>>) src(%arg7 : memref<128x128xf32, #tpu.memory_space<vmem>>) dst(%dma_wait3A_25 : memref<10064x128xf32, #tpu.memory_space<vmem_shared>>)
    %dma_wait3A_26 = arith.constant 0 : i32
    %dma_wait3A_27 = arith.constant 0 : i32
    %dma_wait3A_28 = tpu.memref_slice %arg6[%dma_wait3A_26, %dma_wait3A_27] : memref<81x128xi32, #tpu.memory_space<vmem>> -> memref<1x128xi32, #tpu.memory_space<vmem>>
    %dma_wait3A_29 = tpu.memref_squeeze %dma_wait3A_28 : memref<1x128xi32, #tpu.memory_space<vmem>> -> memref<128xi32, #tpu.memory_space<vmem>>
    %dma_wait3A_30 = arith.constant 0 : i32
    %dma_wait3A_31 = arith.constant 0 : i32
    %dma_wait3A_32 = tpu.memref_slice %arg8[%dma_wait3A_30, %dma_wait3A_31] : memref<10064x128xf32, #tpu.memory_space<vmem_shared>> -> memref<10064x128xf32, #tpu.memory_space<vmem_shared>>
    tpu.wait_indirect_dma semaphore(%arg9 : memref<!tpu.dma_semaphore, #tpu.memory_space<semaphore_mem>>) src(%arg7 : memref<128x128xf32, #tpu.memory_space<vmem>>) dst(%dma_wait3A_32 : memref<10064x128xf32, #tpu.memory_space<vmem_shared>>)
    %dma_wait3A_33 = arith.constant 0 : i32
    %dma_wait3A_34 = arith.constant 0 : i32
    %dma_wait3A_35 = tpu.memref_slice %arg6[%dma_wait3A_33, %dma_wait3A_34] : memref<81x128xi32, #tpu.memory_space<vmem>> -> memref<1x128xi32, #tpu.memory_space<vmem>>
    %dma_wait3A_36 = tpu.memref_squeeze %dma_wait3A_35 : memref<1x128xi32, #tpu.memory_space<vmem>> -> memref<128xi32, #tpu.memory_space<vmem>>
    %dma_wait3A_37 = arith.constant 0 : i32
    %dma_wait3A_38 = arith.constant 0 : i32
    %dma_wait3A_39 = tpu.memref_slice %arg8[%dma_wait3A_37, %dma_wait3A_38] : memref<10064x128xf32, #tpu.memory_space<vmem_shared>> -> memref<10064x128xf32, #tpu.memory_space<vmem_shared>>
    tpu.wait_indirect_dma semaphore(%arg9 : memref<!tpu.dma_semaphore, #tpu.memory_space<semaphore_mem>>) src(%arg7 : memref<128x128xf32, #tpu.memory_space<vmem>>) dst(%dma_wait3A_39 : memref<10064x128xf32, #tpu.memory_space<vmem_shared>>)
    %dma_wait3A_40 = arith.constant 0 : i32
    %dma_wait3A_41 = arith.constant 0 : i32
    %dma_wait3A_42 = tpu.memref_slice %arg6[%dma_wait3A_40, %dma_wait3A_41] : memref<81x128xi32, #tpu.memory_space<vmem>> -> memref<1x128xi32, #tpu.memory_space<vmem>>
    %dma_wait3A_43 = tpu.memref_squeeze %dma_wait3A_42 : memref<1x128xi32, #tpu.memory_space<vmem>> -> memref<128xi32, #tpu.memory_space<vmem>>
    %dma_wait3A_44 = arith.constant 0 : i32
    %dma_wait3A_45 = arith.constant 0 : i32
    %dma_wait3A_46 = tpu.memref_slice %arg8[%dma_wait3A_44, %dma_wait3A_45] : memref<10064x128xf32, #tpu.memory_space<vmem_shared>> -> memref<10064x128xf32, #tpu.memory_space<vmem_shared>>
    tpu.wait_indirect_dma semaphore(%arg9 : memref<!tpu.dma_semaphore, #tpu.memory_space<semaphore_mem>>) src(%arg7 : memref<128x128xf32, #tpu.memory_space<vmem>>) dst(%dma_wait3A_46 : memref<10064x128xf32, #tpu.memory_space<vmem_shared>>)
    %barrier3A_47 = arith.constant 0 : index
    tpu.barrier barrier_id(%barrier3A_47)
    %mul3A_48 = arith.constant 624 : i32
    %mul3A_49 = arith.muli %arg1, %mul3A_48 : i32
    %mul3A_50 = arith.constant 624 : i32
    %mul3A_51 = arith.muli %arg1, %mul3A_50 : i32
    "tpu.region"() ({
      %run_scoped3A = tpu.sem_alloc : memref<!tpu.dma_semaphore, #tpu.memory_space<semaphore_mem>>
      %dma_start3A = arith.constant 0 : i32
      %dma_start3A_57 = tpu.memref_slice %arg5[%arg0, %mul3A_51, %dma_start3A] : memref<2x10000x128xf32, #tpu.memory_space<hbm>> -> memref<1x624x128xf32, #tpu.memory_space<hbm>>
      %dma_start3A_58 = tpu.memref_squeeze %dma_start3A_57 : memref<1x624x128xf32, #tpu.memory_space<hbm>> -> memref<624x128xf32, #tpu.memory_space<hbm>>
      %dma_start3A_59 = arith.constant 0 : i32
      %dma_start3A_60 = tpu.memref_slice %arg8[%mul3A_49, %dma_start3A_59] : memref<10064x128xf32, #tpu.memory_space<vmem_shared>> -> memref<624x128xf32, #tpu.memory_space<vmem_shared>>
      tpu.enqueue_dma source(%dma_start3A_60 : memref<624x128xf32, #tpu.memory_space<vmem_shared>>) target(%dma_start3A_58 : memref<624x128xf32, #tpu.memory_space<hbm>>) target_semaphore(%run_scoped3A : memref<!tpu.dma_semaphore, #tpu.memory_space<semaphore_mem>>)
      %dma_wait3A_61 = arith.constant 0 : i32
      %dma_wait3A_62 = tpu.memref_slice %arg5[%arg0, %mul3A_51, %dma_wait3A_61] : memref<2x10000x128xf32, #tpu.memory_space<hbm>> -> memref<1x624x128xf32, #tpu.memory_space<hbm>>
      %dma_wait3A_63 = tpu.memref_squeeze %dma_wait3A_62 : memref<1x624x128xf32, #tpu.memory_space<hbm>> -> memref<624x128xf32, #tpu.memory_space<hbm>>
      %dma_wait3A_64 = arith.constant 0 : i32
      %dma_wait3A_65 = tpu.memref_slice %arg8[%mul3A_49, %dma_wait3A_64] : memref<10064x128xf32, #tpu.memory_space<vmem_shared>> -> memref<624x128xf32, #tpu.memory_space<vmem_shared>>
      tpu.wait_dma2 semaphore(%run_scoped3A : memref<!tpu.dma_semaphore, #tpu.memory_space<semaphore_mem>>) src(%dma_wait3A_65 : memref<624x128xf32, #tpu.memory_space<vmem_shared>>) dst(%dma_wait3A_63 : memref<624x128xf32, #tpu.memory_space<hbm>>)
      tpu.yield
    }) : () -> ()
    %eq3A_52 = arith.constant 0 : i32
    %eq3A_53 = arith.cmpi eq, %arg1, %eq3A_52 : i32
    %convert_element_type3A_54 = arith.extui %eq3A_53 : i1 to i32
    %cond3A_55 = arith.constant 0 : i32
    %cond3A_56 = arith.cmpi ne, %convert_element_type3A_54, %cond3A_55 : i32
    scf.if %cond3A_56 {
      "tpu.region"() ({
        %run_scoped3A = tpu.sem_alloc : memref<!tpu.dma_semaphore, #tpu.memory_space<semaphore_mem>>
        %dma_start3A = arith.constant 9984 : i32
        %dma_start3A_57 = arith.constant 0 : i32
        %dma_start3A_58 = tpu.memref_slice %arg5[%arg0, %dma_start3A, %dma_start3A_57] : memref<2x10000x128xf32, #tpu.memory_space<hbm>> -> memref<1x16x128xf32, #tpu.memory_space<hbm>>
        %dma_start3A_59 = tpu.memref_squeeze %dma_start3A_58 : memref<1x16x128xf32, #tpu.memory_space<hbm>> -> memref<16x128xf32, #tpu.memory_space<hbm>>
        %dma_start3A_60 = arith.constant 9984 : i32
        %dma_start3A_61 = arith.constant 0 : i32
        %dma_start3A_62 = tpu.memref_slice %arg8[%dma_start3A_60, %dma_start3A_61] : memref<10064x128xf32, #tpu.memory_space<vmem_shared>> -> memref<16x128xf32, #tpu.memory_space<vmem_shared>>
        tpu.enqueue_dma source(%dma_start3A_62 : memref<16x128xf32, #tpu.memory_space<vmem_shared>>) target(%dma_start3A_59 : memref<16x128xf32, #tpu.memory_space<hbm>>) target_semaphore(%run_scoped3A : memref<!tpu.dma_semaphore, #tpu.memory_space<semaphore_mem>>)
        %dma_wait3A_63 = arith.constant 9984 : i32
        %dma_wait3A_64 = arith.constant 0 : i32
        %dma_wait3A_65 = tpu.memref_slice %arg5[%arg0, %dma_wait3A_63, %dma_wait3A_64] : memref<2x10000x128xf32, #tpu.memory_space<hbm>> -> memref<1x16x128xf32, #tpu.memory_space<hbm>>
        %dma_wait3A_66 = tpu.memref_squeeze %dma_wait3A_65 : memref<1x16x128xf32, #tpu.memory_space<hbm>> -> memref<16x128xf32, #tpu.memory_space<hbm>>
        %dma_wait3A_67 = arith.constant 9984 : i32
        %dma_wait3A_68 = arith.constant 0 : i32
        %dma_wait3A_69 = tpu.memref_slice %arg8[%dma_wait3A_67, %dma_wait3A_68] : memref<10064x128xf32, #tpu.memory_space<vmem_shared>> -> memref<16x128xf32, #tpu.memory_space<vmem_shared>>
        tpu.wait_dma2 semaphore(%run_scoped3A : memref<!tpu.dma_semaphore, #tpu.memory_space<semaphore_mem>>) src(%dma_wait3A_69 : memref<16x128xf32, #tpu.memory_space<vmem_shared>>) dst(%dma_wait3A_66 : memref<16x128xf32, #tpu.memory_space<hbm>>)
        tpu.yield
      }) : () -> ()
    } else {
    }
    return
  }
}

#map = affine_map<(d0, d1) -> (0, 0)>
#map1 = affine_map<(d0, d1) -> (0, 0, 0, 0)>
#map2 = affine_map<(d0, d1) -> (0, 0, 0)>
module attributes {stable_mosaic.version = 14 : i64} {
  func.func @sc_edge_agg(%arg0: i32, %arg1: i32, %arg2: memref<10000x128xf32, #tpu.memory_space<hbm>>, %arg3: memref<32x81x2x128xi32, #tpu.memory_space<hbm>>, %arg4: memref<208x128xf32, #tpu.memory_space<hbm>>, %arg5: memref<2x10000x128xf32, #tpu.memory_space<hbm>>, %arg6: memref<2x128xi32, #tpu.memory_space<vmem>>, %arg7: memref<2x128xi32, #tpu.memory_space<vmem>>, %arg8: memref<2x128xi32, #tpu.memory_space<vmem>>, %arg9: memref<128x128xf32, #tpu.memory_space<vmem>>, %arg10: memref<128x128xf32, #tpu.memory_space<vmem>>, %arg11: memref<128x128xf32, #tpu.memory_space<vmem>>, %arg12: memref<10064x128xf32, #tpu.memory_space<vmem_shared>>, %arg13: memref<!tpu.dma_semaphore, #tpu.memory_space<semaphore_mem>>, %arg14: memref<!tpu.dma_semaphore, #tpu.memory_space<semaphore_mem>>) attributes {dimension_semantics = [#tpu.dimension_semantics<core_parallel>, #tpu.dimension_semantics<subcore_parallel>], iteration_bounds = array<i64: 2, 16>, scalar_prefetch = 0 : i64, scratch_operands = 9 : i64, tpu.core_type = #tpu.core_type<sc_vector_subcore>, window_params = [{transform_indices = #map}, {transform_indices = #map1}, {transform_indices = #map}, {transform_indices = #map2}]} {
    %mul3A = arith.constant 16 : i32
    %mul3A_0 = arith.muli %arg0, %mul3A : i32
    %add3A = arith.addi %mul3A_0, %arg1 : i32
    %mul3A_1 = arith.constant 624 : i32
    %mul3A_2 = arith.muli %arg1, %mul3A_1 : i32
    %add3A_3 = arith.constant 0 : i32
    %add3A_4 = arith.addi %mul3A_2, %add3A_3 : i32
    "tpu.region"() ({
      %run_scoped3A_50 = tpu.sem_alloc : memref<!tpu.dma_semaphore, #tpu.memory_space<semaphore_mem>>
      %dma_start3A_51 = arith.constant 0 : i32
      %dma_start3A_52 = tpu.memref_slice %arg12[%add3A_4, %dma_start3A_51] : memref<10064x128xf32, #tpu.memory_space<vmem_shared>> -> memref<208x128xf32, #tpu.memory_space<vmem_shared>>
      tpu.enqueue_dma source(%arg4 : memref<208x128xf32, #tpu.memory_space<hbm>>) target(%dma_start3A_52 : memref<208x128xf32, #tpu.memory_space<vmem_shared>>) target_semaphore(%run_scoped3A_50 : memref<!tpu.dma_semaphore, #tpu.memory_space<semaphore_mem>>)
      %dma_wait3A_53 = arith.constant 0 : i32
      %dma_wait3A_54 = tpu.memref_slice %arg12[%add3A_4, %dma_wait3A_53] : memref<10064x128xf32, #tpu.memory_space<vmem_shared>> -> memref<208x128xf32, #tpu.memory_space<vmem_shared>>
      tpu.wait_dma2 semaphore(%run_scoped3A_50 : memref<!tpu.dma_semaphore, #tpu.memory_space<semaphore_mem>>) src(%arg4 : memref<208x128xf32, #tpu.memory_space<hbm>>) dst(%dma_wait3A_54 : memref<208x128xf32, #tpu.memory_space<vmem_shared>>)
      tpu.yield
    }) : () -> ()
    %mul3A_5 = arith.constant 624 : i32
    %mul3A_6 = arith.muli %arg1, %mul3A_5 : i32
    %add3A_7 = arith.constant 208 : i32
    %add3A_8 = arith.addi %mul3A_6, %add3A_7 : i32
    "tpu.region"() ({
      %run_scoped3A_50 = tpu.sem_alloc : memref<!tpu.dma_semaphore, #tpu.memory_space<semaphore_mem>>
      %dma_start3A_51 = arith.constant 0 : i32
      %dma_start3A_52 = tpu.memref_slice %arg12[%add3A_8, %dma_start3A_51] : memref<10064x128xf32, #tpu.memory_space<vmem_shared>> -> memref<208x128xf32, #tpu.memory_space<vmem_shared>>
      tpu.enqueue_dma source(%arg4 : memref<208x128xf32, #tpu.memory_space<hbm>>) target(%dma_start3A_52 : memref<208x128xf32, #tpu.memory_space<vmem_shared>>) target_semaphore(%run_scoped3A_50 : memref<!tpu.dma_semaphore, #tpu.memory_space<semaphore_mem>>)
      %dma_wait3A_53 = arith.constant 0 : i32
      %dma_wait3A_54 = tpu.memref_slice %arg12[%add3A_8, %dma_wait3A_53] : memref<10064x128xf32, #tpu.memory_space<vmem_shared>> -> memref<208x128xf32, #tpu.memory_space<vmem_shared>>
      tpu.wait_dma2 semaphore(%run_scoped3A_50 : memref<!tpu.dma_semaphore, #tpu.memory_space<semaphore_mem>>) src(%arg4 : memref<208x128xf32, #tpu.memory_space<hbm>>) dst(%dma_wait3A_54 : memref<208x128xf32, #tpu.memory_space<vmem_shared>>)
      tpu.yield
    }) : () -> ()
    %mul3A_9 = arith.constant 624 : i32
    %mul3A_10 = arith.muli %arg1, %mul3A_9 : i32
    %add3A_11 = arith.constant 416 : i32
    %add3A_12 = arith.addi %mul3A_10, %add3A_11 : i32
    "tpu.region"() ({
      %run_scoped3A_50 = tpu.sem_alloc : memref<!tpu.dma_semaphore, #tpu.memory_space<semaphore_mem>>
      %dma_start3A_51 = arith.constant 0 : i32
      %dma_start3A_52 = tpu.memref_slice %arg12[%add3A_12, %dma_start3A_51] : memref<10064x128xf32, #tpu.memory_space<vmem_shared>> -> memref<208x128xf32, #tpu.memory_space<vmem_shared>>
      tpu.enqueue_dma source(%arg4 : memref<208x128xf32, #tpu.memory_space<hbm>>) target(%dma_start3A_52 : memref<208x128xf32, #tpu.memory_space<vmem_shared>>) target_semaphore(%run_scoped3A_50 : memref<!tpu.dma_semaphore, #tpu.memory_space<semaphore_mem>>)
      %dma_wait3A_53 = arith.constant 0 : i32
      %dma_wait3A_54 = tpu.memref_slice %arg12[%add3A_12, %dma_wait3A_53] : memref<10064x128xf32, #tpu.memory_space<vmem_shared>> -> memref<208x128xf32, #tpu.memory_space<vmem_shared>>
      tpu.wait_dma2 semaphore(%run_scoped3A_50 : memref<!tpu.dma_semaphore, #tpu.memory_space<semaphore_mem>>) src(%arg4 : memref<208x128xf32, #tpu.memory_space<hbm>>) dst(%dma_wait3A_54 : memref<208x128xf32, #tpu.memory_space<vmem_shared>>)
      tpu.yield
    }) : () -> ()
    %eq3A = arith.constant 0 : i32
    %eq3A_13 = arith.cmpi eq, %arg1, %eq3A : i32
    %convert_element_type3A = arith.extui %eq3A_13 : i1 to i32
    %cond3A = arith.constant 0 : i32
    %cond3A_14 = arith.cmpi ne, %convert_element_type3A, %cond3A : i32
    scf.if %cond3A_14 {
      "tpu.region"() ({
        %run_scoped3A_50 = tpu.sem_alloc : memref<!tpu.dma_semaphore, #tpu.memory_space<semaphore_mem>>
        %dma_start3A_51 = arith.constant 9984 : i32
        %dma_start3A_52 = arith.constant 0 : i32
        %dma_start3A_53 = tpu.memref_slice %arg12[%dma_start3A_51, %dma_start3A_52] : memref<10064x128xf32, #tpu.memory_space<vmem_shared>> -> memref<16x128xf32, #tpu.memory_space<vmem_shared>>
        %dma_start3A_54 = arith.constant 0 : i32
        %dma_start3A_55 = arith.constant 0 : i32
        %dma_start3A_56 = tpu.memref_slice %arg4[%dma_start3A_54, %dma_start3A_55] : memref<208x128xf32, #tpu.memory_space<hbm>> -> memref<16x128xf32, #tpu.memory_space<hbm>>
        tpu.enqueue_dma source(%dma_start3A_56 : memref<16x128xf32, #tpu.memory_space<hbm>>) target(%dma_start3A_53 : memref<16x128xf32, #tpu.memory_space<vmem_shared>>) target_semaphore(%run_scoped3A_50 : memref<!tpu.dma_semaphore, #tpu.memory_space<semaphore_mem>>)
        %dma_wait3A_57 = arith.constant 9984 : i32
        %dma_wait3A_58 = arith.constant 0 : i32
        %dma_wait3A_59 = tpu.memref_slice %arg12[%dma_wait3A_57, %dma_wait3A_58] : memref<10064x128xf32, #tpu.memory_space<vmem_shared>> -> memref<16x128xf32, #tpu.memory_space<vmem_shared>>
        %dma_wait3A_60 = arith.constant 0 : i32
        %dma_wait3A_61 = arith.constant 0 : i32
        %dma_wait3A_62 = tpu.memref_slice %arg4[%dma_wait3A_60, %dma_wait3A_61] : memref<208x128xf32, #tpu.memory_space<hbm>> -> memref<16x128xf32, #tpu.memory_space<hbm>>
        tpu.wait_dma2 semaphore(%run_scoped3A_50 : memref<!tpu.dma_semaphore, #tpu.memory_space<semaphore_mem>>) src(%dma_wait3A_62 : memref<16x128xf32, #tpu.memory_space<hbm>>) dst(%dma_wait3A_59 : memref<16x128xf32, #tpu.memory_space<vmem_shared>>)
        tpu.yield
      }) : () -> ()
    } else {
    }
    %barrier3A = arith.constant 0 : index
    tpu.barrier barrier_id(%barrier3A)
    %run_scoped3A = arith.constant 0 : i32
    "tpu.region"() ({
      %run_scoped3A_50 = tpu.sem_alloc : memref<!tpu.dma_semaphore, #tpu.memory_space<semaphore_mem>>
      %dma_start3A_51 = arith.constant 0 : i32
      %dma_start3A_52 = arith.constant 0 : i32
      %dma_start3A_53 = tpu.memref_slice %arg3[%add3A, %run_scoped3A, %dma_start3A_51, %dma_start3A_52] : memref<32x81x2x128xi32, #tpu.memory_space<hbm>> -> memref<1x1x2x128xi32, #tpu.memory_space<hbm>>
      %dma_start3A_54 = tpu.memref_squeeze %dma_start3A_53 : memref<1x1x2x128xi32, #tpu.memory_space<hbm>> -> memref<2x128xi32, #tpu.memory_space<hbm>>
      %dma_start3A_55 = arith.constant 0 : i32
      %dma_start3A_56 = arith.constant 0 : i32
      %dma_start3A_57 = tpu.memref_slice %arg3[%add3A, %run_scoped3A, %dma_start3A_55, %dma_start3A_56] : memref<32x81x2x128xi32, #tpu.memory_space<hbm>> -> memref<1x1x2x128xi32, #tpu.memory_space<hbm>>
      %dma_start3A_58 = tpu.memref_squeeze %dma_start3A_57 : memref<1x1x2x128xi32, #tpu.memory_space<hbm>> -> memref<2x128xi32, #tpu.memory_space<hbm>>
      tpu.enqueue_dma source(%dma_start3A_58 : memref<2x128xi32, #tpu.memory_space<hbm>>) target(%arg6 : memref<2x128xi32, #tpu.memory_space<vmem>>) target_semaphore(%run_scoped3A_50 : memref<!tpu.dma_semaphore, #tpu.memory_space<semaphore_mem>>)
      %dma_wait3A_59 = arith.constant 0 : i32
      %dma_wait3A_60 = arith.constant 0 : i32
      %dma_wait3A_61 = tpu.memref_slice %arg3[%add3A, %run_scoped3A, %dma_wait3A_59, %dma_wait3A_60] : memref<32x81x2x128xi32, #tpu.memory_space<hbm>> -> memref<1x1x2x128xi32, #tpu.memory_space<hbm>>
      %dma_wait3A_62 = tpu.memref_squeeze %dma_wait3A_61 : memref<1x1x2x128xi32, #tpu.memory_space<hbm>> -> memref<2x128xi32, #tpu.memory_space<hbm>>
      %dma_wait3A_63 = arith.constant 0 : i32
      %dma_wait3A_64 = arith.constant 0 : i32
      %dma_wait3A_65 = tpu.memref_slice %arg3[%add3A, %run_scoped3A, %dma_wait3A_63, %dma_wait3A_64] : memref<32x81x2x128xi32, #tpu.memory_space<hbm>> -> memref<1x1x2x128xi32, #tpu.memory_space<hbm>>
      %dma_wait3A_66 = tpu.memref_squeeze %dma_wait3A_65 : memref<1x1x2x128xi32, #tpu.memory_space<hbm>> -> memref<2x128xi32, #tpu.memory_space<hbm>>
      tpu.wait_dma2 semaphore(%run_scoped3A_50 : memref<!tpu.dma_semaphore, #tpu.memory_space<semaphore_mem>>) src(%dma_wait3A_66 : memref<2x128xi32, #tpu.memory_space<hbm>>) dst(%arg6 : memref<2x128xi32, #tpu.memory_space<vmem>>)
      tpu.yield
    }) : () -> ()
    %dma_start3A = arith.constant 0 : i32
    %dma_start3A_15 = arith.constant 0 : i32
    %dma_start3A_16 = tpu.memref_slice %arg6[%dma_start3A, %dma_start3A_15] : memref<2x128xi32, #tpu.memory_space<vmem>> -> memref<1x128xi32, #tpu.memory_space<vmem>>
    %dma_start3A_17 = tpu.memref_squeeze %dma_start3A_16 : memref<1x128xi32, #tpu.memory_space<vmem>> -> memref<128xi32, #tpu.memory_space<vmem>>
    %dma_start3A_18 = arith.constant 0 : i32
    %dma_start3A_19 = arith.constant 0 : i32
    %dma_start3A_20 = tpu.memref_slice %arg2[%dma_start3A_18, %dma_start3A_19] : memref<10000x128xf32, #tpu.memory_space<hbm>> -> memref<10000x128xf32, #tpu.memory_space<hbm>>
    tpu.enqueue_indirect_dma source(%dma_start3A_20 : memref<10000x128xf32, #tpu.memory_space<hbm>>) target(%arg9 : memref<128x128xf32, #tpu.memory_space<vmem>>) offsets(%dma_start3A_17 : memref<128xi32, #tpu.memory_space<vmem>>) semaphore(%arg13 : memref<!tpu.dma_semaphore, #tpu.memory_space<semaphore_mem>>)
    %run_scoped3A_21 = arith.constant 1 : i32
    "tpu.region"() ({
      %run_scoped3A_50 = tpu.sem_alloc : memref<!tpu.dma_semaphore, #tpu.memory_space<semaphore_mem>>
      %dma_start3A_51 = arith.constant 0 : i32
      %dma_start3A_52 = arith.constant 0 : i32
      %dma_start3A_53 = tpu.memref_slice %arg3[%add3A, %run_scoped3A_21, %dma_start3A_51, %dma_start3A_52] : memref<32x81x2x128xi32, #tpu.memory_space<hbm>> -> memref<1x1x2x128xi32, #tpu.memory_space<hbm>>
      %dma_start3A_54 = tpu.memref_squeeze %dma_start3A_53 : memref<1x1x2x128xi32, #tpu.memory_space<hbm>> -> memref<2x128xi32, #tpu.memory_space<hbm>>
      %dma_start3A_55 = arith.constant 0 : i32
      %dma_start3A_56 = arith.constant 0 : i32
      %dma_start3A_57 = tpu.memref_slice %arg3[%add3A, %run_scoped3A_21, %dma_start3A_55, %dma_start3A_56] : memref<32x81x2x128xi32, #tpu.memory_space<hbm>> -> memref<1x1x2x128xi32, #tpu.memory_space<hbm>>
      %dma_start3A_58 = tpu.memref_squeeze %dma_start3A_57 : memref<1x1x2x128xi32, #tpu.memory_space<hbm>> -> memref<2x128xi32, #tpu.memory_space<hbm>>
      tpu.enqueue_dma source(%dma_start3A_58 : memref<2x128xi32, #tpu.memory_space<hbm>>) target(%arg7 : memref<2x128xi32, #tpu.memory_space<vmem>>) target_semaphore(%run_scoped3A_50 : memref<!tpu.dma_semaphore, #tpu.memory_space<semaphore_mem>>)
      %dma_wait3A_59 = arith.constant 0 : i32
      %dma_wait3A_60 = arith.constant 0 : i32
      %dma_wait3A_61 = tpu.memref_slice %arg3[%add3A, %run_scoped3A_21, %dma_wait3A_59, %dma_wait3A_60] : memref<32x81x2x128xi32, #tpu.memory_space<hbm>> -> memref<1x1x2x128xi32, #tpu.memory_space<hbm>>
      %dma_wait3A_62 = tpu.memref_squeeze %dma_wait3A_61 : memref<1x1x2x128xi32, #tpu.memory_space<hbm>> -> memref<2x128xi32, #tpu.memory_space<hbm>>
      %dma_wait3A_63 = arith.constant 0 : i32
      %dma_wait3A_64 = arith.constant 0 : i32
      %dma_wait3A_65 = tpu.memref_slice %arg3[%add3A, %run_scoped3A_21, %dma_wait3A_63, %dma_wait3A_64] : memref<32x81x2x128xi32, #tpu.memory_space<hbm>> -> memref<1x1x2x128xi32, #tpu.memory_space<hbm>>
      %dma_wait3A_66 = tpu.memref_squeeze %dma_wait3A_65 : memref<1x1x2x128xi32, #tpu.memory_space<hbm>> -> memref<2x128xi32, #tpu.memory_space<hbm>>
      tpu.wait_dma2 semaphore(%run_scoped3A_50 : memref<!tpu.dma_semaphore, #tpu.memory_space<semaphore_mem>>) src(%dma_wait3A_66 : memref<2x128xi32, #tpu.memory_space<hbm>>) dst(%arg7 : memref<2x128xi32, #tpu.memory_space<vmem>>)
      tpu.yield
    }) : () -> ()
    %dma_start3A_22 = arith.constant 0 : i32
    %dma_start3A_23 = arith.constant 0 : i32
    %dma_start3A_24 = tpu.memref_slice %arg7[%dma_start3A_22, %dma_start3A_23] : memref<2x128xi32, #tpu.memory_space<vmem>> -> memref<1x128xi32, #tpu.memory_space<vmem>>
    %dma_start3A_25 = tpu.memref_squeeze %dma_start3A_24 : memref<1x128xi32, #tpu.memory_space<vmem>> -> memref<128xi32, #tpu.memory_space<vmem>>
    %dma_start3A_26 = arith.constant 0 : i32
    %dma_start3A_27 = arith.constant 0 : i32
    %dma_start3A_28 = tpu.memref_slice %arg2[%dma_start3A_26, %dma_start3A_27] : memref<10000x128xf32, #tpu.memory_space<hbm>> -> memref<10000x128xf32, #tpu.memory_space<hbm>>
    tpu.enqueue_indirect_dma source(%dma_start3A_28 : memref<10000x128xf32, #tpu.memory_space<hbm>>) target(%arg10 : memref<128x128xf32, #tpu.memory_space<vmem>>) offsets(%dma_start3A_25 : memref<128xi32, #tpu.memory_space<vmem>>) semaphore(%arg13 : memref<!tpu.dma_semaphore, #tpu.memory_space<semaphore_mem>>)
    %scan3A = arith.constant 0 : i32
    %scan3A_29 = arith.constant 0 : i32
    %scan3A_30 = arith.constant 27 : i32
    %scan3A_31 = arith.addi %scan3A_29, %scan3A_30 : i32
    %scan3A_32 = arith.constant 1 : i32
    scf.for %scan3A_50 = %scan3A_29 to %scan3A_31 step %scan3A_32  : i32 {
      %mul3A_51 = arith.constant 3 : i32
      %mul3A_52 = arith.muli %mul3A_51, %scan3A_50 : i32
      %add3A_53 = arith.constant 0 : i32
      %add3A_54 = arith.addi %mul3A_52, %add3A_53 : i32
      %dma_wait3A_55 = arith.constant 0 : i32
      %dma_wait3A_56 = arith.constant 0 : i32
      %dma_wait3A_57 = tpu.memref_slice %arg6[%dma_wait3A_55, %dma_wait3A_56] : memref<2x128xi32, #tpu.memory_space<vmem>> -> memref<1x128xi32, #tpu.memory_space<vmem>>
      %dma_wait3A_58 = tpu.memref_squeeze %dma_wait3A_57 : memref<1x128xi32, #tpu.memory_space<vmem>> -> memref<128xi32, #tpu.memory_space<vmem>>
      %dma_wait3A_59 = arith.constant 0 : i32
      %dma_wait3A_60 = arith.constant 0 : i32
      %dma_wait3A_61 = tpu.memref_slice %arg2[%dma_wait3A_59, %dma_wait3A_60] : memref<10000x128xf32, #tpu.memory_space<hbm>> -> memref<10000x128xf32, #tpu.memory_space<hbm>>
      tpu.wait_indirect_dma semaphore(%arg13 : memref<!tpu.dma_semaphore, #tpu.memory_space<semaphore_mem>>) src(%dma_wait3A_61 : memref<10000x128xf32, #tpu.memory_space<hbm>>) dst(%arg9 : memref<128x128xf32, #tpu.memory_space<vmem>>)
      %dma_start3A_62 = arith.constant 1 : i32
      %dma_start3A_63 = arith.constant 0 : i32
      %dma_start3A_64 = tpu.memref_slice %arg6[%dma_start3A_62, %dma_start3A_63] : memref<2x128xi32, #tpu.memory_space<vmem>> -> memref<1x128xi32, #tpu.memory_space<vmem>>
      %dma_start3A_65 = tpu.memref_squeeze %dma_start3A_64 : memref<1x128xi32, #tpu.memory_space<vmem>> -> memref<128xi32, #tpu.memory_space<vmem>>
      %dma_start3A_66 = arith.constant 0 : i32
      %dma_start3A_67 = arith.constant 0 : i32
      %dma_start3A_68 = tpu.memref_slice %arg12[%dma_start3A_66, %dma_start3A_67] : memref<10064x128xf32, #tpu.memory_space<vmem_shared>> -> memref<10064x128xf32, #tpu.memory_space<vmem_shared>>
      tpu.enqueue_indirect_dma source(%arg9 : memref<128x128xf32, #tpu.memory_space<vmem>>) target(%dma_start3A_68 : memref<10064x128xf32, #tpu.memory_space<vmem_shared>>) offsets(%dma_start3A_65 : memref<128xi32, #tpu.memory_space<vmem>>) semaphore(%arg14 : memref<!tpu.dma_semaphore, #tpu.memory_space<semaphore_mem>>) {add = true}
      %gt3A = arith.constant 0 : i32
      %gt3A_69 = arith.cmpi sgt, %scan3A_50, %gt3A : i32
      %convert_element_type3A_70 = arith.extui %gt3A_69 : i1 to i32
      %cond3A_71 = arith.constant 0 : i32
      %cond3A_72 = arith.cmpi ne, %convert_element_type3A_70, %cond3A_71 : i32
      scf.if %cond3A_72 {
        %dma_wait3A_141 = arith.constant 1 : i32
        %dma_wait3A_142 = arith.constant 0 : i32
        %dma_wait3A_143 = tpu.memref_slice %arg8[%dma_wait3A_141, %dma_wait3A_142] : memref<2x128xi32, #tpu.memory_space<vmem>> -> memref<1x128xi32, #tpu.memory_space<vmem>>
        %dma_wait3A_144 = tpu.memref_squeeze %dma_wait3A_143 : memref<1x128xi32, #tpu.memory_space<vmem>> -> memref<128xi32, #tpu.memory_space<vmem>>
        %dma_wait3A_145 = arith.constant 0 : i32
        %dma_wait3A_146 = arith.constant 0 : i32
        %dma_wait3A_147 = tpu.memref_slice %arg12[%dma_wait3A_145, %dma_wait3A_146] : memref<10064x128xf32, #tpu.memory_space<vmem_shared>> -> memref<10064x128xf32, #tpu.memory_space<vmem_shared>>
        tpu.wait_indirect_dma semaphore(%arg14 : memref<!tpu.dma_semaphore, #tpu.memory_space<semaphore_mem>>) src(%arg11 : memref<128x128xf32, #tpu.memory_space<vmem>>) dst(%dma_wait3A_147 : memref<10064x128xf32, #tpu.memory_space<vmem_shared>>)
      } else {
      }
      %add3A_73 = arith.constant 2 : i32
      %add3A_74 = arith.addi %add3A_54, %add3A_73 : i32
      "tpu.region"() ({
        %run_scoped3A_141 = tpu.sem_alloc : memref<!tpu.dma_semaphore, #tpu.memory_space<semaphore_mem>>
        %dma_start3A_142 = arith.constant 0 : i32
        %dma_start3A_143 = arith.constant 0 : i32
        %dma_start3A_144 = tpu.memref_slice %arg3[%add3A, %add3A_74, %dma_start3A_142, %dma_start3A_143] : memref<32x81x2x128xi32, #tpu.memory_space<hbm>> -> memref<1x1x2x128xi32, #tpu.memory_space<hbm>>
        %dma_start3A_145 = tpu.memref_squeeze %dma_start3A_144 : memref<1x1x2x128xi32, #tpu.memory_space<hbm>> -> memref<2x128xi32, #tpu.memory_space<hbm>>
        %dma_start3A_146 = arith.constant 0 : i32
        %dma_start3A_147 = arith.constant 0 : i32
        %dma_start3A_148 = tpu.memref_slice %arg3[%add3A, %add3A_74, %dma_start3A_146, %dma_start3A_147] : memref<32x81x2x128xi32, #tpu.memory_space<hbm>> -> memref<1x1x2x128xi32, #tpu.memory_space<hbm>>
        %dma_start3A_149 = tpu.memref_squeeze %dma_start3A_148 : memref<1x1x2x128xi32, #tpu.memory_space<hbm>> -> memref<2x128xi32, #tpu.memory_space<hbm>>
        tpu.enqueue_dma source(%dma_start3A_149 : memref<2x128xi32, #tpu.memory_space<hbm>>) target(%arg8 : memref<2x128xi32, #tpu.memory_space<vmem>>) target_semaphore(%run_scoped3A_141 : memref<!tpu.dma_semaphore, #tpu.memory_space<semaphore_mem>>)
        %dma_wait3A_150 = arith.constant 0 : i32
        %dma_wait3A_151 = arith.constant 0 : i32
        %dma_wait3A_152 = tpu.memref_slice %arg3[%add3A, %add3A_74, %dma_wait3A_150, %dma_wait3A_151] : memref<32x81x2x128xi32, #tpu.memory_space<hbm>> -> memref<1x1x2x128xi32, #tpu.memory_space<hbm>>
        %dma_wait3A_153 = tpu.memref_squeeze %dma_wait3A_152 : memref<1x1x2x128xi32, #tpu.memory_space<hbm>> -> memref<2x128xi32, #tpu.memory_space<hbm>>
        %dma_wait3A_154 = arith.constant 0 : i32
        %dma_wait3A_155 = arith.constant 0 : i32
        %dma_wait3A_156 = tpu.memref_slice %arg3[%add3A, %add3A_74, %dma_wait3A_154, %dma_wait3A_155] : memref<32x81x2x128xi32, #tpu.memory_space<hbm>> -> memref<1x1x2x128xi32, #tpu.memory_space<hbm>>
        %dma_wait3A_157 = tpu.memref_squeeze %dma_wait3A_156 : memref<1x1x2x128xi32, #tpu.memory_space<hbm>> -> memref<2x128xi32, #tpu.memory_space<hbm>>
        tpu.wait_dma2 semaphore(%run_scoped3A_141 : memref<!tpu.dma_semaphore, #tpu.memory_space<semaphore_mem>>) src(%dma_wait3A_157 : memref<2x128xi32, #tpu.memory_space<hbm>>) dst(%arg8 : memref<2x128xi32, #tpu.memory_space<vmem>>)
        tpu.yield
      }) : () -> ()
      %dma_start3A_75 = arith.constant 0 : i32
      %dma_start3A_76 = arith.constant 0 : i32
      %dma_start3A_77 = tpu.memref_slice %arg8[%dma_start3A_75, %dma_start3A_76] : memref<2x128xi32, #tpu.memory_space<vmem>> -> memref<1x128xi32, #tpu.memory_space<vmem>>
      %dma_start3A_78 = tpu.memref_squeeze %dma_start3A_77 : memref<1x128xi32, #tpu.memory_space<vmem>> -> memref<128xi32, #tpu.memory_space<vmem>>
      %dma_start3A_79 = arith.constant 0 : i32
      %dma_start3A_80 = arith.constant 0 : i32
      %dma_start3A_81 = tpu.memref_slice %arg2[%dma_start3A_79, %dma_start3A_80] : memref<10000x128xf32, #tpu.memory_space<hbm>> -> memref<10000x128xf32, #tpu.memory_space<hbm>>
      tpu.enqueue_indirect_dma source(%dma_start3A_81 : memref<10000x128xf32, #tpu.memory_space<hbm>>) target(%arg11 : memref<128x128xf32, #tpu.memory_space<vmem>>) offsets(%dma_start3A_78 : memref<128xi32, #tpu.memory_space<vmem>>) semaphore(%arg13 : memref<!tpu.dma_semaphore, #tpu.memory_space<semaphore_mem>>)
      %mul3A_82 = arith.constant 3 : i32
      %mul3A_83 = arith.muli %mul3A_82, %scan3A_50 : i32
      %add3A_84 = arith.constant 1 : i32
      %add3A_85 = arith.addi %mul3A_83, %add3A_84 : i32
      %dma_wait3A_86 = arith.constant 0 : i32
      %dma_wait3A_87 = arith.constant 0 : i32
      %dma_wait3A_88 = tpu.memref_slice %arg7[%dma_wait3A_86, %dma_wait3A_87] : memref<2x128xi32, #tpu.memory_space<vmem>> -> memref<1x128xi32, #tpu.memory_space<vmem>>
      %dma_wait3A_89 = tpu.memref_squeeze %dma_wait3A_88 : memref<1x128xi32, #tpu.memory_space<vmem>> -> memref<128xi32, #tpu.memory_space<vmem>>
      %dma_wait3A_90 = arith.constant 0 : i32
      %dma_wait3A_91 = arith.constant 0 : i32
      %dma_wait3A_92 = tpu.memref_slice %arg2[%dma_wait3A_90, %dma_wait3A_91] : memref<10000x128xf32, #tpu.memory_space<hbm>> -> memref<10000x128xf32, #tpu.memory_space<hbm>>
      tpu.wait_indirect_dma semaphore(%arg13 : memref<!tpu.dma_semaphore, #tpu.memory_space<semaphore_mem>>) src(%dma_wait3A_92 : memref<10000x128xf32, #tpu.memory_space<hbm>>) dst(%arg10 : memref<128x128xf32, #tpu.memory_space<vmem>>)
      %dma_start3A_93 = arith.constant 1 : i32
      %dma_start3A_94 = arith.constant 0 : i32
      %dma_start3A_95 = tpu.memref_slice %arg7[%dma_start3A_93, %dma_start3A_94] : memref<2x128xi32, #tpu.memory_space<vmem>> -> memref<1x128xi32, #tpu.memory_space<vmem>>
      %dma_start3A_96 = tpu.memref_squeeze %dma_start3A_95 : memref<1x128xi32, #tpu.memory_space<vmem>> -> memref<128xi32, #tpu.memory_space<vmem>>
      %dma_start3A_97 = arith.constant 0 : i32
      %dma_start3A_98 = arith.constant 0 : i32
      %dma_start3A_99 = tpu.memref_slice %arg12[%dma_start3A_97, %dma_start3A_98] : memref<10064x128xf32, #tpu.memory_space<vmem_shared>> -> memref<10064x128xf32, #tpu.memory_space<vmem_shared>>
      tpu.enqueue_indirect_dma source(%arg10 : memref<128x128xf32, #tpu.memory_space<vmem>>) target(%dma_start3A_99 : memref<10064x128xf32, #tpu.memory_space<vmem_shared>>) offsets(%dma_start3A_96 : memref<128xi32, #tpu.memory_space<vmem>>) semaphore(%arg14 : memref<!tpu.dma_semaphore, #tpu.memory_space<semaphore_mem>>) {add = true}
      %dma_wait3A_100 = arith.constant 1 : i32
      %dma_wait3A_101 = arith.constant 0 : i32
      %dma_wait3A_102 = tpu.memref_slice %arg6[%dma_wait3A_100, %dma_wait3A_101] : memref<2x128xi32, #tpu.memory_space<vmem>> -> memref<1x128xi32, #tpu.memory_space<vmem>>
      %dma_wait3A_103 = tpu.memref_squeeze %dma_wait3A_102 : memref<1x128xi32, #tpu.memory_space<vmem>> -> memref<128xi32, #tpu.memory_space<vmem>>
      %dma_wait3A_104 = arith.constant 0 : i32
      %dma_wait3A_105 = arith.constant 0 : i32
      %dma_wait3A_106 = tpu.memref_slice %arg12[%dma_wait3A_104, %dma_wait3A_105] : memref<10064x128xf32, #tpu.memory_space<vmem_shared>> -> memref<10064x128xf32, #tpu.memory_space<vmem_shared>>
      tpu.wait_indirect_dma semaphore(%arg14 : memref<!tpu.dma_semaphore, #tpu.memory_space<semaphore_mem>>) src(%arg9 : memref<128x128xf32, #tpu.memory_space<vmem>>) dst(%dma_wait3A_106 : memref<10064x128xf32, #tpu.memory_space<vmem_shared>>)
      %lt3A = arith.constant 26 : i32
      %lt3A_107 = arith.cmpi slt, %scan3A_50, %lt3A : i32
      %convert_element_type3A_108 = arith.extui %lt3A_107 : i1 to i32
      %cond3A_109 = arith.constant 0 : i32
      %cond3A_110 = arith.cmpi ne, %convert_element_type3A_108, %cond3A_109 : i32
      scf.if %cond3A_110 {
        %add3A_141 = arith.constant 2 : i32
        %add3A_142 = arith.addi %add3A_85, %add3A_141 : i32
        "tpu.region"() ({
          %run_scoped3A_150 = tpu.sem_alloc : memref<!tpu.dma_semaphore, #tpu.memory_space<semaphore_mem>>
          %dma_start3A_151 = arith.constant 0 : i32
          %dma_start3A_152 = arith.constant 0 : i32
          %dma_start3A_153 = tpu.memref_slice %arg3[%add3A, %add3A_142, %dma_start3A_151, %dma_start3A_152] : memref<32x81x2x128xi32, #tpu.memory_space<hbm>> -> memref<1x1x2x128xi32, #tpu.memory_space<hbm>>
          %dma_start3A_154 = tpu.memref_squeeze %dma_start3A_153 : memref<1x1x2x128xi32, #tpu.memory_space<hbm>> -> memref<2x128xi32, #tpu.memory_space<hbm>>
          %dma_start3A_155 = arith.constant 0 : i32
          %dma_start3A_156 = arith.constant 0 : i32
          %dma_start3A_157 = tpu.memref_slice %arg3[%add3A, %add3A_142, %dma_start3A_155, %dma_start3A_156] : memref<32x81x2x128xi32, #tpu.memory_space<hbm>> -> memref<1x1x2x128xi32, #tpu.memory_space<hbm>>
          %dma_start3A_158 = tpu.memref_squeeze %dma_start3A_157 : memref<1x1x2x128xi32, #tpu.memory_space<hbm>> -> memref<2x128xi32, #tpu.memory_space<hbm>>
          tpu.enqueue_dma source(%dma_start3A_158 : memref<2x128xi32, #tpu.memory_space<hbm>>) target(%arg6 : memref<2x128xi32, #tpu.memory_space<vmem>>) target_semaphore(%run_scoped3A_150 : memref<!tpu.dma_semaphore, #tpu.memory_space<semaphore_mem>>)
          %dma_wait3A_159 = arith.constant 0 : i32
          %dma_wait3A_160 = arith.constant 0 : i32
          %dma_wait3A_161 = tpu.memref_slice %arg3[%add3A, %add3A_142, %dma_wait3A_159, %dma_wait3A_160] : memref<32x81x2x128xi32, #tpu.memory_space<hbm>> -> memref<1x1x2x128xi32, #tpu.memory_space<hbm>>
          %dma_wait3A_162 = tpu.memref_squeeze %dma_wait3A_161 : memref<1x1x2x128xi32, #tpu.memory_space<hbm>> -> memref<2x128xi32, #tpu.memory_space<hbm>>
          %dma_wait3A_163 = arith.constant 0 : i32
          %dma_wait3A_164 = arith.constant 0 : i32
          %dma_wait3A_165 = tpu.memref_slice %arg3[%add3A, %add3A_142, %dma_wait3A_163, %dma_wait3A_164] : memref<32x81x2x128xi32, #tpu.memory_space<hbm>> -> memref<1x1x2x128xi32, #tpu.memory_space<hbm>>
          %dma_wait3A_166 = tpu.memref_squeeze %dma_wait3A_165 : memref<1x1x2x128xi32, #tpu.memory_space<hbm>> -> memref<2x128xi32, #tpu.memory_space<hbm>>
          tpu.wait_dma2 semaphore(%run_scoped3A_150 : memref<!tpu.dma_semaphore, #tpu.memory_space<semaphore_mem>>) src(%dma_wait3A_166 : memref<2x128xi32, #tpu.memory_space<hbm>>) dst(%arg6 : memref<2x128xi32, #tpu.memory_space<vmem>>)
          tpu.yield
        }) : () -> ()
        %dma_start3A_143 = arith.constant 0 : i32
        %dma_start3A_144 = arith.constant 0 : i32
        %dma_start3A_145 = tpu.memref_slice %arg6[%dma_start3A_143, %dma_start3A_144] : memref<2x128xi32, #tpu.memory_space<vmem>> -> memref<1x128xi32, #tpu.memory_space<vmem>>
        %dma_start3A_146 = tpu.memref_squeeze %dma_start3A_145 : memref<1x128xi32, #tpu.memory_space<vmem>> -> memref<128xi32, #tpu.memory_space<vmem>>
        %dma_start3A_147 = arith.constant 0 : i32
        %dma_start3A_148 = arith.constant 0 : i32
        %dma_start3A_149 = tpu.memref_slice %arg2[%dma_start3A_147, %dma_start3A_148] : memref<10000x128xf32, #tpu.memory_space<hbm>> -> memref<10000x128xf32, #tpu.memory_space<hbm>>
        tpu.enqueue_indirect_dma source(%dma_start3A_149 : memref<10000x128xf32, #tpu.memory_space<hbm>>) target(%arg9 : memref<128x128xf32, #tpu.memory_space<vmem>>) offsets(%dma_start3A_146 : memref<128xi32, #tpu.memory_space<vmem>>) semaphore(%arg13 : memref<!tpu.dma_semaphore, #tpu.memory_space<semaphore_mem>>)
      } else {
      }
      %mul3A_111 = arith.constant 3 : i32
      %mul3A_112 = arith.muli %mul3A_111, %scan3A_50 : i32
      %add3A_113 = arith.constant 2 : i32
      %add3A_114 = arith.addi %mul3A_112, %add3A_113 : i32
      %dma_wait3A_115 = arith.constant 0 : i32
      %dma_wait3A_116 = arith.constant 0 : i32
      %dma_wait3A_117 = tpu.memref_slice %arg8[%dma_wait3A_115, %dma_wait3A_116] : memref<2x128xi32, #tpu.memory_space<vmem>> -> memref<1x128xi32, #tpu.memory_space<vmem>>
      %dma_wait3A_118 = tpu.memref_squeeze %dma_wait3A_117 : memref<1x128xi32, #tpu.memory_space<vmem>> -> memref<128xi32, #tpu.memory_space<vmem>>
      %dma_wait3A_119 = arith.constant 0 : i32
      %dma_wait3A_120 = arith.constant 0 : i32
      %dma_wait3A_121 = tpu.memref_slice %arg2[%dma_wait3A_119, %dma_wait3A_120] : memref<10000x128xf32, #tpu.memory_space<hbm>> -> memref<10000x128xf32, #tpu.memory_space<hbm>>
      tpu.wait_indirect_dma semaphore(%arg13 : memref<!tpu.dma_semaphore, #tpu.memory_space<semaphore_mem>>) src(%dma_wait3A_121 : memref<10000x128xf32, #tpu.memory_space<hbm>>) dst(%arg11 : memref<128x128xf32, #tpu.memory_space<vmem>>)
      %dma_start3A_122 = arith.constant 1 : i32
      %dma_start3A_123 = arith.constant 0 : i32
      %dma_start3A_124 = tpu.memref_slice %arg8[%dma_start3A_122, %dma_start3A_123] : memref<2x128xi32, #tpu.memory_space<vmem>> -> memref<1x128xi32, #tpu.memory_space<vmem>>
      %dma_start3A_125 = tpu.memref_squeeze %dma_start3A_124 : memref<1x128xi32, #tpu.memory_space<vmem>> -> memref<128xi32, #tpu.memory_space<vmem>>
      %dma_start3A_126 = arith.constant 0 : i32
      %dma_start3A_127 = arith.constant 0 : i32
      %dma_start3A_128 = tpu.memref_slice %arg12[%dma_start3A_126, %dma_start3A_127] : memref<10064x128xf32, #tpu.memory_space<vmem_shared>> -> memref<10064x128xf32, #tpu.memory_space<vmem_shared>>
      tpu.enqueue_indirect_dma source(%arg11 : memref<128x128xf32, #tpu.memory_space<vmem>>) target(%dma_start3A_128 : memref<10064x128xf32, #tpu.memory_space<vmem_shared>>) offsets(%dma_start3A_125 : memref<128xi32, #tpu.memory_space<vmem>>) semaphore(%arg14 : memref<!tpu.dma_semaphore, #tpu.memory_space<semaphore_mem>>) {add = true}
      %dma_wait3A_129 = arith.constant 1 : i32
      %dma_wait3A_130 = arith.constant 0 : i32
      %dma_wait3A_131 = tpu.memref_slice %arg7[%dma_wait3A_129, %dma_wait3A_130] : memref<2x128xi32, #tpu.memory_space<vmem>> -> memref<1x128xi32, #tpu.memory_space<vmem>>
      %dma_wait3A_132 = tpu.memref_squeeze %dma_wait3A_131 : memref<1x128xi32, #tpu.memory_space<vmem>> -> memref<128xi32, #tpu.memory_space<vmem>>
      %dma_wait3A_133 = arith.constant 0 : i32
      %dma_wait3A_134 = arith.constant 0 : i32
      %dma_wait3A_135 = tpu.memref_slice %arg12[%dma_wait3A_133, %dma_wait3A_134] : memref<10064x128xf32, #tpu.memory_space<vmem_shared>> -> memref<10064x128xf32, #tpu.memory_space<vmem_shared>>
      tpu.wait_indirect_dma semaphore(%arg14 : memref<!tpu.dma_semaphore, #tpu.memory_space<semaphore_mem>>) src(%arg10 : memref<128x128xf32, #tpu.memory_space<vmem>>) dst(%dma_wait3A_135 : memref<10064x128xf32, #tpu.memory_space<vmem_shared>>)
      %lt3A_136 = arith.constant 26 : i32
      %lt3A_137 = arith.cmpi slt, %scan3A_50, %lt3A_136 : i32
      %convert_element_type3A_138 = arith.extui %lt3A_137 : i1 to i32
      %cond3A_139 = arith.constant 0 : i32
      %cond3A_140 = arith.cmpi ne, %convert_element_type3A_138, %cond3A_139 : i32
      scf.if %cond3A_140 {
        %add3A_141 = arith.constant 2 : i32
        %add3A_142 = arith.addi %add3A_114, %add3A_141 : i32
        "tpu.region"() ({
          %run_scoped3A_150 = tpu.sem_alloc : memref<!tpu.dma_semaphore, #tpu.memory_space<semaphore_mem>>
          %dma_start3A_151 = arith.constant 0 : i32
          %dma_start3A_152 = arith.constant 0 : i32
          %dma_start3A_153 = tpu.memref_slice %arg3[%add3A, %add3A_142, %dma_start3A_151, %dma_start3A_152] : memref<32x81x2x128xi32, #tpu.memory_space<hbm>> -> memref<1x1x2x128xi32, #tpu.memory_space<hbm>>
          %dma_start3A_154 = tpu.memref_squeeze %dma_start3A_153 : memref<1x1x2x128xi32, #tpu.memory_space<hbm>> -> memref<2x128xi32, #tpu.memory_space<hbm>>
          %dma_start3A_155 = arith.constant 0 : i32
          %dma_start3A_156 = arith.constant 0 : i32
          %dma_start3A_157 = tpu.memref_slice %arg3[%add3A, %add3A_142, %dma_start3A_155, %dma_start3A_156] : memref<32x81x2x128xi32, #tpu.memory_space<hbm>> -> memref<1x1x2x128xi32, #tpu.memory_space<hbm>>
          %dma_start3A_158 = tpu.memref_squeeze %dma_start3A_157 : memref<1x1x2x128xi32, #tpu.memory_space<hbm>> -> memref<2x128xi32, #tpu.memory_space<hbm>>
          tpu.enqueue_dma source(%dma_start3A_158 : memref<2x128xi32, #tpu.memory_space<hbm>>) target(%arg7 : memref<2x128xi32, #tpu.memory_space<vmem>>) target_semaphore(%run_scoped3A_150 : memref<!tpu.dma_semaphore, #tpu.memory_space<semaphore_mem>>)
          %dma_wait3A_159 = arith.constant 0 : i32
          %dma_wait3A_160 = arith.constant 0 : i32
          %dma_wait3A_161 = tpu.memref_slice %arg3[%add3A, %add3A_142, %dma_wait3A_159, %dma_wait3A_160] : memref<32x81x2x128xi32, #tpu.memory_space<hbm>> -> memref<1x1x2x128xi32, #tpu.memory_space<hbm>>
          %dma_wait3A_162 = tpu.memref_squeeze %dma_wait3A_161 : memref<1x1x2x128xi32, #tpu.memory_space<hbm>> -> memref<2x128xi32, #tpu.memory_space<hbm>>
          %dma_wait3A_163 = arith.constant 0 : i32
          %dma_wait3A_164 = arith.constant 0 : i32
          %dma_wait3A_165 = tpu.memref_slice %arg3[%add3A, %add3A_142, %dma_wait3A_163, %dma_wait3A_164] : memref<32x81x2x128xi32, #tpu.memory_space<hbm>> -> memref<1x1x2x128xi32, #tpu.memory_space<hbm>>
          %dma_wait3A_166 = tpu.memref_squeeze %dma_wait3A_165 : memref<1x1x2x128xi32, #tpu.memory_space<hbm>> -> memref<2x128xi32, #tpu.memory_space<hbm>>
          tpu.wait_dma2 semaphore(%run_scoped3A_150 : memref<!tpu.dma_semaphore, #tpu.memory_space<semaphore_mem>>) src(%dma_wait3A_166 : memref<2x128xi32, #tpu.memory_space<hbm>>) dst(%arg7 : memref<2x128xi32, #tpu.memory_space<vmem>>)
          tpu.yield
        }) : () -> ()
        %dma_start3A_143 = arith.constant 0 : i32
        %dma_start3A_144 = arith.constant 0 : i32
        %dma_start3A_145 = tpu.memref_slice %arg7[%dma_start3A_143, %dma_start3A_144] : memref<2x128xi32, #tpu.memory_space<vmem>> -> memref<1x128xi32, #tpu.memory_space<vmem>>
        %dma_start3A_146 = tpu.memref_squeeze %dma_start3A_145 : memref<1x128xi32, #tpu.memory_space<vmem>> -> memref<128xi32, #tpu.memory_space<vmem>>
        %dma_start3A_147 = arith.constant 0 : i32
        %dma_start3A_148 = arith.constant 0 : i32
        %dma_start3A_149 = tpu.memref_slice %arg2[%dma_start3A_147, %dma_start3A_148] : memref<10000x128xf32, #tpu.memory_space<hbm>> -> memref<10000x128xf32, #tpu.memory_space<hbm>>
        tpu.enqueue_indirect_dma source(%dma_start3A_149 : memref<10000x128xf32, #tpu.memory_space<hbm>>) target(%arg10 : memref<128x128xf32, #tpu.memory_space<vmem>>) offsets(%dma_start3A_146 : memref<128xi32, #tpu.memory_space<vmem>>) semaphore(%arg13 : memref<!tpu.dma_semaphore, #tpu.memory_space<semaphore_mem>>)
      } else {
      }
    }
    %scan3A_33 = arith.constant 27 : i32
    %dma_wait3A = arith.constant 1 : i32
    %dma_wait3A_34 = arith.constant 0 : i32
    %dma_wait3A_35 = tpu.memref_slice %arg8[%dma_wait3A, %dma_wait3A_34] : memref<2x128xi32, #tpu.memory_space<vmem>> -> memref<1x128xi32, #tpu.memory_space<vmem>>
    %dma_wait3A_36 = tpu.memref_squeeze %dma_wait3A_35 : memref<1x128xi32, #tpu.memory_space<vmem>> -> memref<128xi32, #tpu.memory_space<vmem>>
    %dma_wait3A_37 = arith.constant 0 : i32
    %dma_wait3A_38 = arith.constant 0 : i32
    %dma_wait3A_39 = tpu.memref_slice %arg12[%dma_wait3A_37, %dma_wait3A_38] : memref<10064x128xf32, #tpu.memory_space<vmem_shared>> -> memref<10064x128xf32, #tpu.memory_space<vmem_shared>>
    tpu.wait_indirect_dma semaphore(%arg14 : memref<!tpu.dma_semaphore, #tpu.memory_space<semaphore_mem>>) src(%arg11 : memref<128x128xf32, #tpu.memory_space<vmem>>) dst(%dma_wait3A_39 : memref<10064x128xf32, #tpu.memory_space<vmem_shared>>)
    %barrier3A_40 = arith.constant 0 : index
    tpu.barrier barrier_id(%barrier3A_40)
    %mul3A_41 = arith.constant 624 : i32
    %mul3A_42 = arith.muli %arg1, %mul3A_41 : i32
    %mul3A_43 = arith.constant 624 : i32
    %mul3A_44 = arith.muli %arg1, %mul3A_43 : i32
    "tpu.region"() ({
      %run_scoped3A_50 = tpu.sem_alloc : memref<!tpu.dma_semaphore, #tpu.memory_space<semaphore_mem>>
      %dma_start3A_51 = arith.constant 0 : i32
      %dma_start3A_52 = tpu.memref_slice %arg5[%arg0, %mul3A_44, %dma_start3A_51] : memref<2x10000x128xf32, #tpu.memory_space<hbm>> -> memref<1x624x128xf32, #tpu.memory_space<hbm>>
      %dma_start3A_53 = tpu.memref_squeeze %dma_start3A_52 : memref<1x624x128xf32, #tpu.memory_space<hbm>> -> memref<624x128xf32, #tpu.memory_space<hbm>>
      %dma_start3A_54 = arith.constant 0 : i32
      %dma_start3A_55 = tpu.memref_slice %arg12[%mul3A_42, %dma_start3A_54] : memref<10064x128xf32, #tpu.memory_space<vmem_shared>> -> memref<624x128xf32, #tpu.memory_space<vmem_shared>>
      tpu.enqueue_dma source(%dma_start3A_55 : memref<624x128xf32, #tpu.memory_space<vmem_shared>>) target(%dma_start3A_53 : memref<624x128xf32, #tpu.memory_space<hbm>>) target_semaphore(%run_scoped3A_50 : memref<!tpu.dma_semaphore, #tpu.memory_space<semaphore_mem>>)
      %dma_wait3A_56 = arith.constant 0 : i32
      %dma_wait3A_57 = tpu.memref_slice %arg5[%arg0, %mul3A_44, %dma_wait3A_56] : memref<2x10000x128xf32, #tpu.memory_space<hbm>> -> memref<1x624x128xf32, #tpu.memory_space<hbm>>
      %dma_wait3A_58 = tpu.memref_squeeze %dma_wait3A_57 : memref<1x624x128xf32, #tpu.memory_space<hbm>> -> memref<624x128xf32, #tpu.memory_space<hbm>>
      %dma_wait3A_59 = arith.constant 0 : i32
      %dma_wait3A_60 = tpu.memref_slice %arg12[%mul3A_42, %dma_wait3A_59] : memref<10064x128xf32, #tpu.memory_space<vmem_shared>> -> memref<624x128xf32, #tpu.memory_space<vmem_shared>>
      tpu.wait_dma2 semaphore(%run_scoped3A_50 : memref<!tpu.dma_semaphore, #tpu.memory_space<semaphore_mem>>) src(%dma_wait3A_60 : memref<624x128xf32, #tpu.memory_space<vmem_shared>>) dst(%dma_wait3A_58 : memref<624x128xf32, #tpu.memory_space<hbm>>)
      tpu.yield
    }) : () -> ()
    %eq3A_45 = arith.constant 0 : i32
    %eq3A_46 = arith.cmpi eq, %arg1, %eq3A_45 : i32
    %convert_element_type3A_47 = arith.extui %eq3A_46 : i1 to i32
    %cond3A_48 = arith.constant 0 : i32
    %cond3A_49 = arith.cmpi ne, %convert_element_type3A_47, %cond3A_48 : i32
    scf.if %cond3A_49 {
      "tpu.region"() ({
        %run_scoped3A_50 = tpu.sem_alloc : memref<!tpu.dma_semaphore, #tpu.memory_space<semaphore_mem>>
        %dma_start3A_51 = arith.constant 9984 : i32
        %dma_start3A_52 = arith.constant 0 : i32
        %dma_start3A_53 = tpu.memref_slice %arg5[%arg0, %dma_start3A_51, %dma_start3A_52] : memref<2x10000x128xf32, #tpu.memory_space<hbm>> -> memref<1x16x128xf32, #tpu.memory_space<hbm>>
        %dma_start3A_54 = tpu.memref_squeeze %dma_start3A_53 : memref<1x16x128xf32, #tpu.memory_space<hbm>> -> memref<16x128xf32, #tpu.memory_space<hbm>>
        %dma_start3A_55 = arith.constant 9984 : i32
        %dma_start3A_56 = arith.constant 0 : i32
        %dma_start3A_57 = tpu.memref_slice %arg12[%dma_start3A_55, %dma_start3A_56] : memref<10064x128xf32, #tpu.memory_space<vmem_shared>> -> memref<16x128xf32, #tpu.memory_space<vmem_shared>>
        tpu.enqueue_dma source(%dma_start3A_57 : memref<16x128xf32, #tpu.memory_space<vmem_shared>>) target(%dma_start3A_54 : memref<16x128xf32, #tpu.memory_space<hbm>>) target_semaphore(%run_scoped3A_50 : memref<!tpu.dma_semaphore, #tpu.memory_space<semaphore_mem>>)
        %dma_wait3A_58 = arith.constant 9984 : i32
        %dma_wait3A_59 = arith.constant 0 : i32
        %dma_wait3A_60 = tpu.memref_slice %arg5[%arg0, %dma_wait3A_58, %dma_wait3A_59] : memref<2x10000x128xf32, #tpu.memory_space<hbm>> -> memref<1x16x128xf32, #tpu.memory_space<hbm>>
        %dma_wait3A_61 = tpu.memref_squeeze %dma_wait3A_60 : memref<1x16x128xf32, #tpu.memory_space<hbm>> -> memref<16x128xf32, #tpu.memory_space<hbm>>
        %dma_wait3A_62 = arith.constant 9984 : i32
        %dma_wait3A_63 = arith.constant 0 : i32
        %dma_wait3A_64 = tpu.memref_slice %arg12[%dma_wait3A_62, %dma_wait3A_63] : memref<10064x128xf32, #tpu.memory_space<vmem_shared>> -> memref<16x128xf32, #tpu.memory_space<vmem_shared>>
        tpu.wait_dma2 semaphore(%run_scoped3A_50 : memref<!tpu.dma_semaphore, #tpu.memory_space<semaphore_mem>>) src(%dma_wait3A_64 : memref<16x128xf32, #tpu.memory_space<vmem_shared>>) dst(%dma_wait3A_61 : memref<16x128xf32, #tpu.memory_space<hbm>>)
        tpu.yield
      }) : () -> ()
    } else {
    }
    return
  }
}

#map = affine_map<(d0, d1) -> (0, 0)>
#map1 = affine_map<(d0, d1) -> (0, 0, 0, 0)>
#map2 = affine_map<(d0, d1) -> (0, 0, 0)>
module attributes {stable_mosaic.version = 14 : i64} {
  func.func @sc_edge_agg(%arg0: i32, %arg1: i32, %arg2: memref<10000x128xf32, #tpu.memory_space<hbm>>, %arg3: memref<32x81x2x128xi32, #tpu.memory_space<hbm>>, %arg4: memref<208x128xf32, #tpu.memory_space<hbm>>, %arg5: memref<2x10000x128xf32, #tpu.memory_space<hbm>>, %arg6: memref<2x128xi32, #tpu.memory_space<vmem>>, %arg7: memref<2x128xi32, #tpu.memory_space<vmem>>, %arg8: memref<2x128xi32, #tpu.memory_space<vmem>>, %arg9: memref<128x128xf32, #tpu.memory_space<vmem>>, %arg10: memref<128x128xf32, #tpu.memory_space<vmem>>, %arg11: memref<128x128xf32, #tpu.memory_space<vmem>>, %arg12: memref<10064x128xf32, #tpu.memory_space<vmem_shared>>, %arg13: memref<!tpu.dma_semaphore, #tpu.memory_space<semaphore_mem>>, %arg14: memref<!tpu.dma_semaphore, #tpu.memory_space<semaphore_mem>>) attributes {dimension_semantics = [#tpu.dimension_semantics<core_parallel>, #tpu.dimension_semantics<subcore_parallel>], iteration_bounds = array<i64: 2, 16>, scalar_prefetch = 0 : i64, scratch_operands = 9 : i64, tpu.core_type = #tpu.core_type<sc_vector_subcore>, window_params = [{transform_indices = #map}, {transform_indices = #map1}, {transform_indices = #map}, {transform_indices = #map2}]} {
    %mul3A = arith.constant 16 : i32
    %mul3A_0 = arith.muli %arg0, %mul3A : i32
    %add3A = arith.addi %mul3A_0, %arg1 : i32
    %mul3A_1 = arith.constant 624 : i32
    %mul3A_2 = arith.muli %arg1, %mul3A_1 : i32
    %add3A_3 = arith.constant 0 : i32
    %add3A_4 = arith.addi %mul3A_2, %add3A_3 : i32
    "tpu.region"() ({
      %run_scoped3A_50 = tpu.sem_alloc : memref<!tpu.dma_semaphore, #tpu.memory_space<semaphore_mem>>
      %dma_start3A_51 = arith.constant 0 : i32
      %dma_start3A_52 = tpu.memref_slice %arg12[%add3A_4, %dma_start3A_51] : memref<10064x128xf32, #tpu.memory_space<vmem_shared>> -> memref<208x128xf32, #tpu.memory_space<vmem_shared>>
      tpu.enqueue_dma source(%arg4 : memref<208x128xf32, #tpu.memory_space<hbm>>) target(%dma_start3A_52 : memref<208x128xf32, #tpu.memory_space<vmem_shared>>) target_semaphore(%run_scoped3A_50 : memref<!tpu.dma_semaphore, #tpu.memory_space<semaphore_mem>>)
      %dma_wait3A_53 = arith.constant 0 : i32
      %dma_wait3A_54 = tpu.memref_slice %arg12[%add3A_4, %dma_wait3A_53] : memref<10064x128xf32, #tpu.memory_space<vmem_shared>> -> memref<208x128xf32, #tpu.memory_space<vmem_shared>>
      tpu.wait_dma2 semaphore(%run_scoped3A_50 : memref<!tpu.dma_semaphore, #tpu.memory_space<semaphore_mem>>) src(%arg4 : memref<208x128xf32, #tpu.memory_space<hbm>>) dst(%dma_wait3A_54 : memref<208x128xf32, #tpu.memory_space<vmem_shared>>)
      tpu.yield
    }) : () -> ()
    %mul3A_5 = arith.constant 624 : i32
    %mul3A_6 = arith.muli %arg1, %mul3A_5 : i32
    %add3A_7 = arith.constant 208 : i32
    %add3A_8 = arith.addi %mul3A_6, %add3A_7 : i32
    "tpu.region"() ({
      %run_scoped3A_50 = tpu.sem_alloc : memref<!tpu.dma_semaphore, #tpu.memory_space<semaphore_mem>>
      %dma_start3A_51 = arith.constant 0 : i32
      %dma_start3A_52 = tpu.memref_slice %arg12[%add3A_8, %dma_start3A_51] : memref<10064x128xf32, #tpu.memory_space<vmem_shared>> -> memref<208x128xf32, #tpu.memory_space<vmem_shared>>
      tpu.enqueue_dma source(%arg4 : memref<208x128xf32, #tpu.memory_space<hbm>>) target(%dma_start3A_52 : memref<208x128xf32, #tpu.memory_space<vmem_shared>>) target_semaphore(%run_scoped3A_50 : memref<!tpu.dma_semaphore, #tpu.memory_space<semaphore_mem>>)
      %dma_wait3A_53 = arith.constant 0 : i32
      %dma_wait3A_54 = tpu.memref_slice %arg12[%add3A_8, %dma_wait3A_53] : memref<10064x128xf32, #tpu.memory_space<vmem_shared>> -> memref<208x128xf32, #tpu.memory_space<vmem_shared>>
      tpu.wait_dma2 semaphore(%run_scoped3A_50 : memref<!tpu.dma_semaphore, #tpu.memory_space<semaphore_mem>>) src(%arg4 : memref<208x128xf32, #tpu.memory_space<hbm>>) dst(%dma_wait3A_54 : memref<208x128xf32, #tpu.memory_space<vmem_shared>>)
      tpu.yield
    }) : () -> ()
    %mul3A_9 = arith.constant 624 : i32
    %mul3A_10 = arith.muli %arg1, %mul3A_9 : i32
    %add3A_11 = arith.constant 416 : i32
    %add3A_12 = arith.addi %mul3A_10, %add3A_11 : i32
    "tpu.region"() ({
      %run_scoped3A_50 = tpu.sem_alloc : memref<!tpu.dma_semaphore, #tpu.memory_space<semaphore_mem>>
      %dma_start3A_51 = arith.constant 0 : i32
      %dma_start3A_52 = tpu.memref_slice %arg12[%add3A_12, %dma_start3A_51] : memref<10064x128xf32, #tpu.memory_space<vmem_shared>> -> memref<208x128xf32, #tpu.memory_space<vmem_shared>>
      tpu.enqueue_dma source(%arg4 : memref<208x128xf32, #tpu.memory_space<hbm>>) target(%dma_start3A_52 : memref<208x128xf32, #tpu.memory_space<vmem_shared>>) target_semaphore(%run_scoped3A_50 : memref<!tpu.dma_semaphore, #tpu.memory_space<semaphore_mem>>)
      %dma_wait3A_53 = arith.constant 0 : i32
      %dma_wait3A_54 = tpu.memref_slice %arg12[%add3A_12, %dma_wait3A_53] : memref<10064x128xf32, #tpu.memory_space<vmem_shared>> -> memref<208x128xf32, #tpu.memory_space<vmem_shared>>
      tpu.wait_dma2 semaphore(%run_scoped3A_50 : memref<!tpu.dma_semaphore, #tpu.memory_space<semaphore_mem>>) src(%arg4 : memref<208x128xf32, #tpu.memory_space<hbm>>) dst(%dma_wait3A_54 : memref<208x128xf32, #tpu.memory_space<vmem_shared>>)
      tpu.yield
    }) : () -> ()
    %eq3A = arith.constant 0 : i32
    %eq3A_13 = arith.cmpi eq, %arg1, %eq3A : i32
    %convert_element_type3A = arith.extui %eq3A_13 : i1 to i32
    %cond3A = arith.constant 0 : i32
    %cond3A_14 = arith.cmpi ne, %convert_element_type3A, %cond3A : i32
    scf.if %cond3A_14 {
      "tpu.region"() ({
        %run_scoped3A_50 = tpu.sem_alloc : memref<!tpu.dma_semaphore, #tpu.memory_space<semaphore_mem>>
        %dma_start3A_51 = arith.constant 9984 : i32
        %dma_start3A_52 = arith.constant 0 : i32
        %dma_start3A_53 = tpu.memref_slice %arg12[%dma_start3A_51, %dma_start3A_52] : memref<10064x128xf32, #tpu.memory_space<vmem_shared>> -> memref<16x128xf32, #tpu.memory_space<vmem_shared>>
        %dma_start3A_54 = arith.constant 0 : i32
        %dma_start3A_55 = arith.constant 0 : i32
        %dma_start3A_56 = tpu.memref_slice %arg4[%dma_start3A_54, %dma_start3A_55] : memref<208x128xf32, #tpu.memory_space<hbm>> -> memref<16x128xf32, #tpu.memory_space<hbm>>
        tpu.enqueue_dma source(%dma_start3A_56 : memref<16x128xf32, #tpu.memory_space<hbm>>) target(%dma_start3A_53 : memref<16x128xf32, #tpu.memory_space<vmem_shared>>) target_semaphore(%run_scoped3A_50 : memref<!tpu.dma_semaphore, #tpu.memory_space<semaphore_mem>>)
        %dma_wait3A_57 = arith.constant 9984 : i32
        %dma_wait3A_58 = arith.constant 0 : i32
        %dma_wait3A_59 = tpu.memref_slice %arg12[%dma_wait3A_57, %dma_wait3A_58] : memref<10064x128xf32, #tpu.memory_space<vmem_shared>> -> memref<16x128xf32, #tpu.memory_space<vmem_shared>>
        %dma_wait3A_60 = arith.constant 0 : i32
        %dma_wait3A_61 = arith.constant 0 : i32
        %dma_wait3A_62 = tpu.memref_slice %arg4[%dma_wait3A_60, %dma_wait3A_61] : memref<208x128xf32, #tpu.memory_space<hbm>> -> memref<16x128xf32, #tpu.memory_space<hbm>>
        tpu.wait_dma2 semaphore(%run_scoped3A_50 : memref<!tpu.dma_semaphore, #tpu.memory_space<semaphore_mem>>) src(%dma_wait3A_62 : memref<16x128xf32, #tpu.memory_space<hbm>>) dst(%dma_wait3A_59 : memref<16x128xf32, #tpu.memory_space<vmem_shared>>)
        tpu.yield
      }) : () -> ()
    } else {
    }
    %barrier3A = arith.constant 0 : index
    tpu.barrier barrier_id(%barrier3A)
    %run_scoped3A = arith.constant 0 : i32
    "tpu.region"() ({
      %run_scoped3A_50 = tpu.sem_alloc : memref<!tpu.dma_semaphore, #tpu.memory_space<semaphore_mem>>
      %dma_start3A_51 = arith.constant 0 : i32
      %dma_start3A_52 = arith.constant 0 : i32
      %dma_start3A_53 = tpu.memref_slice %arg3[%add3A, %run_scoped3A, %dma_start3A_51, %dma_start3A_52] : memref<32x81x2x128xi32, #tpu.memory_space<hbm>> -> memref<1x1x2x128xi32, #tpu.memory_space<hbm>>
      %dma_start3A_54 = tpu.memref_squeeze %dma_start3A_53 : memref<1x1x2x128xi32, #tpu.memory_space<hbm>> -> memref<2x128xi32, #tpu.memory_space<hbm>>
      %dma_start3A_55 = arith.constant 0 : i32
      %dma_start3A_56 = arith.constant 0 : i32
      %dma_start3A_57 = tpu.memref_slice %arg3[%add3A, %run_scoped3A, %dma_start3A_55, %dma_start3A_56] : memref<32x81x2x128xi32, #tpu.memory_space<hbm>> -> memref<1x1x2x128xi32, #tpu.memory_space<hbm>>
      %dma_start3A_58 = tpu.memref_squeeze %dma_start3A_57 : memref<1x1x2x128xi32, #tpu.memory_space<hbm>> -> memref<2x128xi32, #tpu.memory_space<hbm>>
      tpu.enqueue_dma source(%dma_start3A_58 : memref<2x128xi32, #tpu.memory_space<hbm>>) target(%arg6 : memref<2x128xi32, #tpu.memory_space<vmem>>) target_semaphore(%run_scoped3A_50 : memref<!tpu.dma_semaphore, #tpu.memory_space<semaphore_mem>>)
      %dma_wait3A_59 = arith.constant 0 : i32
      %dma_wait3A_60 = arith.constant 0 : i32
      %dma_wait3A_61 = tpu.memref_slice %arg3[%add3A, %run_scoped3A, %dma_wait3A_59, %dma_wait3A_60] : memref<32x81x2x128xi32, #tpu.memory_space<hbm>> -> memref<1x1x2x128xi32, #tpu.memory_space<hbm>>
      %dma_wait3A_62 = tpu.memref_squeeze %dma_wait3A_61 : memref<1x1x2x128xi32, #tpu.memory_space<hbm>> -> memref<2x128xi32, #tpu.memory_space<hbm>>
      %dma_wait3A_63 = arith.constant 0 : i32
      %dma_wait3A_64 = arith.constant 0 : i32
      %dma_wait3A_65 = tpu.memref_slice %arg3[%add3A, %run_scoped3A, %dma_wait3A_63, %dma_wait3A_64] : memref<32x81x2x128xi32, #tpu.memory_space<hbm>> -> memref<1x1x2x128xi32, #tpu.memory_space<hbm>>
      %dma_wait3A_66 = tpu.memref_squeeze %dma_wait3A_65 : memref<1x1x2x128xi32, #tpu.memory_space<hbm>> -> memref<2x128xi32, #tpu.memory_space<hbm>>
      tpu.wait_dma2 semaphore(%run_scoped3A_50 : memref<!tpu.dma_semaphore, #tpu.memory_space<semaphore_mem>>) src(%dma_wait3A_66 : memref<2x128xi32, #tpu.memory_space<hbm>>) dst(%arg6 : memref<2x128xi32, #tpu.memory_space<vmem>>)
      tpu.yield
    }) : () -> ()
    %dma_start3A = arith.constant 0 : i32
    %dma_start3A_15 = arith.constant 0 : i32
    %dma_start3A_16 = tpu.memref_slice %arg6[%dma_start3A, %dma_start3A_15] : memref<2x128xi32, #tpu.memory_space<vmem>> -> memref<1x128xi32, #tpu.memory_space<vmem>>
    %dma_start3A_17 = tpu.memref_squeeze %dma_start3A_16 : memref<1x128xi32, #tpu.memory_space<vmem>> -> memref<128xi32, #tpu.memory_space<vmem>>
    %dma_start3A_18 = arith.constant 0 : i32
    %dma_start3A_19 = arith.constant 0 : i32
    %dma_start3A_20 = tpu.memref_slice %arg2[%dma_start3A_18, %dma_start3A_19] : memref<10000x128xf32, #tpu.memory_space<hbm>> -> memref<10000x128xf32, #tpu.memory_space<hbm>>
    tpu.enqueue_indirect_dma source(%dma_start3A_20 : memref<10000x128xf32, #tpu.memory_space<hbm>>) target(%arg9 : memref<128x128xf32, #tpu.memory_space<vmem>>) offsets(%dma_start3A_17 : memref<128xi32, #tpu.memory_space<vmem>>) semaphore(%arg13 : memref<!tpu.dma_semaphore, #tpu.memory_space<semaphore_mem>>)
    %run_scoped3A_21 = arith.constant 1 : i32
    "tpu.region"() ({
      %run_scoped3A_50 = tpu.sem_alloc : memref<!tpu.dma_semaphore, #tpu.memory_space<semaphore_mem>>
      %dma_start3A_51 = arith.constant 0 : i32
      %dma_start3A_52 = arith.constant 0 : i32
      %dma_start3A_53 = tpu.memref_slice %arg3[%add3A, %run_scoped3A_21, %dma_start3A_51, %dma_start3A_52] : memref<32x81x2x128xi32, #tpu.memory_space<hbm>> -> memref<1x1x2x128xi32, #tpu.memory_space<hbm>>
      %dma_start3A_54 = tpu.memref_squeeze %dma_start3A_53 : memref<1x1x2x128xi32, #tpu.memory_space<hbm>> -> memref<2x128xi32, #tpu.memory_space<hbm>>
      %dma_start3A_55 = arith.constant 0 : i32
      %dma_start3A_56 = arith.constant 0 : i32
      %dma_start3A_57 = tpu.memref_slice %arg3[%add3A, %run_scoped3A_21, %dma_start3A_55, %dma_start3A_56] : memref<32x81x2x128xi32, #tpu.memory_space<hbm>> -> memref<1x1x2x128xi32, #tpu.memory_space<hbm>>
      %dma_start3A_58 = tpu.memref_squeeze %dma_start3A_57 : memref<1x1x2x128xi32, #tpu.memory_space<hbm>> -> memref<2x128xi32, #tpu.memory_space<hbm>>
      tpu.enqueue_dma source(%dma_start3A_58 : memref<2x128xi32, #tpu.memory_space<hbm>>) target(%arg7 : memref<2x128xi32, #tpu.memory_space<vmem>>) target_semaphore(%run_scoped3A_50 : memref<!tpu.dma_semaphore, #tpu.memory_space<semaphore_mem>>)
      %dma_wait3A_59 = arith.constant 0 : i32
      %dma_wait3A_60 = arith.constant 0 : i32
      %dma_wait3A_61 = tpu.memref_slice %arg3[%add3A, %run_scoped3A_21, %dma_wait3A_59, %dma_wait3A_60] : memref<32x81x2x128xi32, #tpu.memory_space<hbm>> -> memref<1x1x2x128xi32, #tpu.memory_space<hbm>>
      %dma_wait3A_62 = tpu.memref_squeeze %dma_wait3A_61 : memref<1x1x2x128xi32, #tpu.memory_space<hbm>> -> memref<2x128xi32, #tpu.memory_space<hbm>>
      %dma_wait3A_63 = arith.constant 0 : i32
      %dma_wait3A_64 = arith.constant 0 : i32
      %dma_wait3A_65 = tpu.memref_slice %arg3[%add3A, %run_scoped3A_21, %dma_wait3A_63, %dma_wait3A_64] : memref<32x81x2x128xi32, #tpu.memory_space<hbm>> -> memref<1x1x2x128xi32, #tpu.memory_space<hbm>>
      %dma_wait3A_66 = tpu.memref_squeeze %dma_wait3A_65 : memref<1x1x2x128xi32, #tpu.memory_space<hbm>> -> memref<2x128xi32, #tpu.memory_space<hbm>>
      tpu.wait_dma2 semaphore(%run_scoped3A_50 : memref<!tpu.dma_semaphore, #tpu.memory_space<semaphore_mem>>) src(%dma_wait3A_66 : memref<2x128xi32, #tpu.memory_space<hbm>>) dst(%arg7 : memref<2x128xi32, #tpu.memory_space<vmem>>)
      tpu.yield
    }) : () -> ()
    %dma_start3A_22 = arith.constant 0 : i32
    %dma_start3A_23 = arith.constant 0 : i32
    %dma_start3A_24 = tpu.memref_slice %arg7[%dma_start3A_22, %dma_start3A_23] : memref<2x128xi32, #tpu.memory_space<vmem>> -> memref<1x128xi32, #tpu.memory_space<vmem>>
    %dma_start3A_25 = tpu.memref_squeeze %dma_start3A_24 : memref<1x128xi32, #tpu.memory_space<vmem>> -> memref<128xi32, #tpu.memory_space<vmem>>
    %dma_start3A_26 = arith.constant 0 : i32
    %dma_start3A_27 = arith.constant 0 : i32
    %dma_start3A_28 = tpu.memref_slice %arg2[%dma_start3A_26, %dma_start3A_27] : memref<10000x128xf32, #tpu.memory_space<hbm>> -> memref<10000x128xf32, #tpu.memory_space<hbm>>
    tpu.enqueue_indirect_dma source(%dma_start3A_28 : memref<10000x128xf32, #tpu.memory_space<hbm>>) target(%arg10 : memref<128x128xf32, #tpu.memory_space<vmem>>) offsets(%dma_start3A_25 : memref<128xi32, #tpu.memory_space<vmem>>) semaphore(%arg13 : memref<!tpu.dma_semaphore, #tpu.memory_space<semaphore_mem>>)
    %scan3A = arith.constant 0 : i32
    %scan3A_29 = arith.constant 0 : i32
    %scan3A_30 = arith.constant 27 : i32
    %scan3A_31 = arith.addi %scan3A_29, %scan3A_30 : i32
    %scan3A_32 = arith.constant 1 : i32
    scf.for %scan3A_50 = %scan3A_29 to %scan3A_31 step %scan3A_32  : i32 {
      %mul3A_51 = arith.constant 3 : i32
      %mul3A_52 = arith.muli %mul3A_51, %scan3A_50 : i32
      %add3A_53 = arith.constant 0 : i32
      %add3A_54 = arith.addi %mul3A_52, %add3A_53 : i32
      %dma_wait3A_55 = arith.constant 0 : i32
      %dma_wait3A_56 = arith.constant 0 : i32
      %dma_wait3A_57 = tpu.memref_slice %arg6[%dma_wait3A_55, %dma_wait3A_56] : memref<2x128xi32, #tpu.memory_space<vmem>> -> memref<1x128xi32, #tpu.memory_space<vmem>>
      %dma_wait3A_58 = tpu.memref_squeeze %dma_wait3A_57 : memref<1x128xi32, #tpu.memory_space<vmem>> -> memref<128xi32, #tpu.memory_space<vmem>>
      %dma_wait3A_59 = arith.constant 0 : i32
      %dma_wait3A_60 = arith.constant 0 : i32
      %dma_wait3A_61 = tpu.memref_slice %arg2[%dma_wait3A_59, %dma_wait3A_60] : memref<10000x128xf32, #tpu.memory_space<hbm>> -> memref<10000x128xf32, #tpu.memory_space<hbm>>
      tpu.wait_indirect_dma semaphore(%arg13 : memref<!tpu.dma_semaphore, #tpu.memory_space<semaphore_mem>>) src(%dma_wait3A_61 : memref<10000x128xf32, #tpu.memory_space<hbm>>) dst(%arg9 : memref<128x128xf32, #tpu.memory_space<vmem>>)
      %dma_start3A_62 = arith.constant 1 : i32
      %dma_start3A_63 = arith.constant 0 : i32
      %dma_start3A_64 = tpu.memref_slice %arg6[%dma_start3A_62, %dma_start3A_63] : memref<2x128xi32, #tpu.memory_space<vmem>> -> memref<1x128xi32, #tpu.memory_space<vmem>>
      %dma_start3A_65 = tpu.memref_squeeze %dma_start3A_64 : memref<1x128xi32, #tpu.memory_space<vmem>> -> memref<128xi32, #tpu.memory_space<vmem>>
      %dma_start3A_66 = arith.constant 0 : i32
      %dma_start3A_67 = arith.constant 0 : i32
      %dma_start3A_68 = tpu.memref_slice %arg12[%dma_start3A_66, %dma_start3A_67] : memref<10064x128xf32, #tpu.memory_space<vmem_shared>> -> memref<10064x128xf32, #tpu.memory_space<vmem_shared>>
      tpu.enqueue_indirect_dma source(%arg9 : memref<128x128xf32, #tpu.memory_space<vmem>>) target(%dma_start3A_68 : memref<10064x128xf32, #tpu.memory_space<vmem_shared>>) offsets(%dma_start3A_65 : memref<128xi32, #tpu.memory_space<vmem>>) semaphore(%arg14 : memref<!tpu.dma_semaphore, #tpu.memory_space<semaphore_mem>>) {add = true}
      %gt3A = arith.constant 0 : i32
      %gt3A_69 = arith.cmpi sgt, %scan3A_50, %gt3A : i32
      %convert_element_type3A_70 = arith.extui %gt3A_69 : i1 to i32
      %cond3A_71 = arith.constant 0 : i32
      %cond3A_72 = arith.cmpi ne, %convert_element_type3A_70, %cond3A_71 : i32
      scf.if %cond3A_72 {
        %dma_wait3A_141 = arith.constant 1 : i32
        %dma_wait3A_142 = arith.constant 0 : i32
        %dma_wait3A_143 = tpu.memref_slice %arg8[%dma_wait3A_141, %dma_wait3A_142] : memref<2x128xi32, #tpu.memory_space<vmem>> -> memref<1x128xi32, #tpu.memory_space<vmem>>
        %dma_wait3A_144 = tpu.memref_squeeze %dma_wait3A_143 : memref<1x128xi32, #tpu.memory_space<vmem>> -> memref<128xi32, #tpu.memory_space<vmem>>
        %dma_wait3A_145 = arith.constant 0 : i32
        %dma_wait3A_146 = arith.constant 0 : i32
        %dma_wait3A_147 = tpu.memref_slice %arg12[%dma_wait3A_145, %dma_wait3A_146] : memref<10064x128xf32, #tpu.memory_space<vmem_shared>> -> memref<10064x128xf32, #tpu.memory_space<vmem_shared>>
        tpu.wait_indirect_dma semaphore(%arg14 : memref<!tpu.dma_semaphore, #tpu.memory_space<semaphore_mem>>) src(%arg11 : memref<128x128xf32, #tpu.memory_space<vmem>>) dst(%dma_wait3A_147 : memref<10064x128xf32, #tpu.memory_space<vmem_shared>>)
      } else {
      }
      %add3A_73 = arith.constant 2 : i32
      %add3A_74 = arith.addi %add3A_54, %add3A_73 : i32
      "tpu.region"() ({
        %run_scoped3A_141 = tpu.sem_alloc : memref<!tpu.dma_semaphore, #tpu.memory_space<semaphore_mem>>
        %dma_start3A_142 = arith.constant 0 : i32
        %dma_start3A_143 = arith.constant 0 : i32
        %dma_start3A_144 = tpu.memref_slice %arg3[%add3A, %add3A_74, %dma_start3A_142, %dma_start3A_143] : memref<32x81x2x128xi32, #tpu.memory_space<hbm>> -> memref<1x1x2x128xi32, #tpu.memory_space<hbm>>
        %dma_start3A_145 = tpu.memref_squeeze %dma_start3A_144 : memref<1x1x2x128xi32, #tpu.memory_space<hbm>> -> memref<2x128xi32, #tpu.memory_space<hbm>>
        %dma_start3A_146 = arith.constant 0 : i32
        %dma_start3A_147 = arith.constant 0 : i32
        %dma_start3A_148 = tpu.memref_slice %arg3[%add3A, %add3A_74, %dma_start3A_146, %dma_start3A_147] : memref<32x81x2x128xi32, #tpu.memory_space<hbm>> -> memref<1x1x2x128xi32, #tpu.memory_space<hbm>>
        %dma_start3A_149 = tpu.memref_squeeze %dma_start3A_148 : memref<1x1x2x128xi32, #tpu.memory_space<hbm>> -> memref<2x128xi32, #tpu.memory_space<hbm>>
        tpu.enqueue_dma source(%dma_start3A_149 : memref<2x128xi32, #tpu.memory_space<hbm>>) target(%arg8 : memref<2x128xi32, #tpu.memory_space<vmem>>) target_semaphore(%run_scoped3A_141 : memref<!tpu.dma_semaphore, #tpu.memory_space<semaphore_mem>>)
        %dma_wait3A_150 = arith.constant 0 : i32
        %dma_wait3A_151 = arith.constant 0 : i32
        %dma_wait3A_152 = tpu.memref_slice %arg3[%add3A, %add3A_74, %dma_wait3A_150, %dma_wait3A_151] : memref<32x81x2x128xi32, #tpu.memory_space<hbm>> -> memref<1x1x2x128xi32, #tpu.memory_space<hbm>>
        %dma_wait3A_153 = tpu.memref_squeeze %dma_wait3A_152 : memref<1x1x2x128xi32, #tpu.memory_space<hbm>> -> memref<2x128xi32, #tpu.memory_space<hbm>>
        %dma_wait3A_154 = arith.constant 0 : i32
        %dma_wait3A_155 = arith.constant 0 : i32
        %dma_wait3A_156 = tpu.memref_slice %arg3[%add3A, %add3A_74, %dma_wait3A_154, %dma_wait3A_155] : memref<32x81x2x128xi32, #tpu.memory_space<hbm>> -> memref<1x1x2x128xi32, #tpu.memory_space<hbm>>
        %dma_wait3A_157 = tpu.memref_squeeze %dma_wait3A_156 : memref<1x1x2x128xi32, #tpu.memory_space<hbm>> -> memref<2x128xi32, #tpu.memory_space<hbm>>
        tpu.wait_dma2 semaphore(%run_scoped3A_141 : memref<!tpu.dma_semaphore, #tpu.memory_space<semaphore_mem>>) src(%dma_wait3A_157 : memref<2x128xi32, #tpu.memory_space<hbm>>) dst(%arg8 : memref<2x128xi32, #tpu.memory_space<vmem>>)
        tpu.yield
      }) : () -> ()
      %dma_start3A_75 = arith.constant 0 : i32
      %dma_start3A_76 = arith.constant 0 : i32
      %dma_start3A_77 = tpu.memref_slice %arg8[%dma_start3A_75, %dma_start3A_76] : memref<2x128xi32, #tpu.memory_space<vmem>> -> memref<1x128xi32, #tpu.memory_space<vmem>>
      %dma_start3A_78 = tpu.memref_squeeze %dma_start3A_77 : memref<1x128xi32, #tpu.memory_space<vmem>> -> memref<128xi32, #tpu.memory_space<vmem>>
      %dma_start3A_79 = arith.constant 0 : i32
      %dma_start3A_80 = arith.constant 0 : i32
      %dma_start3A_81 = tpu.memref_slice %arg2[%dma_start3A_79, %dma_start3A_80] : memref<10000x128xf32, #tpu.memory_space<hbm>> -> memref<10000x128xf32, #tpu.memory_space<hbm>>
      tpu.enqueue_indirect_dma source(%dma_start3A_81 : memref<10000x128xf32, #tpu.memory_space<hbm>>) target(%arg11 : memref<128x128xf32, #tpu.memory_space<vmem>>) offsets(%dma_start3A_78 : memref<128xi32, #tpu.memory_space<vmem>>) semaphore(%arg13 : memref<!tpu.dma_semaphore, #tpu.memory_space<semaphore_mem>>)
      %mul3A_82 = arith.constant 3 : i32
      %mul3A_83 = arith.muli %mul3A_82, %scan3A_50 : i32
      %add3A_84 = arith.constant 1 : i32
      %add3A_85 = arith.addi %mul3A_83, %add3A_84 : i32
      %dma_wait3A_86 = arith.constant 0 : i32
      %dma_wait3A_87 = arith.constant 0 : i32
      %dma_wait3A_88 = tpu.memref_slice %arg7[%dma_wait3A_86, %dma_wait3A_87] : memref<2x128xi32, #tpu.memory_space<vmem>> -> memref<1x128xi32, #tpu.memory_space<vmem>>
      %dma_wait3A_89 = tpu.memref_squeeze %dma_wait3A_88 : memref<1x128xi32, #tpu.memory_space<vmem>> -> memref<128xi32, #tpu.memory_space<vmem>>
      %dma_wait3A_90 = arith.constant 0 : i32
      %dma_wait3A_91 = arith.constant 0 : i32
      %dma_wait3A_92 = tpu.memref_slice %arg2[%dma_wait3A_90, %dma_wait3A_91] : memref<10000x128xf32, #tpu.memory_space<hbm>> -> memref<10000x128xf32, #tpu.memory_space<hbm>>
      tpu.wait_indirect_dma semaphore(%arg13 : memref<!tpu.dma_semaphore, #tpu.memory_space<semaphore_mem>>) src(%dma_wait3A_92 : memref<10000x128xf32, #tpu.memory_space<hbm>>) dst(%arg10 : memref<128x128xf32, #tpu.memory_space<vmem>>)
      %dma_start3A_93 = arith.constant 1 : i32
      %dma_start3A_94 = arith.constant 0 : i32
      %dma_start3A_95 = tpu.memref_slice %arg7[%dma_start3A_93, %dma_start3A_94] : memref<2x128xi32, #tpu.memory_space<vmem>> -> memref<1x128xi32, #tpu.memory_space<vmem>>
      %dma_start3A_96 = tpu.memref_squeeze %dma_start3A_95 : memref<1x128xi32, #tpu.memory_space<vmem>> -> memref<128xi32, #tpu.memory_space<vmem>>
      %dma_start3A_97 = arith.constant 0 : i32
      %dma_start3A_98 = arith.constant 0 : i32
      %dma_start3A_99 = tpu.memref_slice %arg12[%dma_start3A_97, %dma_start3A_98] : memref<10064x128xf32, #tpu.memory_space<vmem_shared>> -> memref<10064x128xf32, #tpu.memory_space<vmem_shared>>
      tpu.enqueue_indirect_dma source(%arg10 : memref<128x128xf32, #tpu.memory_space<vmem>>) target(%dma_start3A_99 : memref<10064x128xf32, #tpu.memory_space<vmem_shared>>) offsets(%dma_start3A_96 : memref<128xi32, #tpu.memory_space<vmem>>) semaphore(%arg14 : memref<!tpu.dma_semaphore, #tpu.memory_space<semaphore_mem>>) {add = true}
      %dma_wait3A_100 = arith.constant 1 : i32
      %dma_wait3A_101 = arith.constant 0 : i32
      %dma_wait3A_102 = tpu.memref_slice %arg6[%dma_wait3A_100, %dma_wait3A_101] : memref<2x128xi32, #tpu.memory_space<vmem>> -> memref<1x128xi32, #tpu.memory_space<vmem>>
      %dma_wait3A_103 = tpu.memref_squeeze %dma_wait3A_102 : memref<1x128xi32, #tpu.memory_space<vmem>> -> memref<128xi32, #tpu.memory_space<vmem>>
      %dma_wait3A_104 = arith.constant 0 : i32
      %dma_wait3A_105 = arith.constant 0 : i32
      %dma_wait3A_106 = tpu.memref_slice %arg12[%dma_wait3A_104, %dma_wait3A_105] : memref<10064x128xf32, #tpu.memory_space<vmem_shared>> -> memref<10064x128xf32, #tpu.memory_space<vmem_shared>>
      tpu.wait_indirect_dma semaphore(%arg14 : memref<!tpu.dma_semaphore, #tpu.memory_space<semaphore_mem>>) src(%arg9 : memref<128x128xf32, #tpu.memory_space<vmem>>) dst(%dma_wait3A_106 : memref<10064x128xf32, #tpu.memory_space<vmem_shared>>)
      %lt3A = arith.constant 26 : i32
      %lt3A_107 = arith.cmpi slt, %scan3A_50, %lt3A : i32
      %convert_element_type3A_108 = arith.extui %lt3A_107 : i1 to i32
      %cond3A_109 = arith.constant 0 : i32
      %cond3A_110 = arith.cmpi ne, %convert_element_type3A_108, %cond3A_109 : i32
      scf.if %cond3A_110 {
        %add3A_141 = arith.constant 2 : i32
        %add3A_142 = arith.addi %add3A_85, %add3A_141 : i32
        "tpu.region"() ({
          %run_scoped3A_150 = tpu.sem_alloc : memref<!tpu.dma_semaphore, #tpu.memory_space<semaphore_mem>>
          %dma_start3A_151 = arith.constant 0 : i32
          %dma_start3A_152 = arith.constant 0 : i32
          %dma_start3A_153 = tpu.memref_slice %arg3[%add3A, %add3A_142, %dma_start3A_151, %dma_start3A_152] : memref<32x81x2x128xi32, #tpu.memory_space<hbm>> -> memref<1x1x2x128xi32, #tpu.memory_space<hbm>>
          %dma_start3A_154 = tpu.memref_squeeze %dma_start3A_153 : memref<1x1x2x128xi32, #tpu.memory_space<hbm>> -> memref<2x128xi32, #tpu.memory_space<hbm>>
          %dma_start3A_155 = arith.constant 0 : i32
          %dma_start3A_156 = arith.constant 0 : i32
          %dma_start3A_157 = tpu.memref_slice %arg3[%add3A, %add3A_142, %dma_start3A_155, %dma_start3A_156] : memref<32x81x2x128xi32, #tpu.memory_space<hbm>> -> memref<1x1x2x128xi32, #tpu.memory_space<hbm>>
          %dma_start3A_158 = tpu.memref_squeeze %dma_start3A_157 : memref<1x1x2x128xi32, #tpu.memory_space<hbm>> -> memref<2x128xi32, #tpu.memory_space<hbm>>
          tpu.enqueue_dma source(%dma_start3A_158 : memref<2x128xi32, #tpu.memory_space<hbm>>) target(%arg6 : memref<2x128xi32, #tpu.memory_space<vmem>>) target_semaphore(%run_scoped3A_150 : memref<!tpu.dma_semaphore, #tpu.memory_space<semaphore_mem>>)
          %dma_wait3A_159 = arith.constant 0 : i32
          %dma_wait3A_160 = arith.constant 0 : i32
          %dma_wait3A_161 = tpu.memref_slice %arg3[%add3A, %add3A_142, %dma_wait3A_159, %dma_wait3A_160] : memref<32x81x2x128xi32, #tpu.memory_space<hbm>> -> memref<1x1x2x128xi32, #tpu.memory_space<hbm>>
          %dma_wait3A_162 = tpu.memref_squeeze %dma_wait3A_161 : memref<1x1x2x128xi32, #tpu.memory_space<hbm>> -> memref<2x128xi32, #tpu.memory_space<hbm>>
          %dma_wait3A_163 = arith.constant 0 : i32
          %dma_wait3A_164 = arith.constant 0 : i32
          %dma_wait3A_165 = tpu.memref_slice %arg3[%add3A, %add3A_142, %dma_wait3A_163, %dma_wait3A_164] : memref<32x81x2x128xi32, #tpu.memory_space<hbm>> -> memref<1x1x2x128xi32, #tpu.memory_space<hbm>>
          %dma_wait3A_166 = tpu.memref_squeeze %dma_wait3A_165 : memref<1x1x2x128xi32, #tpu.memory_space<hbm>> -> memref<2x128xi32, #tpu.memory_space<hbm>>
          tpu.wait_dma2 semaphore(%run_scoped3A_150 : memref<!tpu.dma_semaphore, #tpu.memory_space<semaphore_mem>>) src(%dma_wait3A_166 : memref<2x128xi32, #tpu.memory_space<hbm>>) dst(%arg6 : memref<2x128xi32, #tpu.memory_space<vmem>>)
          tpu.yield
        }) : () -> ()
        %dma_start3A_143 = arith.constant 0 : i32
        %dma_start3A_144 = arith.constant 0 : i32
        %dma_start3A_145 = tpu.memref_slice %arg6[%dma_start3A_143, %dma_start3A_144] : memref<2x128xi32, #tpu.memory_space<vmem>> -> memref<1x128xi32, #tpu.memory_space<vmem>>
        %dma_start3A_146 = tpu.memref_squeeze %dma_start3A_145 : memref<1x128xi32, #tpu.memory_space<vmem>> -> memref<128xi32, #tpu.memory_space<vmem>>
        %dma_start3A_147 = arith.constant 0 : i32
        %dma_start3A_148 = arith.constant 0 : i32
        %dma_start3A_149 = tpu.memref_slice %arg2[%dma_start3A_147, %dma_start3A_148] : memref<10000x128xf32, #tpu.memory_space<hbm>> -> memref<10000x128xf32, #tpu.memory_space<hbm>>
        tpu.enqueue_indirect_dma source(%dma_start3A_149 : memref<10000x128xf32, #tpu.memory_space<hbm>>) target(%arg9 : memref<128x128xf32, #tpu.memory_space<vmem>>) offsets(%dma_start3A_146 : memref<128xi32, #tpu.memory_space<vmem>>) semaphore(%arg13 : memref<!tpu.dma_semaphore, #tpu.memory_space<semaphore_mem>>)
      } else {
      }
      %mul3A_111 = arith.constant 3 : i32
      %mul3A_112 = arith.muli %mul3A_111, %scan3A_50 : i32
      %add3A_113 = arith.constant 2 : i32
      %add3A_114 = arith.addi %mul3A_112, %add3A_113 : i32
      %dma_wait3A_115 = arith.constant 0 : i32
      %dma_wait3A_116 = arith.constant 0 : i32
      %dma_wait3A_117 = tpu.memref_slice %arg8[%dma_wait3A_115, %dma_wait3A_116] : memref<2x128xi32, #tpu.memory_space<vmem>> -> memref<1x128xi32, #tpu.memory_space<vmem>>
      %dma_wait3A_118 = tpu.memref_squeeze %dma_wait3A_117 : memref<1x128xi32, #tpu.memory_space<vmem>> -> memref<128xi32, #tpu.memory_space<vmem>>
      %dma_wait3A_119 = arith.constant 0 : i32
      %dma_wait3A_120 = arith.constant 0 : i32
      %dma_wait3A_121 = tpu.memref_slice %arg2[%dma_wait3A_119, %dma_wait3A_120] : memref<10000x128xf32, #tpu.memory_space<hbm>> -> memref<10000x128xf32, #tpu.memory_space<hbm>>
      tpu.wait_indirect_dma semaphore(%arg13 : memref<!tpu.dma_semaphore, #tpu.memory_space<semaphore_mem>>) src(%dma_wait3A_121 : memref<10000x128xf32, #tpu.memory_space<hbm>>) dst(%arg11 : memref<128x128xf32, #tpu.memory_space<vmem>>)
      %dma_start3A_122 = arith.constant 1 : i32
      %dma_start3A_123 = arith.constant 0 : i32
      %dma_start3A_124 = tpu.memref_slice %arg8[%dma_start3A_122, %dma_start3A_123] : memref<2x128xi32, #tpu.memory_space<vmem>> -> memref<1x128xi32, #tpu.memory_space<vmem>>
      %dma_start3A_125 = tpu.memref_squeeze %dma_start3A_124 : memref<1x128xi32, #tpu.memory_space<vmem>> -> memref<128xi32, #tpu.memory_space<vmem>>
      %dma_start3A_126 = arith.constant 0 : i32
      %dma_start3A_127 = arith.constant 0 : i32
      %dma_start3A_128 = tpu.memref_slice %arg12[%dma_start3A_126, %dma_start3A_127] : memref<10064x128xf32, #tpu.memory_space<vmem_shared>> -> memref<10064x128xf32, #tpu.memory_space<vmem_shared>>
      tpu.enqueue_indirect_dma source(%arg11 : memref<128x128xf32, #tpu.memory_space<vmem>>) target(%dma_start3A_128 : memref<10064x128xf32, #tpu.memory_space<vmem_shared>>) offsets(%dma_start3A_125 : memref<128xi32, #tpu.memory_space<vmem>>) semaphore(%arg14 : memref<!tpu.dma_semaphore, #tpu.memory_space<semaphore_mem>>) {add = true}
      %dma_wait3A_129 = arith.constant 1 : i32
      %dma_wait3A_130 = arith.constant 0 : i32
      %dma_wait3A_131 = tpu.memref_slice %arg7[%dma_wait3A_129, %dma_wait3A_130] : memref<2x128xi32, #tpu.memory_space<vmem>> -> memref<1x128xi32, #tpu.memory_space<vmem>>
      %dma_wait3A_132 = tpu.memref_squeeze %dma_wait3A_131 : memref<1x128xi32, #tpu.memory_space<vmem>> -> memref<128xi32, #tpu.memory_space<vmem>>
      %dma_wait3A_133 = arith.constant 0 : i32
      %dma_wait3A_134 = arith.constant 0 : i32
      %dma_wait3A_135 = tpu.memref_slice %arg12[%dma_wait3A_133, %dma_wait3A_134] : memref<10064x128xf32, #tpu.memory_space<vmem_shared>> -> memref<10064x128xf32, #tpu.memory_space<vmem_shared>>
      tpu.wait_indirect_dma semaphore(%arg14 : memref<!tpu.dma_semaphore, #tpu.memory_space<semaphore_mem>>) src(%arg10 : memref<128x128xf32, #tpu.memory_space<vmem>>) dst(%dma_wait3A_135 : memref<10064x128xf32, #tpu.memory_space<vmem_shared>>)
      %lt3A_136 = arith.constant 26 : i32
      %lt3A_137 = arith.cmpi slt, %scan3A_50, %lt3A_136 : i32
      %convert_element_type3A_138 = arith.extui %lt3A_137 : i1 to i32
      %cond3A_139 = arith.constant 0 : i32
      %cond3A_140 = arith.cmpi ne, %convert_element_type3A_138, %cond3A_139 : i32
      scf.if %cond3A_140 {
        %add3A_141 = arith.constant 2 : i32
        %add3A_142 = arith.addi %add3A_114, %add3A_141 : i32
        "tpu.region"() ({
          %run_scoped3A_150 = tpu.sem_alloc : memref<!tpu.dma_semaphore, #tpu.memory_space<semaphore_mem>>
          %dma_start3A_151 = arith.constant 0 : i32
          %dma_start3A_152 = arith.constant 0 : i32
          %dma_start3A_153 = tpu.memref_slice %arg3[%add3A, %add3A_142, %dma_start3A_151, %dma_start3A_152] : memref<32x81x2x128xi32, #tpu.memory_space<hbm>> -> memref<1x1x2x128xi32, #tpu.memory_space<hbm>>
          %dma_start3A_154 = tpu.memref_squeeze %dma_start3A_153 : memref<1x1x2x128xi32, #tpu.memory_space<hbm>> -> memref<2x128xi32, #tpu.memory_space<hbm>>
          %dma_start3A_155 = arith.constant 0 : i32
          %dma_start3A_156 = arith.constant 0 : i32
          %dma_start3A_157 = tpu.memref_slice %arg3[%add3A, %add3A_142, %dma_start3A_155, %dma_start3A_156] : memref<32x81x2x128xi32, #tpu.memory_space<hbm>> -> memref<1x1x2x128xi32, #tpu.memory_space<hbm>>
          %dma_start3A_158 = tpu.memref_squeeze %dma_start3A_157 : memref<1x1x2x128xi32, #tpu.memory_space<hbm>> -> memref<2x128xi32, #tpu.memory_space<hbm>>
          tpu.enqueue_dma source(%dma_start3A_158 : memref<2x128xi32, #tpu.memory_space<hbm>>) target(%arg7 : memref<2x128xi32, #tpu.memory_space<vmem>>) target_semaphore(%run_scoped3A_150 : memref<!tpu.dma_semaphore, #tpu.memory_space<semaphore_mem>>)
          %dma_wait3A_159 = arith.constant 0 : i32
          %dma_wait3A_160 = arith.constant 0 : i32
          %dma_wait3A_161 = tpu.memref_slice %arg3[%add3A, %add3A_142, %dma_wait3A_159, %dma_wait3A_160] : memref<32x81x2x128xi32, #tpu.memory_space<hbm>> -> memref<1x1x2x128xi32, #tpu.memory_space<hbm>>
          %dma_wait3A_162 = tpu.memref_squeeze %dma_wait3A_161 : memref<1x1x2x128xi32, #tpu.memory_space<hbm>> -> memref<2x128xi32, #tpu.memory_space<hbm>>
          %dma_wait3A_163 = arith.constant 0 : i32
          %dma_wait3A_164 = arith.constant 0 : i32
          %dma_wait3A_165 = tpu.memref_slice %arg3[%add3A, %add3A_142, %dma_wait3A_163, %dma_wait3A_164] : memref<32x81x2x128xi32, #tpu.memory_space<hbm>> -> memref<1x1x2x128xi32, #tpu.memory_space<hbm>>
          %dma_wait3A_166 = tpu.memref_squeeze %dma_wait3A_165 : memref<1x1x2x128xi32, #tpu.memory_space<hbm>> -> memref<2x128xi32, #tpu.memory_space<hbm>>
          tpu.wait_dma2 semaphore(%run_scoped3A_150 : memref<!tpu.dma_semaphore, #tpu.memory_space<semaphore_mem>>) src(%dma_wait3A_166 : memref<2x128xi32, #tpu.memory_space<hbm>>) dst(%arg7 : memref<2x128xi32, #tpu.memory_space<vmem>>)
          tpu.yield
        }) : () -> ()
        %dma_start3A_143 = arith.constant 0 : i32
        %dma_start3A_144 = arith.constant 0 : i32
        %dma_start3A_145 = tpu.memref_slice %arg7[%dma_start3A_143, %dma_start3A_144] : memref<2x128xi32, #tpu.memory_space<vmem>> -> memref<1x128xi32, #tpu.memory_space<vmem>>
        %dma_start3A_146 = tpu.memref_squeeze %dma_start3A_145 : memref<1x128xi32, #tpu.memory_space<vmem>> -> memref<128xi32, #tpu.memory_space<vmem>>
        %dma_start3A_147 = arith.constant 0 : i32
        %dma_start3A_148 = arith.constant 0 : i32
        %dma_start3A_149 = tpu.memref_slice %arg2[%dma_start3A_147, %dma_start3A_148] : memref<10000x128xf32, #tpu.memory_space<hbm>> -> memref<10000x128xf32, #tpu.memory_space<hbm>>
        tpu.enqueue_indirect_dma source(%dma_start3A_149 : memref<10000x128xf32, #tpu.memory_space<hbm>>) target(%arg10 : memref<128x128xf32, #tpu.memory_space<vmem>>) offsets(%dma_start3A_146 : memref<128xi32, #tpu.memory_space<vmem>>) semaphore(%arg13 : memref<!tpu.dma_semaphore, #tpu.memory_space<semaphore_mem>>)
      } else {
      }
    }
    %scan3A_33 = arith.constant 27 : i32
    %dma_wait3A = arith.constant 1 : i32
    %dma_wait3A_34 = arith.constant 0 : i32
    %dma_wait3A_35 = tpu.memref_slice %arg8[%dma_wait3A, %dma_wait3A_34] : memref<2x128xi32, #tpu.memory_space<vmem>> -> memref<1x128xi32, #tpu.memory_space<vmem>>
    %dma_wait3A_36 = tpu.memref_squeeze %dma_wait3A_35 : memref<1x128xi32, #tpu.memory_space<vmem>> -> memref<128xi32, #tpu.memory_space<vmem>>
    %dma_wait3A_37 = arith.constant 0 : i32
    %dma_wait3A_38 = arith.constant 0 : i32
    %dma_wait3A_39 = tpu.memref_slice %arg12[%dma_wait3A_37, %dma_wait3A_38] : memref<10064x128xf32, #tpu.memory_space<vmem_shared>> -> memref<10064x128xf32, #tpu.memory_space<vmem_shared>>
    tpu.wait_indirect_dma semaphore(%arg14 : memref<!tpu.dma_semaphore, #tpu.memory_space<semaphore_mem>>) src(%arg11 : memref<128x128xf32, #tpu.memory_space<vmem>>) dst(%dma_wait3A_39 : memref<10064x128xf32, #tpu.memory_space<vmem_shared>>)
    %barrier3A_40 = arith.constant 0 : index
    tpu.barrier barrier_id(%barrier3A_40)
    %mul3A_41 = arith.constant 624 : i32
    %mul3A_42 = arith.muli %arg1, %mul3A_41 : i32
    %mul3A_43 = arith.constant 624 : i32
    %mul3A_44 = arith.muli %arg1, %mul3A_43 : i32
    "tpu.region"() ({
      %run_scoped3A_50 = tpu.sem_alloc : memref<!tpu.dma_semaphore, #tpu.memory_space<semaphore_mem>>
      %dma_start3A_51 = arith.constant 0 : i32
      %dma_start3A_52 = tpu.memref_slice %arg5[%arg0, %mul3A_44, %dma_start3A_51] : memref<2x10000x128xf32, #tpu.memory_space<hbm>> -> memref<1x624x128xf32, #tpu.memory_space<hbm>>
      %dma_start3A_53 = tpu.memref_squeeze %dma_start3A_52 : memref<1x624x128xf32, #tpu.memory_space<hbm>> -> memref<624x128xf32, #tpu.memory_space<hbm>>
      %dma_start3A_54 = arith.constant 0 : i32
      %dma_start3A_55 = tpu.memref_slice %arg12[%mul3A_42, %dma_start3A_54] : memref<10064x128xf32, #tpu.memory_space<vmem_shared>> -> memref<624x128xf32, #tpu.memory_space<vmem_shared>>
      tpu.enqueue_dma source(%dma_start3A_55 : memref<624x128xf32, #tpu.memory_space<vmem_shared>>) target(%dma_start3A_53 : memref<624x128xf32, #tpu.memory_space<hbm>>) target_semaphore(%run_scoped3A_50 : memref<!tpu.dma_semaphore, #tpu.memory_space<semaphore_mem>>)
      %dma_wait3A_56 = arith.constant 0 : i32
      %dma_wait3A_57 = tpu.memref_slice %arg5[%arg0, %mul3A_44, %dma_wait3A_56] : memref<2x10000x128xf32, #tpu.memory_space<hbm>> -> memref<1x624x128xf32, #tpu.memory_space<hbm>>
      %dma_wait3A_58 = tpu.memref_squeeze %dma_wait3A_57 : memref<1x624x128xf32, #tpu.memory_space<hbm>> -> memref<624x128xf32, #tpu.memory_space<hbm>>
      %dma_wait3A_59 = arith.constant 0 : i32
      %dma_wait3A_60 = tpu.memref_slice %arg12[%mul3A_42, %dma_wait3A_59] : memref<10064x128xf32, #tpu.memory_space<vmem_shared>> -> memref<624x128xf32, #tpu.memory_space<vmem_shared>>
      tpu.wait_dma2 semaphore(%run_scoped3A_50 : memref<!tpu.dma_semaphore, #tpu.memory_space<semaphore_mem>>) src(%dma_wait3A_60 : memref<624x128xf32, #tpu.memory_space<vmem_shared>>) dst(%dma_wait3A_58 : memref<624x128xf32, #tpu.memory_space<hbm>>)
      tpu.yield
    }) : () -> ()
    %eq3A_45 = arith.constant 0 : i32
    %eq3A_46 = arith.cmpi eq, %arg1, %eq3A_45 : i32
    %convert_element_type3A_47 = arith.extui %eq3A_46 : i1 to i32
    %cond3A_48 = arith.constant 0 : i32
    %cond3A_49 = arith.cmpi ne, %convert_element_type3A_47, %cond3A_48 : i32
    scf.if %cond3A_49 {
      "tpu.region"() ({
        %run_scoped3A_50 = tpu.sem_alloc : memref<!tpu.dma_semaphore, #tpu.memory_space<semaphore_mem>>
        %dma_start3A_51 = arith.constant 9984 : i32
        %dma_start3A_52 = arith.constant 0 : i32
        %dma_start3A_53 = tpu.memref_slice %arg5[%arg0, %dma_start3A_51, %dma_start3A_52] : memref<2x10000x128xf32, #tpu.memory_space<hbm>> -> memref<1x16x128xf32, #tpu.memory_space<hbm>>
        %dma_start3A_54 = tpu.memref_squeeze %dma_start3A_53 : memref<1x16x128xf32, #tpu.memory_space<hbm>> -> memref<16x128xf32, #tpu.memory_space<hbm>>
        %dma_start3A_55 = arith.constant 9984 : i32
        %dma_start3A_56 = arith.constant 0 : i32
        %dma_start3A_57 = tpu.memref_slice %arg12[%dma_start3A_55, %dma_start3A_56] : memref<10064x128xf32, #tpu.memory_space<vmem_shared>> -> memref<16x128xf32, #tpu.memory_space<vmem_shared>>
        tpu.enqueue_dma source(%dma_start3A_57 : memref<16x128xf32, #tpu.memory_space<vmem_shared>>) target(%dma_start3A_54 : memref<16x128xf32, #tpu.memory_space<hbm>>) target_semaphore(%run_scoped3A_50 : memref<!tpu.dma_semaphore, #tpu.memory_space<semaphore_mem>>)
        %dma_wait3A_58 = arith.constant 9984 : i32
        %dma_wait3A_59 = arith.constant 0 : i32
        %dma_wait3A_60 = tpu.memref_slice %arg5[%arg0, %dma_wait3A_58, %dma_wait3A_59] : memref<2x10000x128xf32, #tpu.memory_space<hbm>> -> memref<1x16x128xf32, #tpu.memory_space<hbm>>
        %dma_wait3A_61 = tpu.memref_squeeze %dma_wait3A_60 : memref<1x16x128xf32, #tpu.memory_space<hbm>> -> memref<16x128xf32, #tpu.memory_space<hbm>>
        %dma_wait3A_62 = arith.constant 9984 : i32
        %dma_wait3A_63 = arith.constant 0 : i32
        %dma_wait3A_64 = tpu.memref_slice %arg12[%dma_wait3A_62, %dma_wait3A_63] : memref<10064x128xf32, #tpu.memory_space<vmem_shared>> -> memref<16x128xf32, #tpu.memory_space<vmem_shared>>
        tpu.wait_dma2 semaphore(%run_scoped3A_50 : memref<!tpu.dma_semaphore, #tpu.memory_space<semaphore_mem>>) src(%dma_wait3A_64 : memref<16x128xf32, #tpu.memory_space<vmem_shared>>) dst(%dma_wait3A_61 : memref<16x128xf32, #tpu.memory_space<hbm>>)
        tpu.yield
      }) : () -> ()
    } else {
    }
    return
  }
}

#map = affine_map<(d0, d1) -> (0, 0)>
#map1 = affine_map<(d0, d1) -> (0, 0, 0, 0)>
#map2 = affine_map<(d0, d1) -> (0, 0, 0)>
module attributes {stable_mosaic.version = 14 : i64} {
  func.func @sc_edge_agg(%arg0: i32, %arg1: i32, %arg2: memref<10000x128xf32, #tpu.memory_space<hbm>>, %arg3: memref<32x81x2x128xi32, #tpu.memory_space<hbm>>, %arg4: memref<208x128xf32, #tpu.memory_space<hbm>>, %arg5: memref<2x10000x128xf32, #tpu.memory_space<hbm>>, %arg6: memref<2x128xi32, #tpu.memory_space<vmem>>, %arg7: memref<2x128xi32, #tpu.memory_space<vmem>>, %arg8: memref<2x128xi32, #tpu.memory_space<vmem>>, %arg9: memref<128x128xf32, #tpu.memory_space<vmem>>, %arg10: memref<128x128xf32, #tpu.memory_space<vmem>>, %arg11: memref<128x128xf32, #tpu.memory_space<vmem>>, %arg12: memref<10064x128xf32, #tpu.memory_space<vmem_shared>>, %arg13: memref<!tpu.dma_semaphore, #tpu.memory_space<semaphore_mem>>, %arg14: memref<!tpu.dma_semaphore, #tpu.memory_space<semaphore_mem>>) attributes {dimension_semantics = [#tpu.dimension_semantics<core_parallel>, #tpu.dimension_semantics<subcore_parallel>], iteration_bounds = array<i64: 2, 16>, scalar_prefetch = 0 : i64, scratch_operands = 9 : i64, tpu.core_type = #tpu.core_type<sc_vector_subcore>, window_params = [{transform_indices = #map}, {transform_indices = #map1}, {transform_indices = #map}, {transform_indices = #map2}]} {
    %mul3A = arith.constant 16 : i32
    %mul3A_0 = arith.muli %arg0, %mul3A : i32
    %add3A = arith.addi %mul3A_0, %arg1 : i32
    %mul3A_1 = arith.constant 624 : i32
    %mul3A_2 = arith.muli %arg1, %mul3A_1 : i32
    %add3A_3 = arith.constant 0 : i32
    %add3A_4 = arith.addi %mul3A_2, %add3A_3 : i32
    "tpu.region"() ({
      %run_scoped3A_50 = tpu.sem_alloc : memref<!tpu.dma_semaphore, #tpu.memory_space<semaphore_mem>>
      %dma_start3A_51 = arith.constant 0 : i32
      %dma_start3A_52 = tpu.memref_slice %arg12[%add3A_4, %dma_start3A_51] : memref<10064x128xf32, #tpu.memory_space<vmem_shared>> -> memref<208x128xf32, #tpu.memory_space<vmem_shared>>
      tpu.enqueue_dma source(%arg4 : memref<208x128xf32, #tpu.memory_space<hbm>>) target(%dma_start3A_52 : memref<208x128xf32, #tpu.memory_space<vmem_shared>>) target_semaphore(%run_scoped3A_50 : memref<!tpu.dma_semaphore, #tpu.memory_space<semaphore_mem>>)
      %dma_wait3A_53 = arith.constant 0 : i32
      %dma_wait3A_54 = tpu.memref_slice %arg12[%add3A_4, %dma_wait3A_53] : memref<10064x128xf32, #tpu.memory_space<vmem_shared>> -> memref<208x128xf32, #tpu.memory_space<vmem_shared>>
      tpu.wait_dma2 semaphore(%run_scoped3A_50 : memref<!tpu.dma_semaphore, #tpu.memory_space<semaphore_mem>>) src(%arg4 : memref<208x128xf32, #tpu.memory_space<hbm>>) dst(%dma_wait3A_54 : memref<208x128xf32, #tpu.memory_space<vmem_shared>>)
      tpu.yield
    }) : () -> ()
    %mul3A_5 = arith.constant 624 : i32
    %mul3A_6 = arith.muli %arg1, %mul3A_5 : i32
    %add3A_7 = arith.constant 208 : i32
    %add3A_8 = arith.addi %mul3A_6, %add3A_7 : i32
    "tpu.region"() ({
      %run_scoped3A_50 = tpu.sem_alloc : memref<!tpu.dma_semaphore, #tpu.memory_space<semaphore_mem>>
      %dma_start3A_51 = arith.constant 0 : i32
      %dma_start3A_52 = tpu.memref_slice %arg12[%add3A_8, %dma_start3A_51] : memref<10064x128xf32, #tpu.memory_space<vmem_shared>> -> memref<208x128xf32, #tpu.memory_space<vmem_shared>>
      tpu.enqueue_dma source(%arg4 : memref<208x128xf32, #tpu.memory_space<hbm>>) target(%dma_start3A_52 : memref<208x128xf32, #tpu.memory_space<vmem_shared>>) target_semaphore(%run_scoped3A_50 : memref<!tpu.dma_semaphore, #tpu.memory_space<semaphore_mem>>)
      %dma_wait3A_53 = arith.constant 0 : i32
      %dma_wait3A_54 = tpu.memref_slice %arg12[%add3A_8, %dma_wait3A_53] : memref<10064x128xf32, #tpu.memory_space<vmem_shared>> -> memref<208x128xf32, #tpu.memory_space<vmem_shared>>
      tpu.wait_dma2 semaphore(%run_scoped3A_50 : memref<!tpu.dma_semaphore, #tpu.memory_space<semaphore_mem>>) src(%arg4 : memref<208x128xf32, #tpu.memory_space<hbm>>) dst(%dma_wait3A_54 : memref<208x128xf32, #tpu.memory_space<vmem_shared>>)
      tpu.yield
    }) : () -> ()
    %mul3A_9 = arith.constant 624 : i32
    %mul3A_10 = arith.muli %arg1, %mul3A_9 : i32
    %add3A_11 = arith.constant 416 : i32
    %add3A_12 = arith.addi %mul3A_10, %add3A_11 : i32
    "tpu.region"() ({
      %run_scoped3A_50 = tpu.sem_alloc : memref<!tpu.dma_semaphore, #tpu.memory_space<semaphore_mem>>
      %dma_start3A_51 = arith.constant 0 : i32
      %dma_start3A_52 = tpu.memref_slice %arg12[%add3A_12, %dma_start3A_51] : memref<10064x128xf32, #tpu.memory_space<vmem_shared>> -> memref<208x128xf32, #tpu.memory_space<vmem_shared>>
      tpu.enqueue_dma source(%arg4 : memref<208x128xf32, #tpu.memory_space<hbm>>) target(%dma_start3A_52 : memref<208x128xf32, #tpu.memory_space<vmem_shared>>) target_semaphore(%run_scoped3A_50 : memref<!tpu.dma_semaphore, #tpu.memory_space<semaphore_mem>>)
      %dma_wait3A_53 = arith.constant 0 : i32
      %dma_wait3A_54 = tpu.memref_slice %arg12[%add3A_12, %dma_wait3A_53] : memref<10064x128xf32, #tpu.memory_space<vmem_shared>> -> memref<208x128xf32, #tpu.memory_space<vmem_shared>>
      tpu.wait_dma2 semaphore(%run_scoped3A_50 : memref<!tpu.dma_semaphore, #tpu.memory_space<semaphore_mem>>) src(%arg4 : memref<208x128xf32, #tpu.memory_space<hbm>>) dst(%dma_wait3A_54 : memref<208x128xf32, #tpu.memory_space<vmem_shared>>)
      tpu.yield
    }) : () -> ()
    %eq3A = arith.constant 0 : i32
    %eq3A_13 = arith.cmpi eq, %arg1, %eq3A : i32
    %convert_element_type3A = arith.extui %eq3A_13 : i1 to i32
    %cond3A = arith.constant 0 : i32
    %cond3A_14 = arith.cmpi ne, %convert_element_type3A, %cond3A : i32
    scf.if %cond3A_14 {
      "tpu.region"() ({
        %run_scoped3A_50 = tpu.sem_alloc : memref<!tpu.dma_semaphore, #tpu.memory_space<semaphore_mem>>
        %dma_start3A_51 = arith.constant 9984 : i32
        %dma_start3A_52 = arith.constant 0 : i32
        %dma_start3A_53 = tpu.memref_slice %arg12[%dma_start3A_51, %dma_start3A_52] : memref<10064x128xf32, #tpu.memory_space<vmem_shared>> -> memref<16x128xf32, #tpu.memory_space<vmem_shared>>
        %dma_start3A_54 = arith.constant 0 : i32
        %dma_start3A_55 = arith.constant 0 : i32
        %dma_start3A_56 = tpu.memref_slice %arg4[%dma_start3A_54, %dma_start3A_55] : memref<208x128xf32, #tpu.memory_space<hbm>> -> memref<16x128xf32, #tpu.memory_space<hbm>>
        tpu.enqueue_dma source(%dma_start3A_56 : memref<16x128xf32, #tpu.memory_space<hbm>>) target(%dma_start3A_53 : memref<16x128xf32, #tpu.memory_space<vmem_shared>>) target_semaphore(%run_scoped3A_50 : memref<!tpu.dma_semaphore, #tpu.memory_space<semaphore_mem>>)
        %dma_wait3A_57 = arith.constant 9984 : i32
        %dma_wait3A_58 = arith.constant 0 : i32
        %dma_wait3A_59 = tpu.memref_slice %arg12[%dma_wait3A_57, %dma_wait3A_58] : memref<10064x128xf32, #tpu.memory_space<vmem_shared>> -> memref<16x128xf32, #tpu.memory_space<vmem_shared>>
        %dma_wait3A_60 = arith.constant 0 : i32
        %dma_wait3A_61 = arith.constant 0 : i32
        %dma_wait3A_62 = tpu.memref_slice %arg4[%dma_wait3A_60, %dma_wait3A_61] : memref<208x128xf32, #tpu.memory_space<hbm>> -> memref<16x128xf32, #tpu.memory_space<hbm>>
        tpu.wait_dma2 semaphore(%run_scoped3A_50 : memref<!tpu.dma_semaphore, #tpu.memory_space<semaphore_mem>>) src(%dma_wait3A_62 : memref<16x128xf32, #tpu.memory_space<hbm>>) dst(%dma_wait3A_59 : memref<16x128xf32, #tpu.memory_space<vmem_shared>>)
        tpu.yield
      }) : () -> ()
    } else {
    }
    %barrier3A = arith.constant 0 : index
    tpu.barrier barrier_id(%barrier3A)
    %run_scoped3A = arith.constant 0 : i32
    "tpu.region"() ({
      %run_scoped3A_50 = tpu.sem_alloc : memref<!tpu.dma_semaphore, #tpu.memory_space<semaphore_mem>>
      %dma_start3A_51 = arith.constant 0 : i32
      %dma_start3A_52 = arith.constant 0 : i32
      %dma_start3A_53 = tpu.memref_slice %arg3[%add3A, %run_scoped3A, %dma_start3A_51, %dma_start3A_52] : memref<32x81x2x128xi32, #tpu.memory_space<hbm>> -> memref<1x1x2x128xi32, #tpu.memory_space<hbm>>
      %dma_start3A_54 = tpu.memref_squeeze %dma_start3A_53 : memref<1x1x2x128xi32, #tpu.memory_space<hbm>> -> memref<2x128xi32, #tpu.memory_space<hbm>>
      %dma_start3A_55 = arith.constant 0 : i32
      %dma_start3A_56 = arith.constant 0 : i32
      %dma_start3A_57 = tpu.memref_slice %arg3[%add3A, %run_scoped3A, %dma_start3A_55, %dma_start3A_56] : memref<32x81x2x128xi32, #tpu.memory_space<hbm>> -> memref<1x1x2x128xi32, #tpu.memory_space<hbm>>
      %dma_start3A_58 = tpu.memref_squeeze %dma_start3A_57 : memref<1x1x2x128xi32, #tpu.memory_space<hbm>> -> memref<2x128xi32, #tpu.memory_space<hbm>>
      tpu.enqueue_dma source(%dma_start3A_58 : memref<2x128xi32, #tpu.memory_space<hbm>>) target(%arg6 : memref<2x128xi32, #tpu.memory_space<vmem>>) target_semaphore(%run_scoped3A_50 : memref<!tpu.dma_semaphore, #tpu.memory_space<semaphore_mem>>)
      %dma_wait3A_59 = arith.constant 0 : i32
      %dma_wait3A_60 = arith.constant 0 : i32
      %dma_wait3A_61 = tpu.memref_slice %arg3[%add3A, %run_scoped3A, %dma_wait3A_59, %dma_wait3A_60] : memref<32x81x2x128xi32, #tpu.memory_space<hbm>> -> memref<1x1x2x128xi32, #tpu.memory_space<hbm>>
      %dma_wait3A_62 = tpu.memref_squeeze %dma_wait3A_61 : memref<1x1x2x128xi32, #tpu.memory_space<hbm>> -> memref<2x128xi32, #tpu.memory_space<hbm>>
      %dma_wait3A_63 = arith.constant 0 : i32
      %dma_wait3A_64 = arith.constant 0 : i32
      %dma_wait3A_65 = tpu.memref_slice %arg3[%add3A, %run_scoped3A, %dma_wait3A_63, %dma_wait3A_64] : memref<32x81x2x128xi32, #tpu.memory_space<hbm>> -> memref<1x1x2x128xi32, #tpu.memory_space<hbm>>
      %dma_wait3A_66 = tpu.memref_squeeze %dma_wait3A_65 : memref<1x1x2x128xi32, #tpu.memory_space<hbm>> -> memref<2x128xi32, #tpu.memory_space<hbm>>
      tpu.wait_dma2 semaphore(%run_scoped3A_50 : memref<!tpu.dma_semaphore, #tpu.memory_space<semaphore_mem>>) src(%dma_wait3A_66 : memref<2x128xi32, #tpu.memory_space<hbm>>) dst(%arg6 : memref<2x128xi32, #tpu.memory_space<vmem>>)
      tpu.yield
    }) : () -> ()
    %dma_start3A = arith.constant 0 : i32
    %dma_start3A_15 = arith.constant 0 : i32
    %dma_start3A_16 = tpu.memref_slice %arg6[%dma_start3A, %dma_start3A_15] : memref<2x128xi32, #tpu.memory_space<vmem>> -> memref<1x128xi32, #tpu.memory_space<vmem>>
    %dma_start3A_17 = tpu.memref_squeeze %dma_start3A_16 : memref<1x128xi32, #tpu.memory_space<vmem>> -> memref<128xi32, #tpu.memory_space<vmem>>
    %dma_start3A_18 = arith.constant 0 : i32
    %dma_start3A_19 = arith.constant 0 : i32
    %dma_start3A_20 = tpu.memref_slice %arg2[%dma_start3A_18, %dma_start3A_19] : memref<10000x128xf32, #tpu.memory_space<hbm>> -> memref<10000x128xf32, #tpu.memory_space<hbm>>
    tpu.enqueue_indirect_dma source(%dma_start3A_20 : memref<10000x128xf32, #tpu.memory_space<hbm>>) target(%arg9 : memref<128x128xf32, #tpu.memory_space<vmem>>) offsets(%dma_start3A_17 : memref<128xi32, #tpu.memory_space<vmem>>) semaphore(%arg13 : memref<!tpu.dma_semaphore, #tpu.memory_space<semaphore_mem>>)
    %run_scoped3A_21 = arith.constant 1 : i32
    "tpu.region"() ({
      %run_scoped3A_50 = tpu.sem_alloc : memref<!tpu.dma_semaphore, #tpu.memory_space<semaphore_mem>>
      %dma_start3A_51 = arith.constant 0 : i32
      %dma_start3A_52 = arith.constant 0 : i32
      %dma_start3A_53 = tpu.memref_slice %arg3[%add3A, %run_scoped3A_21, %dma_start3A_51, %dma_start3A_52] : memref<32x81x2x128xi32, #tpu.memory_space<hbm>> -> memref<1x1x2x128xi32, #tpu.memory_space<hbm>>
      %dma_start3A_54 = tpu.memref_squeeze %dma_start3A_53 : memref<1x1x2x128xi32, #tpu.memory_space<hbm>> -> memref<2x128xi32, #tpu.memory_space<hbm>>
      %dma_start3A_55 = arith.constant 0 : i32
      %dma_start3A_56 = arith.constant 0 : i32
      %dma_start3A_57 = tpu.memref_slice %arg3[%add3A, %run_scoped3A_21, %dma_start3A_55, %dma_start3A_56] : memref<32x81x2x128xi32, #tpu.memory_space<hbm>> -> memref<1x1x2x128xi32, #tpu.memory_space<hbm>>
      %dma_start3A_58 = tpu.memref_squeeze %dma_start3A_57 : memref<1x1x2x128xi32, #tpu.memory_space<hbm>> -> memref<2x128xi32, #tpu.memory_space<hbm>>
      tpu.enqueue_dma source(%dma_start3A_58 : memref<2x128xi32, #tpu.memory_space<hbm>>) target(%arg7 : memref<2x128xi32, #tpu.memory_space<vmem>>) target_semaphore(%run_scoped3A_50 : memref<!tpu.dma_semaphore, #tpu.memory_space<semaphore_mem>>)
      %dma_wait3A_59 = arith.constant 0 : i32
      %dma_wait3A_60 = arith.constant 0 : i32
      %dma_wait3A_61 = tpu.memref_slice %arg3[%add3A, %run_scoped3A_21, %dma_wait3A_59, %dma_wait3A_60] : memref<32x81x2x128xi32, #tpu.memory_space<hbm>> -> memref<1x1x2x128xi32, #tpu.memory_space<hbm>>
      %dma_wait3A_62 = tpu.memref_squeeze %dma_wait3A_61 : memref<1x1x2x128xi32, #tpu.memory_space<hbm>> -> memref<2x128xi32, #tpu.memory_space<hbm>>
      %dma_wait3A_63 = arith.constant 0 : i32
      %dma_wait3A_64 = arith.constant 0 : i32
      %dma_wait3A_65 = tpu.memref_slice %arg3[%add3A, %run_scoped3A_21, %dma_wait3A_63, %dma_wait3A_64] : memref<32x81x2x128xi32, #tpu.memory_space<hbm>> -> memref<1x1x2x128xi32, #tpu.memory_space<hbm>>
      %dma_wait3A_66 = tpu.memref_squeeze %dma_wait3A_65 : memref<1x1x2x128xi32, #tpu.memory_space<hbm>> -> memref<2x128xi32, #tpu.memory_space<hbm>>
      tpu.wait_dma2 semaphore(%run_scoped3A_50 : memref<!tpu.dma_semaphore, #tpu.memory_space<semaphore_mem>>) src(%dma_wait3A_66 : memref<2x128xi32, #tpu.memory_space<hbm>>) dst(%arg7 : memref<2x128xi32, #tpu.memory_space<vmem>>)
      tpu.yield
    }) : () -> ()
    %dma_start3A_22 = arith.constant 0 : i32
    %dma_start3A_23 = arith.constant 0 : i32
    %dma_start3A_24 = tpu.memref_slice %arg7[%dma_start3A_22, %dma_start3A_23] : memref<2x128xi32, #tpu.memory_space<vmem>> -> memref<1x128xi32, #tpu.memory_space<vmem>>
    %dma_start3A_25 = tpu.memref_squeeze %dma_start3A_24 : memref<1x128xi32, #tpu.memory_space<vmem>> -> memref<128xi32, #tpu.memory_space<vmem>>
    %dma_start3A_26 = arith.constant 0 : i32
    %dma_start3A_27 = arith.constant 0 : i32
    %dma_start3A_28 = tpu.memref_slice %arg2[%dma_start3A_26, %dma_start3A_27] : memref<10000x128xf32, #tpu.memory_space<hbm>> -> memref<10000x128xf32, #tpu.memory_space<hbm>>
    tpu.enqueue_indirect_dma source(%dma_start3A_28 : memref<10000x128xf32, #tpu.memory_space<hbm>>) target(%arg10 : memref<128x128xf32, #tpu.memory_space<vmem>>) offsets(%dma_start3A_25 : memref<128xi32, #tpu.memory_space<vmem>>) semaphore(%arg13 : memref<!tpu.dma_semaphore, #tpu.memory_space<semaphore_mem>>)
    %scan3A = arith.constant 0 : i32
    %scan3A_29 = arith.constant 0 : i32
    %scan3A_30 = arith.constant 27 : i32
    %scan3A_31 = arith.addi %scan3A_29, %scan3A_30 : i32
    %scan3A_32 = arith.constant 1 : i32
    scf.for %scan3A_50 = %scan3A_29 to %scan3A_31 step %scan3A_32  : i32 {
      %mul3A_51 = arith.constant 3 : i32
      %mul3A_52 = arith.muli %mul3A_51, %scan3A_50 : i32
      %add3A_53 = arith.constant 0 : i32
      %add3A_54 = arith.addi %mul3A_52, %add3A_53 : i32
      %dma_wait3A_55 = arith.constant 0 : i32
      %dma_wait3A_56 = arith.constant 0 : i32
      %dma_wait3A_57 = tpu.memref_slice %arg6[%dma_wait3A_55, %dma_wait3A_56] : memref<2x128xi32, #tpu.memory_space<vmem>> -> memref<1x128xi32, #tpu.memory_space<vmem>>
      %dma_wait3A_58 = tpu.memref_squeeze %dma_wait3A_57 : memref<1x128xi32, #tpu.memory_space<vmem>> -> memref<128xi32, #tpu.memory_space<vmem>>
      %dma_wait3A_59 = arith.constant 0 : i32
      %dma_wait3A_60 = arith.constant 0 : i32
      %dma_wait3A_61 = tpu.memref_slice %arg2[%dma_wait3A_59, %dma_wait3A_60] : memref<10000x128xf32, #tpu.memory_space<hbm>> -> memref<10000x128xf32, #tpu.memory_space<hbm>>
      tpu.wait_indirect_dma semaphore(%arg13 : memref<!tpu.dma_semaphore, #tpu.memory_space<semaphore_mem>>) src(%dma_wait3A_61 : memref<10000x128xf32, #tpu.memory_space<hbm>>) dst(%arg9 : memref<128x128xf32, #tpu.memory_space<vmem>>)
      %dma_start3A_62 = arith.constant 1 : i32
      %dma_start3A_63 = arith.constant 0 : i32
      %dma_start3A_64 = tpu.memref_slice %arg6[%dma_start3A_62, %dma_start3A_63] : memref<2x128xi32, #tpu.memory_space<vmem>> -> memref<1x128xi32, #tpu.memory_space<vmem>>
      %dma_start3A_65 = tpu.memref_squeeze %dma_start3A_64 : memref<1x128xi32, #tpu.memory_space<vmem>> -> memref<128xi32, #tpu.memory_space<vmem>>
      %dma_start3A_66 = arith.constant 0 : i32
      %dma_start3A_67 = arith.constant 0 : i32
      %dma_start3A_68 = tpu.memref_slice %arg12[%dma_start3A_66, %dma_start3A_67] : memref<10064x128xf32, #tpu.memory_space<vmem_shared>> -> memref<10064x128xf32, #tpu.memory_space<vmem_shared>>
      tpu.enqueue_indirect_dma source(%arg9 : memref<128x128xf32, #tpu.memory_space<vmem>>) target(%dma_start3A_68 : memref<10064x128xf32, #tpu.memory_space<vmem_shared>>) offsets(%dma_start3A_65 : memref<128xi32, #tpu.memory_space<vmem>>) semaphore(%arg14 : memref<!tpu.dma_semaphore, #tpu.memory_space<semaphore_mem>>) {add = true}
      %gt3A = arith.constant 0 : i32
      %gt3A_69 = arith.cmpi sgt, %scan3A_50, %gt3A : i32
      %convert_element_type3A_70 = arith.extui %gt3A_69 : i1 to i32
      %cond3A_71 = arith.constant 0 : i32
      %cond3A_72 = arith.cmpi ne, %convert_element_type3A_70, %cond3A_71 : i32
      scf.if %cond3A_72 {
        %dma_wait3A_141 = arith.constant 1 : i32
        %dma_wait3A_142 = arith.constant 0 : i32
        %dma_wait3A_143 = tpu.memref_slice %arg8[%dma_wait3A_141, %dma_wait3A_142] : memref<2x128xi32, #tpu.memory_space<vmem>> -> memref<1x128xi32, #tpu.memory_space<vmem>>
        %dma_wait3A_144 = tpu.memref_squeeze %dma_wait3A_143 : memref<1x128xi32, #tpu.memory_space<vmem>> -> memref<128xi32, #tpu.memory_space<vmem>>
        %dma_wait3A_145 = arith.constant 0 : i32
        %dma_wait3A_146 = arith.constant 0 : i32
        %dma_wait3A_147 = tpu.memref_slice %arg12[%dma_wait3A_145, %dma_wait3A_146] : memref<10064x128xf32, #tpu.memory_space<vmem_shared>> -> memref<10064x128xf32, #tpu.memory_space<vmem_shared>>
        tpu.wait_indirect_dma semaphore(%arg14 : memref<!tpu.dma_semaphore, #tpu.memory_space<semaphore_mem>>) src(%arg11 : memref<128x128xf32, #tpu.memory_space<vmem>>) dst(%dma_wait3A_147 : memref<10064x128xf32, #tpu.memory_space<vmem_shared>>)
      } else {
      }
      %add3A_73 = arith.constant 2 : i32
      %add3A_74 = arith.addi %add3A_54, %add3A_73 : i32
      "tpu.region"() ({
        %run_scoped3A_141 = tpu.sem_alloc : memref<!tpu.dma_semaphore, #tpu.memory_space<semaphore_mem>>
        %dma_start3A_142 = arith.constant 0 : i32
        %dma_start3A_143 = arith.constant 0 : i32
        %dma_start3A_144 = tpu.memref_slice %arg3[%add3A, %add3A_74, %dma_start3A_142, %dma_start3A_143] : memref<32x81x2x128xi32, #tpu.memory_space<hbm>> -> memref<1x1x2x128xi32, #tpu.memory_space<hbm>>
        %dma_start3A_145 = tpu.memref_squeeze %dma_start3A_144 : memref<1x1x2x128xi32, #tpu.memory_space<hbm>> -> memref<2x128xi32, #tpu.memory_space<hbm>>
        %dma_start3A_146 = arith.constant 0 : i32
        %dma_start3A_147 = arith.constant 0 : i32
        %dma_start3A_148 = tpu.memref_slice %arg3[%add3A, %add3A_74, %dma_start3A_146, %dma_start3A_147] : memref<32x81x2x128xi32, #tpu.memory_space<hbm>> -> memref<1x1x2x128xi32, #tpu.memory_space<hbm>>
        %dma_start3A_149 = tpu.memref_squeeze %dma_start3A_148 : memref<1x1x2x128xi32, #tpu.memory_space<hbm>> -> memref<2x128xi32, #tpu.memory_space<hbm>>
        tpu.enqueue_dma source(%dma_start3A_149 : memref<2x128xi32, #tpu.memory_space<hbm>>) target(%arg8 : memref<2x128xi32, #tpu.memory_space<vmem>>) target_semaphore(%run_scoped3A_141 : memref<!tpu.dma_semaphore, #tpu.memory_space<semaphore_mem>>)
        %dma_wait3A_150 = arith.constant 0 : i32
        %dma_wait3A_151 = arith.constant 0 : i32
        %dma_wait3A_152 = tpu.memref_slice %arg3[%add3A, %add3A_74, %dma_wait3A_150, %dma_wait3A_151] : memref<32x81x2x128xi32, #tpu.memory_space<hbm>> -> memref<1x1x2x128xi32, #tpu.memory_space<hbm>>
        %dma_wait3A_153 = tpu.memref_squeeze %dma_wait3A_152 : memref<1x1x2x128xi32, #tpu.memory_space<hbm>> -> memref<2x128xi32, #tpu.memory_space<hbm>>
        %dma_wait3A_154 = arith.constant 0 : i32
        %dma_wait3A_155 = arith.constant 0 : i32
        %dma_wait3A_156 = tpu.memref_slice %arg3[%add3A, %add3A_74, %dma_wait3A_154, %dma_wait3A_155] : memref<32x81x2x128xi32, #tpu.memory_space<hbm>> -> memref<1x1x2x128xi32, #tpu.memory_space<hbm>>
        %dma_wait3A_157 = tpu.memref_squeeze %dma_wait3A_156 : memref<1x1x2x128xi32, #tpu.memory_space<hbm>> -> memref<2x128xi32, #tpu.memory_space<hbm>>
        tpu.wait_dma2 semaphore(%run_scoped3A_141 : memref<!tpu.dma_semaphore, #tpu.memory_space<semaphore_mem>>) src(%dma_wait3A_157 : memref<2x128xi32, #tpu.memory_space<hbm>>) dst(%arg8 : memref<2x128xi32, #tpu.memory_space<vmem>>)
        tpu.yield
      }) : () -> ()
      %dma_start3A_75 = arith.constant 0 : i32
      %dma_start3A_76 = arith.constant 0 : i32
      %dma_start3A_77 = tpu.memref_slice %arg8[%dma_start3A_75, %dma_start3A_76] : memref<2x128xi32, #tpu.memory_space<vmem>> -> memref<1x128xi32, #tpu.memory_space<vmem>>
      %dma_start3A_78 = tpu.memref_squeeze %dma_start3A_77 : memref<1x128xi32, #tpu.memory_space<vmem>> -> memref<128xi32, #tpu.memory_space<vmem>>
      %dma_start3A_79 = arith.constant 0 : i32
      %dma_start3A_80 = arith.constant 0 : i32
      %dma_start3A_81 = tpu.memref_slice %arg2[%dma_start3A_79, %dma_start3A_80] : memref<10000x128xf32, #tpu.memory_space<hbm>> -> memref<10000x128xf32, #tpu.memory_space<hbm>>
      tpu.enqueue_indirect_dma source(%dma_start3A_81 : memref<10000x128xf32, #tpu.memory_space<hbm>>) target(%arg11 : memref<128x128xf32, #tpu.memory_space<vmem>>) offsets(%dma_start3A_78 : memref<128xi32, #tpu.memory_space<vmem>>) semaphore(%arg13 : memref<!tpu.dma_semaphore, #tpu.memory_space<semaphore_mem>>)
      %mul3A_82 = arith.constant 3 : i32
      %mul3A_83 = arith.muli %mul3A_82, %scan3A_50 : i32
      %add3A_84 = arith.constant 1 : i32
      %add3A_85 = arith.addi %mul3A_83, %add3A_84 : i32
      %dma_wait3A_86 = arith.constant 0 : i32
      %dma_wait3A_87 = arith.constant 0 : i32
      %dma_wait3A_88 = tpu.memref_slice %arg7[%dma_wait3A_86, %dma_wait3A_87] : memref<2x128xi32, #tpu.memory_space<vmem>> -> memref<1x128xi32, #tpu.memory_space<vmem>>
      %dma_wait3A_89 = tpu.memref_squeeze %dma_wait3A_88 : memref<1x128xi32, #tpu.memory_space<vmem>> -> memref<128xi32, #tpu.memory_space<vmem>>
      %dma_wait3A_90 = arith.constant 0 : i32
      %dma_wait3A_91 = arith.constant 0 : i32
      %dma_wait3A_92 = tpu.memref_slice %arg2[%dma_wait3A_90, %dma_wait3A_91] : memref<10000x128xf32, #tpu.memory_space<hbm>> -> memref<10000x128xf32, #tpu.memory_space<hbm>>
      tpu.wait_indirect_dma semaphore(%arg13 : memref<!tpu.dma_semaphore, #tpu.memory_space<semaphore_mem>>) src(%dma_wait3A_92 : memref<10000x128xf32, #tpu.memory_space<hbm>>) dst(%arg10 : memref<128x128xf32, #tpu.memory_space<vmem>>)
      %dma_start3A_93 = arith.constant 1 : i32
      %dma_start3A_94 = arith.constant 0 : i32
      %dma_start3A_95 = tpu.memref_slice %arg7[%dma_start3A_93, %dma_start3A_94] : memref<2x128xi32, #tpu.memory_space<vmem>> -> memref<1x128xi32, #tpu.memory_space<vmem>>
      %dma_start3A_96 = tpu.memref_squeeze %dma_start3A_95 : memref<1x128xi32, #tpu.memory_space<vmem>> -> memref<128xi32, #tpu.memory_space<vmem>>
      %dma_start3A_97 = arith.constant 0 : i32
      %dma_start3A_98 = arith.constant 0 : i32
      %dma_start3A_99 = tpu.memref_slice %arg12[%dma_start3A_97, %dma_start3A_98] : memref<10064x128xf32, #tpu.memory_space<vmem_shared>> -> memref<10064x128xf32, #tpu.memory_space<vmem_shared>>
      tpu.enqueue_indirect_dma source(%arg10 : memref<128x128xf32, #tpu.memory_space<vmem>>) target(%dma_start3A_99 : memref<10064x128xf32, #tpu.memory_space<vmem_shared>>) offsets(%dma_start3A_96 : memref<128xi32, #tpu.memory_space<vmem>>) semaphore(%arg14 : memref<!tpu.dma_semaphore, #tpu.memory_space<semaphore_mem>>) {add = true}
      %dma_wait3A_100 = arith.constant 1 : i32
      %dma_wait3A_101 = arith.constant 0 : i32
      %dma_wait3A_102 = tpu.memref_slice %arg6[%dma_wait3A_100, %dma_wait3A_101] : memref<2x128xi32, #tpu.memory_space<vmem>> -> memref<1x128xi32, #tpu.memory_space<vmem>>
      %dma_wait3A_103 = tpu.memref_squeeze %dma_wait3A_102 : memref<1x128xi32, #tpu.memory_space<vmem>> -> memref<128xi32, #tpu.memory_space<vmem>>
      %dma_wait3A_104 = arith.constant 0 : i32
      %dma_wait3A_105 = arith.constant 0 : i32
      %dma_wait3A_106 = tpu.memref_slice %arg12[%dma_wait3A_104, %dma_wait3A_105] : memref<10064x128xf32, #tpu.memory_space<vmem_shared>> -> memref<10064x128xf32, #tpu.memory_space<vmem_shared>>
      tpu.wait_indirect_dma semaphore(%arg14 : memref<!tpu.dma_semaphore, #tpu.memory_space<semaphore_mem>>) src(%arg9 : memref<128x128xf32, #tpu.memory_space<vmem>>) dst(%dma_wait3A_106 : memref<10064x128xf32, #tpu.memory_space<vmem_shared>>)
      %lt3A = arith.constant 26 : i32
      %lt3A_107 = arith.cmpi slt, %scan3A_50, %lt3A : i32
      %convert_element_type3A_108 = arith.extui %lt3A_107 : i1 to i32
      %cond3A_109 = arith.constant 0 : i32
      %cond3A_110 = arith.cmpi ne, %convert_element_type3A_108, %cond3A_109 : i32
      scf.if %cond3A_110 {
        %add3A_141 = arith.constant 2 : i32
        %add3A_142 = arith.addi %add3A_85, %add3A_141 : i32
        "tpu.region"() ({
          %run_scoped3A_150 = tpu.sem_alloc : memref<!tpu.dma_semaphore, #tpu.memory_space<semaphore_mem>>
          %dma_start3A_151 = arith.constant 0 : i32
          %dma_start3A_152 = arith.constant 0 : i32
          %dma_start3A_153 = tpu.memref_slice %arg3[%add3A, %add3A_142, %dma_start3A_151, %dma_start3A_152] : memref<32x81x2x128xi32, #tpu.memory_space<hbm>> -> memref<1x1x2x128xi32, #tpu.memory_space<hbm>>
          %dma_start3A_154 = tpu.memref_squeeze %dma_start3A_153 : memref<1x1x2x128xi32, #tpu.memory_space<hbm>> -> memref<2x128xi32, #tpu.memory_space<hbm>>
          %dma_start3A_155 = arith.constant 0 : i32
          %dma_start3A_156 = arith.constant 0 : i32
          %dma_start3A_157 = tpu.memref_slice %arg3[%add3A, %add3A_142, %dma_start3A_155, %dma_start3A_156] : memref<32x81x2x128xi32, #tpu.memory_space<hbm>> -> memref<1x1x2x128xi32, #tpu.memory_space<hbm>>
          %dma_start3A_158 = tpu.memref_squeeze %dma_start3A_157 : memref<1x1x2x128xi32, #tpu.memory_space<hbm>> -> memref<2x128xi32, #tpu.memory_space<hbm>>
          tpu.enqueue_dma source(%dma_start3A_158 : memref<2x128xi32, #tpu.memory_space<hbm>>) target(%arg6 : memref<2x128xi32, #tpu.memory_space<vmem>>) target_semaphore(%run_scoped3A_150 : memref<!tpu.dma_semaphore, #tpu.memory_space<semaphore_mem>>)
          %dma_wait3A_159 = arith.constant 0 : i32
          %dma_wait3A_160 = arith.constant 0 : i32
          %dma_wait3A_161 = tpu.memref_slice %arg3[%add3A, %add3A_142, %dma_wait3A_159, %dma_wait3A_160] : memref<32x81x2x128xi32, #tpu.memory_space<hbm>> -> memref<1x1x2x128xi32, #tpu.memory_space<hbm>>
          %dma_wait3A_162 = tpu.memref_squeeze %dma_wait3A_161 : memref<1x1x2x128xi32, #tpu.memory_space<hbm>> -> memref<2x128xi32, #tpu.memory_space<hbm>>
          %dma_wait3A_163 = arith.constant 0 : i32
          %dma_wait3A_164 = arith.constant 0 : i32
          %dma_wait3A_165 = tpu.memref_slice %arg3[%add3A, %add3A_142, %dma_wait3A_163, %dma_wait3A_164] : memref<32x81x2x128xi32, #tpu.memory_space<hbm>> -> memref<1x1x2x128xi32, #tpu.memory_space<hbm>>
          %dma_wait3A_166 = tpu.memref_squeeze %dma_wait3A_165 : memref<1x1x2x128xi32, #tpu.memory_space<hbm>> -> memref<2x128xi32, #tpu.memory_space<hbm>>
          tpu.wait_dma2 semaphore(%run_scoped3A_150 : memref<!tpu.dma_semaphore, #tpu.memory_space<semaphore_mem>>) src(%dma_wait3A_166 : memref<2x128xi32, #tpu.memory_space<hbm>>) dst(%arg6 : memref<2x128xi32, #tpu.memory_space<vmem>>)
          tpu.yield
        }) : () -> ()
        %dma_start3A_143 = arith.constant 0 : i32
        %dma_start3A_144 = arith.constant 0 : i32
        %dma_start3A_145 = tpu.memref_slice %arg6[%dma_start3A_143, %dma_start3A_144] : memref<2x128xi32, #tpu.memory_space<vmem>> -> memref<1x128xi32, #tpu.memory_space<vmem>>
        %dma_start3A_146 = tpu.memref_squeeze %dma_start3A_145 : memref<1x128xi32, #tpu.memory_space<vmem>> -> memref<128xi32, #tpu.memory_space<vmem>>
        %dma_start3A_147 = arith.constant 0 : i32
        %dma_start3A_148 = arith.constant 0 : i32
        %dma_start3A_149 = tpu.memref_slice %arg2[%dma_start3A_147, %dma_start3A_148] : memref<10000x128xf32, #tpu.memory_space<hbm>> -> memref<10000x128xf32, #tpu.memory_space<hbm>>
        tpu.enqueue_indirect_dma source(%dma_start3A_149 : memref<10000x128xf32, #tpu.memory_space<hbm>>) target(%arg9 : memref<128x128xf32, #tpu.memory_space<vmem>>) offsets(%dma_start3A_146 : memref<128xi32, #tpu.memory_space<vmem>>) semaphore(%arg13 : memref<!tpu.dma_semaphore, #tpu.memory_space<semaphore_mem>>)
      } else {
      }
      %mul3A_111 = arith.constant 3 : i32
      %mul3A_112 = arith.muli %mul3A_111, %scan3A_50 : i32
      %add3A_113 = arith.constant 2 : i32
      %add3A_114 = arith.addi %mul3A_112, %add3A_113 : i32
      %dma_wait3A_115 = arith.constant 0 : i32
      %dma_wait3A_116 = arith.constant 0 : i32
      %dma_wait3A_117 = tpu.memref_slice %arg8[%dma_wait3A_115, %dma_wait3A_116] : memref<2x128xi32, #tpu.memory_space<vmem>> -> memref<1x128xi32, #tpu.memory_space<vmem>>
      %dma_wait3A_118 = tpu.memref_squeeze %dma_wait3A_117 : memref<1x128xi32, #tpu.memory_space<vmem>> -> memref<128xi32, #tpu.memory_space<vmem>>
      %dma_wait3A_119 = arith.constant 0 : i32
      %dma_wait3A_120 = arith.constant 0 : i32
      %dma_wait3A_121 = tpu.memref_slice %arg2[%dma_wait3A_119, %dma_wait3A_120] : memref<10000x128xf32, #tpu.memory_space<hbm>> -> memref<10000x128xf32, #tpu.memory_space<hbm>>
      tpu.wait_indirect_dma semaphore(%arg13 : memref<!tpu.dma_semaphore, #tpu.memory_space<semaphore_mem>>) src(%dma_wait3A_121 : memref<10000x128xf32, #tpu.memory_space<hbm>>) dst(%arg11 : memref<128x128xf32, #tpu.memory_space<vmem>>)
      %dma_start3A_122 = arith.constant 1 : i32
      %dma_start3A_123 = arith.constant 0 : i32
      %dma_start3A_124 = tpu.memref_slice %arg8[%dma_start3A_122, %dma_start3A_123] : memref<2x128xi32, #tpu.memory_space<vmem>> -> memref<1x128xi32, #tpu.memory_space<vmem>>
      %dma_start3A_125 = tpu.memref_squeeze %dma_start3A_124 : memref<1x128xi32, #tpu.memory_space<vmem>> -> memref<128xi32, #tpu.memory_space<vmem>>
      %dma_start3A_126 = arith.constant 0 : i32
      %dma_start3A_127 = arith.constant 0 : i32
      %dma_start3A_128 = tpu.memref_slice %arg12[%dma_start3A_126, %dma_start3A_127] : memref<10064x128xf32, #tpu.memory_space<vmem_shared>> -> memref<10064x128xf32, #tpu.memory_space<vmem_shared>>
      tpu.enqueue_indirect_dma source(%arg11 : memref<128x128xf32, #tpu.memory_space<vmem>>) target(%dma_start3A_128 : memref<10064x128xf32, #tpu.memory_space<vmem_shared>>) offsets(%dma_start3A_125 : memref<128xi32, #tpu.memory_space<vmem>>) semaphore(%arg14 : memref<!tpu.dma_semaphore, #tpu.memory_space<semaphore_mem>>) {add = true}
      %dma_wait3A_129 = arith.constant 1 : i32
      %dma_wait3A_130 = arith.constant 0 : i32
      %dma_wait3A_131 = tpu.memref_slice %arg7[%dma_wait3A_129, %dma_wait3A_130] : memref<2x128xi32, #tpu.memory_space<vmem>> -> memref<1x128xi32, #tpu.memory_space<vmem>>
      %dma_wait3A_132 = tpu.memref_squeeze %dma_wait3A_131 : memref<1x128xi32, #tpu.memory_space<vmem>> -> memref<128xi32, #tpu.memory_space<vmem>>
      %dma_wait3A_133 = arith.constant 0 : i32
      %dma_wait3A_134 = arith.constant 0 : i32
      %dma_wait3A_135 = tpu.memref_slice %arg12[%dma_wait3A_133, %dma_wait3A_134] : memref<10064x128xf32, #tpu.memory_space<vmem_shared>> -> memref<10064x128xf32, #tpu.memory_space<vmem_shared>>
      tpu.wait_indirect_dma semaphore(%arg14 : memref<!tpu.dma_semaphore, #tpu.memory_space<semaphore_mem>>) src(%arg10 : memref<128x128xf32, #tpu.memory_space<vmem>>) dst(%dma_wait3A_135 : memref<10064x128xf32, #tpu.memory_space<vmem_shared>>)
      %lt3A_136 = arith.constant 26 : i32
      %lt3A_137 = arith.cmpi slt, %scan3A_50, %lt3A_136 : i32
      %convert_element_type3A_138 = arith.extui %lt3A_137 : i1 to i32
      %cond3A_139 = arith.constant 0 : i32
      %cond3A_140 = arith.cmpi ne, %convert_element_type3A_138, %cond3A_139 : i32
      scf.if %cond3A_140 {
        %add3A_141 = arith.constant 2 : i32
        %add3A_142 = arith.addi %add3A_114, %add3A_141 : i32
        "tpu.region"() ({
          %run_scoped3A_150 = tpu.sem_alloc : memref<!tpu.dma_semaphore, #tpu.memory_space<semaphore_mem>>
          %dma_start3A_151 = arith.constant 0 : i32
          %dma_start3A_152 = arith.constant 0 : i32
          %dma_start3A_153 = tpu.memref_slice %arg3[%add3A, %add3A_142, %dma_start3A_151, %dma_start3A_152] : memref<32x81x2x128xi32, #tpu.memory_space<hbm>> -> memref<1x1x2x128xi32, #tpu.memory_space<hbm>>
          %dma_start3A_154 = tpu.memref_squeeze %dma_start3A_153 : memref<1x1x2x128xi32, #tpu.memory_space<hbm>> -> memref<2x128xi32, #tpu.memory_space<hbm>>
          %dma_start3A_155 = arith.constant 0 : i32
          %dma_start3A_156 = arith.constant 0 : i32
          %dma_start3A_157 = tpu.memref_slice %arg3[%add3A, %add3A_142, %dma_start3A_155, %dma_start3A_156] : memref<32x81x2x128xi32, #tpu.memory_space<hbm>> -> memref<1x1x2x128xi32, #tpu.memory_space<hbm>>
          %dma_start3A_158 = tpu.memref_squeeze %dma_start3A_157 : memref<1x1x2x128xi32, #tpu.memory_space<hbm>> -> memref<2x128xi32, #tpu.memory_space<hbm>>
          tpu.enqueue_dma source(%dma_start3A_158 : memref<2x128xi32, #tpu.memory_space<hbm>>) target(%arg7 : memref<2x128xi32, #tpu.memory_space<vmem>>) target_semaphore(%run_scoped3A_150 : memref<!tpu.dma_semaphore, #tpu.memory_space<semaphore_mem>>)
          %dma_wait3A_159 = arith.constant 0 : i32
          %dma_wait3A_160 = arith.constant 0 : i32
          %dma_wait3A_161 = tpu.memref_slice %arg3[%add3A, %add3A_142, %dma_wait3A_159, %dma_wait3A_160] : memref<32x81x2x128xi32, #tpu.memory_space<hbm>> -> memref<1x1x2x128xi32, #tpu.memory_space<hbm>>
          %dma_wait3A_162 = tpu.memref_squeeze %dma_wait3A_161 : memref<1x1x2x128xi32, #tpu.memory_space<hbm>> -> memref<2x128xi32, #tpu.memory_space<hbm>>
          %dma_wait3A_163 = arith.constant 0 : i32
          %dma_wait3A_164 = arith.constant 0 : i32
          %dma_wait3A_165 = tpu.memref_slice %arg3[%add3A, %add3A_142, %dma_wait3A_163, %dma_wait3A_164] : memref<32x81x2x128xi32, #tpu.memory_space<hbm>> -> memref<1x1x2x128xi32, #tpu.memory_space<hbm>>
          %dma_wait3A_166 = tpu.memref_squeeze %dma_wait3A_165 : memref<1x1x2x128xi32, #tpu.memory_space<hbm>> -> memref<2x128xi32, #tpu.memory_space<hbm>>
          tpu.wait_dma2 semaphore(%run_scoped3A_150 : memref<!tpu.dma_semaphore, #tpu.memory_space<semaphore_mem>>) src(%dma_wait3A_166 : memref<2x128xi32, #tpu.memory_space<hbm>>) dst(%arg7 : memref<2x128xi32, #tpu.memory_space<vmem>>)
          tpu.yield
        }) : () -> ()
        %dma_start3A_143 = arith.constant 0 : i32
        %dma_start3A_144 = arith.constant 0 : i32
        %dma_start3A_145 = tpu.memref_slice %arg7[%dma_start3A_143, %dma_start3A_144] : memref<2x128xi32, #tpu.memory_space<vmem>> -> memref<1x128xi32, #tpu.memory_space<vmem>>
        %dma_start3A_146 = tpu.memref_squeeze %dma_start3A_145 : memref<1x128xi32, #tpu.memory_space<vmem>> -> memref<128xi32, #tpu.memory_space<vmem>>
        %dma_start3A_147 = arith.constant 0 : i32
        %dma_start3A_148 = arith.constant 0 : i32
        %dma_start3A_149 = tpu.memref_slice %arg2[%dma_start3A_147, %dma_start3A_148] : memref<10000x128xf32, #tpu.memory_space<hbm>> -> memref<10000x128xf32, #tpu.memory_space<hbm>>
        tpu.enqueue_indirect_dma source(%dma_start3A_149 : memref<10000x128xf32, #tpu.memory_space<hbm>>) target(%arg10 : memref<128x128xf32, #tpu.memory_space<vmem>>) offsets(%dma_start3A_146 : memref<128xi32, #tpu.memory_space<vmem>>) semaphore(%arg13 : memref<!tpu.dma_semaphore, #tpu.memory_space<semaphore_mem>>)
      } else {
      }
    }
    %scan3A_33 = arith.constant 27 : i32
    %dma_wait3A = arith.constant 1 : i32
    %dma_wait3A_34 = arith.constant 0 : i32
    %dma_wait3A_35 = tpu.memref_slice %arg8[%dma_wait3A, %dma_wait3A_34] : memref<2x128xi32, #tpu.memory_space<vmem>> -> memref<1x128xi32, #tpu.memory_space<vmem>>
    %dma_wait3A_36 = tpu.memref_squeeze %dma_wait3A_35 : memref<1x128xi32, #tpu.memory_space<vmem>> -> memref<128xi32, #tpu.memory_space<vmem>>
    %dma_wait3A_37 = arith.constant 0 : i32
    %dma_wait3A_38 = arith.constant 0 : i32
    %dma_wait3A_39 = tpu.memref_slice %arg12[%dma_wait3A_37, %dma_wait3A_38] : memref<10064x128xf32, #tpu.memory_space<vmem_shared>> -> memref<10064x128xf32, #tpu.memory_space<vmem_shared>>
    tpu.wait_indirect_dma semaphore(%arg14 : memref<!tpu.dma_semaphore, #tpu.memory_space<semaphore_mem>>) src(%arg11 : memref<128x128xf32, #tpu.memory_space<vmem>>) dst(%dma_wait3A_39 : memref<10064x128xf32, #tpu.memory_space<vmem_shared>>)
    %barrier3A_40 = arith.constant 0 : index
    tpu.barrier barrier_id(%barrier3A_40)
    %mul3A_41 = arith.constant 624 : i32
    %mul3A_42 = arith.muli %arg1, %mul3A_41 : i32
    %mul3A_43 = arith.constant 624 : i32
    %mul3A_44 = arith.muli %arg1, %mul3A_43 : i32
    "tpu.region"() ({
      %run_scoped3A_50 = tpu.sem_alloc : memref<!tpu.dma_semaphore, #tpu.memory_space<semaphore_mem>>
      %dma_start3A_51 = arith.constant 0 : i32
      %dma_start3A_52 = tpu.memref_slice %arg5[%arg0, %mul3A_44, %dma_start3A_51] : memref<2x10000x128xf32, #tpu.memory_space<hbm>> -> memref<1x624x128xf32, #tpu.memory_space<hbm>>
      %dma_start3A_53 = tpu.memref_squeeze %dma_start3A_52 : memref<1x624x128xf32, #tpu.memory_space<hbm>> -> memref<624x128xf32, #tpu.memory_space<hbm>>
      %dma_start3A_54 = arith.constant 0 : i32
      %dma_start3A_55 = tpu.memref_slice %arg12[%mul3A_42, %dma_start3A_54] : memref<10064x128xf32, #tpu.memory_space<vmem_shared>> -> memref<624x128xf32, #tpu.memory_space<vmem_shared>>
      tpu.enqueue_dma source(%dma_start3A_55 : memref<624x128xf32, #tpu.memory_space<vmem_shared>>) target(%dma_start3A_53 : memref<624x128xf32, #tpu.memory_space<hbm>>) target_semaphore(%run_scoped3A_50 : memref<!tpu.dma_semaphore, #tpu.memory_space<semaphore_mem>>)
      %dma_wait3A_56 = arith.constant 0 : i32
      %dma_wait3A_57 = tpu.memref_slice %arg5[%arg0, %mul3A_44, %dma_wait3A_56] : memref<2x10000x128xf32, #tpu.memory_space<hbm>> -> memref<1x624x128xf32, #tpu.memory_space<hbm>>
      %dma_wait3A_58 = tpu.memref_squeeze %dma_wait3A_57 : memref<1x624x128xf32, #tpu.memory_space<hbm>> -> memref<624x128xf32, #tpu.memory_space<hbm>>
      %dma_wait3A_59 = arith.constant 0 : i32
      %dma_wait3A_60 = tpu.memref_slice %arg12[%mul3A_42, %dma_wait3A_59] : memref<10064x128xf32, #tpu.memory_space<vmem_shared>> -> memref<624x128xf32, #tpu.memory_space<vmem_shared>>
      tpu.wait_dma2 semaphore(%run_scoped3A_50 : memref<!tpu.dma_semaphore, #tpu.memory_space<semaphore_mem>>) src(%dma_wait3A_60 : memref<624x128xf32, #tpu.memory_space<vmem_shared>>) dst(%dma_wait3A_58 : memref<624x128xf32, #tpu.memory_space<hbm>>)
      tpu.yield
    }) : () -> ()
    %eq3A_45 = arith.constant 0 : i32
    %eq3A_46 = arith.cmpi eq, %arg1, %eq3A_45 : i32
    %convert_element_type3A_47 = arith.extui %eq3A_46 : i1 to i32
    %cond3A_48 = arith.constant 0 : i32
    %cond3A_49 = arith.cmpi ne, %convert_element_type3A_47, %cond3A_48 : i32
    scf.if %cond3A_49 {
      "tpu.region"() ({
        %run_scoped3A_50 = tpu.sem_alloc : memref<!tpu.dma_semaphore, #tpu.memory_space<semaphore_mem>>
        %dma_start3A_51 = arith.constant 9984 : i32
        %dma_start3A_52 = arith.constant 0 : i32
        %dma_start3A_53 = tpu.memref_slice %arg5[%arg0, %dma_start3A_51, %dma_start3A_52] : memref<2x10000x128xf32, #tpu.memory_space<hbm>> -> memref<1x16x128xf32, #tpu.memory_space<hbm>>
        %dma_start3A_54 = tpu.memref_squeeze %dma_start3A_53 : memref<1x16x128xf32, #tpu.memory_space<hbm>> -> memref<16x128xf32, #tpu.memory_space<hbm>>
        %dma_start3A_55 = arith.constant 9984 : i32
        %dma_start3A_56 = arith.constant 0 : i32
        %dma_start3A_57 = tpu.memref_slice %arg12[%dma_start3A_55, %dma_start3A_56] : memref<10064x128xf32, #tpu.memory_space<vmem_shared>> -> memref<16x128xf32, #tpu.memory_space<vmem_shared>>
        tpu.enqueue_dma source(%dma_start3A_57 : memref<16x128xf32, #tpu.memory_space<vmem_shared>>) target(%dma_start3A_54 : memref<16x128xf32, #tpu.memory_space<hbm>>) target_semaphore(%run_scoped3A_50 : memref<!tpu.dma_semaphore, #tpu.memory_space<semaphore_mem>>)
        %dma_wait3A_58 = arith.constant 9984 : i32
        %dma_wait3A_59 = arith.constant 0 : i32
        %dma_wait3A_60 = tpu.memref_slice %arg5[%arg0, %dma_wait3A_58, %dma_wait3A_59] : memref<2x10000x128xf32, #tpu.memory_space<hbm>> -> memref<1x16x128xf32, #tpu.memory_space<hbm>>
        %dma_wait3A_61 = tpu.memref_squeeze %dma_wait3A_60 : memref<1x16x128xf32, #tpu.memory_space<hbm>> -> memref<16x128xf32, #tpu.memory_space<hbm>>
        %dma_wait3A_62 = arith.constant 9984 : i32
        %dma_wait3A_63 = arith.constant 0 : i32
        %dma_wait3A_64 = tpu.memref_slice %arg12[%dma_wait3A_62, %dma_wait3A_63] : memref<10064x128xf32, #tpu.memory_space<vmem_shared>> -> memref<16x128xf32, #tpu.memory_space<vmem_shared>>
        tpu.wait_dma2 semaphore(%run_scoped3A_50 : memref<!tpu.dma_semaphore, #tpu.memory_space<semaphore_mem>>) src(%dma_wait3A_64 : memref<16x128xf32, #tpu.memory_space<vmem_shared>>) dst(%dma_wait3A_61 : memref<16x128xf32, #tpu.memory_space<hbm>>)
        tpu.yield
      }) : () -> ()
    } else {
    }
    return
  }
}

#map = affine_map<(d0, d1) -> (0, 0)>
#map1 = affine_map<(d0, d1) -> (0, 0, 0, 0)>
#map2 = affine_map<(d0, d1) -> (0, 0, 0)>
module attributes {stable_mosaic.version = 14 : i64} {
  func.func @sc_edge_agg(%arg0: i32, %arg1: i32, %arg2: memref<10000x128xf32, #tpu.memory_space<hbm>>, %arg3: memref<32x81x2x128xi32, #tpu.memory_space<hbm>>, %arg4: memref<208x128xf32, #tpu.memory_space<hbm>>, %arg5: memref<2x10000x128xf32, #tpu.memory_space<hbm>>, %arg6: memref<2x128xi32, #tpu.memory_space<vmem>>, %arg7: memref<2x128xi32, #tpu.memory_space<vmem>>, %arg8: memref<2x128xi32, #tpu.memory_space<vmem>>, %arg9: memref<128x128xf32, #tpu.memory_space<vmem>>, %arg10: memref<128x128xf32, #tpu.memory_space<vmem>>, %arg11: memref<128x128xf32, #tpu.memory_space<vmem>>, %arg12: memref<10064x128xf32, #tpu.memory_space<vmem_shared>>, %arg13: memref<!tpu.dma_semaphore, #tpu.memory_space<semaphore_mem>>, %arg14: memref<!tpu.dma_semaphore, #tpu.memory_space<semaphore_mem>>) attributes {dimension_semantics = [#tpu.dimension_semantics<core_parallel>, #tpu.dimension_semantics<subcore_parallel>], iteration_bounds = array<i64: 2, 16>, scalar_prefetch = 0 : i64, scratch_operands = 9 : i64, tpu.core_type = #tpu.core_type<sc_vector_subcore>, window_params = [{transform_indices = #map}, {transform_indices = #map1}, {transform_indices = #map}, {transform_indices = #map2}]} {
    %mul3A = arith.constant 16 : i32
    %mul3A_0 = arith.muli %arg0, %mul3A : i32
    %add3A = arith.addi %mul3A_0, %arg1 : i32
    %mul3A_1 = arith.constant 624 : i32
    %mul3A_2 = arith.muli %arg1, %mul3A_1 : i32
    %add3A_3 = arith.constant 0 : i32
    %add3A_4 = arith.addi %mul3A_2, %add3A_3 : i32
    "tpu.region"() ({
      %run_scoped3A_50 = tpu.sem_alloc : memref<!tpu.dma_semaphore, #tpu.memory_space<semaphore_mem>>
      %dma_start3A_51 = arith.constant 0 : i32
      %dma_start3A_52 = tpu.memref_slice %arg12[%add3A_4, %dma_start3A_51] : memref<10064x128xf32, #tpu.memory_space<vmem_shared>> -> memref<208x128xf32, #tpu.memory_space<vmem_shared>>
      tpu.enqueue_dma source(%arg4 : memref<208x128xf32, #tpu.memory_space<hbm>>) target(%dma_start3A_52 : memref<208x128xf32, #tpu.memory_space<vmem_shared>>) target_semaphore(%run_scoped3A_50 : memref<!tpu.dma_semaphore, #tpu.memory_space<semaphore_mem>>)
      %dma_wait3A_53 = arith.constant 0 : i32
      %dma_wait3A_54 = tpu.memref_slice %arg12[%add3A_4, %dma_wait3A_53] : memref<10064x128xf32, #tpu.memory_space<vmem_shared>> -> memref<208x128xf32, #tpu.memory_space<vmem_shared>>
      tpu.wait_dma2 semaphore(%run_scoped3A_50 : memref<!tpu.dma_semaphore, #tpu.memory_space<semaphore_mem>>) src(%arg4 : memref<208x128xf32, #tpu.memory_space<hbm>>) dst(%dma_wait3A_54 : memref<208x128xf32, #tpu.memory_space<vmem_shared>>)
      tpu.yield
    }) : () -> ()
    %mul3A_5 = arith.constant 624 : i32
    %mul3A_6 = arith.muli %arg1, %mul3A_5 : i32
    %add3A_7 = arith.constant 208 : i32
    %add3A_8 = arith.addi %mul3A_6, %add3A_7 : i32
    "tpu.region"() ({
      %run_scoped3A_50 = tpu.sem_alloc : memref<!tpu.dma_semaphore, #tpu.memory_space<semaphore_mem>>
      %dma_start3A_51 = arith.constant 0 : i32
      %dma_start3A_52 = tpu.memref_slice %arg12[%add3A_8, %dma_start3A_51] : memref<10064x128xf32, #tpu.memory_space<vmem_shared>> -> memref<208x128xf32, #tpu.memory_space<vmem_shared>>
      tpu.enqueue_dma source(%arg4 : memref<208x128xf32, #tpu.memory_space<hbm>>) target(%dma_start3A_52 : memref<208x128xf32, #tpu.memory_space<vmem_shared>>) target_semaphore(%run_scoped3A_50 : memref<!tpu.dma_semaphore, #tpu.memory_space<semaphore_mem>>)
      %dma_wait3A_53 = arith.constant 0 : i32
      %dma_wait3A_54 = tpu.memref_slice %arg12[%add3A_8, %dma_wait3A_53] : memref<10064x128xf32, #tpu.memory_space<vmem_shared>> -> memref<208x128xf32, #tpu.memory_space<vmem_shared>>
      tpu.wait_dma2 semaphore(%run_scoped3A_50 : memref<!tpu.dma_semaphore, #tpu.memory_space<semaphore_mem>>) src(%arg4 : memref<208x128xf32, #tpu.memory_space<hbm>>) dst(%dma_wait3A_54 : memref<208x128xf32, #tpu.memory_space<vmem_shared>>)
      tpu.yield
    }) : () -> ()
    %mul3A_9 = arith.constant 624 : i32
    %mul3A_10 = arith.muli %arg1, %mul3A_9 : i32
    %add3A_11 = arith.constant 416 : i32
    %add3A_12 = arith.addi %mul3A_10, %add3A_11 : i32
    "tpu.region"() ({
      %run_scoped3A_50 = tpu.sem_alloc : memref<!tpu.dma_semaphore, #tpu.memory_space<semaphore_mem>>
      %dma_start3A_51 = arith.constant 0 : i32
      %dma_start3A_52 = tpu.memref_slice %arg12[%add3A_12, %dma_start3A_51] : memref<10064x128xf32, #tpu.memory_space<vmem_shared>> -> memref<208x128xf32, #tpu.memory_space<vmem_shared>>
      tpu.enqueue_dma source(%arg4 : memref<208x128xf32, #tpu.memory_space<hbm>>) target(%dma_start3A_52 : memref<208x128xf32, #tpu.memory_space<vmem_shared>>) target_semaphore(%run_scoped3A_50 : memref<!tpu.dma_semaphore, #tpu.memory_space<semaphore_mem>>)
      %dma_wait3A_53 = arith.constant 0 : i32
      %dma_wait3A_54 = tpu.memref_slice %arg12[%add3A_12, %dma_wait3A_53] : memref<10064x128xf32, #tpu.memory_space<vmem_shared>> -> memref<208x128xf32, #tpu.memory_space<vmem_shared>>
      tpu.wait_dma2 semaphore(%run_scoped3A_50 : memref<!tpu.dma_semaphore, #tpu.memory_space<semaphore_mem>>) src(%arg4 : memref<208x128xf32, #tpu.memory_space<hbm>>) dst(%dma_wait3A_54 : memref<208x128xf32, #tpu.memory_space<vmem_shared>>)
      tpu.yield
    }) : () -> ()
    %eq3A = arith.constant 0 : i32
    %eq3A_13 = arith.cmpi eq, %arg1, %eq3A : i32
    %convert_element_type3A = arith.extui %eq3A_13 : i1 to i32
    %cond3A = arith.constant 0 : i32
    %cond3A_14 = arith.cmpi ne, %convert_element_type3A, %cond3A : i32
    scf.if %cond3A_14 {
      "tpu.region"() ({
        %run_scoped3A_50 = tpu.sem_alloc : memref<!tpu.dma_semaphore, #tpu.memory_space<semaphore_mem>>
        %dma_start3A_51 = arith.constant 9984 : i32
        %dma_start3A_52 = arith.constant 0 : i32
        %dma_start3A_53 = tpu.memref_slice %arg12[%dma_start3A_51, %dma_start3A_52] : memref<10064x128xf32, #tpu.memory_space<vmem_shared>> -> memref<16x128xf32, #tpu.memory_space<vmem_shared>>
        %dma_start3A_54 = arith.constant 0 : i32
        %dma_start3A_55 = arith.constant 0 : i32
        %dma_start3A_56 = tpu.memref_slice %arg4[%dma_start3A_54, %dma_start3A_55] : memref<208x128xf32, #tpu.memory_space<hbm>> -> memref<16x128xf32, #tpu.memory_space<hbm>>
        tpu.enqueue_dma source(%dma_start3A_56 : memref<16x128xf32, #tpu.memory_space<hbm>>) target(%dma_start3A_53 : memref<16x128xf32, #tpu.memory_space<vmem_shared>>) target_semaphore(%run_scoped3A_50 : memref<!tpu.dma_semaphore, #tpu.memory_space<semaphore_mem>>)
        %dma_wait3A_57 = arith.constant 9984 : i32
        %dma_wait3A_58 = arith.constant 0 : i32
        %dma_wait3A_59 = tpu.memref_slice %arg12[%dma_wait3A_57, %dma_wait3A_58] : memref<10064x128xf32, #tpu.memory_space<vmem_shared>> -> memref<16x128xf32, #tpu.memory_space<vmem_shared>>
        %dma_wait3A_60 = arith.constant 0 : i32
        %dma_wait3A_61 = arith.constant 0 : i32
        %dma_wait3A_62 = tpu.memref_slice %arg4[%dma_wait3A_60, %dma_wait3A_61] : memref<208x128xf32, #tpu.memory_space<hbm>> -> memref<16x128xf32, #tpu.memory_space<hbm>>
        tpu.wait_dma2 semaphore(%run_scoped3A_50 : memref<!tpu.dma_semaphore, #tpu.memory_space<semaphore_mem>>) src(%dma_wait3A_62 : memref<16x128xf32, #tpu.memory_space<hbm>>) dst(%dma_wait3A_59 : memref<16x128xf32, #tpu.memory_space<vmem_shared>>)
        tpu.yield
      }) : () -> ()
    } else {
    }
    %barrier3A = arith.constant 0 : index
    tpu.barrier barrier_id(%barrier3A)
    %run_scoped3A = arith.constant 0 : i32
    "tpu.region"() ({
      %run_scoped3A_50 = tpu.sem_alloc : memref<!tpu.dma_semaphore, #tpu.memory_space<semaphore_mem>>
      %dma_start3A_51 = arith.constant 0 : i32
      %dma_start3A_52 = arith.constant 0 : i32
      %dma_start3A_53 = tpu.memref_slice %arg3[%add3A, %run_scoped3A, %dma_start3A_51, %dma_start3A_52] : memref<32x81x2x128xi32, #tpu.memory_space<hbm>> -> memref<1x1x2x128xi32, #tpu.memory_space<hbm>>
      %dma_start3A_54 = tpu.memref_squeeze %dma_start3A_53 : memref<1x1x2x128xi32, #tpu.memory_space<hbm>> -> memref<2x128xi32, #tpu.memory_space<hbm>>
      %dma_start3A_55 = arith.constant 0 : i32
      %dma_start3A_56 = arith.constant 0 : i32
      %dma_start3A_57 = tpu.memref_slice %arg3[%add3A, %run_scoped3A, %dma_start3A_55, %dma_start3A_56] : memref<32x81x2x128xi32, #tpu.memory_space<hbm>> -> memref<1x1x2x128xi32, #tpu.memory_space<hbm>>
      %dma_start3A_58 = tpu.memref_squeeze %dma_start3A_57 : memref<1x1x2x128xi32, #tpu.memory_space<hbm>> -> memref<2x128xi32, #tpu.memory_space<hbm>>
      tpu.enqueue_dma source(%dma_start3A_58 : memref<2x128xi32, #tpu.memory_space<hbm>>) target(%arg6 : memref<2x128xi32, #tpu.memory_space<vmem>>) target_semaphore(%run_scoped3A_50 : memref<!tpu.dma_semaphore, #tpu.memory_space<semaphore_mem>>)
      %dma_wait3A_59 = arith.constant 0 : i32
      %dma_wait3A_60 = arith.constant 0 : i32
      %dma_wait3A_61 = tpu.memref_slice %arg3[%add3A, %run_scoped3A, %dma_wait3A_59, %dma_wait3A_60] : memref<32x81x2x128xi32, #tpu.memory_space<hbm>> -> memref<1x1x2x128xi32, #tpu.memory_space<hbm>>
      %dma_wait3A_62 = tpu.memref_squeeze %dma_wait3A_61 : memref<1x1x2x128xi32, #tpu.memory_space<hbm>> -> memref<2x128xi32, #tpu.memory_space<hbm>>
      %dma_wait3A_63 = arith.constant 0 : i32
      %dma_wait3A_64 = arith.constant 0 : i32
      %dma_wait3A_65 = tpu.memref_slice %arg3[%add3A, %run_scoped3A, %dma_wait3A_63, %dma_wait3A_64] : memref<32x81x2x128xi32, #tpu.memory_space<hbm>> -> memref<1x1x2x128xi32, #tpu.memory_space<hbm>>
      %dma_wait3A_66 = tpu.memref_squeeze %dma_wait3A_65 : memref<1x1x2x128xi32, #tpu.memory_space<hbm>> -> memref<2x128xi32, #tpu.memory_space<hbm>>
      tpu.wait_dma2 semaphore(%run_scoped3A_50 : memref<!tpu.dma_semaphore, #tpu.memory_space<semaphore_mem>>) src(%dma_wait3A_66 : memref<2x128xi32, #tpu.memory_space<hbm>>) dst(%arg6 : memref<2x128xi32, #tpu.memory_space<vmem>>)
      tpu.yield
    }) : () -> ()
    %dma_start3A = arith.constant 0 : i32
    %dma_start3A_15 = arith.constant 0 : i32
    %dma_start3A_16 = tpu.memref_slice %arg6[%dma_start3A, %dma_start3A_15] : memref<2x128xi32, #tpu.memory_space<vmem>> -> memref<1x128xi32, #tpu.memory_space<vmem>>
    %dma_start3A_17 = tpu.memref_squeeze %dma_start3A_16 : memref<1x128xi32, #tpu.memory_space<vmem>> -> memref<128xi32, #tpu.memory_space<vmem>>
    %dma_start3A_18 = arith.constant 0 : i32
    %dma_start3A_19 = arith.constant 0 : i32
    %dma_start3A_20 = tpu.memref_slice %arg2[%dma_start3A_18, %dma_start3A_19] : memref<10000x128xf32, #tpu.memory_space<hbm>> -> memref<10000x128xf32, #tpu.memory_space<hbm>>
    tpu.enqueue_indirect_dma source(%dma_start3A_20 : memref<10000x128xf32, #tpu.memory_space<hbm>>) target(%arg9 : memref<128x128xf32, #tpu.memory_space<vmem>>) offsets(%dma_start3A_17 : memref<128xi32, #tpu.memory_space<vmem>>) semaphore(%arg13 : memref<!tpu.dma_semaphore, #tpu.memory_space<semaphore_mem>>)
    %run_scoped3A_21 = arith.constant 1 : i32
    "tpu.region"() ({
      %run_scoped3A_50 = tpu.sem_alloc : memref<!tpu.dma_semaphore, #tpu.memory_space<semaphore_mem>>
      %dma_start3A_51 = arith.constant 0 : i32
      %dma_start3A_52 = arith.constant 0 : i32
      %dma_start3A_53 = tpu.memref_slice %arg3[%add3A, %run_scoped3A_21, %dma_start3A_51, %dma_start3A_52] : memref<32x81x2x128xi32, #tpu.memory_space<hbm>> -> memref<1x1x2x128xi32, #tpu.memory_space<hbm>>
      %dma_start3A_54 = tpu.memref_squeeze %dma_start3A_53 : memref<1x1x2x128xi32, #tpu.memory_space<hbm>> -> memref<2x128xi32, #tpu.memory_space<hbm>>
      %dma_start3A_55 = arith.constant 0 : i32
      %dma_start3A_56 = arith.constant 0 : i32
      %dma_start3A_57 = tpu.memref_slice %arg3[%add3A, %run_scoped3A_21, %dma_start3A_55, %dma_start3A_56] : memref<32x81x2x128xi32, #tpu.memory_space<hbm>> -> memref<1x1x2x128xi32, #tpu.memory_space<hbm>>
      %dma_start3A_58 = tpu.memref_squeeze %dma_start3A_57 : memref<1x1x2x128xi32, #tpu.memory_space<hbm>> -> memref<2x128xi32, #tpu.memory_space<hbm>>
      tpu.enqueue_dma source(%dma_start3A_58 : memref<2x128xi32, #tpu.memory_space<hbm>>) target(%arg7 : memref<2x128xi32, #tpu.memory_space<vmem>>) target_semaphore(%run_scoped3A_50 : memref<!tpu.dma_semaphore, #tpu.memory_space<semaphore_mem>>)
      %dma_wait3A_59 = arith.constant 0 : i32
      %dma_wait3A_60 = arith.constant 0 : i32
      %dma_wait3A_61 = tpu.memref_slice %arg3[%add3A, %run_scoped3A_21, %dma_wait3A_59, %dma_wait3A_60] : memref<32x81x2x128xi32, #tpu.memory_space<hbm>> -> memref<1x1x2x128xi32, #tpu.memory_space<hbm>>
      %dma_wait3A_62 = tpu.memref_squeeze %dma_wait3A_61 : memref<1x1x2x128xi32, #tpu.memory_space<hbm>> -> memref<2x128xi32, #tpu.memory_space<hbm>>
      %dma_wait3A_63 = arith.constant 0 : i32
      %dma_wait3A_64 = arith.constant 0 : i32
      %dma_wait3A_65 = tpu.memref_slice %arg3[%add3A, %run_scoped3A_21, %dma_wait3A_63, %dma_wait3A_64] : memref<32x81x2x128xi32, #tpu.memory_space<hbm>> -> memref<1x1x2x128xi32, #tpu.memory_space<hbm>>
      %dma_wait3A_66 = tpu.memref_squeeze %dma_wait3A_65 : memref<1x1x2x128xi32, #tpu.memory_space<hbm>> -> memref<2x128xi32, #tpu.memory_space<hbm>>
      tpu.wait_dma2 semaphore(%run_scoped3A_50 : memref<!tpu.dma_semaphore, #tpu.memory_space<semaphore_mem>>) src(%dma_wait3A_66 : memref<2x128xi32, #tpu.memory_space<hbm>>) dst(%arg7 : memref<2x128xi32, #tpu.memory_space<vmem>>)
      tpu.yield
    }) : () -> ()
    %dma_start3A_22 = arith.constant 0 : i32
    %dma_start3A_23 = arith.constant 0 : i32
    %dma_start3A_24 = tpu.memref_slice %arg7[%dma_start3A_22, %dma_start3A_23] : memref<2x128xi32, #tpu.memory_space<vmem>> -> memref<1x128xi32, #tpu.memory_space<vmem>>
    %dma_start3A_25 = tpu.memref_squeeze %dma_start3A_24 : memref<1x128xi32, #tpu.memory_space<vmem>> -> memref<128xi32, #tpu.memory_space<vmem>>
    %dma_start3A_26 = arith.constant 0 : i32
    %dma_start3A_27 = arith.constant 0 : i32
    %dma_start3A_28 = tpu.memref_slice %arg2[%dma_start3A_26, %dma_start3A_27] : memref<10000x128xf32, #tpu.memory_space<hbm>> -> memref<10000x128xf32, #tpu.memory_space<hbm>>
    tpu.enqueue_indirect_dma source(%dma_start3A_28 : memref<10000x128xf32, #tpu.memory_space<hbm>>) target(%arg10 : memref<128x128xf32, #tpu.memory_space<vmem>>) offsets(%dma_start3A_25 : memref<128xi32, #tpu.memory_space<vmem>>) semaphore(%arg13 : memref<!tpu.dma_semaphore, #tpu.memory_space<semaphore_mem>>)
    %scan3A = arith.constant 0 : i32
    %scan3A_29 = arith.constant 0 : i32
    %scan3A_30 = arith.constant 27 : i32
    %scan3A_31 = arith.addi %scan3A_29, %scan3A_30 : i32
    %scan3A_32 = arith.constant 1 : i32
    scf.for %scan3A_50 = %scan3A_29 to %scan3A_31 step %scan3A_32  : i32 {
      %mul3A_51 = arith.constant 3 : i32
      %mul3A_52 = arith.muli %mul3A_51, %scan3A_50 : i32
      %add3A_53 = arith.constant 0 : i32
      %add3A_54 = arith.addi %mul3A_52, %add3A_53 : i32
      %dma_wait3A_55 = arith.constant 0 : i32
      %dma_wait3A_56 = arith.constant 0 : i32
      %dma_wait3A_57 = tpu.memref_slice %arg6[%dma_wait3A_55, %dma_wait3A_56] : memref<2x128xi32, #tpu.memory_space<vmem>> -> memref<1x128xi32, #tpu.memory_space<vmem>>
      %dma_wait3A_58 = tpu.memref_squeeze %dma_wait3A_57 : memref<1x128xi32, #tpu.memory_space<vmem>> -> memref<128xi32, #tpu.memory_space<vmem>>
      %dma_wait3A_59 = arith.constant 0 : i32
      %dma_wait3A_60 = arith.constant 0 : i32
      %dma_wait3A_61 = tpu.memref_slice %arg2[%dma_wait3A_59, %dma_wait3A_60] : memref<10000x128xf32, #tpu.memory_space<hbm>> -> memref<10000x128xf32, #tpu.memory_space<hbm>>
      tpu.wait_indirect_dma semaphore(%arg13 : memref<!tpu.dma_semaphore, #tpu.memory_space<semaphore_mem>>) src(%dma_wait3A_61 : memref<10000x128xf32, #tpu.memory_space<hbm>>) dst(%arg9 : memref<128x128xf32, #tpu.memory_space<vmem>>)
      %dma_start3A_62 = arith.constant 1 : i32
      %dma_start3A_63 = arith.constant 0 : i32
      %dma_start3A_64 = tpu.memref_slice %arg6[%dma_start3A_62, %dma_start3A_63] : memref<2x128xi32, #tpu.memory_space<vmem>> -> memref<1x128xi32, #tpu.memory_space<vmem>>
      %dma_start3A_65 = tpu.memref_squeeze %dma_start3A_64 : memref<1x128xi32, #tpu.memory_space<vmem>> -> memref<128xi32, #tpu.memory_space<vmem>>
      %dma_start3A_66 = arith.constant 0 : i32
      %dma_start3A_67 = arith.constant 0 : i32
      %dma_start3A_68 = tpu.memref_slice %arg12[%dma_start3A_66, %dma_start3A_67] : memref<10064x128xf32, #tpu.memory_space<vmem_shared>> -> memref<10064x128xf32, #tpu.memory_space<vmem_shared>>
      tpu.enqueue_indirect_dma source(%arg9 : memref<128x128xf32, #tpu.memory_space<vmem>>) target(%dma_start3A_68 : memref<10064x128xf32, #tpu.memory_space<vmem_shared>>) offsets(%dma_start3A_65 : memref<128xi32, #tpu.memory_space<vmem>>) semaphore(%arg14 : memref<!tpu.dma_semaphore, #tpu.memory_space<semaphore_mem>>) {add = true}
      %gt3A = arith.constant 0 : i32
      %gt3A_69 = arith.cmpi sgt, %scan3A_50, %gt3A : i32
      %convert_element_type3A_70 = arith.extui %gt3A_69 : i1 to i32
      %cond3A_71 = arith.constant 0 : i32
      %cond3A_72 = arith.cmpi ne, %convert_element_type3A_70, %cond3A_71 : i32
      scf.if %cond3A_72 {
        %dma_wait3A_141 = arith.constant 1 : i32
        %dma_wait3A_142 = arith.constant 0 : i32
        %dma_wait3A_143 = tpu.memref_slice %arg8[%dma_wait3A_141, %dma_wait3A_142] : memref<2x128xi32, #tpu.memory_space<vmem>> -> memref<1x128xi32, #tpu.memory_space<vmem>>
        %dma_wait3A_144 = tpu.memref_squeeze %dma_wait3A_143 : memref<1x128xi32, #tpu.memory_space<vmem>> -> memref<128xi32, #tpu.memory_space<vmem>>
        %dma_wait3A_145 = arith.constant 0 : i32
        %dma_wait3A_146 = arith.constant 0 : i32
        %dma_wait3A_147 = tpu.memref_slice %arg12[%dma_wait3A_145, %dma_wait3A_146] : memref<10064x128xf32, #tpu.memory_space<vmem_shared>> -> memref<10064x128xf32, #tpu.memory_space<vmem_shared>>
        tpu.wait_indirect_dma semaphore(%arg14 : memref<!tpu.dma_semaphore, #tpu.memory_space<semaphore_mem>>) src(%arg11 : memref<128x128xf32, #tpu.memory_space<vmem>>) dst(%dma_wait3A_147 : memref<10064x128xf32, #tpu.memory_space<vmem_shared>>)
      } else {
      }
      %add3A_73 = arith.constant 2 : i32
      %add3A_74 = arith.addi %add3A_54, %add3A_73 : i32
      "tpu.region"() ({
        %run_scoped3A_141 = tpu.sem_alloc : memref<!tpu.dma_semaphore, #tpu.memory_space<semaphore_mem>>
        %dma_start3A_142 = arith.constant 0 : i32
        %dma_start3A_143 = arith.constant 0 : i32
        %dma_start3A_144 = tpu.memref_slice %arg3[%add3A, %add3A_74, %dma_start3A_142, %dma_start3A_143] : memref<32x81x2x128xi32, #tpu.memory_space<hbm>> -> memref<1x1x2x128xi32, #tpu.memory_space<hbm>>
        %dma_start3A_145 = tpu.memref_squeeze %dma_start3A_144 : memref<1x1x2x128xi32, #tpu.memory_space<hbm>> -> memref<2x128xi32, #tpu.memory_space<hbm>>
        %dma_start3A_146 = arith.constant 0 : i32
        %dma_start3A_147 = arith.constant 0 : i32
        %dma_start3A_148 = tpu.memref_slice %arg3[%add3A, %add3A_74, %dma_start3A_146, %dma_start3A_147] : memref<32x81x2x128xi32, #tpu.memory_space<hbm>> -> memref<1x1x2x128xi32, #tpu.memory_space<hbm>>
        %dma_start3A_149 = tpu.memref_squeeze %dma_start3A_148 : memref<1x1x2x128xi32, #tpu.memory_space<hbm>> -> memref<2x128xi32, #tpu.memory_space<hbm>>
        tpu.enqueue_dma source(%dma_start3A_149 : memref<2x128xi32, #tpu.memory_space<hbm>>) target(%arg8 : memref<2x128xi32, #tpu.memory_space<vmem>>) target_semaphore(%run_scoped3A_141 : memref<!tpu.dma_semaphore, #tpu.memory_space<semaphore_mem>>)
        %dma_wait3A_150 = arith.constant 0 : i32
        %dma_wait3A_151 = arith.constant 0 : i32
        %dma_wait3A_152 = tpu.memref_slice %arg3[%add3A, %add3A_74, %dma_wait3A_150, %dma_wait3A_151] : memref<32x81x2x128xi32, #tpu.memory_space<hbm>> -> memref<1x1x2x128xi32, #tpu.memory_space<hbm>>
        %dma_wait3A_153 = tpu.memref_squeeze %dma_wait3A_152 : memref<1x1x2x128xi32, #tpu.memory_space<hbm>> -> memref<2x128xi32, #tpu.memory_space<hbm>>
        %dma_wait3A_154 = arith.constant 0 : i32
        %dma_wait3A_155 = arith.constant 0 : i32
        %dma_wait3A_156 = tpu.memref_slice %arg3[%add3A, %add3A_74, %dma_wait3A_154, %dma_wait3A_155] : memref<32x81x2x128xi32, #tpu.memory_space<hbm>> -> memref<1x1x2x128xi32, #tpu.memory_space<hbm>>
        %dma_wait3A_157 = tpu.memref_squeeze %dma_wait3A_156 : memref<1x1x2x128xi32, #tpu.memory_space<hbm>> -> memref<2x128xi32, #tpu.memory_space<hbm>>
        tpu.wait_dma2 semaphore(%run_scoped3A_141 : memref<!tpu.dma_semaphore, #tpu.memory_space<semaphore_mem>>) src(%dma_wait3A_157 : memref<2x128xi32, #tpu.memory_space<hbm>>) dst(%arg8 : memref<2x128xi32, #tpu.memory_space<vmem>>)
        tpu.yield
      }) : () -> ()
      %dma_start3A_75 = arith.constant 0 : i32
      %dma_start3A_76 = arith.constant 0 : i32
      %dma_start3A_77 = tpu.memref_slice %arg8[%dma_start3A_75, %dma_start3A_76] : memref<2x128xi32, #tpu.memory_space<vmem>> -> memref<1x128xi32, #tpu.memory_space<vmem>>
      %dma_start3A_78 = tpu.memref_squeeze %dma_start3A_77 : memref<1x128xi32, #tpu.memory_space<vmem>> -> memref<128xi32, #tpu.memory_space<vmem>>
      %dma_start3A_79 = arith.constant 0 : i32
      %dma_start3A_80 = arith.constant 0 : i32
      %dma_start3A_81 = tpu.memref_slice %arg2[%dma_start3A_79, %dma_start3A_80] : memref<10000x128xf32, #tpu.memory_space<hbm>> -> memref<10000x128xf32, #tpu.memory_space<hbm>>
      tpu.enqueue_indirect_dma source(%dma_start3A_81 : memref<10000x128xf32, #tpu.memory_space<hbm>>) target(%arg11 : memref<128x128xf32, #tpu.memory_space<vmem>>) offsets(%dma_start3A_78 : memref<128xi32, #tpu.memory_space<vmem>>) semaphore(%arg13 : memref<!tpu.dma_semaphore, #tpu.memory_space<semaphore_mem>>)
      %mul3A_82 = arith.constant 3 : i32
      %mul3A_83 = arith.muli %mul3A_82, %scan3A_50 : i32
      %add3A_84 = arith.constant 1 : i32
      %add3A_85 = arith.addi %mul3A_83, %add3A_84 : i32
      %dma_wait3A_86 = arith.constant 0 : i32
      %dma_wait3A_87 = arith.constant 0 : i32
      %dma_wait3A_88 = tpu.memref_slice %arg7[%dma_wait3A_86, %dma_wait3A_87] : memref<2x128xi32, #tpu.memory_space<vmem>> -> memref<1x128xi32, #tpu.memory_space<vmem>>
      %dma_wait3A_89 = tpu.memref_squeeze %dma_wait3A_88 : memref<1x128xi32, #tpu.memory_space<vmem>> -> memref<128xi32, #tpu.memory_space<vmem>>
      %dma_wait3A_90 = arith.constant 0 : i32
      %dma_wait3A_91 = arith.constant 0 : i32
      %dma_wait3A_92 = tpu.memref_slice %arg2[%dma_wait3A_90, %dma_wait3A_91] : memref<10000x128xf32, #tpu.memory_space<hbm>> -> memref<10000x128xf32, #tpu.memory_space<hbm>>
      tpu.wait_indirect_dma semaphore(%arg13 : memref<!tpu.dma_semaphore, #tpu.memory_space<semaphore_mem>>) src(%dma_wait3A_92 : memref<10000x128xf32, #tpu.memory_space<hbm>>) dst(%arg10 : memref<128x128xf32, #tpu.memory_space<vmem>>)
      %dma_start3A_93 = arith.constant 1 : i32
      %dma_start3A_94 = arith.constant 0 : i32
      %dma_start3A_95 = tpu.memref_slice %arg7[%dma_start3A_93, %dma_start3A_94] : memref<2x128xi32, #tpu.memory_space<vmem>> -> memref<1x128xi32, #tpu.memory_space<vmem>>
      %dma_start3A_96 = tpu.memref_squeeze %dma_start3A_95 : memref<1x128xi32, #tpu.memory_space<vmem>> -> memref<128xi32, #tpu.memory_space<vmem>>
      %dma_start3A_97 = arith.constant 0 : i32
      %dma_start3A_98 = arith.constant 0 : i32
      %dma_start3A_99 = tpu.memref_slice %arg12[%dma_start3A_97, %dma_start3A_98] : memref<10064x128xf32, #tpu.memory_space<vmem_shared>> -> memref<10064x128xf32, #tpu.memory_space<vmem_shared>>
      tpu.enqueue_indirect_dma source(%arg10 : memref<128x128xf32, #tpu.memory_space<vmem>>) target(%dma_start3A_99 : memref<10064x128xf32, #tpu.memory_space<vmem_shared>>) offsets(%dma_start3A_96 : memref<128xi32, #tpu.memory_space<vmem>>) semaphore(%arg14 : memref<!tpu.dma_semaphore, #tpu.memory_space<semaphore_mem>>) {add = true}
      %dma_wait3A_100 = arith.constant 1 : i32
      %dma_wait3A_101 = arith.constant 0 : i32
      %dma_wait3A_102 = tpu.memref_slice %arg6[%dma_wait3A_100, %dma_wait3A_101] : memref<2x128xi32, #tpu.memory_space<vmem>> -> memref<1x128xi32, #tpu.memory_space<vmem>>
      %dma_wait3A_103 = tpu.memref_squeeze %dma_wait3A_102 : memref<1x128xi32, #tpu.memory_space<vmem>> -> memref<128xi32, #tpu.memory_space<vmem>>
      %dma_wait3A_104 = arith.constant 0 : i32
      %dma_wait3A_105 = arith.constant 0 : i32
      %dma_wait3A_106 = tpu.memref_slice %arg12[%dma_wait3A_104, %dma_wait3A_105] : memref<10064x128xf32, #tpu.memory_space<vmem_shared>> -> memref<10064x128xf32, #tpu.memory_space<vmem_shared>>
      tpu.wait_indirect_dma semaphore(%arg14 : memref<!tpu.dma_semaphore, #tpu.memory_space<semaphore_mem>>) src(%arg9 : memref<128x128xf32, #tpu.memory_space<vmem>>) dst(%dma_wait3A_106 : memref<10064x128xf32, #tpu.memory_space<vmem_shared>>)
      %lt3A = arith.constant 26 : i32
      %lt3A_107 = arith.cmpi slt, %scan3A_50, %lt3A : i32
      %convert_element_type3A_108 = arith.extui %lt3A_107 : i1 to i32
      %cond3A_109 = arith.constant 0 : i32
      %cond3A_110 = arith.cmpi ne, %convert_element_type3A_108, %cond3A_109 : i32
      scf.if %cond3A_110 {
        %add3A_141 = arith.constant 2 : i32
        %add3A_142 = arith.addi %add3A_85, %add3A_141 : i32
        "tpu.region"() ({
          %run_scoped3A_150 = tpu.sem_alloc : memref<!tpu.dma_semaphore, #tpu.memory_space<semaphore_mem>>
          %dma_start3A_151 = arith.constant 0 : i32
          %dma_start3A_152 = arith.constant 0 : i32
          %dma_start3A_153 = tpu.memref_slice %arg3[%add3A, %add3A_142, %dma_start3A_151, %dma_start3A_152] : memref<32x81x2x128xi32, #tpu.memory_space<hbm>> -> memref<1x1x2x128xi32, #tpu.memory_space<hbm>>
          %dma_start3A_154 = tpu.memref_squeeze %dma_start3A_153 : memref<1x1x2x128xi32, #tpu.memory_space<hbm>> -> memref<2x128xi32, #tpu.memory_space<hbm>>
          %dma_start3A_155 = arith.constant 0 : i32
          %dma_start3A_156 = arith.constant 0 : i32
          %dma_start3A_157 = tpu.memref_slice %arg3[%add3A, %add3A_142, %dma_start3A_155, %dma_start3A_156] : memref<32x81x2x128xi32, #tpu.memory_space<hbm>> -> memref<1x1x2x128xi32, #tpu.memory_space<hbm>>
          %dma_start3A_158 = tpu.memref_squeeze %dma_start3A_157 : memref<1x1x2x128xi32, #tpu.memory_space<hbm>> -> memref<2x128xi32, #tpu.memory_space<hbm>>
          tpu.enqueue_dma source(%dma_start3A_158 : memref<2x128xi32, #tpu.memory_space<hbm>>) target(%arg6 : memref<2x128xi32, #tpu.memory_space<vmem>>) target_semaphore(%run_scoped3A_150 : memref<!tpu.dma_semaphore, #tpu.memory_space<semaphore_mem>>)
          %dma_wait3A_159 = arith.constant 0 : i32
          %dma_wait3A_160 = arith.constant 0 : i32
          %dma_wait3A_161 = tpu.memref_slice %arg3[%add3A, %add3A_142, %dma_wait3A_159, %dma_wait3A_160] : memref<32x81x2x128xi32, #tpu.memory_space<hbm>> -> memref<1x1x2x128xi32, #tpu.memory_space<hbm>>
          %dma_wait3A_162 = tpu.memref_squeeze %dma_wait3A_161 : memref<1x1x2x128xi32, #tpu.memory_space<hbm>> -> memref<2x128xi32, #tpu.memory_space<hbm>>
          %dma_wait3A_163 = arith.constant 0 : i32
          %dma_wait3A_164 = arith.constant 0 : i32
          %dma_wait3A_165 = tpu.memref_slice %arg3[%add3A, %add3A_142, %dma_wait3A_163, %dma_wait3A_164] : memref<32x81x2x128xi32, #tpu.memory_space<hbm>> -> memref<1x1x2x128xi32, #tpu.memory_space<hbm>>
          %dma_wait3A_166 = tpu.memref_squeeze %dma_wait3A_165 : memref<1x1x2x128xi32, #tpu.memory_space<hbm>> -> memref<2x128xi32, #tpu.memory_space<hbm>>
          tpu.wait_dma2 semaphore(%run_scoped3A_150 : memref<!tpu.dma_semaphore, #tpu.memory_space<semaphore_mem>>) src(%dma_wait3A_166 : memref<2x128xi32, #tpu.memory_space<hbm>>) dst(%arg6 : memref<2x128xi32, #tpu.memory_space<vmem>>)
          tpu.yield
        }) : () -> ()
        %dma_start3A_143 = arith.constant 0 : i32
        %dma_start3A_144 = arith.constant 0 : i32
        %dma_start3A_145 = tpu.memref_slice %arg6[%dma_start3A_143, %dma_start3A_144] : memref<2x128xi32, #tpu.memory_space<vmem>> -> memref<1x128xi32, #tpu.memory_space<vmem>>
        %dma_start3A_146 = tpu.memref_squeeze %dma_start3A_145 : memref<1x128xi32, #tpu.memory_space<vmem>> -> memref<128xi32, #tpu.memory_space<vmem>>
        %dma_start3A_147 = arith.constant 0 : i32
        %dma_start3A_148 = arith.constant 0 : i32
        %dma_start3A_149 = tpu.memref_slice %arg2[%dma_start3A_147, %dma_start3A_148] : memref<10000x128xf32, #tpu.memory_space<hbm>> -> memref<10000x128xf32, #tpu.memory_space<hbm>>
        tpu.enqueue_indirect_dma source(%dma_start3A_149 : memref<10000x128xf32, #tpu.memory_space<hbm>>) target(%arg9 : memref<128x128xf32, #tpu.memory_space<vmem>>) offsets(%dma_start3A_146 : memref<128xi32, #tpu.memory_space<vmem>>) semaphore(%arg13 : memref<!tpu.dma_semaphore, #tpu.memory_space<semaphore_mem>>)
      } else {
      }
      %mul3A_111 = arith.constant 3 : i32
      %mul3A_112 = arith.muli %mul3A_111, %scan3A_50 : i32
      %add3A_113 = arith.constant 2 : i32
      %add3A_114 = arith.addi %mul3A_112, %add3A_113 : i32
      %dma_wait3A_115 = arith.constant 0 : i32
      %dma_wait3A_116 = arith.constant 0 : i32
      %dma_wait3A_117 = tpu.memref_slice %arg8[%dma_wait3A_115, %dma_wait3A_116] : memref<2x128xi32, #tpu.memory_space<vmem>> -> memref<1x128xi32, #tpu.memory_space<vmem>>
      %dma_wait3A_118 = tpu.memref_squeeze %dma_wait3A_117 : memref<1x128xi32, #tpu.memory_space<vmem>> -> memref<128xi32, #tpu.memory_space<vmem>>
      %dma_wait3A_119 = arith.constant 0 : i32
      %dma_wait3A_120 = arith.constant 0 : i32
      %dma_wait3A_121 = tpu.memref_slice %arg2[%dma_wait3A_119, %dma_wait3A_120] : memref<10000x128xf32, #tpu.memory_space<hbm>> -> memref<10000x128xf32, #tpu.memory_space<hbm>>
      tpu.wait_indirect_dma semaphore(%arg13 : memref<!tpu.dma_semaphore, #tpu.memory_space<semaphore_mem>>) src(%dma_wait3A_121 : memref<10000x128xf32, #tpu.memory_space<hbm>>) dst(%arg11 : memref<128x128xf32, #tpu.memory_space<vmem>>)
      %dma_start3A_122 = arith.constant 1 : i32
      %dma_start3A_123 = arith.constant 0 : i32
      %dma_start3A_124 = tpu.memref_slice %arg8[%dma_start3A_122, %dma_start3A_123] : memref<2x128xi32, #tpu.memory_space<vmem>> -> memref<1x128xi32, #tpu.memory_space<vmem>>
      %dma_start3A_125 = tpu.memref_squeeze %dma_start3A_124 : memref<1x128xi32, #tpu.memory_space<vmem>> -> memref<128xi32, #tpu.memory_space<vmem>>
      %dma_start3A_126 = arith.constant 0 : i32
      %dma_start3A_127 = arith.constant 0 : i32
      %dma_start3A_128 = tpu.memref_slice %arg12[%dma_start3A_126, %dma_start3A_127] : memref<10064x128xf32, #tpu.memory_space<vmem_shared>> -> memref<10064x128xf32, #tpu.memory_space<vmem_shared>>
      tpu.enqueue_indirect_dma source(%arg11 : memref<128x128xf32, #tpu.memory_space<vmem>>) target(%dma_start3A_128 : memref<10064x128xf32, #tpu.memory_space<vmem_shared>>) offsets(%dma_start3A_125 : memref<128xi32, #tpu.memory_space<vmem>>) semaphore(%arg14 : memref<!tpu.dma_semaphore, #tpu.memory_space<semaphore_mem>>) {add = true}
      %dma_wait3A_129 = arith.constant 1 : i32
      %dma_wait3A_130 = arith.constant 0 : i32
      %dma_wait3A_131 = tpu.memref_slice %arg7[%dma_wait3A_129, %dma_wait3A_130] : memref<2x128xi32, #tpu.memory_space<vmem>> -> memref<1x128xi32, #tpu.memory_space<vmem>>
      %dma_wait3A_132 = tpu.memref_squeeze %dma_wait3A_131 : memref<1x128xi32, #tpu.memory_space<vmem>> -> memref<128xi32, #tpu.memory_space<vmem>>
      %dma_wait3A_133 = arith.constant 0 : i32
      %dma_wait3A_134 = arith.constant 0 : i32
      %dma_wait3A_135 = tpu.memref_slice %arg12[%dma_wait3A_133, %dma_wait3A_134] : memref<10064x128xf32, #tpu.memory_space<vmem_shared>> -> memref<10064x128xf32, #tpu.memory_space<vmem_shared>>
      tpu.wait_indirect_dma semaphore(%arg14 : memref<!tpu.dma_semaphore, #tpu.memory_space<semaphore_mem>>) src(%arg10 : memref<128x128xf32, #tpu.memory_space<vmem>>) dst(%dma_wait3A_135 : memref<10064x128xf32, #tpu.memory_space<vmem_shared>>)
      %lt3A_136 = arith.constant 26 : i32
      %lt3A_137 = arith.cmpi slt, %scan3A_50, %lt3A_136 : i32
      %convert_element_type3A_138 = arith.extui %lt3A_137 : i1 to i32
      %cond3A_139 = arith.constant 0 : i32
      %cond3A_140 = arith.cmpi ne, %convert_element_type3A_138, %cond3A_139 : i32
      scf.if %cond3A_140 {
        %add3A_141 = arith.constant 2 : i32
        %add3A_142 = arith.addi %add3A_114, %add3A_141 : i32
        "tpu.region"() ({
          %run_scoped3A_150 = tpu.sem_alloc : memref<!tpu.dma_semaphore, #tpu.memory_space<semaphore_mem>>
          %dma_start3A_151 = arith.constant 0 : i32
          %dma_start3A_152 = arith.constant 0 : i32
          %dma_start3A_153 = tpu.memref_slice %arg3[%add3A, %add3A_142, %dma_start3A_151, %dma_start3A_152] : memref<32x81x2x128xi32, #tpu.memory_space<hbm>> -> memref<1x1x2x128xi32, #tpu.memory_space<hbm>>
          %dma_start3A_154 = tpu.memref_squeeze %dma_start3A_153 : memref<1x1x2x128xi32, #tpu.memory_space<hbm>> -> memref<2x128xi32, #tpu.memory_space<hbm>>
          %dma_start3A_155 = arith.constant 0 : i32
          %dma_start3A_156 = arith.constant 0 : i32
          %dma_start3A_157 = tpu.memref_slice %arg3[%add3A, %add3A_142, %dma_start3A_155, %dma_start3A_156] : memref<32x81x2x128xi32, #tpu.memory_space<hbm>> -> memref<1x1x2x128xi32, #tpu.memory_space<hbm>>
          %dma_start3A_158 = tpu.memref_squeeze %dma_start3A_157 : memref<1x1x2x128xi32, #tpu.memory_space<hbm>> -> memref<2x128xi32, #tpu.memory_space<hbm>>
          tpu.enqueue_dma source(%dma_start3A_158 : memref<2x128xi32, #tpu.memory_space<hbm>>) target(%arg7 : memref<2x128xi32, #tpu.memory_space<vmem>>) target_semaphore(%run_scoped3A_150 : memref<!tpu.dma_semaphore, #tpu.memory_space<semaphore_mem>>)
          %dma_wait3A_159 = arith.constant 0 : i32
          %dma_wait3A_160 = arith.constant 0 : i32
          %dma_wait3A_161 = tpu.memref_slice %arg3[%add3A, %add3A_142, %dma_wait3A_159, %dma_wait3A_160] : memref<32x81x2x128xi32, #tpu.memory_space<hbm>> -> memref<1x1x2x128xi32, #tpu.memory_space<hbm>>
          %dma_wait3A_162 = tpu.memref_squeeze %dma_wait3A_161 : memref<1x1x2x128xi32, #tpu.memory_space<hbm>> -> memref<2x128xi32, #tpu.memory_space<hbm>>
          %dma_wait3A_163 = arith.constant 0 : i32
          %dma_wait3A_164 = arith.constant 0 : i32
          %dma_wait3A_165 = tpu.memref_slice %arg3[%add3A, %add3A_142, %dma_wait3A_163, %dma_wait3A_164] : memref<32x81x2x128xi32, #tpu.memory_space<hbm>> -> memref<1x1x2x128xi32, #tpu.memory_space<hbm>>
          %dma_wait3A_166 = tpu.memref_squeeze %dma_wait3A_165 : memref<1x1x2x128xi32, #tpu.memory_space<hbm>> -> memref<2x128xi32, #tpu.memory_space<hbm>>
          tpu.wait_dma2 semaphore(%run_scoped3A_150 : memref<!tpu.dma_semaphore, #tpu.memory_space<semaphore_mem>>) src(%dma_wait3A_166 : memref<2x128xi32, #tpu.memory_space<hbm>>) dst(%arg7 : memref<2x128xi32, #tpu.memory_space<vmem>>)
          tpu.yield
        }) : () -> ()
        %dma_start3A_143 = arith.constant 0 : i32
        %dma_start3A_144 = arith.constant 0 : i32
        %dma_start3A_145 = tpu.memref_slice %arg7[%dma_start3A_143, %dma_start3A_144] : memref<2x128xi32, #tpu.memory_space<vmem>> -> memref<1x128xi32, #tpu.memory_space<vmem>>
        %dma_start3A_146 = tpu.memref_squeeze %dma_start3A_145 : memref<1x128xi32, #tpu.memory_space<vmem>> -> memref<128xi32, #tpu.memory_space<vmem>>
        %dma_start3A_147 = arith.constant 0 : i32
        %dma_start3A_148 = arith.constant 0 : i32
        %dma_start3A_149 = tpu.memref_slice %arg2[%dma_start3A_147, %dma_start3A_148] : memref<10000x128xf32, #tpu.memory_space<hbm>> -> memref<10000x128xf32, #tpu.memory_space<hbm>>
        tpu.enqueue_indirect_dma source(%dma_start3A_149 : memref<10000x128xf32, #tpu.memory_space<hbm>>) target(%arg10 : memref<128x128xf32, #tpu.memory_space<vmem>>) offsets(%dma_start3A_146 : memref<128xi32, #tpu.memory_space<vmem>>) semaphore(%arg13 : memref<!tpu.dma_semaphore, #tpu.memory_space<semaphore_mem>>)
      } else {
      }
    }
    %scan3A_33 = arith.constant 27 : i32
    %dma_wait3A = arith.constant 1 : i32
    %dma_wait3A_34 = arith.constant 0 : i32
    %dma_wait3A_35 = tpu.memref_slice %arg8[%dma_wait3A, %dma_wait3A_34] : memref<2x128xi32, #tpu.memory_space<vmem>> -> memref<1x128xi32, #tpu.memory_space<vmem>>
    %dma_wait3A_36 = tpu.memref_squeeze %dma_wait3A_35 : memref<1x128xi32, #tpu.memory_space<vmem>> -> memref<128xi32, #tpu.memory_space<vmem>>
    %dma_wait3A_37 = arith.constant 0 : i32
    %dma_wait3A_38 = arith.constant 0 : i32
    %dma_wait3A_39 = tpu.memref_slice %arg12[%dma_wait3A_37, %dma_wait3A_38] : memref<10064x128xf32, #tpu.memory_space<vmem_shared>> -> memref<10064x128xf32, #tpu.memory_space<vmem_shared>>
    tpu.wait_indirect_dma semaphore(%arg14 : memref<!tpu.dma_semaphore, #tpu.memory_space<semaphore_mem>>) src(%arg11 : memref<128x128xf32, #tpu.memory_space<vmem>>) dst(%dma_wait3A_39 : memref<10064x128xf32, #tpu.memory_space<vmem_shared>>)
    %barrier3A_40 = arith.constant 0 : index
    tpu.barrier barrier_id(%barrier3A_40)
    %mul3A_41 = arith.constant 624 : i32
    %mul3A_42 = arith.muli %arg1, %mul3A_41 : i32
    %mul3A_43 = arith.constant 624 : i32
    %mul3A_44 = arith.muli %arg1, %mul3A_43 : i32
    "tpu.region"() ({
      %run_scoped3A_50 = tpu.sem_alloc : memref<!tpu.dma_semaphore, #tpu.memory_space<semaphore_mem>>
      %dma_start3A_51 = arith.constant 0 : i32
      %dma_start3A_52 = tpu.memref_slice %arg5[%arg0, %mul3A_44, %dma_start3A_51] : memref<2x10000x128xf32, #tpu.memory_space<hbm>> -> memref<1x624x128xf32, #tpu.memory_space<hbm>>
      %dma_start3A_53 = tpu.memref_squeeze %dma_start3A_52 : memref<1x624x128xf32, #tpu.memory_space<hbm>> -> memref<624x128xf32, #tpu.memory_space<hbm>>
      %dma_start3A_54 = arith.constant 0 : i32
      %dma_start3A_55 = tpu.memref_slice %arg12[%mul3A_42, %dma_start3A_54] : memref<10064x128xf32, #tpu.memory_space<vmem_shared>> -> memref<624x128xf32, #tpu.memory_space<vmem_shared>>
      tpu.enqueue_dma source(%dma_start3A_55 : memref<624x128xf32, #tpu.memory_space<vmem_shared>>) target(%dma_start3A_53 : memref<624x128xf32, #tpu.memory_space<hbm>>) target_semaphore(%run_scoped3A_50 : memref<!tpu.dma_semaphore, #tpu.memory_space<semaphore_mem>>)
      %dma_wait3A_56 = arith.constant 0 : i32
      %dma_wait3A_57 = tpu.memref_slice %arg5[%arg0, %mul3A_44, %dma_wait3A_56] : memref<2x10000x128xf32, #tpu.memory_space<hbm>> -> memref<1x624x128xf32, #tpu.memory_space<hbm>>
      %dma_wait3A_58 = tpu.memref_squeeze %dma_wait3A_57 : memref<1x624x128xf32, #tpu.memory_space<hbm>> -> memref<624x128xf32, #tpu.memory_space<hbm>>
      %dma_wait3A_59 = arith.constant 0 : i32
      %dma_wait3A_60 = tpu.memref_slice %arg12[%mul3A_42, %dma_wait3A_59] : memref<10064x128xf32, #tpu.memory_space<vmem_shared>> -> memref<624x128xf32, #tpu.memory_space<vmem_shared>>
      tpu.wait_dma2 semaphore(%run_scoped3A_50 : memref<!tpu.dma_semaphore, #tpu.memory_space<semaphore_mem>>) src(%dma_wait3A_60 : memref<624x128xf32, #tpu.memory_space<vmem_shared>>) dst(%dma_wait3A_58 : memref<624x128xf32, #tpu.memory_space<hbm>>)
      tpu.yield
    }) : () -> ()
    %eq3A_45 = arith.constant 0 : i32
    %eq3A_46 = arith.cmpi eq, %arg1, %eq3A_45 : i32
    %convert_element_type3A_47 = arith.extui %eq3A_46 : i1 to i32
    %cond3A_48 = arith.constant 0 : i32
    %cond3A_49 = arith.cmpi ne, %convert_element_type3A_47, %cond3A_48 : i32
    scf.if %cond3A_49 {
      "tpu.region"() ({
        %run_scoped3A_50 = tpu.sem_alloc : memref<!tpu.dma_semaphore, #tpu.memory_space<semaphore_mem>>
        %dma_start3A_51 = arith.constant 9984 : i32
        %dma_start3A_52 = arith.constant 0 : i32
        %dma_start3A_53 = tpu.memref_slice %arg5[%arg0, %dma_start3A_51, %dma_start3A_52] : memref<2x10000x128xf32, #tpu.memory_space<hbm>> -> memref<1x16x128xf32, #tpu.memory_space<hbm>>
        %dma_start3A_54 = tpu.memref_squeeze %dma_start3A_53 : memref<1x16x128xf32, #tpu.memory_space<hbm>> -> memref<16x128xf32, #tpu.memory_space<hbm>>
        %dma_start3A_55 = arith.constant 9984 : i32
        %dma_start3A_56 = arith.constant 0 : i32
        %dma_start3A_57 = tpu.memref_slice %arg12[%dma_start3A_55, %dma_start3A_56] : memref<10064x128xf32, #tpu.memory_space<vmem_shared>> -> memref<16x128xf32, #tpu.memory_space<vmem_shared>>
        tpu.enqueue_dma source(%dma_start3A_57 : memref<16x128xf32, #tpu.memory_space<vmem_shared>>) target(%dma_start3A_54 : memref<16x128xf32, #tpu.memory_space<hbm>>) target_semaphore(%run_scoped3A_50 : memref<!tpu.dma_semaphore, #tpu.memory_space<semaphore_mem>>)
        %dma_wait3A_58 = arith.constant 9984 : i32
        %dma_wait3A_59 = arith.constant 0 : i32
        %dma_wait3A_60 = tpu.memref_slice %arg5[%arg0, %dma_wait3A_58, %dma_wait3A_59] : memref<2x10000x128xf32, #tpu.memory_space<hbm>> -> memref<1x16x128xf32, #tpu.memory_space<hbm>>
        %dma_wait3A_61 = tpu.memref_squeeze %dma_wait3A_60 : memref<1x16x128xf32, #tpu.memory_space<hbm>> -> memref<16x128xf32, #tpu.memory_space<hbm>>
        %dma_wait3A_62 = arith.constant 9984 : i32
        %dma_wait3A_63 = arith.constant 0 : i32
        %dma_wait3A_64 = tpu.memref_slice %arg12[%dma_wait3A_62, %dma_wait3A_63] : memref<10064x128xf32, #tpu.memory_space<vmem_shared>> -> memref<16x128xf32, #tpu.memory_space<vmem_shared>>
        tpu.wait_dma2 semaphore(%run_scoped3A_50 : memref<!tpu.dma_semaphore, #tpu.memory_space<semaphore_mem>>) src(%dma_wait3A_64 : memref<16x128xf32, #tpu.memory_space<vmem_shared>>) dst(%dma_wait3A_61 : memref<16x128xf32, #tpu.memory_space<hbm>>)
        tpu.yield
      }) : () -> ()
    } else {
    }
    return
  }
}

#map = affine_map<(d0, d1) -> (0, 0)>
#map1 = affine_map<(d0, d1) -> (0, 0, 0, 0)>
#map2 = affine_map<(d0, d1) -> (0, 0, 0)>
module attributes {stable_mosaic.version = 14 : i64} {
  func.func @sc_edge_agg(%arg0: i32, %arg1: i32, %arg2: memref<10000x128xf32, #tpu.memory_space<hbm>>, %arg3: memref<32x81x2x128xi32, #tpu.memory_space<hbm>>, %arg4: memref<208x128xf32, #tpu.memory_space<hbm>>, %arg5: memref<2x10000x128xf32, #tpu.memory_space<hbm>>, %arg6: memref<2x128xi32, #tpu.memory_space<vmem>>, %arg7: memref<2x128xi32, #tpu.memory_space<vmem>>, %arg8: memref<2x128xi32, #tpu.memory_space<vmem>>, %arg9: memref<128x128xf32, #tpu.memory_space<vmem>>, %arg10: memref<128x128xf32, #tpu.memory_space<vmem>>, %arg11: memref<128x128xf32, #tpu.memory_space<vmem>>, %arg12: memref<10064x128xf32, #tpu.memory_space<vmem_shared>>, %arg13: memref<!tpu.dma_semaphore, #tpu.memory_space<semaphore_mem>>, %arg14: memref<!tpu.dma_semaphore, #tpu.memory_space<semaphore_mem>>) attributes {dimension_semantics = [#tpu.dimension_semantics<core_parallel>, #tpu.dimension_semantics<subcore_parallel>], iteration_bounds = array<i64: 2, 16>, scalar_prefetch = 0 : i64, scratch_operands = 9 : i64, tpu.core_type = #tpu.core_type<sc_vector_subcore>, window_params = [{transform_indices = #map}, {transform_indices = #map1}, {transform_indices = #map}, {transform_indices = #map2}]} {
    %mul3A = arith.constant 16 : i32
    %mul3A_0 = arith.muli %arg0, %mul3A : i32
    %add3A = arith.addi %mul3A_0, %arg1 : i32
    %mul3A_1 = arith.constant 624 : i32
    %mul3A_2 = arith.muli %arg1, %mul3A_1 : i32
    %add3A_3 = arith.constant 0 : i32
    %add3A_4 = arith.addi %mul3A_2, %add3A_3 : i32
    "tpu.region"() ({
      %run_scoped3A_50 = tpu.sem_alloc : memref<!tpu.dma_semaphore, #tpu.memory_space<semaphore_mem>>
      %dma_start3A_51 = arith.constant 0 : i32
      %dma_start3A_52 = tpu.memref_slice %arg12[%add3A_4, %dma_start3A_51] : memref<10064x128xf32, #tpu.memory_space<vmem_shared>> -> memref<208x128xf32, #tpu.memory_space<vmem_shared>>
      tpu.enqueue_dma source(%arg4 : memref<208x128xf32, #tpu.memory_space<hbm>>) target(%dma_start3A_52 : memref<208x128xf32, #tpu.memory_space<vmem_shared>>) target_semaphore(%run_scoped3A_50 : memref<!tpu.dma_semaphore, #tpu.memory_space<semaphore_mem>>)
      %dma_wait3A_53 = arith.constant 0 : i32
      %dma_wait3A_54 = tpu.memref_slice %arg12[%add3A_4, %dma_wait3A_53] : memref<10064x128xf32, #tpu.memory_space<vmem_shared>> -> memref<208x128xf32, #tpu.memory_space<vmem_shared>>
      tpu.wait_dma2 semaphore(%run_scoped3A_50 : memref<!tpu.dma_semaphore, #tpu.memory_space<semaphore_mem>>) src(%arg4 : memref<208x128xf32, #tpu.memory_space<hbm>>) dst(%dma_wait3A_54 : memref<208x128xf32, #tpu.memory_space<vmem_shared>>)
      tpu.yield
    }) : () -> ()
    %mul3A_5 = arith.constant 624 : i32
    %mul3A_6 = arith.muli %arg1, %mul3A_5 : i32
    %add3A_7 = arith.constant 208 : i32
    %add3A_8 = arith.addi %mul3A_6, %add3A_7 : i32
    "tpu.region"() ({
      %run_scoped3A_50 = tpu.sem_alloc : memref<!tpu.dma_semaphore, #tpu.memory_space<semaphore_mem>>
      %dma_start3A_51 = arith.constant 0 : i32
      %dma_start3A_52 = tpu.memref_slice %arg12[%add3A_8, %dma_start3A_51] : memref<10064x128xf32, #tpu.memory_space<vmem_shared>> -> memref<208x128xf32, #tpu.memory_space<vmem_shared>>
      tpu.enqueue_dma source(%arg4 : memref<208x128xf32, #tpu.memory_space<hbm>>) target(%dma_start3A_52 : memref<208x128xf32, #tpu.memory_space<vmem_shared>>) target_semaphore(%run_scoped3A_50 : memref<!tpu.dma_semaphore, #tpu.memory_space<semaphore_mem>>)
      %dma_wait3A_53 = arith.constant 0 : i32
      %dma_wait3A_54 = tpu.memref_slice %arg12[%add3A_8, %dma_wait3A_53] : memref<10064x128xf32, #tpu.memory_space<vmem_shared>> -> memref<208x128xf32, #tpu.memory_space<vmem_shared>>
      tpu.wait_dma2 semaphore(%run_scoped3A_50 : memref<!tpu.dma_semaphore, #tpu.memory_space<semaphore_mem>>) src(%arg4 : memref<208x128xf32, #tpu.memory_space<hbm>>) dst(%dma_wait3A_54 : memref<208x128xf32, #tpu.memory_space<vmem_shared>>)
      tpu.yield
    }) : () -> ()
    %mul3A_9 = arith.constant 624 : i32
    %mul3A_10 = arith.muli %arg1, %mul3A_9 : i32
    %add3A_11 = arith.constant 416 : i32
    %add3A_12 = arith.addi %mul3A_10, %add3A_11 : i32
    "tpu.region"() ({
      %run_scoped3A_50 = tpu.sem_alloc : memref<!tpu.dma_semaphore, #tpu.memory_space<semaphore_mem>>
      %dma_start3A_51 = arith.constant 0 : i32
      %dma_start3A_52 = tpu.memref_slice %arg12[%add3A_12, %dma_start3A_51] : memref<10064x128xf32, #tpu.memory_space<vmem_shared>> -> memref<208x128xf32, #tpu.memory_space<vmem_shared>>
      tpu.enqueue_dma source(%arg4 : memref<208x128xf32, #tpu.memory_space<hbm>>) target(%dma_start3A_52 : memref<208x128xf32, #tpu.memory_space<vmem_shared>>) target_semaphore(%run_scoped3A_50 : memref<!tpu.dma_semaphore, #tpu.memory_space<semaphore_mem>>)
      %dma_wait3A_53 = arith.constant 0 : i32
      %dma_wait3A_54 = tpu.memref_slice %arg12[%add3A_12, %dma_wait3A_53] : memref<10064x128xf32, #tpu.memory_space<vmem_shared>> -> memref<208x128xf32, #tpu.memory_space<vmem_shared>>
      tpu.wait_dma2 semaphore(%run_scoped3A_50 : memref<!tpu.dma_semaphore, #tpu.memory_space<semaphore_mem>>) src(%arg4 : memref<208x128xf32, #tpu.memory_space<hbm>>) dst(%dma_wait3A_54 : memref<208x128xf32, #tpu.memory_space<vmem_shared>>)
      tpu.yield
    }) : () -> ()
    %eq3A = arith.constant 0 : i32
    %eq3A_13 = arith.cmpi eq, %arg1, %eq3A : i32
    %convert_element_type3A = arith.extui %eq3A_13 : i1 to i32
    %cond3A = arith.constant 0 : i32
    %cond3A_14 = arith.cmpi ne, %convert_element_type3A, %cond3A : i32
    scf.if %cond3A_14 {
      "tpu.region"() ({
        %run_scoped3A_50 = tpu.sem_alloc : memref<!tpu.dma_semaphore, #tpu.memory_space<semaphore_mem>>
        %dma_start3A_51 = arith.constant 9984 : i32
        %dma_start3A_52 = arith.constant 0 : i32
        %dma_start3A_53 = tpu.memref_slice %arg12[%dma_start3A_51, %dma_start3A_52] : memref<10064x128xf32, #tpu.memory_space<vmem_shared>> -> memref<16x128xf32, #tpu.memory_space<vmem_shared>>
        %dma_start3A_54 = arith.constant 0 : i32
        %dma_start3A_55 = arith.constant 0 : i32
        %dma_start3A_56 = tpu.memref_slice %arg4[%dma_start3A_54, %dma_start3A_55] : memref<208x128xf32, #tpu.memory_space<hbm>> -> memref<16x128xf32, #tpu.memory_space<hbm>>
        tpu.enqueue_dma source(%dma_start3A_56 : memref<16x128xf32, #tpu.memory_space<hbm>>) target(%dma_start3A_53 : memref<16x128xf32, #tpu.memory_space<vmem_shared>>) target_semaphore(%run_scoped3A_50 : memref<!tpu.dma_semaphore, #tpu.memory_space<semaphore_mem>>)
        %dma_wait3A_57 = arith.constant 9984 : i32
        %dma_wait3A_58 = arith.constant 0 : i32
        %dma_wait3A_59 = tpu.memref_slice %arg12[%dma_wait3A_57, %dma_wait3A_58] : memref<10064x128xf32, #tpu.memory_space<vmem_shared>> -> memref<16x128xf32, #tpu.memory_space<vmem_shared>>
        %dma_wait3A_60 = arith.constant 0 : i32
        %dma_wait3A_61 = arith.constant 0 : i32
        %dma_wait3A_62 = tpu.memref_slice %arg4[%dma_wait3A_60, %dma_wait3A_61] : memref<208x128xf32, #tpu.memory_space<hbm>> -> memref<16x128xf32, #tpu.memory_space<hbm>>
        tpu.wait_dma2 semaphore(%run_scoped3A_50 : memref<!tpu.dma_semaphore, #tpu.memory_space<semaphore_mem>>) src(%dma_wait3A_62 : memref<16x128xf32, #tpu.memory_space<hbm>>) dst(%dma_wait3A_59 : memref<16x128xf32, #tpu.memory_space<vmem_shared>>)
        tpu.yield
      }) : () -> ()
    } else {
    }
    %barrier3A = arith.constant 0 : index
    tpu.barrier barrier_id(%barrier3A)
    %run_scoped3A = arith.constant 0 : i32
    "tpu.region"() ({
      %run_scoped3A_50 = tpu.sem_alloc : memref<!tpu.dma_semaphore, #tpu.memory_space<semaphore_mem>>
      %dma_start3A_51 = arith.constant 0 : i32
      %dma_start3A_52 = arith.constant 0 : i32
      %dma_start3A_53 = tpu.memref_slice %arg3[%add3A, %run_scoped3A, %dma_start3A_51, %dma_start3A_52] : memref<32x81x2x128xi32, #tpu.memory_space<hbm>> -> memref<1x1x2x128xi32, #tpu.memory_space<hbm>>
      %dma_start3A_54 = tpu.memref_squeeze %dma_start3A_53 : memref<1x1x2x128xi32, #tpu.memory_space<hbm>> -> memref<2x128xi32, #tpu.memory_space<hbm>>
      %dma_start3A_55 = arith.constant 0 : i32
      %dma_start3A_56 = arith.constant 0 : i32
      %dma_start3A_57 = tpu.memref_slice %arg3[%add3A, %run_scoped3A, %dma_start3A_55, %dma_start3A_56] : memref<32x81x2x128xi32, #tpu.memory_space<hbm>> -> memref<1x1x2x128xi32, #tpu.memory_space<hbm>>
      %dma_start3A_58 = tpu.memref_squeeze %dma_start3A_57 : memref<1x1x2x128xi32, #tpu.memory_space<hbm>> -> memref<2x128xi32, #tpu.memory_space<hbm>>
      tpu.enqueue_dma source(%dma_start3A_58 : memref<2x128xi32, #tpu.memory_space<hbm>>) target(%arg6 : memref<2x128xi32, #tpu.memory_space<vmem>>) target_semaphore(%run_scoped3A_50 : memref<!tpu.dma_semaphore, #tpu.memory_space<semaphore_mem>>)
      %dma_wait3A_59 = arith.constant 0 : i32
      %dma_wait3A_60 = arith.constant 0 : i32
      %dma_wait3A_61 = tpu.memref_slice %arg3[%add3A, %run_scoped3A, %dma_wait3A_59, %dma_wait3A_60] : memref<32x81x2x128xi32, #tpu.memory_space<hbm>> -> memref<1x1x2x128xi32, #tpu.memory_space<hbm>>
      %dma_wait3A_62 = tpu.memref_squeeze %dma_wait3A_61 : memref<1x1x2x128xi32, #tpu.memory_space<hbm>> -> memref<2x128xi32, #tpu.memory_space<hbm>>
      %dma_wait3A_63 = arith.constant 0 : i32
      %dma_wait3A_64 = arith.constant 0 : i32
      %dma_wait3A_65 = tpu.memref_slice %arg3[%add3A, %run_scoped3A, %dma_wait3A_63, %dma_wait3A_64] : memref<32x81x2x128xi32, #tpu.memory_space<hbm>> -> memref<1x1x2x128xi32, #tpu.memory_space<hbm>>
      %dma_wait3A_66 = tpu.memref_squeeze %dma_wait3A_65 : memref<1x1x2x128xi32, #tpu.memory_space<hbm>> -> memref<2x128xi32, #tpu.memory_space<hbm>>
      tpu.wait_dma2 semaphore(%run_scoped3A_50 : memref<!tpu.dma_semaphore, #tpu.memory_space<semaphore_mem>>) src(%dma_wait3A_66 : memref<2x128xi32, #tpu.memory_space<hbm>>) dst(%arg6 : memref<2x128xi32, #tpu.memory_space<vmem>>)
      tpu.yield
    }) : () -> ()
    %dma_start3A = arith.constant 0 : i32
    %dma_start3A_15 = arith.constant 0 : i32
    %dma_start3A_16 = tpu.memref_slice %arg6[%dma_start3A, %dma_start3A_15] : memref<2x128xi32, #tpu.memory_space<vmem>> -> memref<1x128xi32, #tpu.memory_space<vmem>>
    %dma_start3A_17 = tpu.memref_squeeze %dma_start3A_16 : memref<1x128xi32, #tpu.memory_space<vmem>> -> memref<128xi32, #tpu.memory_space<vmem>>
    %dma_start3A_18 = arith.constant 0 : i32
    %dma_start3A_19 = arith.constant 0 : i32
    %dma_start3A_20 = tpu.memref_slice %arg2[%dma_start3A_18, %dma_start3A_19] : memref<10000x128xf32, #tpu.memory_space<hbm>> -> memref<10000x128xf32, #tpu.memory_space<hbm>>
    tpu.enqueue_indirect_dma source(%dma_start3A_20 : memref<10000x128xf32, #tpu.memory_space<hbm>>) target(%arg9 : memref<128x128xf32, #tpu.memory_space<vmem>>) offsets(%dma_start3A_17 : memref<128xi32, #tpu.memory_space<vmem>>) semaphore(%arg13 : memref<!tpu.dma_semaphore, #tpu.memory_space<semaphore_mem>>)
    %run_scoped3A_21 = arith.constant 1 : i32
    "tpu.region"() ({
      %run_scoped3A_50 = tpu.sem_alloc : memref<!tpu.dma_semaphore, #tpu.memory_space<semaphore_mem>>
      %dma_start3A_51 = arith.constant 0 : i32
      %dma_start3A_52 = arith.constant 0 : i32
      %dma_start3A_53 = tpu.memref_slice %arg3[%add3A, %run_scoped3A_21, %dma_start3A_51, %dma_start3A_52] : memref<32x81x2x128xi32, #tpu.memory_space<hbm>> -> memref<1x1x2x128xi32, #tpu.memory_space<hbm>>
      %dma_start3A_54 = tpu.memref_squeeze %dma_start3A_53 : memref<1x1x2x128xi32, #tpu.memory_space<hbm>> -> memref<2x128xi32, #tpu.memory_space<hbm>>
      %dma_start3A_55 = arith.constant 0 : i32
      %dma_start3A_56 = arith.constant 0 : i32
      %dma_start3A_57 = tpu.memref_slice %arg3[%add3A, %run_scoped3A_21, %dma_start3A_55, %dma_start3A_56] : memref<32x81x2x128xi32, #tpu.memory_space<hbm>> -> memref<1x1x2x128xi32, #tpu.memory_space<hbm>>
      %dma_start3A_58 = tpu.memref_squeeze %dma_start3A_57 : memref<1x1x2x128xi32, #tpu.memory_space<hbm>> -> memref<2x128xi32, #tpu.memory_space<hbm>>
      tpu.enqueue_dma source(%dma_start3A_58 : memref<2x128xi32, #tpu.memory_space<hbm>>) target(%arg7 : memref<2x128xi32, #tpu.memory_space<vmem>>) target_semaphore(%run_scoped3A_50 : memref<!tpu.dma_semaphore, #tpu.memory_space<semaphore_mem>>)
      %dma_wait3A_59 = arith.constant 0 : i32
      %dma_wait3A_60 = arith.constant 0 : i32
      %dma_wait3A_61 = tpu.memref_slice %arg3[%add3A, %run_scoped3A_21, %dma_wait3A_59, %dma_wait3A_60] : memref<32x81x2x128xi32, #tpu.memory_space<hbm>> -> memref<1x1x2x128xi32, #tpu.memory_space<hbm>>
      %dma_wait3A_62 = tpu.memref_squeeze %dma_wait3A_61 : memref<1x1x2x128xi32, #tpu.memory_space<hbm>> -> memref<2x128xi32, #tpu.memory_space<hbm>>
      %dma_wait3A_63 = arith.constant 0 : i32
      %dma_wait3A_64 = arith.constant 0 : i32
      %dma_wait3A_65 = tpu.memref_slice %arg3[%add3A, %run_scoped3A_21, %dma_wait3A_63, %dma_wait3A_64] : memref<32x81x2x128xi32, #tpu.memory_space<hbm>> -> memref<1x1x2x128xi32, #tpu.memory_space<hbm>>
      %dma_wait3A_66 = tpu.memref_squeeze %dma_wait3A_65 : memref<1x1x2x128xi32, #tpu.memory_space<hbm>> -> memref<2x128xi32, #tpu.memory_space<hbm>>
      tpu.wait_dma2 semaphore(%run_scoped3A_50 : memref<!tpu.dma_semaphore, #tpu.memory_space<semaphore_mem>>) src(%dma_wait3A_66 : memref<2x128xi32, #tpu.memory_space<hbm>>) dst(%arg7 : memref<2x128xi32, #tpu.memory_space<vmem>>)
      tpu.yield
    }) : () -> ()
    %dma_start3A_22 = arith.constant 0 : i32
    %dma_start3A_23 = arith.constant 0 : i32
    %dma_start3A_24 = tpu.memref_slice %arg7[%dma_start3A_22, %dma_start3A_23] : memref<2x128xi32, #tpu.memory_space<vmem>> -> memref<1x128xi32, #tpu.memory_space<vmem>>
    %dma_start3A_25 = tpu.memref_squeeze %dma_start3A_24 : memref<1x128xi32, #tpu.memory_space<vmem>> -> memref<128xi32, #tpu.memory_space<vmem>>
    %dma_start3A_26 = arith.constant 0 : i32
    %dma_start3A_27 = arith.constant 0 : i32
    %dma_start3A_28 = tpu.memref_slice %arg2[%dma_start3A_26, %dma_start3A_27] : memref<10000x128xf32, #tpu.memory_space<hbm>> -> memref<10000x128xf32, #tpu.memory_space<hbm>>
    tpu.enqueue_indirect_dma source(%dma_start3A_28 : memref<10000x128xf32, #tpu.memory_space<hbm>>) target(%arg10 : memref<128x128xf32, #tpu.memory_space<vmem>>) offsets(%dma_start3A_25 : memref<128xi32, #tpu.memory_space<vmem>>) semaphore(%arg13 : memref<!tpu.dma_semaphore, #tpu.memory_space<semaphore_mem>>)
    %scan3A = arith.constant 0 : i32
    %scan3A_29 = arith.constant 0 : i32
    %scan3A_30 = arith.constant 27 : i32
    %scan3A_31 = arith.addi %scan3A_29, %scan3A_30 : i32
    %scan3A_32 = arith.constant 1 : i32
    scf.for %scan3A_50 = %scan3A_29 to %scan3A_31 step %scan3A_32  : i32 {
      %mul3A_51 = arith.constant 3 : i32
      %mul3A_52 = arith.muli %mul3A_51, %scan3A_50 : i32
      %add3A_53 = arith.constant 0 : i32
      %add3A_54 = arith.addi %mul3A_52, %add3A_53 : i32
      %dma_wait3A_55 = arith.constant 0 : i32
      %dma_wait3A_56 = arith.constant 0 : i32
      %dma_wait3A_57 = tpu.memref_slice %arg6[%dma_wait3A_55, %dma_wait3A_56] : memref<2x128xi32, #tpu.memory_space<vmem>> -> memref<1x128xi32, #tpu.memory_space<vmem>>
      %dma_wait3A_58 = tpu.memref_squeeze %dma_wait3A_57 : memref<1x128xi32, #tpu.memory_space<vmem>> -> memref<128xi32, #tpu.memory_space<vmem>>
      %dma_wait3A_59 = arith.constant 0 : i32
      %dma_wait3A_60 = arith.constant 0 : i32
      %dma_wait3A_61 = tpu.memref_slice %arg2[%dma_wait3A_59, %dma_wait3A_60] : memref<10000x128xf32, #tpu.memory_space<hbm>> -> memref<10000x128xf32, #tpu.memory_space<hbm>>
      tpu.wait_indirect_dma semaphore(%arg13 : memref<!tpu.dma_semaphore, #tpu.memory_space<semaphore_mem>>) src(%dma_wait3A_61 : memref<10000x128xf32, #tpu.memory_space<hbm>>) dst(%arg9 : memref<128x128xf32, #tpu.memory_space<vmem>>)
      %dma_start3A_62 = arith.constant 1 : i32
      %dma_start3A_63 = arith.constant 0 : i32
      %dma_start3A_64 = tpu.memref_slice %arg6[%dma_start3A_62, %dma_start3A_63] : memref<2x128xi32, #tpu.memory_space<vmem>> -> memref<1x128xi32, #tpu.memory_space<vmem>>
      %dma_start3A_65 = tpu.memref_squeeze %dma_start3A_64 : memref<1x128xi32, #tpu.memory_space<vmem>> -> memref<128xi32, #tpu.memory_space<vmem>>
      %dma_start3A_66 = arith.constant 0 : i32
      %dma_start3A_67 = arith.constant 0 : i32
      %dma_start3A_68 = tpu.memref_slice %arg12[%dma_start3A_66, %dma_start3A_67] : memref<10064x128xf32, #tpu.memory_space<vmem_shared>> -> memref<10064x128xf32, #tpu.memory_space<vmem_shared>>
      tpu.enqueue_indirect_dma source(%arg9 : memref<128x128xf32, #tpu.memory_space<vmem>>) target(%dma_start3A_68 : memref<10064x128xf32, #tpu.memory_space<vmem_shared>>) offsets(%dma_start3A_65 : memref<128xi32, #tpu.memory_space<vmem>>) semaphore(%arg14 : memref<!tpu.dma_semaphore, #tpu.memory_space<semaphore_mem>>) {add = true}
      %gt3A = arith.constant 0 : i32
      %gt3A_69 = arith.cmpi sgt, %scan3A_50, %gt3A : i32
      %convert_element_type3A_70 = arith.extui %gt3A_69 : i1 to i32
      %cond3A_71 = arith.constant 0 : i32
      %cond3A_72 = arith.cmpi ne, %convert_element_type3A_70, %cond3A_71 : i32
      scf.if %cond3A_72 {
        %dma_wait3A_141 = arith.constant 1 : i32
        %dma_wait3A_142 = arith.constant 0 : i32
        %dma_wait3A_143 = tpu.memref_slice %arg8[%dma_wait3A_141, %dma_wait3A_142] : memref<2x128xi32, #tpu.memory_space<vmem>> -> memref<1x128xi32, #tpu.memory_space<vmem>>
        %dma_wait3A_144 = tpu.memref_squeeze %dma_wait3A_143 : memref<1x128xi32, #tpu.memory_space<vmem>> -> memref<128xi32, #tpu.memory_space<vmem>>
        %dma_wait3A_145 = arith.constant 0 : i32
        %dma_wait3A_146 = arith.constant 0 : i32
        %dma_wait3A_147 = tpu.memref_slice %arg12[%dma_wait3A_145, %dma_wait3A_146] : memref<10064x128xf32, #tpu.memory_space<vmem_shared>> -> memref<10064x128xf32, #tpu.memory_space<vmem_shared>>
        tpu.wait_indirect_dma semaphore(%arg14 : memref<!tpu.dma_semaphore, #tpu.memory_space<semaphore_mem>>) src(%arg11 : memref<128x128xf32, #tpu.memory_space<vmem>>) dst(%dma_wait3A_147 : memref<10064x128xf32, #tpu.memory_space<vmem_shared>>)
      } else {
      }
      %add3A_73 = arith.constant 2 : i32
      %add3A_74 = arith.addi %add3A_54, %add3A_73 : i32
      "tpu.region"() ({
        %run_scoped3A_141 = tpu.sem_alloc : memref<!tpu.dma_semaphore, #tpu.memory_space<semaphore_mem>>
        %dma_start3A_142 = arith.constant 0 : i32
        %dma_start3A_143 = arith.constant 0 : i32
        %dma_start3A_144 = tpu.memref_slice %arg3[%add3A, %add3A_74, %dma_start3A_142, %dma_start3A_143] : memref<32x81x2x128xi32, #tpu.memory_space<hbm>> -> memref<1x1x2x128xi32, #tpu.memory_space<hbm>>
        %dma_start3A_145 = tpu.memref_squeeze %dma_start3A_144 : memref<1x1x2x128xi32, #tpu.memory_space<hbm>> -> memref<2x128xi32, #tpu.memory_space<hbm>>
        %dma_start3A_146 = arith.constant 0 : i32
        %dma_start3A_147 = arith.constant 0 : i32
        %dma_start3A_148 = tpu.memref_slice %arg3[%add3A, %add3A_74, %dma_start3A_146, %dma_start3A_147] : memref<32x81x2x128xi32, #tpu.memory_space<hbm>> -> memref<1x1x2x128xi32, #tpu.memory_space<hbm>>
        %dma_start3A_149 = tpu.memref_squeeze %dma_start3A_148 : memref<1x1x2x128xi32, #tpu.memory_space<hbm>> -> memref<2x128xi32, #tpu.memory_space<hbm>>
        tpu.enqueue_dma source(%dma_start3A_149 : memref<2x128xi32, #tpu.memory_space<hbm>>) target(%arg8 : memref<2x128xi32, #tpu.memory_space<vmem>>) target_semaphore(%run_scoped3A_141 : memref<!tpu.dma_semaphore, #tpu.memory_space<semaphore_mem>>)
        %dma_wait3A_150 = arith.constant 0 : i32
        %dma_wait3A_151 = arith.constant 0 : i32
        %dma_wait3A_152 = tpu.memref_slice %arg3[%add3A, %add3A_74, %dma_wait3A_150, %dma_wait3A_151] : memref<32x81x2x128xi32, #tpu.memory_space<hbm>> -> memref<1x1x2x128xi32, #tpu.memory_space<hbm>>
        %dma_wait3A_153 = tpu.memref_squeeze %dma_wait3A_152 : memref<1x1x2x128xi32, #tpu.memory_space<hbm>> -> memref<2x128xi32, #tpu.memory_space<hbm>>
        %dma_wait3A_154 = arith.constant 0 : i32
        %dma_wait3A_155 = arith.constant 0 : i32
        %dma_wait3A_156 = tpu.memref_slice %arg3[%add3A, %add3A_74, %dma_wait3A_154, %dma_wait3A_155] : memref<32x81x2x128xi32, #tpu.memory_space<hbm>> -> memref<1x1x2x128xi32, #tpu.memory_space<hbm>>
        %dma_wait3A_157 = tpu.memref_squeeze %dma_wait3A_156 : memref<1x1x2x128xi32, #tpu.memory_space<hbm>> -> memref<2x128xi32, #tpu.memory_space<hbm>>
        tpu.wait_dma2 semaphore(%run_scoped3A_141 : memref<!tpu.dma_semaphore, #tpu.memory_space<semaphore_mem>>) src(%dma_wait3A_157 : memref<2x128xi32, #tpu.memory_space<hbm>>) dst(%arg8 : memref<2x128xi32, #tpu.memory_space<vmem>>)
        tpu.yield
      }) : () -> ()
      %dma_start3A_75 = arith.constant 0 : i32
      %dma_start3A_76 = arith.constant 0 : i32
      %dma_start3A_77 = tpu.memref_slice %arg8[%dma_start3A_75, %dma_start3A_76] : memref<2x128xi32, #tpu.memory_space<vmem>> -> memref<1x128xi32, #tpu.memory_space<vmem>>
      %dma_start3A_78 = tpu.memref_squeeze %dma_start3A_77 : memref<1x128xi32, #tpu.memory_space<vmem>> -> memref<128xi32, #tpu.memory_space<vmem>>
      %dma_start3A_79 = arith.constant 0 : i32
      %dma_start3A_80 = arith.constant 0 : i32
      %dma_start3A_81 = tpu.memref_slice %arg2[%dma_start3A_79, %dma_start3A_80] : memref<10000x128xf32, #tpu.memory_space<hbm>> -> memref<10000x128xf32, #tpu.memory_space<hbm>>
      tpu.enqueue_indirect_dma source(%dma_start3A_81 : memref<10000x128xf32, #tpu.memory_space<hbm>>) target(%arg11 : memref<128x128xf32, #tpu.memory_space<vmem>>) offsets(%dma_start3A_78 : memref<128xi32, #tpu.memory_space<vmem>>) semaphore(%arg13 : memref<!tpu.dma_semaphore, #tpu.memory_space<semaphore_mem>>)
      %mul3A_82 = arith.constant 3 : i32
      %mul3A_83 = arith.muli %mul3A_82, %scan3A_50 : i32
      %add3A_84 = arith.constant 1 : i32
      %add3A_85 = arith.addi %mul3A_83, %add3A_84 : i32
      %dma_wait3A_86 = arith.constant 0 : i32
      %dma_wait3A_87 = arith.constant 0 : i32
      %dma_wait3A_88 = tpu.memref_slice %arg7[%dma_wait3A_86, %dma_wait3A_87] : memref<2x128xi32, #tpu.memory_space<vmem>> -> memref<1x128xi32, #tpu.memory_space<vmem>>
      %dma_wait3A_89 = tpu.memref_squeeze %dma_wait3A_88 : memref<1x128xi32, #tpu.memory_space<vmem>> -> memref<128xi32, #tpu.memory_space<vmem>>
      %dma_wait3A_90 = arith.constant 0 : i32
      %dma_wait3A_91 = arith.constant 0 : i32
      %dma_wait3A_92 = tpu.memref_slice %arg2[%dma_wait3A_90, %dma_wait3A_91] : memref<10000x128xf32, #tpu.memory_space<hbm>> -> memref<10000x128xf32, #tpu.memory_space<hbm>>
      tpu.wait_indirect_dma semaphore(%arg13 : memref<!tpu.dma_semaphore, #tpu.memory_space<semaphore_mem>>) src(%dma_wait3A_92 : memref<10000x128xf32, #tpu.memory_space<hbm>>) dst(%arg10 : memref<128x128xf32, #tpu.memory_space<vmem>>)
      %dma_start3A_93 = arith.constant 1 : i32
      %dma_start3A_94 = arith.constant 0 : i32
      %dma_start3A_95 = tpu.memref_slice %arg7[%dma_start3A_93, %dma_start3A_94] : memref<2x128xi32, #tpu.memory_space<vmem>> -> memref<1x128xi32, #tpu.memory_space<vmem>>
      %dma_start3A_96 = tpu.memref_squeeze %dma_start3A_95 : memref<1x128xi32, #tpu.memory_space<vmem>> -> memref<128xi32, #tpu.memory_space<vmem>>
      %dma_start3A_97 = arith.constant 0 : i32
      %dma_start3A_98 = arith.constant 0 : i32
      %dma_start3A_99 = tpu.memref_slice %arg12[%dma_start3A_97, %dma_start3A_98] : memref<10064x128xf32, #tpu.memory_space<vmem_shared>> -> memref<10064x128xf32, #tpu.memory_space<vmem_shared>>
      tpu.enqueue_indirect_dma source(%arg10 : memref<128x128xf32, #tpu.memory_space<vmem>>) target(%dma_start3A_99 : memref<10064x128xf32, #tpu.memory_space<vmem_shared>>) offsets(%dma_start3A_96 : memref<128xi32, #tpu.memory_space<vmem>>) semaphore(%arg14 : memref<!tpu.dma_semaphore, #tpu.memory_space<semaphore_mem>>) {add = true}
      %dma_wait3A_100 = arith.constant 1 : i32
      %dma_wait3A_101 = arith.constant 0 : i32
      %dma_wait3A_102 = tpu.memref_slice %arg6[%dma_wait3A_100, %dma_wait3A_101] : memref<2x128xi32, #tpu.memory_space<vmem>> -> memref<1x128xi32, #tpu.memory_space<vmem>>
      %dma_wait3A_103 = tpu.memref_squeeze %dma_wait3A_102 : memref<1x128xi32, #tpu.memory_space<vmem>> -> memref<128xi32, #tpu.memory_space<vmem>>
      %dma_wait3A_104 = arith.constant 0 : i32
      %dma_wait3A_105 = arith.constant 0 : i32
      %dma_wait3A_106 = tpu.memref_slice %arg12[%dma_wait3A_104, %dma_wait3A_105] : memref<10064x128xf32, #tpu.memory_space<vmem_shared>> -> memref<10064x128xf32, #tpu.memory_space<vmem_shared>>
      tpu.wait_indirect_dma semaphore(%arg14 : memref<!tpu.dma_semaphore, #tpu.memory_space<semaphore_mem>>) src(%arg9 : memref<128x128xf32, #tpu.memory_space<vmem>>) dst(%dma_wait3A_106 : memref<10064x128xf32, #tpu.memory_space<vmem_shared>>)
      %lt3A = arith.constant 26 : i32
      %lt3A_107 = arith.cmpi slt, %scan3A_50, %lt3A : i32
      %convert_element_type3A_108 = arith.extui %lt3A_107 : i1 to i32
      %cond3A_109 = arith.constant 0 : i32
      %cond3A_110 = arith.cmpi ne, %convert_element_type3A_108, %cond3A_109 : i32
      scf.if %cond3A_110 {
        %add3A_141 = arith.constant 2 : i32
        %add3A_142 = arith.addi %add3A_85, %add3A_141 : i32
        "tpu.region"() ({
          %run_scoped3A_150 = tpu.sem_alloc : memref<!tpu.dma_semaphore, #tpu.memory_space<semaphore_mem>>
          %dma_start3A_151 = arith.constant 0 : i32
          %dma_start3A_152 = arith.constant 0 : i32
          %dma_start3A_153 = tpu.memref_slice %arg3[%add3A, %add3A_142, %dma_start3A_151, %dma_start3A_152] : memref<32x81x2x128xi32, #tpu.memory_space<hbm>> -> memref<1x1x2x128xi32, #tpu.memory_space<hbm>>
          %dma_start3A_154 = tpu.memref_squeeze %dma_start3A_153 : memref<1x1x2x128xi32, #tpu.memory_space<hbm>> -> memref<2x128xi32, #tpu.memory_space<hbm>>
          %dma_start3A_155 = arith.constant 0 : i32
          %dma_start3A_156 = arith.constant 0 : i32
          %dma_start3A_157 = tpu.memref_slice %arg3[%add3A, %add3A_142, %dma_start3A_155, %dma_start3A_156] : memref<32x81x2x128xi32, #tpu.memory_space<hbm>> -> memref<1x1x2x128xi32, #tpu.memory_space<hbm>>
          %dma_start3A_158 = tpu.memref_squeeze %dma_start3A_157 : memref<1x1x2x128xi32, #tpu.memory_space<hbm>> -> memref<2x128xi32, #tpu.memory_space<hbm>>
          tpu.enqueue_dma source(%dma_start3A_158 : memref<2x128xi32, #tpu.memory_space<hbm>>) target(%arg6 : memref<2x128xi32, #tpu.memory_space<vmem>>) target_semaphore(%run_scoped3A_150 : memref<!tpu.dma_semaphore, #tpu.memory_space<semaphore_mem>>)
          %dma_wait3A_159 = arith.constant 0 : i32
          %dma_wait3A_160 = arith.constant 0 : i32
          %dma_wait3A_161 = tpu.memref_slice %arg3[%add3A, %add3A_142, %dma_wait3A_159, %dma_wait3A_160] : memref<32x81x2x128xi32, #tpu.memory_space<hbm>> -> memref<1x1x2x128xi32, #tpu.memory_space<hbm>>
          %dma_wait3A_162 = tpu.memref_squeeze %dma_wait3A_161 : memref<1x1x2x128xi32, #tpu.memory_space<hbm>> -> memref<2x128xi32, #tpu.memory_space<hbm>>
          %dma_wait3A_163 = arith.constant 0 : i32
          %dma_wait3A_164 = arith.constant 0 : i32
          %dma_wait3A_165 = tpu.memref_slice %arg3[%add3A, %add3A_142, %dma_wait3A_163, %dma_wait3A_164] : memref<32x81x2x128xi32, #tpu.memory_space<hbm>> -> memref<1x1x2x128xi32, #tpu.memory_space<hbm>>
          %dma_wait3A_166 = tpu.memref_squeeze %dma_wait3A_165 : memref<1x1x2x128xi32, #tpu.memory_space<hbm>> -> memref<2x128xi32, #tpu.memory_space<hbm>>
          tpu.wait_dma2 semaphore(%run_scoped3A_150 : memref<!tpu.dma_semaphore, #tpu.memory_space<semaphore_mem>>) src(%dma_wait3A_166 : memref<2x128xi32, #tpu.memory_space<hbm>>) dst(%arg6 : memref<2x128xi32, #tpu.memory_space<vmem>>)
          tpu.yield
        }) : () -> ()
        %dma_start3A_143 = arith.constant 0 : i32
        %dma_start3A_144 = arith.constant 0 : i32
        %dma_start3A_145 = tpu.memref_slice %arg6[%dma_start3A_143, %dma_start3A_144] : memref<2x128xi32, #tpu.memory_space<vmem>> -> memref<1x128xi32, #tpu.memory_space<vmem>>
        %dma_start3A_146 = tpu.memref_squeeze %dma_start3A_145 : memref<1x128xi32, #tpu.memory_space<vmem>> -> memref<128xi32, #tpu.memory_space<vmem>>
        %dma_start3A_147 = arith.constant 0 : i32
        %dma_start3A_148 = arith.constant 0 : i32
        %dma_start3A_149 = tpu.memref_slice %arg2[%dma_start3A_147, %dma_start3A_148] : memref<10000x128xf32, #tpu.memory_space<hbm>> -> memref<10000x128xf32, #tpu.memory_space<hbm>>
        tpu.enqueue_indirect_dma source(%dma_start3A_149 : memref<10000x128xf32, #tpu.memory_space<hbm>>) target(%arg9 : memref<128x128xf32, #tpu.memory_space<vmem>>) offsets(%dma_start3A_146 : memref<128xi32, #tpu.memory_space<vmem>>) semaphore(%arg13 : memref<!tpu.dma_semaphore, #tpu.memory_space<semaphore_mem>>)
      } else {
      }
      %mul3A_111 = arith.constant 3 : i32
      %mul3A_112 = arith.muli %mul3A_111, %scan3A_50 : i32
      %add3A_113 = arith.constant 2 : i32
      %add3A_114 = arith.addi %mul3A_112, %add3A_113 : i32
      %dma_wait3A_115 = arith.constant 0 : i32
      %dma_wait3A_116 = arith.constant 0 : i32
      %dma_wait3A_117 = tpu.memref_slice %arg8[%dma_wait3A_115, %dma_wait3A_116] : memref<2x128xi32, #tpu.memory_space<vmem>> -> memref<1x128xi32, #tpu.memory_space<vmem>>
      %dma_wait3A_118 = tpu.memref_squeeze %dma_wait3A_117 : memref<1x128xi32, #tpu.memory_space<vmem>> -> memref<128xi32, #tpu.memory_space<vmem>>
      %dma_wait3A_119 = arith.constant 0 : i32
      %dma_wait3A_120 = arith.constant 0 : i32
      %dma_wait3A_121 = tpu.memref_slice %arg2[%dma_wait3A_119, %dma_wait3A_120] : memref<10000x128xf32, #tpu.memory_space<hbm>> -> memref<10000x128xf32, #tpu.memory_space<hbm>>
      tpu.wait_indirect_dma semaphore(%arg13 : memref<!tpu.dma_semaphore, #tpu.memory_space<semaphore_mem>>) src(%dma_wait3A_121 : memref<10000x128xf32, #tpu.memory_space<hbm>>) dst(%arg11 : memref<128x128xf32, #tpu.memory_space<vmem>>)
      %dma_start3A_122 = arith.constant 1 : i32
      %dma_start3A_123 = arith.constant 0 : i32
      %dma_start3A_124 = tpu.memref_slice %arg8[%dma_start3A_122, %dma_start3A_123] : memref<2x128xi32, #tpu.memory_space<vmem>> -> memref<1x128xi32, #tpu.memory_space<vmem>>
      %dma_start3A_125 = tpu.memref_squeeze %dma_start3A_124 : memref<1x128xi32, #tpu.memory_space<vmem>> -> memref<128xi32, #tpu.memory_space<vmem>>
      %dma_start3A_126 = arith.constant 0 : i32
      %dma_start3A_127 = arith.constant 0 : i32
      %dma_start3A_128 = tpu.memref_slice %arg12[%dma_start3A_126, %dma_start3A_127] : memref<10064x128xf32, #tpu.memory_space<vmem_shared>> -> memref<10064x128xf32, #tpu.memory_space<vmem_shared>>
      tpu.enqueue_indirect_dma source(%arg11 : memref<128x128xf32, #tpu.memory_space<vmem>>) target(%dma_start3A_128 : memref<10064x128xf32, #tpu.memory_space<vmem_shared>>) offsets(%dma_start3A_125 : memref<128xi32, #tpu.memory_space<vmem>>) semaphore(%arg14 : memref<!tpu.dma_semaphore, #tpu.memory_space<semaphore_mem>>) {add = true}
      %dma_wait3A_129 = arith.constant 1 : i32
      %dma_wait3A_130 = arith.constant 0 : i32
      %dma_wait3A_131 = tpu.memref_slice %arg7[%dma_wait3A_129, %dma_wait3A_130] : memref<2x128xi32, #tpu.memory_space<vmem>> -> memref<1x128xi32, #tpu.memory_space<vmem>>
      %dma_wait3A_132 = tpu.memref_squeeze %dma_wait3A_131 : memref<1x128xi32, #tpu.memory_space<vmem>> -> memref<128xi32, #tpu.memory_space<vmem>>
      %dma_wait3A_133 = arith.constant 0 : i32
      %dma_wait3A_134 = arith.constant 0 : i32
      %dma_wait3A_135 = tpu.memref_slice %arg12[%dma_wait3A_133, %dma_wait3A_134] : memref<10064x128xf32, #tpu.memory_space<vmem_shared>> -> memref<10064x128xf32, #tpu.memory_space<vmem_shared>>
      tpu.wait_indirect_dma semaphore(%arg14 : memref<!tpu.dma_semaphore, #tpu.memory_space<semaphore_mem>>) src(%arg10 : memref<128x128xf32, #tpu.memory_space<vmem>>) dst(%dma_wait3A_135 : memref<10064x128xf32, #tpu.memory_space<vmem_shared>>)
      %lt3A_136 = arith.constant 26 : i32
      %lt3A_137 = arith.cmpi slt, %scan3A_50, %lt3A_136 : i32
      %convert_element_type3A_138 = arith.extui %lt3A_137 : i1 to i32
      %cond3A_139 = arith.constant 0 : i32
      %cond3A_140 = arith.cmpi ne, %convert_element_type3A_138, %cond3A_139 : i32
      scf.if %cond3A_140 {
        %add3A_141 = arith.constant 2 : i32
        %add3A_142 = arith.addi %add3A_114, %add3A_141 : i32
        "tpu.region"() ({
          %run_scoped3A_150 = tpu.sem_alloc : memref<!tpu.dma_semaphore, #tpu.memory_space<semaphore_mem>>
          %dma_start3A_151 = arith.constant 0 : i32
          %dma_start3A_152 = arith.constant 0 : i32
          %dma_start3A_153 = tpu.memref_slice %arg3[%add3A, %add3A_142, %dma_start3A_151, %dma_start3A_152] : memref<32x81x2x128xi32, #tpu.memory_space<hbm>> -> memref<1x1x2x128xi32, #tpu.memory_space<hbm>>
          %dma_start3A_154 = tpu.memref_squeeze %dma_start3A_153 : memref<1x1x2x128xi32, #tpu.memory_space<hbm>> -> memref<2x128xi32, #tpu.memory_space<hbm>>
          %dma_start3A_155 = arith.constant 0 : i32
          %dma_start3A_156 = arith.constant 0 : i32
          %dma_start3A_157 = tpu.memref_slice %arg3[%add3A, %add3A_142, %dma_start3A_155, %dma_start3A_156] : memref<32x81x2x128xi32, #tpu.memory_space<hbm>> -> memref<1x1x2x128xi32, #tpu.memory_space<hbm>>
          %dma_start3A_158 = tpu.memref_squeeze %dma_start3A_157 : memref<1x1x2x128xi32, #tpu.memory_space<hbm>> -> memref<2x128xi32, #tpu.memory_space<hbm>>
          tpu.enqueue_dma source(%dma_start3A_158 : memref<2x128xi32, #tpu.memory_space<hbm>>) target(%arg7 : memref<2x128xi32, #tpu.memory_space<vmem>>) target_semaphore(%run_scoped3A_150 : memref<!tpu.dma_semaphore, #tpu.memory_space<semaphore_mem>>)
          %dma_wait3A_159 = arith.constant 0 : i32
          %dma_wait3A_160 = arith.constant 0 : i32
          %dma_wait3A_161 = tpu.memref_slice %arg3[%add3A, %add3A_142, %dma_wait3A_159, %dma_wait3A_160] : memref<32x81x2x128xi32, #tpu.memory_space<hbm>> -> memref<1x1x2x128xi32, #tpu.memory_space<hbm>>
          %dma_wait3A_162 = tpu.memref_squeeze %dma_wait3A_161 : memref<1x1x2x128xi32, #tpu.memory_space<hbm>> -> memref<2x128xi32, #tpu.memory_space<hbm>>
          %dma_wait3A_163 = arith.constant 0 : i32
          %dma_wait3A_164 = arith.constant 0 : i32
          %dma_wait3A_165 = tpu.memref_slice %arg3[%add3A, %add3A_142, %dma_wait3A_163, %dma_wait3A_164] : memref<32x81x2x128xi32, #tpu.memory_space<hbm>> -> memref<1x1x2x128xi32, #tpu.memory_space<hbm>>
          %dma_wait3A_166 = tpu.memref_squeeze %dma_wait3A_165 : memref<1x1x2x128xi32, #tpu.memory_space<hbm>> -> memref<2x128xi32, #tpu.memory_space<hbm>>
          tpu.wait_dma2 semaphore(%run_scoped3A_150 : memref<!tpu.dma_semaphore, #tpu.memory_space<semaphore_mem>>) src(%dma_wait3A_166 : memref<2x128xi32, #tpu.memory_space<hbm>>) dst(%arg7 : memref<2x128xi32, #tpu.memory_space<vmem>>)
          tpu.yield
        }) : () -> ()
        %dma_start3A_143 = arith.constant 0 : i32
        %dma_start3A_144 = arith.constant 0 : i32
        %dma_start3A_145 = tpu.memref_slice %arg7[%dma_start3A_143, %dma_start3A_144] : memref<2x128xi32, #tpu.memory_space<vmem>> -> memref<1x128xi32, #tpu.memory_space<vmem>>
        %dma_start3A_146 = tpu.memref_squeeze %dma_start3A_145 : memref<1x128xi32, #tpu.memory_space<vmem>> -> memref<128xi32, #tpu.memory_space<vmem>>
        %dma_start3A_147 = arith.constant 0 : i32
        %dma_start3A_148 = arith.constant 0 : i32
        %dma_start3A_149 = tpu.memref_slice %arg2[%dma_start3A_147, %dma_start3A_148] : memref<10000x128xf32, #tpu.memory_space<hbm>> -> memref<10000x128xf32, #tpu.memory_space<hbm>>
        tpu.enqueue_indirect_dma source(%dma_start3A_149 : memref<10000x128xf32, #tpu.memory_space<hbm>>) target(%arg10 : memref<128x128xf32, #tpu.memory_space<vmem>>) offsets(%dma_start3A_146 : memref<128xi32, #tpu.memory_space<vmem>>) semaphore(%arg13 : memref<!tpu.dma_semaphore, #tpu.memory_space<semaphore_mem>>)
      } else {
      }
    }
    %scan3A_33 = arith.constant 27 : i32
    %dma_wait3A = arith.constant 1 : i32
    %dma_wait3A_34 = arith.constant 0 : i32
    %dma_wait3A_35 = tpu.memref_slice %arg8[%dma_wait3A, %dma_wait3A_34] : memref<2x128xi32, #tpu.memory_space<vmem>> -> memref<1x128xi32, #tpu.memory_space<vmem>>
    %dma_wait3A_36 = tpu.memref_squeeze %dma_wait3A_35 : memref<1x128xi32, #tpu.memory_space<vmem>> -> memref<128xi32, #tpu.memory_space<vmem>>
    %dma_wait3A_37 = arith.constant 0 : i32
    %dma_wait3A_38 = arith.constant 0 : i32
    %dma_wait3A_39 = tpu.memref_slice %arg12[%dma_wait3A_37, %dma_wait3A_38] : memref<10064x128xf32, #tpu.memory_space<vmem_shared>> -> memref<10064x128xf32, #tpu.memory_space<vmem_shared>>
    tpu.wait_indirect_dma semaphore(%arg14 : memref<!tpu.dma_semaphore, #tpu.memory_space<semaphore_mem>>) src(%arg11 : memref<128x128xf32, #tpu.memory_space<vmem>>) dst(%dma_wait3A_39 : memref<10064x128xf32, #tpu.memory_space<vmem_shared>>)
    %barrier3A_40 = arith.constant 0 : index
    tpu.barrier barrier_id(%barrier3A_40)
    %mul3A_41 = arith.constant 624 : i32
    %mul3A_42 = arith.muli %arg1, %mul3A_41 : i32
    %mul3A_43 = arith.constant 624 : i32
    %mul3A_44 = arith.muli %arg1, %mul3A_43 : i32
    "tpu.region"() ({
      %run_scoped3A_50 = tpu.sem_alloc : memref<!tpu.dma_semaphore, #tpu.memory_space<semaphore_mem>>
      %dma_start3A_51 = arith.constant 0 : i32
      %dma_start3A_52 = tpu.memref_slice %arg5[%arg0, %mul3A_44, %dma_start3A_51] : memref<2x10000x128xf32, #tpu.memory_space<hbm>> -> memref<1x624x128xf32, #tpu.memory_space<hbm>>
      %dma_start3A_53 = tpu.memref_squeeze %dma_start3A_52 : memref<1x624x128xf32, #tpu.memory_space<hbm>> -> memref<624x128xf32, #tpu.memory_space<hbm>>
      %dma_start3A_54 = arith.constant 0 : i32
      %dma_start3A_55 = tpu.memref_slice %arg12[%mul3A_42, %dma_start3A_54] : memref<10064x128xf32, #tpu.memory_space<vmem_shared>> -> memref<624x128xf32, #tpu.memory_space<vmem_shared>>
      tpu.enqueue_dma source(%dma_start3A_55 : memref<624x128xf32, #tpu.memory_space<vmem_shared>>) target(%dma_start3A_53 : memref<624x128xf32, #tpu.memory_space<hbm>>) target_semaphore(%run_scoped3A_50 : memref<!tpu.dma_semaphore, #tpu.memory_space<semaphore_mem>>)
      %dma_wait3A_56 = arith.constant 0 : i32
      %dma_wait3A_57 = tpu.memref_slice %arg5[%arg0, %mul3A_44, %dma_wait3A_56] : memref<2x10000x128xf32, #tpu.memory_space<hbm>> -> memref<1x624x128xf32, #tpu.memory_space<hbm>>
      %dma_wait3A_58 = tpu.memref_squeeze %dma_wait3A_57 : memref<1x624x128xf32, #tpu.memory_space<hbm>> -> memref<624x128xf32, #tpu.memory_space<hbm>>
      %dma_wait3A_59 = arith.constant 0 : i32
      %dma_wait3A_60 = tpu.memref_slice %arg12[%mul3A_42, %dma_wait3A_59] : memref<10064x128xf32, #tpu.memory_space<vmem_shared>> -> memref<624x128xf32, #tpu.memory_space<vmem_shared>>
      tpu.wait_dma2 semaphore(%run_scoped3A_50 : memref<!tpu.dma_semaphore, #tpu.memory_space<semaphore_mem>>) src(%dma_wait3A_60 : memref<624x128xf32, #tpu.memory_space<vmem_shared>>) dst(%dma_wait3A_58 : memref<624x128xf32, #tpu.memory_space<hbm>>)
      tpu.yield
    }) : () -> ()
    %eq3A_45 = arith.constant 0 : i32
    %eq3A_46 = arith.cmpi eq, %arg1, %eq3A_45 : i32
    %convert_element_type3A_47 = arith.extui %eq3A_46 : i1 to i32
    %cond3A_48 = arith.constant 0 : i32
    %cond3A_49 = arith.cmpi ne, %convert_element_type3A_47, %cond3A_48 : i32
    scf.if %cond3A_49 {
      "tpu.region"() ({
        %run_scoped3A_50 = tpu.sem_alloc : memref<!tpu.dma_semaphore, #tpu.memory_space<semaphore_mem>>
        %dma_start3A_51 = arith.constant 9984 : i32
        %dma_start3A_52 = arith.constant 0 : i32
        %dma_start3A_53 = tpu.memref_slice %arg5[%arg0, %dma_start3A_51, %dma_start3A_52] : memref<2x10000x128xf32, #tpu.memory_space<hbm>> -> memref<1x16x128xf32, #tpu.memory_space<hbm>>
        %dma_start3A_54 = tpu.memref_squeeze %dma_start3A_53 : memref<1x16x128xf32, #tpu.memory_space<hbm>> -> memref<16x128xf32, #tpu.memory_space<hbm>>
        %dma_start3A_55 = arith.constant 9984 : i32
        %dma_start3A_56 = arith.constant 0 : i32
        %dma_start3A_57 = tpu.memref_slice %arg12[%dma_start3A_55, %dma_start3A_56] : memref<10064x128xf32, #tpu.memory_space<vmem_shared>> -> memref<16x128xf32, #tpu.memory_space<vmem_shared>>
        tpu.enqueue_dma source(%dma_start3A_57 : memref<16x128xf32, #tpu.memory_space<vmem_shared>>) target(%dma_start3A_54 : memref<16x128xf32, #tpu.memory_space<hbm>>) target_semaphore(%run_scoped3A_50 : memref<!tpu.dma_semaphore, #tpu.memory_space<semaphore_mem>>)
        %dma_wait3A_58 = arith.constant 9984 : i32
        %dma_wait3A_59 = arith.constant 0 : i32
        %dma_wait3A_60 = tpu.memref_slice %arg5[%arg0, %dma_wait3A_58, %dma_wait3A_59] : memref<2x10000x128xf32, #tpu.memory_space<hbm>> -> memref<1x16x128xf32, #tpu.memory_space<hbm>>
        %dma_wait3A_61 = tpu.memref_squeeze %dma_wait3A_60 : memref<1x16x128xf32, #tpu.memory_space<hbm>> -> memref<16x128xf32, #tpu.memory_space<hbm>>
        %dma_wait3A_62 = arith.constant 9984 : i32
        %dma_wait3A_63 = arith.constant 0 : i32
        %dma_wait3A_64 = tpu.memref_slice %arg12[%dma_wait3A_62, %dma_wait3A_63] : memref<10064x128xf32, #tpu.memory_space<vmem_shared>> -> memref<16x128xf32, #tpu.memory_space<vmem_shared>>
        tpu.wait_dma2 semaphore(%run_scoped3A_50 : memref<!tpu.dma_semaphore, #tpu.memory_space<semaphore_mem>>) src(%dma_wait3A_64 : memref<16x128xf32, #tpu.memory_space<vmem_shared>>) dst(%dma_wait3A_61 : memref<16x128xf32, #tpu.memory_space<hbm>>)
        tpu.yield
      }) : () -> ()
    } else {
    }
    return
  }
}

module attributes {stable_mosaic.version = 14 : i64} {
  func.func @_lead_body(%arg0: i32, %arg1: memref<2000x128xf32, #tpu.memory_space<vmem>>, %arg2: memref<128x128xf32, #tpu.memory_space<vmem>>, %arg3: memref<1x128xf32, #tpu.memory_space<vmem>>, %arg4: memref<2x2000x128xf32, #tpu.memory_space<vmem>>, %arg5: memref<2000x128xf32, #tpu.memory_space<vmem>>, %arg6: memref<2000x128xf32, #tpu.memory_space<vmem>>, %arg7: memref<2000x1xf32, #tpu.memory_space<vmem>>) attributes {dimension_semantics = [#tpu.dimension_semantics<arbitrary>], iteration_bounds = array<i64: 5>, scalar_prefetch = 0 : i64, scratch_operands = 0 : i64, tpu.core_type = #tpu.core_type<tc>, window_params = [{transform_indices = @transform_0, window_bounds = array<i64: 2000, 128>}, {pipeline_mode = #tpu.pipeline_mode<synchronous>, transform_indices = @transform_1, window_bounds = array<i64: 128, 128>}, {pipeline_mode = #tpu.pipeline_mode<synchronous>, transform_indices = @transform_2, window_bounds = array<i64: 1, 128>}, {transform_indices = @transform_3, window_bounds = array<i64: 2, 2000, 128>}, {transform_indices = @transform_4, window_bounds = array<i64: 2000, 128>}, {transform_indices = @transform_5, window_bounds = array<i64: 2000, 128>}, {transform_indices = @transform_6, window_bounds = array<i64: 2000, 1>}]} {
    %get3A = arith.constant 0 : index
    %get3A_0 = arith.constant 0 : index
    %get3A_1 = arith.constant 0 : index
    %get3A_2 = vector.load %arg4[%get3A, %get3A_0, %get3A_1] : memref<2x2000x128xf32, #tpu.memory_space<vmem>>, vector<1x2000x1xf32>
    %get3A_3 = vector.shape_cast %get3A_2 : vector<1x2000x1xf32> to vector<2000x1xf32>
    %get3A_4 = arith.constant 1 : index
    %get3A_5 = arith.constant 0 : index
    %get3A_6 = arith.constant 0 : index
    %get3A_7 = vector.load %arg4[%get3A_4, %get3A_5, %get3A_6] : memref<2x2000x128xf32, #tpu.memory_space<vmem>>, vector<1x2000x1xf32>
    %get3A_8 = vector.shape_cast %get3A_7 : vector<1x2000x1xf32> to vector<2000x1xf32>
    %add3A = arith.addf %get3A_3, %get3A_8 : vector<2000x1xf32>
    %add3A_9 = arith.constant 1.000000e+00 : f32
    %add3A_10 = vector.broadcast %add3A_9 : f32 to vector<2000x1xf32>
    %add3A_11 = arith.addf %add3A, %add3A_10 : vector<2000x1xf32>
    %rsqrt3A = math.rsqrt %add3A_11 : vector<2000x1xf32>
    %get3A_12 = arith.constant 0 : index
    %get3A_13 = arith.constant 0 : index
    %get3A_14 = vector.load %arg1[%get3A_12, %get3A_13] : memref<2000x128xf32, #tpu.memory_space<vmem>>, vector<2000x128xf32>
    %get3A_15 = arith.constant 0 : index
    %get3A_16 = arith.constant 0 : index
    %get3A_17 = vector.load %arg2[%get3A_15, %get3A_16] : memref<128x128xf32, #tpu.memory_space<vmem>>, vector<128x128xf32>
    %dot_general3A = arith.constant dense<0.000000e+00> : vector<2000x128xf32>
    %dot_general3A_18 = tpu.matmul %get3A_14, %get3A_17, %dot_general3A {dimension_numbers = #tpu.dot_dimension_numbers<[1], [0], [0], [1], [0, 0, 1, 1], [], []>, transpose_lhs_hint = false} : vector<2000x128xf32>, vector<128x128xf32>, vector<2000x128xf32> -> vector<2000x128xf32>
    %get3A_19 = arith.constant 0 : index
    %get3A_20 = arith.constant 0 : index
    %get3A_21 = vector.load %arg3[%get3A_19, %get3A_20] : memref<1x128xf32, #tpu.memory_space<vmem>>, vector<1x128xf32>
    %add3A_22 = vector.broadcast %get3A_21 : vector<1x128xf32> to vector<2000x128xf32>
    %add3A_23 = arith.addf %dot_general3A_18, %add3A_22 : vector<2000x128xf32>
    %swap3A = arith.constant 0 : index
    %swap3A_24 = arith.constant 0 : index
    %swap3A_25 = vector.load %arg5[%swap3A, %swap3A_24] : memref<2000x128xf32, #tpu.memory_space<vmem>>, vector<2000x128xf32>
    tpu.vector_store %arg5[%swap3A, %swap3A_24], %add3A_23 {strides = array<i32>} : memref<2000x128xf32, #tpu.memory_space<vmem>>, vector<2000x128xf32>,
    %mul3A = vector.broadcast %rsqrt3A : vector<2000x1xf32> to vector<2000x128xf32>
    %mul3A_26 = arith.mulf %add3A_23, %mul3A : vector<2000x128xf32>
    %swap3A_27 = arith.constant 0 : index
    %swap3A_28 = arith.constant 0 : index
    %swap3A_29 = vector.load %arg6[%swap3A_27, %swap3A_28] : memref<2000x128xf32, #tpu.memory_space<vmem>>, vector<2000x128xf32>
    tpu.vector_store %arg6[%swap3A_27, %swap3A_28], %mul3A_26 {strides = array<i32>} : memref<2000x128xf32, #tpu.memory_space<vmem>>, vector<2000x128xf32>,
    %swap3A_30 = arith.constant 0 : index
    %swap3A_31 = arith.constant 0 : index
    %swap3A_32 = vector.load %arg7[%swap3A_30, %swap3A_31] : memref<2000x1xf32, #tpu.memory_space<vmem>>, vector<2000x1xf32>
    tpu.vector_store %arg7[%swap3A_30, %swap3A_31], %rsqrt3A {strides = array<i32>} : memref<2000x1xf32, #tpu.memory_space<vmem>>, vector<2000x1xf32>,
    return
  }
  func.func @transform_0(%arg0: i32) -> (i32, i32) {
    %c0_i32 = arith.constant 0 : i32
    %c0_i32_0 = arith.constant 0 : i32
    return %arg0, %c0_i32 : i32, i32
  }
  func.func @transform_1(%arg0: i32) -> (i32, i32) {
    %c0_i32 = arith.constant 0 : i32
    %c0_i32_0 = arith.constant 0 : i32
    %c0_i32_1 = arith.constant 0 : i32
    return %c0_i32, %c0_i32_0 : i32, i32
  }
  func.func @transform_2(%arg0: i32) -> (i32, i32) {
    %c0_i32 = arith.constant 0 : i32
    %c0_i32_0 = arith.constant 0 : i32
    %c0_i32_1 = arith.constant 0 : i32
    return %c0_i32, %c0_i32_0 : i32, i32
  }
  func.func @transform_3(%arg0: i32) -> (i32, i32, i32) {
    %c0_i32 = arith.constant 0 : i32
    %c0_i32_0 = arith.constant 0 : i32
    %c0_i32_1 = arith.constant 0 : i32
    return %c0_i32, %arg0, %c0_i32_0 : i32, i32, i32
  }
  func.func @transform_4(%arg0: i32) -> (i32, i32) {
    %c0_i32 = arith.constant 0 : i32
    %c0_i32_0 = arith.constant 0 : i32
    return %arg0, %c0_i32 : i32, i32
  }
  func.func @transform_5(%arg0: i32) -> (i32, i32) {
    %c0_i32 = arith.constant 0 : i32
    %c0_i32_0 = arith.constant 0 : i32
    return %arg0, %c0_i32 : i32, i32
  }
  func.func @transform_6(%arg0: i32) -> (i32, i32) {
    %c0_i32 = arith.constant 0 : i32
    %c0_i32_0 = arith.constant 0 : i32
    return %arg0, %c0_i32 : i32, i32
  }
}

module attributes {stable_mosaic.version = 14 : i64} {
  func.func @_relu_stats_body(%arg0: i32, %arg1: memref<2x2000x128xf32, #tpu.memory_space<vmem>>, %arg2: memref<2000x128xf32, #tpu.memory_space<vmem>>, %arg3: memref<2000x1xf32, #tpu.memory_space<vmem>>, %arg4: memref<2000x128xf32, #tpu.memory_space<vmem>>, %arg5: memref<1x128xf32, #tpu.memory_space<vmem>>, %arg6: memref<1x128xf32, #tpu.memory_space<vmem>>) attributes {dimension_semantics = [#tpu.dimension_semantics<arbitrary>], iteration_bounds = array<i64: 5>, scalar_prefetch = 0 : i64, scratch_operands = 0 : i64, tpu.core_type = #tpu.core_type<tc>, window_params = [{transform_indices = @transform_0, window_bounds = array<i64: 2, 2000, 128>}, {transform_indices = @transform_1, window_bounds = array<i64: 2000, 128>}, {transform_indices = @transform_2, window_bounds = array<i64: 2000, 1>}, {transform_indices = @transform_3, window_bounds = array<i64: 2000, 128>}, {pipeline_mode = #tpu.pipeline_mode<synchronous>, transform_indices = @transform_4, window_bounds = array<i64: 1, 128>}, {pipeline_mode = #tpu.pipeline_mode<synchronous>, transform_indices = @transform_5, window_bounds = array<i64: 1, 128>}]} {
    %get3A = arith.constant 0 : index
    %get3A_0 = arith.constant 0 : index
    %get3A_1 = vector.load %arg3[%get3A, %get3A_0] : memref<2000x1xf32, #tpu.memory_space<vmem>>, vector<2000x1xf32>
    %get3A_2 = arith.constant 0 : index
    %get3A_3 = arith.constant 0 : index
    %get3A_4 = arith.constant 0 : index
    %get3A_5 = vector.load %arg1[%get3A_2, %get3A_3, %get3A_4] : memref<2x2000x128xf32, #tpu.memory_space<vmem>>, vector<1x2000x128xf32>
    %get3A_6 = vector.shape_cast %get3A_5 : vector<1x2000x128xf32> to vector<2000x128xf32>
    %get3A_7 = arith.constant 1 : index
    %get3A_8 = arith.constant 0 : index
    %get3A_9 = arith.constant 0 : index
    %get3A_10 = vector.load %arg1[%get3A_7, %get3A_8, %get3A_9] : memref<2x2000x128xf32, #tpu.memory_space<vmem>>, vector<1x2000x128xf32>
    %get3A_11 = vector.shape_cast %get3A_10 : vector<1x2000x128xf32> to vector<2000x128xf32>
    %add3A = arith.addf %get3A_6, %get3A_11 : vector<2000x128xf32>
    %mul3A = vector.broadcast %get3A_1 : vector<2000x1xf32> to vector<2000x128xf32>
    %mul3A_12 = arith.mulf %mul3A, %add3A : vector<2000x128xf32>
    %mul3A_13 = arith.mulf %get3A_1, %get3A_1 : vector<2000x1xf32>
    %get3A_14 = arith.constant 0 : index
    %get3A_15 = arith.constant 0 : index
    %get3A_16 = vector.load %arg2[%get3A_14, %get3A_15] : memref<2000x128xf32, #tpu.memory_space<vmem>>, vector<2000x128xf32>
    %mul3A_17 = vector.broadcast %mul3A_13 : vector<2000x1xf32> to vector<2000x128xf32>
    %mul3A_18 = arith.mulf %mul3A_17, %get3A_16 : vector<2000x128xf32>
    %add3A_19 = arith.addf %mul3A_12, %mul3A_18 : vector<2000x128xf32>
    %max3A = arith.constant 0.000000e+00 : f32
    %max3A_20 = vector.broadcast %max3A : f32 to vector<2000x128xf32>
    %max3A_21 = arith.maximumf %add3A_19, %max3A_20 : vector<2000x128xf32>
    %swap3A = arith.constant 0 : index
    %swap3A_22 = arith.constant 0 : index
    %swap3A_23 = vector.load %arg4[%swap3A, %swap3A_22] : memref<2000x128xf32, #tpu.memory_space<vmem>>, vector<2000x128xf32>
    tpu.vector_store %arg4[%swap3A, %swap3A_22], %max3A_21 {strides = array<i32>} : memref<2000x128xf32, #tpu.memory_space<vmem>>, vector<2000x128xf32>,
    %eq3A = arith.constant 0 : i32
    %eq3A_24 = arith.cmpi eq, %arg0, %eq3A : i32
    %convert_element_type3A = arith.extui %eq3A_24 : i1 to i32
    %cond3A = arith.constant 0 : i32
    %cond3A_25 = arith.cmpi ne, %convert_element_type3A, %cond3A : i32
    scf.if %cond3A_25 {
      %broadcast_in_dim3A_45 = arith.constant 0.000000e+00 : f32
      %broadcast_in_dim3A_46 = vector.broadcast %broadcast_in_dim3A_45 : f32 to vector<1x128xf32>
      %swap3A_47 = arith.constant 0 : index
      %swap3A_48 = arith.constant 0 : index
      %swap3A_49 = vector.load %arg5[%swap3A_47, %swap3A_48] : memref<1x128xf32, #tpu.memory_space<vmem>>, vector<1x128xf32>
      tpu.vector_store %arg5[%swap3A_47, %swap3A_48], %broadcast_in_dim3A_46 {strides = array<i32>} : memref<1x128xf32, #tpu.memory_space<vmem>>, vector<1x128xf32>,
      %broadcast_in_dim3A_50 = arith.constant 0.000000e+00 : f32
      %broadcast_in_dim3A_51 = vector.broadcast %broadcast_in_dim3A_50 : f32 to vector<1x128xf32>
      %swap3A_52 = arith.constant 0 : index
      %swap3A_53 = arith.constant 0 : index
      %swap3A_54 = vector.load %arg6[%swap3A_52, %swap3A_53] : memref<1x128xf32, #tpu.memory_space<vmem>>, vector<1x128xf32>
      tpu.vector_store %arg6[%swap3A_52, %swap3A_53], %broadcast_in_dim3A_51 {strides = array<i32>} : memref<1x128xf32, #tpu.memory_space<vmem>>, vector<1x128xf32>,
    } else {
    }
    %get3A_26 = arith.constant 0 : index
    %get3A_27 = arith.constant 0 : index
    %get3A_28 = vector.load %arg5[%get3A_26, %get3A_27] : memref<1x128xf32, #tpu.memory_space<vmem>>, vector<1x128xf32>
    %reduce_sum3A = arith.constant dense<0.000000e+00> : vector<128xf32>
    %reduce_sum3A_29 = vector.multi_reduction <add>, %max3A_21, %reduce_sum3A [0] : vector<2000x128xf32> to vector<128xf32>
    %broadcast_in_dim3A = vector.shape_cast %reduce_sum3A_29 : vector<128xf32> to vector<1x128xf32>
    %add3A_30 = arith.addf %get3A_28, %broadcast_in_dim3A : vector<1x128xf32>
    %swap3A_31 = arith.constant 0 : index
    %swap3A_32 = arith.constant 0 : index
    %swap3A_33 = vector.load %arg5[%swap3A_31, %swap3A_32] : memref<1x128xf32, #tpu.memory_space<vmem>>, vector<1x128xf32>
    tpu.vector_store %arg5[%swap3A_31, %swap3A_32], %add3A_30 {strides = array<i32>} : memref<1x128xf32, #tpu.memory_space<vmem>>, vector<1x128xf32>,
    %get3A_34 = arith.constant 0 : index
    %get3A_35 = arith.constant 0 : index
    %get3A_36 = vector.load %arg6[%get3A_34, %get3A_35] : memref<1x128xf32, #tpu.memory_space<vmem>>, vector<1x128xf32>
    %mul3A_37 = arith.mulf %max3A_21, %max3A_21 : vector<2000x128xf32>
    %reduce_sum3A_38 = arith.constant dense<0.000000e+00> : vector<128xf32>
    %reduce_sum3A_39 = vector.multi_reduction <add>, %mul3A_37, %reduce_sum3A_38 [0] : vector<2000x128xf32> to vector<128xf32>
    %broadcast_in_dim3A_40 = vector.shape_cast %reduce_sum3A_39 : vector<128xf32> to vector<1x128xf32>
    %add3A_41 = arith.addf %get3A_36, %broadcast_in_dim3A_40 : vector<1x128xf32>
    %swap3A_42 = arith.constant 0 : index
    %swap3A_43 = arith.constant 0 : index
    %swap3A_44 = vector.load %arg6[%swap3A_42, %swap3A_43] : memref<1x128xf32, #tpu.memory_space<vmem>>, vector<1x128xf32>
    tpu.vector_store %arg6[%swap3A_42, %swap3A_43], %add3A_41 {strides = array<i32>} : memref<1x128xf32, #tpu.memory_space<vmem>>, vector<1x128xf32>,
    return
  }
  func.func @transform_0(%arg0: i32) -> (i32, i32, i32) {
    %c0_i32 = arith.constant 0 : i32
    %c0_i32_0 = arith.constant 0 : i32
    %c0_i32_1 = arith.constant 0 : i32
    return %c0_i32, %arg0, %c0_i32_0 : i32, i32, i32
  }
  func.func @transform_1(%arg0: i32) -> (i32, i32) {
    %c0_i32 = arith.constant 0 : i32
    %c0_i32_0 = arith.constant 0 : i32
    return %arg0, %c0_i32 : i32, i32
  }
  func.func @transform_2(%arg0: i32) -> (i32, i32) {
    %c0_i32 = arith.constant 0 : i32
    %c0_i32_0 = arith.constant 0 : i32
    return %arg0, %c0_i32 : i32, i32
  }
  func.func @transform_3(%arg0: i32) -> (i32, i32) {
    %c0_i32 = arith.constant 0 : i32
    %c0_i32_0 = arith.constant 0 : i32
    return %arg0, %c0_i32 : i32, i32
  }
  func.func @transform_4(%arg0: i32) -> (i32, i32) {
    %c0_i32 = arith.constant 0 : i32
    %c0_i32_0 = arith.constant 0 : i32
    %c0_i32_1 = arith.constant 0 : i32
    return %c0_i32, %c0_i32_0 : i32, i32
  }
  func.func @transform_5(%arg0: i32) -> (i32, i32) {
    %c0_i32 = arith.constant 0 : i32
    %c0_i32_0 = arith.constant 0 : i32
    %c0_i32_1 = arith.constant 0 : i32
    return %c0_i32, %c0_i32_0 : i32, i32
  }
}

module attributes {stable_mosaic.version = 14 : i64} {
  func.func @_bn_matmul_body(%arg0: i32, %arg1: memref<2000x128xf32, #tpu.memory_space<vmem>>, %arg2: memref<1x128xf32, #tpu.memory_space<vmem>>, %arg3: memref<1x128xf32, #tpu.memory_space<vmem>>, %arg4: memref<1x128xf32, #tpu.memory_space<vmem>>, %arg5: memref<1x128xf32, #tpu.memory_space<vmem>>, %arg6: memref<128x128xf32, #tpu.memory_space<vmem>>, %arg7: memref<1x128xf32, #tpu.memory_space<vmem>>, %arg8: memref<2000x1xf32, #tpu.memory_space<vmem>>, %arg9: memref<2000x128xf32, #tpu.memory_space<vmem>>, %arg10: memref<2000x128xf32, #tpu.memory_space<vmem>>) attributes {dimension_semantics = [#tpu.dimension_semantics<arbitrary>], iteration_bounds = array<i64: 5>, scalar_prefetch = 0 : i64, scratch_operands = 0 : i64, tpu.core_type = #tpu.core_type<tc>, window_params = [{transform_indices = @transform_0, window_bounds = array<i64: 2000, 128>}, {pipeline_mode = #tpu.pipeline_mode<synchronous>, transform_indices = @transform_1, window_bounds = array<i64: 1, 128>}, {pipeline_mode = #tpu.pipeline_mode<synchronous>, transform_indices = @transform_2, window_bounds = array<i64: 1, 128>}, {pipeline_mode = #tpu.pipeline_mode<synchronous>, transform_indices = @transform_3, window_bounds = array<i64: 1, 128>}, {pipeline_mode = #tpu.pipeline_mode<synchronous>, transform_indices = @transform_4, window_bounds = array<i64: 1, 128>}, {pipeline_mode = #tpu.pipeline_mode<synchronous>, transform_indices = @transform_5, window_bounds = array<i64: 128, 128>}, {pipeline_mode = #tpu.pipeline_mode<synchronous>, transform_indices = @transform_6, window_bounds = array<i64: 1, 128>}, {transform_indices = @transform_7, window_bounds = array<i64: 2000, 1>}, {transform_indices = @transform_8, window_bounds = array<i64: 2000, 128>}, {transform_indices = @transform_9, window_bounds = array<i64: 2000, 128>}]} {
    %get3A = arith.constant 0 : index
    %get3A_0 = arith.constant 0 : index
    %get3A_1 = vector.load %arg2[%get3A, %get3A_0] : memref<1x128xf32, #tpu.memory_space<vmem>>, vector<1x128xf32>
    %div3A = arith.constant 1.000000e+04 : f32
    %div3A_2 = vector.broadcast %div3A : f32 to vector<1x128xf32>
    %div3A_3 = arith.divf %get3A_1, %div3A_2 : vector<1x128xf32>
    %get3A_4 = arith.constant 0 : index
    %get3A_5 = arith.constant 0 : index
    %get3A_6 = vector.load %arg3[%get3A_4, %get3A_5] : memref<1x128xf32, #tpu.memory_space<vmem>>, vector<1x128xf32>
    %div3A_7 = arith.constant 1.000000e+04 : f32
    %div3A_8 = vector.broadcast %div3A_7 : f32 to vector<1x128xf32>
    %div3A_9 = arith.divf %get3A_6, %div3A_8 : vector<1x128xf32>
    %mul3A = arith.mulf %div3A_3, %div3A_3 : vector<1x128xf32>
    %sub3A = arith.subf %div3A_9, %mul3A : vector<1x128xf32>
    %add3A = arith.constant 9.99999974E-6 : f32
    %add3A_10 = vector.broadcast %add3A : f32 to vector<1x128xf32>
    %add3A_11 = arith.addf %sub3A, %add3A_10 : vector<1x128xf32>
    %rsqrt3A = math.rsqrt %add3A_11 : vector<1x128xf32>
    %get3A_12 = arith.constant 0 : index
    %get3A_13 = arith.constant 0 : index
    %get3A_14 = vector.load %arg1[%get3A_12, %get3A_13] : memref<2000x128xf32, #tpu.memory_space<vmem>>, vector<2000x128xf32>
    %sub3A_15 = vector.broadcast %div3A_3 : vector<1x128xf32> to vector<2000x128xf32>
    %sub3A_16 = arith.subf %get3A_14, %sub3A_15 : vector<2000x128xf32>
    %get3A_17 = arith.constant 0 : index
    %get3A_18 = arith.constant 0 : index
    %get3A_19 = vector.load %arg4[%get3A_17, %get3A_18] : memref<1x128xf32, #tpu.memory_space<vmem>>, vector<1x128xf32>
    %mul3A_20 = arith.mulf %rsqrt3A, %get3A_19 : vector<1x128xf32>
    %mul3A_21 = vector.broadcast %mul3A_20 : vector<1x128xf32> to vector<2000x128xf32>
    %mul3A_22 = arith.mulf %sub3A_16, %mul3A_21 : vector<2000x128xf32>
    %get3A_23 = arith.constant 0 : index
    %get3A_24 = arith.constant 0 : index
    %get3A_25 = vector.load %arg5[%get3A_23, %get3A_24] : memref<1x128xf32, #tpu.memory_space<vmem>>, vector<1x128xf32>
    %add3A_26 = vector.broadcast %get3A_25 : vector<1x128xf32> to vector<2000x128xf32>
    %add3A_27 = arith.addf %mul3A_22, %add3A_26 : vector<2000x128xf32>
    %get3A_28 = arith.constant 0 : index
    %get3A_29 = arith.constant 0 : index
    %get3A_30 = vector.load %arg6[%get3A_28, %get3A_29] : memref<128x128xf32, #tpu.memory_space<vmem>>, vector<128x128xf32>
    %dot_general3A = arith.constant dense<0.000000e+00> : vector<2000x128xf32>
    %dot_general3A_31 = tpu.matmul %add3A_27, %get3A_30, %dot_general3A {dimension_numbers = #tpu.dot_dimension_numbers<[1], [0], [0], [1], [0, 0, 1, 1], [], []>, transpose_lhs_hint = false} : vector<2000x128xf32>, vector<128x128xf32>, vector<2000x128xf32> -> vector<2000x128xf32>
    %get3A_32 = arith.constant 0 : index
    %get3A_33 = arith.constant 0 : index
    %get3A_34 = vector.load %arg7[%get3A_32, %get3A_33] : memref<1x128xf32, #tpu.memory_space<vmem>>, vector<1x128xf32>
    %add3A_35 = vector.broadcast %get3A_34 : vector<1x128xf32> to vector<2000x128xf32>
    %add3A_36 = arith.addf %dot_general3A_31, %add3A_35 : vector<2000x128xf32>
    %swap3A = arith.constant 0 : index
    %swap3A_37 = arith.constant 0 : index
    %swap3A_38 = vector.load %arg9[%swap3A, %swap3A_37] : memref<2000x128xf32, #tpu.memory_space<vmem>>, vector<2000x128xf32>
    tpu.vector_store %arg9[%swap3A, %swap3A_37], %add3A_36 {strides = array<i32>} : memref<2000x128xf32, #tpu.memory_space<vmem>>, vector<2000x128xf32>,
    %get3A_39 = arith.constant 0 : index
    %get3A_40 = arith.constant 0 : index
    %get3A_41 = vector.load %arg8[%get3A_39, %get3A_40] : memref<2000x1xf32, #tpu.memory_space<vmem>>, vector<2000x1xf32>
    %mul3A_42 = vector.broadcast %get3A_41 : vector<2000x1xf32> to vector<2000x128xf32>
    %mul3A_43 = arith.mulf %add3A_36, %mul3A_42 : vector<2000x128xf32>
    %swap3A_44 = arith.constant 0 : index
    %swap3A_45 = arith.constant 0 : index
    %swap3A_46 = vector.load %arg10[%swap3A_44, %swap3A_45] : memref<2000x128xf32, #tpu.memory_space<vmem>>, vector<2000x128xf32>
    tpu.vector_store %arg10[%swap3A_44, %swap3A_45], %mul3A_43 {strides = array<i32>} : memref<2000x128xf32, #tpu.memory_space<vmem>>, vector<2000x128xf32>,
    return
  }
  func.func @transform_0(%arg0: i32) -> (i32, i32) {
    %c0_i32 = arith.constant 0 : i32
    %c0_i32_0 = arith.constant 0 : i32
    return %arg0, %c0_i32 : i32, i32
  }
  func.func @transform_1(%arg0: i32) -> (i32, i32) {
    %c0_i32 = arith.constant 0 : i32
    %c0_i32_0 = arith.constant 0 : i32
    %c0_i32_1 = arith.constant 0 : i32
    return %c0_i32, %c0_i32_0 : i32, i32
  }
  func.func @transform_2(%arg0: i32) -> (i32, i32) {
    %c0_i32 = arith.constant 0 : i32
    %c0_i32_0 = arith.constant 0 : i32
    %c0_i32_1 = arith.constant 0 : i32
    return %c0_i32, %c0_i32_0 : i32, i32
  }
  func.func @transform_3(%arg0: i32) -> (i32, i32) {
    %c0_i32 = arith.constant 0 : i32
    %c0_i32_0 = arith.constant 0 : i32
    %c0_i32_1 = arith.constant 0 : i32
    return %c0_i32, %c0_i32_0 : i32, i32
  }
  func.func @transform_4(%arg0: i32) -> (i32, i32) {
    %c0_i32 = arith.constant 0 : i32
    %c0_i32_0 = arith.constant 0 : i32
    %c0_i32_1 = arith.constant 0 : i32
    return %c0_i32, %c0_i32_0 : i32, i32
  }
  func.func @transform_5(%arg0: i32) -> (i32, i32) {
    %c0_i32 = arith.constant 0 : i32
    %c0_i32_0 = arith.constant 0 : i32
    %c0_i32_1 = arith.constant 0 : i32
    return %c0_i32, %c0_i32_0 : i32, i32
  }
  func.func @transform_6(%arg0: i32) -> (i32, i32) {
    %c0_i32 = arith.constant 0 : i32
    %c0_i32_0 = arith.constant 0 : i32
    %c0_i32_1 = arith.constant 0 : i32
    return %c0_i32, %c0_i32_0 : i32, i32
  }
  func.func @transform_7(%arg0: i32) -> (i32, i32) {
    %c0_i32 = arith.constant 0 : i32
    %c0_i32_0 = arith.constant 0 : i32
    return %arg0, %c0_i32 : i32, i32
  }
  func.func @transform_8(%arg0: i32) -> (i32, i32) {
    %c0_i32 = arith.constant 0 : i32
    %c0_i32_0 = arith.constant 0 : i32
    return %arg0, %c0_i32 : i32, i32
  }
  func.func @transform_9(%arg0: i32) -> (i32, i32) {
    %c0_i32 = arith.constant 0 : i32
    %c0_i32_0 = arith.constant 0 : i32
    return %arg0, %c0_i32 : i32, i32
  }
}

module attributes {stable_mosaic.version = 14 : i64} {
  func.func @_bn_pool_body(%arg0: i32, %arg1: memref<2000x128xf32, #tpu.memory_space<vmem>>, %arg2: memref<1x128xf32, #tpu.memory_space<vmem>>, %arg3: memref<1x128xf32, #tpu.memory_space<vmem>>, %arg4: memref<1x128xf32, #tpu.memory_space<vmem>>, %arg5: memref<1x128xf32, #tpu.memory_space<vmem>>, %arg6: memref<2000x1xi32, #tpu.memory_space<vmem>>, %arg7: memref<64x128xf32, #tpu.memory_space<vmem>>, %arg8: memref<64x1xf32, #tpu.memory_space<vmem>>) attributes {dimension_semantics = [#tpu.dimension_semantics<arbitrary>], iteration_bounds = array<i64: 5>, scalar_prefetch = 0 : i64, scratch_operands = 0 : i64, tpu.core_type = #tpu.core_type<tc>, window_params = [{transform_indices = @transform_0, window_bounds = array<i64: 2000, 128>}, {pipeline_mode = #tpu.pipeline_mode<synchronous>, transform_indices = @transform_1, window_bounds = array<i64: 1, 128>}, {pipeline_mode = #tpu.pipeline_mode<synchronous>, transform_indices = @transform_2, window_bounds = array<i64: 1, 128>}, {pipeline_mode = #tpu.pipeline_mode<synchronous>, transform_indices = @transform_3, window_bounds = array<i64: 1, 128>}, {pipeline_mode = #tpu.pipeline_mode<synchronous>, transform_indices = @transform_4, window_bounds = array<i64: 1, 128>}, {transform_indices = @transform_5, window_bounds = array<i64: 2000, 1>}, {pipeline_mode = #tpu.pipeline_mode<synchronous>, transform_indices = @transform_6, window_bounds = array<i64: 64, 128>}, {pipeline_mode = #tpu.pipeline_mode<synchronous>, transform_indices = @transform_7, window_bounds = array<i64: 64, 1>}]} {
    %get3A = arith.constant 0 : index
    %get3A_0 = arith.constant 0 : index
    %get3A_1 = vector.load %arg2[%get3A, %get3A_0] : memref<1x128xf32, #tpu.memory_space<vmem>>, vector<1x128xf32>
    %div3A = arith.constant 1.000000e+04 : f32
    %div3A_2 = vector.broadcast %div3A : f32 to vector<1x128xf32>
    %div3A_3 = arith.divf %get3A_1, %div3A_2 : vector<1x128xf32>
    %get3A_4 = arith.constant 0 : index
    %get3A_5 = arith.constant 0 : index
    %get3A_6 = vector.load %arg3[%get3A_4, %get3A_5] : memref<1x128xf32, #tpu.memory_space<vmem>>, vector<1x128xf32>
    %div3A_7 = arith.constant 1.000000e+04 : f32
    %div3A_8 = vector.broadcast %div3A_7 : f32 to vector<1x128xf32>
    %div3A_9 = arith.divf %get3A_6, %div3A_8 : vector<1x128xf32>
    %mul3A = arith.mulf %div3A_3, %div3A_3 : vector<1x128xf32>
    %sub3A = arith.subf %div3A_9, %mul3A : vector<1x128xf32>
    %add3A = arith.constant 9.99999974E-6 : f32
    %add3A_10 = vector.broadcast %add3A : f32 to vector<1x128xf32>
    %add3A_11 = arith.addf %sub3A, %add3A_10 : vector<1x128xf32>
    %rsqrt3A = math.rsqrt %add3A_11 : vector<1x128xf32>
    %get3A_12 = arith.constant 0 : index
    %get3A_13 = arith.constant 0 : index
    %get3A_14 = vector.load %arg1[%get3A_12, %get3A_13] : memref<2000x128xf32, #tpu.memory_space<vmem>>, vector<2000x128xf32>
    %sub3A_15 = vector.broadcast %div3A_3 : vector<1x128xf32> to vector<2000x128xf32>
    %sub3A_16 = arith.subf %get3A_14, %sub3A_15 : vector<2000x128xf32>
    %get3A_17 = arith.constant 0 : index
    %get3A_18 = arith.constant 0 : index
    %get3A_19 = vector.load %arg4[%get3A_17, %get3A_18] : memref<1x128xf32, #tpu.memory_space<vmem>>, vector<1x128xf32>
    %mul3A_20 = arith.mulf %rsqrt3A, %get3A_19 : vector<1x128xf32>
    %mul3A_21 = vector.broadcast %mul3A_20 : vector<1x128xf32> to vector<2000x128xf32>
    %mul3A_22 = arith.mulf %sub3A_16, %mul3A_21 : vector<2000x128xf32>
    %get3A_23 = arith.constant 0 : index
    %get3A_24 = arith.constant 0 : index
    %get3A_25 = vector.load %arg5[%get3A_23, %get3A_24] : memref<1x128xf32, #tpu.memory_space<vmem>>, vector<1x128xf32>
    %add3A_26 = vector.broadcast %get3A_25 : vector<1x128xf32> to vector<2000x128xf32>
    %add3A_27 = arith.addf %mul3A_22, %add3A_26 : vector<2000x128xf32>
    %iota3A = tpu.iota {dimensions = array<i32: 1>} : vector<1x64xi32>
    %get3A_28 = arith.constant 0 : index
    %get3A_29 = arith.constant 0 : index
    %get3A_30 = vector.load %arg6[%get3A_28, %get3A_29] : memref<2000x1xi32, #tpu.memory_space<vmem>>, vector<2000x1xi32>
    %eq3A = vector.broadcast %get3A_30 : vector<2000x1xi32> to vector<2000x64xi32>
    %eq3A_31 = vector.broadcast %iota3A : vector<1x64xi32> to vector<2000x64xi32>
    %eq3A_32 = arith.cmpi eq, %eq3A, %eq3A_31 : vector<2000x64xi32>
    %jit3A = arith.constant 1.000000e+00 : f32
    %jit3A_33 = arith.constant 0.000000e+00 : f32
    %broadcast_in_dim3A = vector.broadcast %jit3A : f32 to vector<2000x64xf32>
    %broadcast_in_dim3A_34 = vector.broadcast %jit3A_33 : f32 to vector<2000x64xf32>
    %select_n3A = arith.select %eq3A_32, %broadcast_in_dim3A, %broadcast_in_dim3A_34 : vector<2000x64xi1>, vector<2000x64xf32>
    %eq3A_35 = arith.constant 0 : i32
    %eq3A_36 = arith.cmpi eq, %arg0, %eq3A_35 : i32
    %convert_element_type3A = arith.extui %eq3A_36 : i1 to i32
    %cond3A = arith.constant 0 : i32
    %cond3A_37 = arith.cmpi ne, %convert_element_type3A, %cond3A : i32
    scf.if %cond3A_37 {
      %broadcast_in_dim3A_56 = arith.constant 0.000000e+00 : f32
      %broadcast_in_dim3A_57 = vector.broadcast %broadcast_in_dim3A_56 : f32 to vector<64x128xf32>
      %swap3A_58 = arith.constant 0 : index
      %swap3A_59 = arith.constant 0 : index
      %swap3A_60 = vector.load %arg7[%swap3A_58, %swap3A_59] : memref<64x128xf32, #tpu.memory_space<vmem>>, vector<64x128xf32>
      tpu.vector_store %arg7[%swap3A_58, %swap3A_59], %broadcast_in_dim3A_57 {strides = array<i32>} : memref<64x128xf32, #tpu.memory_space<vmem>>, vector<64x128xf32>,
      %broadcast_in_dim3A_61 = arith.constant 0.000000e+00 : f32
      %broadcast_in_dim3A_62 = vector.broadcast %broadcast_in_dim3A_61 : f32 to vector<64x1xf32>
      %swap3A_63 = arith.constant 0 : index
      %swap3A_64 = arith.constant 0 : index
      %swap3A_65 = vector.load %arg8[%swap3A_63, %swap3A_64] : memref<64x1xf32, #tpu.memory_space<vmem>>, vector<64x1xf32>
      tpu.vector_store %arg8[%swap3A_63, %swap3A_64], %broadcast_in_dim3A_62 {strides = array<i32>} : memref<64x1xf32, #tpu.memory_space<vmem>>, vector<64x1xf32>,
    } else {
    }
    %get3A_38 = arith.constant 0 : index
    %get3A_39 = arith.constant 0 : index
    %get3A_40 = vector.load %arg7[%get3A_38, %get3A_39] : memref<64x128xf32, #tpu.memory_space<vmem>>, vector<64x128xf32>
    %dot_general3A = arith.constant dense<0.000000e+00> : vector<64x128xf32>
    %dot_general3A_41 = tpu.matmul %select_n3A, %add3A_27, %dot_general3A {dimension_numbers = #tpu.dot_dimension_numbers<[0], [0], [1], [1], [0, 1, 1, 1], [], []>, transpose_lhs_hint = false} : vector<2000x64xf32>, vector<2000x128xf32>, vector<64x128xf32> -> vector<64x128xf32>
    %add3A_42 = arith.addf %get3A_40, %dot_general3A_41 : vector<64x128xf32>
    %swap3A = arith.constant 0 : index
    %swap3A_43 = arith.constant 0 : index
    %swap3A_44 = vector.load %arg7[%swap3A, %swap3A_43] : memref<64x128xf32, #tpu.memory_space<vmem>>, vector<64x128xf32>
    tpu.vector_store %arg7[%swap3A, %swap3A_43], %add3A_42 {strides = array<i32>} : memref<64x128xf32, #tpu.memory_space<vmem>>, vector<64x128xf32>,
    %broadcast_in_dim3A_45 = arith.constant 1.000000e+00 : f32
    %broadcast_in_dim3A_46 = vector.broadcast %broadcast_in_dim3A_45 : f32 to vector<2000x1xf32>
    %get3A_47 = arith.constant 0 : index
    %get3A_48 = arith.constant 0 : index
    %get3A_49 = vector.load %arg8[%get3A_47, %get3A_48] : memref<64x1xf32, #tpu.memory_space<vmem>>, vector<64x1xf32>
    %dot_general3A_50 = arith.constant dense<0.000000e+00> : vector<64x1xf32>
    %dot_general3A_51 = tpu.matmul %select_n3A, %broadcast_in_dim3A_46, %dot_general3A_50 {dimension_numbers = #tpu.dot_dimension_numbers<[0], [0], [1], [1], [0, 1, 1, 1], [], []>, transpose_lhs_hint = false} : vector<2000x64xf32>, vector<2000x1xf32>, vector<64x1xf32> -> vector<64x1xf32>
    %add3A_52 = arith.addf %get3A_49, %dot_general3A_51 : vector<64x1xf32>
    %swap3A_53 = arith.constant 0 : index
    %swap3A_54 = arith.constant 0 : index
    %swap3A_55 = vector.load %arg8[%swap3A_53, %swap3A_54] : memref<64x1xf32, #tpu.memory_space<vmem>>, vector<64x1xf32>
    tpu.vector_store %arg8[%swap3A_53, %swap3A_54], %add3A_52 {strides = array<i32>} : memref<64x1xf32, #tpu.memory_space<vmem>>, vector<64x1xf32>,
    return
  }
  func.func @transform_0(%arg0: i32) -> (i32, i32) {
    %c0_i32 = arith.constant 0 : i32
    %c0_i32_0 = arith.constant 0 : i32
    return %arg0, %c0_i32 : i32, i32
  }
  func.func @transform_1(%arg0: i32) -> (i32, i32) {
    %c0_i32 = arith.constant 0 : i32
    %c0_i32_0 = arith.constant 0 : i32
    %c0_i32_1 = arith.constant 0 : i32
    return %c0_i32, %c0_i32_0 : i32, i32
  }
  func.func @transform_2(%arg0: i32) -> (i32, i32) {
    %c0_i32 = arith.constant 0 : i32
    %c0_i32_0 = arith.constant 0 : i32
    %c0_i32_1 = arith.constant 0 : i32
    return %c0_i32, %c0_i32_0 : i32, i32
  }
  func.func @transform_3(%arg0: i32) -> (i32, i32) {
    %c0_i32 = arith.constant 0 : i32
    %c0_i32_0 = arith.constant 0 : i32
    %c0_i32_1 = arith.constant 0 : i32
    return %c0_i32, %c0_i32_0 : i32, i32
  }
  func.func @transform_4(%arg0: i32) -> (i32, i32) {
    %c0_i32 = arith.constant 0 : i32
    %c0_i32_0 = arith.constant 0 : i32
    %c0_i32_1 = arith.constant 0 : i32
    return %c0_i32, %c0_i32_0 : i32, i32
  }
  func.func @transform_5(%arg0: i32) -> (i32, i32) {
    %c0_i32 = arith.constant 0 : i32
    %c0_i32_0 = arith.constant 0 : i32
    return %arg0, %c0_i32 : i32, i32
  }
  func.func @transform_6(%arg0: i32) -> (i32, i32) {
    %c0_i32 = arith.constant 0 : i32
    %c0_i32_0 = arith.constant 0 : i32
    %c0_i32_1 = arith.constant 0 : i32
    return %c0_i32, %c0_i32_0 : i32, i32
  }
  func.func @transform_7(%arg0: i32) -> (i32, i32) {
    %c0_i32 = arith.constant 0 : i32
    %c0_i32_0 = arith.constant 0 : i32
    %c0_i32_1 = arith.constant 0 : i32
    return %c0_i32, %c0_i32_0 : i32, i32
  }
}

module attributes {stable_mosaic.version = 14 : i64} {
  func.func @_head_body(%arg0: memref<64x128xf32, #tpu.memory_space<vmem>>, %arg1: memref<64x1xf32, #tpu.memory_space<vmem>>, %arg2: memref<128x64xf32, #tpu.memory_space<vmem>>, %arg3: memref<1x64xf32, #tpu.memory_space<vmem>>, %arg4: memref<64x4xf32, #tpu.memory_space<vmem>>, %arg5: memref<1x4xf32, #tpu.memory_space<vmem>>, %arg6: memref<64x4xf32, #tpu.memory_space<vmem>>) attributes {dimension_semantics = [], scalar_prefetch = 0 : i64, scratch_operands = 0 : i64, tpu.core_type = #tpu.core_type<tc>} {
    %get3A = arith.constant 0 : index
    %get3A_0 = arith.constant 0 : index
    %get3A_1 = vector.load %arg0[%get3A, %get3A_0] : memref<64x128xf32, #tpu.memory_space<vmem>>, vector<64x128xf32>
    %get3A_2 = arith.constant 0 : index
    %get3A_3 = arith.constant 0 : index
    %get3A_4 = vector.load %arg1[%get3A_2, %get3A_3] : memref<64x1xf32, #tpu.memory_space<vmem>>, vector<64x1xf32>
    %max3A = arith.constant 1.000000e+00 : f32
    %max3A_5 = vector.broadcast %max3A : f32 to vector<64x1xf32>
    %max3A_6 = arith.maximumf %get3A_4, %max3A_5 : vector<64x1xf32>
    %div3A = vector.broadcast %max3A_6 : vector<64x1xf32> to vector<64x128xf32>
    %div3A_7 = arith.divf %get3A_1, %div3A : vector<64x128xf32>
    %get3A_8 = arith.constant 0 : index
    %get3A_9 = arith.constant 0 : index
    %get3A_10 = vector.load %arg2[%get3A_8, %get3A_9] : memref<128x64xf32, #tpu.memory_space<vmem>>, vector<128x64xf32>
    %dot_general3A = arith.constant dense<0.000000e+00> : vector<64x64xf32>
    %dot_general3A_11 = tpu.matmul %div3A_7, %get3A_10, %dot_general3A {dimension_numbers = #tpu.dot_dimension_numbers<[1], [0], [0], [1], [0, 0, 1, 1], [], []>, transpose_lhs_hint = false} : vector<64x128xf32>, vector<128x64xf32>, vector<64x64xf32> -> vector<64x64xf32>
    %get3A_12 = arith.constant 0 : index
    %get3A_13 = arith.constant 0 : index
    %get3A_14 = vector.load %arg3[%get3A_12, %get3A_13] : memref<1x64xf32, #tpu.memory_space<vmem>>, vector<1x64xf32>
    %add3A = vector.broadcast %get3A_14 : vector<1x64xf32> to vector<64x64xf32>
    %add3A_15 = arith.addf %dot_general3A_11, %add3A : vector<64x64xf32>
    %get3A_16 = arith.constant 0 : index
    %get3A_17 = arith.constant 0 : index
    %get3A_18 = vector.load %arg4[%get3A_16, %get3A_17] : memref<64x4xf32, #tpu.memory_space<vmem>>, vector<64x4xf32>
    %dot_general3A_19 = arith.constant dense<0.000000e+00> : vector<64x4xf32>
    %dot_general3A_20 = tpu.matmul %add3A_15, %get3A_18, %dot_general3A_19 {dimension_numbers = #tpu.dot_dimension_numbers<[1], [0], [0], [1], [0, 0, 1, 1], [], []>, transpose_lhs_hint = false} : vector<64x64xf32>, vector<64x4xf32>, vector<64x4xf32> -> vector<64x4xf32>
    %get3A_21 = arith.constant 0 : index
    %get3A_22 = arith.constant 0 : index
    %get3A_23 = vector.load %arg5[%get3A_21, %get3A_22] : memref<1x4xf32, #tpu.memory_space<vmem>>, vector<1x4xf32>
    %add3A_24 = vector.broadcast %get3A_23 : vector<1x4xf32> to vector<64x4xf32>
    %add3A_25 = arith.addf %dot_general3A_20, %add3A_24 : vector<64x4xf32>
    %reduce_max3A = arith.constant dense<0xFF800000> : vector<64xf32>
    %reduce_max3A_26 = vector.multi_reduction <maximumf>, %add3A_25, %reduce_max3A [1] : vector<64x4xf32> to vector<64xf32>
    %broadcast_in_dim3A = vector.shape_cast %reduce_max3A_26 : vector<64xf32> to vector<64x1xf32>
    %sub3A = vector.broadcast %broadcast_in_dim3A : vector<64x1xf32> to vector<64x4xf32>
    %sub3A_27 = arith.subf %add3A_25, %sub3A : vector<64x4xf32>
    %exp3A = math.exp %sub3A_27 : vector<64x4xf32>
    %reduce_sum3A = arith.constant dense<0.000000e+00> : vector<64xf32>
    %reduce_sum3A_28 = vector.multi_reduction <add>, %exp3A, %reduce_sum3A [1] : vector<64x4xf32> to vector<64xf32>
    %broadcast_in_dim3A_29 = vector.shape_cast %reduce_sum3A_28 : vector<64xf32> to vector<64x1xf32>
    %log3A = math.log %broadcast_in_dim3A_29 : vector<64x1xf32>
    %add3A_30 = arith.addf %broadcast_in_dim3A, %log3A : vector<64x1xf32>
    %sub3A_31 = vector.broadcast %add3A_30 : vector<64x1xf32> to vector<64x4xf32>
    %sub3A_32 = arith.subf %add3A_25, %sub3A_31 : vector<64x4xf32>
    %swap3A = arith.constant 0 : index
    %swap3A_33 = arith.constant 0 : index
    %swap3A_34 = vector.load %arg6[%swap3A, %swap3A_33] : memref<64x4xf32, #tpu.memory_space<vmem>>, vector<64x4xf32>
    tpu.vector_store %arg6[%swap3A, %swap3A_33], %sub3A_32 {strides = array<i32>} : memref<64x4xf32, #tpu.memory_space<vmem>>, vector<64x4xf32>,
    return
  }
}

</mosaic_0001>

<sc_bundles>
// kernel: kernel.23.cloned.1.call-start
scs
__scs_entry_jumppad:
0x0: {  	(pc) =	sbr.rel $0x88, $3  }
0x1: {  	(tag) =	ssettag $0x0;
	lr =	simm.s32 $0x1  }
0x2: {  	[smem:$0x3F92] =	sst lr;
	_ =	strace $0xD0000000  }
0x3: {  	_ = 	snop  }
0x4: {  	_ = 	snop  }
0x5: {  	_ = 	snop  }
0x6: {  	_ = 	snop  }
0x7: {  	_ = 	snop  }
__scs_overlays_trampoline_lowered:
0x8: {  	[smem:$0x3FA1] =	sst s0  }
0x9: {  	[smem:$0x3FA2] =	sst s1  }
0xa: {  	[smem:$0x3FA3] =	sst s2  }
0xb: {  	[smem:$0x3FA4] =	sst s3  }
0xc: {  	[smem:$0x3FA5] =	sst s4  }
0xd: {  	[smem:$0x3FA6] =	sst s5  }
0xe: {  	[smem:$0x3FA7] =	sst s6  }
0xf: {  	[smem:$0x3FA8] =	sst s7  }
0x10: {  	[smem:$0x3FA9] =	sst s8  }
0x11: {  	[smem:$0x3FAA] =	sst s9;
	s0 =	simm.s32 @!p0 $0x0  }
0x12: {  	s1 =	sld [smem:$0x3F90];
	s0 =	simm.s32 @p0 $0x1  }
0x13: {  	[smem:$0x3FAB] =	sst s0;
	s0 =	simm.s32 @!p1 $0x0  }
0x14: {  	s2 =	sld [smem:$0x3F8F];
	s0 =	simm.s32 @p1 $0x1  }
0x15: {  	[smem:$0x3FAC] =	sst s0;
	s0 =	simm.s32 @!p2 $0x0  }
0x16: {  	s3 =	sld [smem:$0x3FDB];
	s0 =	simm.s32 @p2 $0x1  }
0x17: {  	s4 =	simm.s32 $0x1BF5;
	[smem:$0x3FAE] =	sst s0  }
0x18: {  	s0 =	sld [smem:$0x3F91];
	_ =	swait.ge [sflag:s4], $0x0  }
0x19: {  	s7 =	sld [smem:$0x3F92]  }
0x1a: {  	s8 =	sadd.s32 $0xFFFFE003, lr  }
0x1b: {  	s9 =	sadd.s32 $0xFFFFFEF7, lr;
	s5 =	simm.s32 $0xFFFFFFFF;
	p2 =	slt.u32 s8, $0xFFFFF086  }
0x1c: {  	p1 =	slt.u32 s9, $0xF7A;
	s5 =	simm.s32 @!p2 $0x0  }
0x1d: {  	s5 =	simm.s32 @p1 $0x1;
	p0 =	seq.s32 s7, s2  }
0x1e: {  	s7 =	smul.u32 @!p0 $0xF7A, s2;
	p2 =	seq.s32 @!p0 s5, $0x0  }
0x1f: {  	s9 =	smul.u32 $0xF7A, s1;
	s8 =	simm.s32 @!p0 $0x1BF5;
	p2 =	por !p2, p0  }
0x20: {  	[sflag:s8] =	ssyncset.s32 @!p0 $0xFFFFF086;
	s6 =	sadd.s32 @!p0 s3, s7;
	s7 =	simm.s32 @!p0 $0x108  }
0x21: {  	s3 =	sadd.s32 s3, s9;
	s6 =	sadd.s32 @!p0 $0x88, s6;
	s7 =	simm.s32 @p2 $0x1082  }
0x22: {  	[simem:s7], [sflag:s8] =	dma.local @!p0 [hbm:s6], $0xF7A  }
0x23: {  	s9 =	sor.u32 $0xD0000000, s2;
	s6 =	simm.s32 $0x108;
	_ =	swait.ge @!p0 [sflag:s8], $0x0  }
0x24: {  	s3 =	sadd.s32 $0x88, s3;
	s6 =	simm.s32 @!p1 $0x1082;
	[sflag:s4] =	ssyncset.s32 $0xFFFFF086  }
0x25: {  	[simem:s6], [sflag:s4] =	dma.local [hbm:s3], $0xF7A  }
0x26: {  	[smem:$0x3F92] =	sst s1;
	(tag) =	ssettag s2;
	_ =	strace s9  }
0x27: {  	s1 =	sld [smem:$0x3FA2]  }
0x28: {  	s2 =	sld [smem:$0x3FA3]  }
0x29: {  	s4 =	sld [smem:$0x3FA5]  }
0x2a: {  	p0 =	seq.s32 s5, $0x0;
	s5 =	sld [smem:$0x3FA6]  }
0x2b: {  	s6 =	sld [smem:$0x3FA7]  }
0x2c: {  	s7 =	sld [smem:$0x3FA8]  }
0x2d: {  	s3 =	simm.s32 $0x108;
	s8 =	sld [smem:$0x3FA9]  }
0x2e: {  	s3 =	simm.s32 @!p0 $0x1082;
	s9 =	sld [smem:$0x3FAA]  }
0x2f: {  	lr =	sadd.s32 s0, s3;
	s0 =	sld [smem:$0x3FA1]  }
0x30: {  	s3 =	sld [smem:$0x3FA4]  }
0x31: {  	[smem:$0x3FAD] =	sst s10  }
0x32: {  	s10 =	sld [smem:$0x3FAB];
	_ =	sdelay $0x3  }
0x33: {  	p0 =	seq.s32 s10, $0x1;
	s10 =	sld [smem:$0x3FAD];
	_ =	sdelay $0x3  }
0x34: {  	[smem:$0x3FAD] =	sst s10  }
0x35: {  	s10 =	sld [smem:$0x3FAC];
	_ =	sdelay $0x3  }
0x36: {  	p1 =	seq.s32 s10, $0x1;
	s10 =	sld [smem:$0x3FAD];
	_ =	sdelay $0x3  }
0x37: {  	[smem:$0x3FAD] =	sst s10  }
0x38: {  	s10 =	sld [smem:$0x3FAE]  }
0x39: {  	_ = 	snop;
	(pc) =	sbr.ind lr, $3  }
0x3a: {  	_ = 	snop  }
0x3b: {  	_ = 	snop  }
0x3c: {  	p2 =	seq.s32 s10, $0x1;
	s10 =	sld [smem:$0x3FAD]  }
0x3d: {  	_ =	shalt  }
0x3e: {  	_ =	shalt  }
0x3f: {  	_ =	shalt  }
0x40: {  	_ =	shalt  }
0x41: {  	_ =	shalt  }
0x42: {  	_ =	shalt  }
0x43: {  	_ =	shalt  }
0x44: {  	_ =	shalt  }
0x45: {  	_ =	shalt  }
0x46: {  	_ =	shalt  }
0x47: {  	_ =	shalt  }
0x48: {  	_ =	shalt  }
0x49: {  	_ =	shalt  }
0x4a: {  	_ =	shalt  }
0x4b: {  	_ =	shalt  }
0x4c: {  	_ =	shalt  }
0x4d: {  	_ =	shalt  }
0x4e: {  	_ =	shalt  }
0x4f: {  	_ =	shalt  }
0x50: {  	_ =	shalt  }
0x51: {  	_ =	shalt  }
0x52: {  	_ =	shalt  }
0x53: {  	_ =	shalt  }
0x54: {  	_ =	shalt  }
0x55: {  	_ =	shalt  }
0x56: {  	_ =	shalt  }
0x57: {  	_ =	shalt  }
0x58: {  	_ =	shalt  }
0x59: {  	_ =	shalt  }
0x5a: {  	_ =	shalt  }
0x5b: {  	_ =	shalt  }
0x5c: {  	_ =	shalt  }
0x5d: {  	_ =	shalt  }
0x5e: {  	_ =	shalt  }
0x5f: {  	_ =	shalt  }
0x60: {  	_ =	shalt  }
0x61: {  	_ =	shalt  }
0x62: {  	_ =	shalt  }
0x63: {  	_ =	shalt  }
0x64: {  	_ =	shalt  }
0x65: {  	_ =	shalt  }
0x66: {  	_ =	shalt  }
0x67: {  	_ =	shalt  }
0x68: {  	_ =	shalt  }
0x69: {  	_ =	shalt  }
0x6a: {  	_ =	shalt  }
0x6b: {  	_ =	shalt  }
0x6c: {  	_ =	shalt  }
0x6d: {  	_ =	shalt  }
0x6e: {  	_ =	shalt  }
0x6f: {  	_ =	shalt  }
0x70: {  	_ =	shalt  }
0x71: {  	_ =	shalt  }
0x72: {  	_ =	shalt  }
0x73: {  	_ =	shalt  }
0x74: {  	_ =	shalt  }
0x75: {  	_ =	shalt  }
0x76: {  	_ =	shalt  }
0x77: {  	_ =	shalt  }
0x78: {  	_ =	shalt  }
0x79: {  	_ =	shalt  }
0x7a: {  	_ =	shalt  }
0x7b: {  	_ =	shalt  }
0x7c: {  	_ =	shalt  }
0x7d: {  	_ =	shalt  }
0x7e: {  	_ =	shalt  }
0x7f: {  	_ =	shalt  }
0x80: {  	_ =	shalt  }
0x81: {  	_ =	shalt  }
0x82: {  	_ =	shalt  }
0x83: {  	_ =	shalt  }
0x84: {  	_ =	shalt  }
0x85: {  	_ =	shalt  }
0x86: {  	_ =	shalt  }
0x87: {  	_ =	shalt  }
.Lfunc_end0:
.L_simem_size_0:
called_computation_lowered:
.L_overlay_start_0:
0x88: {  	s2 =	sld [smem:$0x3FD9]  }
0x89: {  	s3 =	sld [smem:$0x3FFE];
	_ =	sdelay $0x1  }
0x8a: {  	s1 =	srdreg.scid  }
0x8b: {  	s0 =	sand.u32 $0x1, s1  }
0x8c: {  	s16 =	sshll.u32 s0, $0xA;
	s2 =	sadd.s32 s3, s2  }
0x8d: {  	s2 =	sadd.s32 s2, s16  }
0x8e: {  	[smem:$0x3FB9] =	sst s2  }
0x8f: {  	_ = 	snop  }
0x90: {  	(tm) =	ssettm $0x1  }
0x91: {  	s17 =	sld [smem:$0x3FFB];
	_ =	sdelay $0x3  }
0x92: {  	_ =	strace s17  }
0x93: {  	s2 =	sld [smem:$0x3FFC];
	_ =	sdelay $0x3  }
0x94: {  	_ =	strace s2  }
0x95: {  	s2 =	sld [smem:$0x3FFD];
	_ =	sdelay $0x3  }
0x96: {  	_ =	strace s2  }
0x97: {  	_ =	strace $0x8FFFFFFF  }
0x98: {  	s18 =	sld [smem:$0x3FDB];
	_ =	sdelay $0x1  }
0x99: {  	s19 =	simm.s32 $_scs_section_size  }
0x9a: {  	s4 =	simm.s32 $_size__tile_overlayer_lowered;
	s5 =	simm.s32 $_tile_overlayer_lowered  }
0x9b: {  	s22 =	simm.s32 $0x1BFF;
	s21 =	sshll.u32 s5, $0x1;
	s2 =	sadd.s32 s19, s18  }
0x9c: {  	s6 =	simm.s32 $0x0;
	s20 =	sshll.u32 s4, $0x1;
	s4 =	sadd.s32 s21, s2  }
0x9d: {  	[timem:s6], [sflag:s22] =	dma.local [hbm:s4], s20  }
0x9e: {  	_ =	swait.ge [sflag:s22], s20  }
0x9f: {  	s3 =	ssub.s32 $0x0, s20;
	[sflag:s22] =	ssyncset.done $0x0  }
0xa0: {  	[sflag:s22] =	ssyncadd.s32 s3;
	_ =	sdelay $0x1  }
0xa1: {  	s23 =	simm.s32 $0x1B8B  }
0xa2: {  	_ =	swait.ge [sflag:s23], $0x1  }
0xa3: {  	[sflag:s23] =	ssyncset.done $0x0  }
0xa4: {  	s25 =	simm.s32 $0x1B8E;
	s24 =	sld [smem:$0x3FFE];
	[sflag:s23] =	ssyncadd.s32 $0xFFFFFFFF  }
0xa5: {  	s26 =	simm.s32 $execute0_lowered;
	[smem:$0x3FD2] =	sst s25  }
0xa6: {  	s4 =	sshll.u32 s26, $0x1;
	_ =	strace $0x80000046;
	[dreg:$0x1] =	wrdreg $0xFFFFFFFF  }
0xa7: {  	s28 =	simm.s32 $_size_execute0_lowered;
	s2 =	sadd.s32 s2, s4;
	[dreg:$0x0] =	wrdreg $0x0  }
0xa8: {  	s4 =	sshll.u32 s28, $0x1;
	[dreg:$0x2] =	wrdreg s2  }
0xa9: {  	[dreg:$0x3] =	wrdreg s4  }
0xaa: {  	[dreg:$0x4] =	wrdreg $0xC0  }
0xab: {  	_ =	task [dreg:s6], $0x5FFFF  }
0xac: {  	[dreg:$0x1] =	wrdreg $0xFFFFFFFF  }
0xad: {  	[dreg:$0x0] =	wrdreg $0x60  }
0xae: {  	[dreg:$0x2] =	wrdreg s24  }
0xaf: {  	[dreg:$0x3] =	wrdreg $0x6C000  }
0xb0: {  	[dreg:$0x4] =	wrdreg $0x9  }
0xb1: {  	_ =	task.clear_ibuf [dreg:s6], $0x5FFFF;
	_ =	strace $0x90000046  }
0xb2: {  	s29 =	simm.s32 $0x9;
	_ =	strace $0x80000048  }
0xb3: {  	_ =	swait.ge [sflag:s29], $0x1  }
0xb4: {  	[sflag:s29] =	ssyncadd.s32 $0xFFFFFFFF  }
0xb5: {  	_ =	strace $0x90000048  }
0xb6: {  	_ =	sfence  }
0xb7: {  	s30 =	sld [smem:$0x0];
	_ =	sdelay $0x2  }
0xb8: {  	s31 =	sshll.u32 s1, $0xD;
	s1 =	sshrl.u32 s1, $0x2  }
0xb9: {  	s3 =	sand.u32 $0x4000, s31;
	s1 =	sadd.s32 s1, s30  }
0xba: {  	s0 =	sor.u32 s3, s0;
	s1 =	sshll.u32 s1, $0x11  }
0xbb: {  	s0 =	sor.u32 s1, s0  }
0xbc: {  	s0 =	sadd.s32 $0x8F2B, s0  }
0xbd: {  	[sflag:s0] =	ssyncadd.remote.s32 $0x1  }
0xbe: {  	_ =	sfence.sel $0xFFFF  }
0xbf: {  	[dreg:$0x0] =	wrdreg $0xFFFFFFFF;
	(pc) =	sbr.abs _section_cstart, $3  }
0xc0: {  	[dreg:$0x1] =	wrdreg $0xFFFFFFFF  }
0xc1: {  	_ =	task.clear_ibuf [dreg:s6], $0x2FFFF;
	_ =	strace $0x9FFFFFFF  }
0xc2: {  	(tm) =	ssettm $0x7FFFFFFF  }
0xc3: {  	_ =	shalt  }
tec
execute0_lowered:
.L_overlay_start_1:
0x0: {  	(tag) =	ssettag $0x1  }
0x1: {  	s0 =	srdreg.scid;
	s6 =	rddreg [dreg:$0x0]  }
0x2: {  	s9 =	stileid.u32;
	s1 =	rddreg [dreg:$0x1]  }
0x3: {  	s2 =	simm.s32 $0x0;
	s17 =	simm.s32 $0x100;
	s18 =	simm.s32 $0x180  }
0x4: {  	s19 =	simm.s32 $0x1;
	s20 =	simm.s32 $0x0;
	s5 =	sand.u32 $0x1, s0  }
0x5: {  	[smem:$0x7FF] =	sst s2;
	s4 =	sadd.s32 $0x11800, s6;
	s8 =	smul.u32 $0x4E000, s9  }
0x6: {  	s12 =	smul.u32 $0x13800, s9;
	s16 =	sadd.s32 $0x138000, s1;
	p0 =	sne.s32 s9, $0x0  }
0x7: {  	s31 =	sshll.u32 s9, $0x6;
	s0 =	sshll.u32 s5, $0x4;
	s10 =	ssub.s32 $0x2, s5  }
0x8: {  	s11 =	smul.u32 $0x138800, s5;
	s3 =	sor.u32 s9, s0;
	s0 =	rddreg [dreg:$0x2]  }
0x9: {  	_ =	strace $0x80000047;
	s28 =	sshrl.u32 s10, $0x1;
	s8 =	sshrl.u32 s8, $0x2  }
0xa: {  	s9 =	simm.s32 $0x2;
	s3 =	smul.u32 $0x580, s3;
	s10 =	ssub.s32 s10, s28  }
0xb: {  	s13 =	sadd.s32 s8, s1;
	s29 =	sadd.s32 s12, s11;
	s30 =	sshrl.u32 s11, $0x3  }
0xc: {  	s14 =	sadd.s32 $0x6800, s13;
	s15 =	sadd.s32 $0xD000, s13;
	s11 =	sshrl.u32 s13, $0x3  }
0xd: {  	s7 =	sadd.s32 s3, s6;
	s3 =	sadd.s32 $0x12600, s6;
	s6 =	sadd.s32 $0x12E00, s6  }
0xe: {  	s12 =	sshrl.u32 s14, $0x3;
	s13 =	sshrl.u32 s15, $0x3;
	s14 =	sshrl.u32 @!p0 s16, $0x3  }
0xf: {  	s15 =	simm.s32 $0x2C00;
	s5 =	sadd.s32 $0x6800, s7;
	s7 =	sshrl.u32 s29, $0x3  }
0x10: {  	s16 =	simm.s32 $0x80;
	s8 =	sadd.s32 s6, s30;
	s6 =	sadd.s32 s6, s7  }
0x11: {  	s7 =	sadd.s32 $0x27000, s8;
	s8 =	smax.u32 s10, $0x1;
	s10 =	sor.u32 $0x1C02, s31  }
.LBB2_1:
0x12: {  	[tilespmem:s2], [sflag:$0x2] =	stream.linear.gather [hbm4b:s5+s2], $0x2880, $0x38;
	[tilespmem:$0x1A680] =	vst v63  }
0x13: {  	_ =	swait.ge [sflag:s9], $0x2880  }
0x14: {  	[sflag:s9] =	ssyncset.done $0x0  }
0x15: {  	[sflag:s9] =	ssyncadd.s32 $0xFFFFD780  }
0x16: {  	[spmem:s11], [sflag:s10] =	dma.local [hbm:s4], $0xD00  }
0x17: {  	_ =	swait.ge [sflag:s9], $0xD00  }
0x18: {  	[sflag:s9] =	ssyncset.done $0x0  }
0x19: {  	[sflag:s9] =	ssyncadd.s32 $0xFFFFF300  }
0x1a: {  	[spmem:s12], [sflag:s10] =	dma.local [hbm:s4], $0xD00  }
0x1b: {  	_ =	swait.ge [sflag:s9], $0xD00  }
0x1c: {  	[sflag:s9] =	ssyncset.done $0x0  }
0x1d: {  	[sflag:s9] =	ssyncadd.s32 $0xFFFFF300  }
0x1e: {  	[spmem:s13], [sflag:s10] =	dma.local [hbm:s4], $0xD00  }
0x1f: {  	_ =	swait.ge [sflag:s9], $0xD00  }
0x20: {  	[sflag:s9] =	ssyncset.done $0x0  }
0x21: {  	s21 =	simm.s32 @!p0 $0x2;
	[sflag:s9] =	ssyncadd.s32 $0xFFFFF300  }
0x22: {  	[spmem:s14], [sflag:s10] =	dma.local @!p0 [hbm:s4], $0x100  }
0x23: {  	_ =	swait.ge @!p0 [sflag:s21], $0x100  }
0x24: {  	[sflag:s21] =	ssyncset.done @!p0 $0x0  }
0x25: {  	[sflag:s21] =	ssyncadd.s32 @!p0 $0xFFFFFF00  }
0x26: {  	[tilespmem:s15], [sflag:$0x2] =	stream.linear.gather [hbm4b:s3+s2], $0x4000, $0x38;
	[tilespmem:$0x1A680] =	vst v63  }
0x27: {  	_ =	swait.ge [sflag:s9], $0x4000  }
0x28: {  	[sflag:s9] =	ssyncset.done $0x0  }
0x29: {  	[sflag:s9] =	ssyncadd.s32 $0xFFFFC000  }
0x2a: {  	[bflag:$0x0] =	sbarrier.arrive $0xFFFF  }
0x2b: {  	[spmem:s1] =	stream.indirect.scatter.add.f32 [tilespmem:s15], [sflag:$0x1], $0x80, s2, s16, $0xb8;
	[tilespmem:$0x1A680] =	vst v63  }
0x2c: {  	_ = 	snop  }
0x2d: {  	[spmem:s1] =	stream.indirect.scatter.add.f32 [tilespmem:s15], [sflag:$0x1], $0x80, s16, s16, $0xb8;
	[tilespmem:$0x1A680] =	vst v63  }
0x2e: {  	_ = 	snop  }
0x2f: {  	[spmem:s1] =	stream.indirect.scatter.add.f32 [tilespmem:s15], [sflag:$0x1], $0x80, s17, s16, $0xb8;
	[tilespmem:$0x1A680] =	vst v63  }
0x30: {  	_ = 	snop  }
0x31: {  	[spmem:s1] =	stream.indirect.scatter.add.f32 [tilespmem:s15], [sflag:$0x1], $0x80, s18, s16, $0xb8;
	[tilespmem:$0x1A680] =	vst v63  }
0x32: {  	s31 =	simm.s32 $0x200  }
0x33: {  	[spmem:s1] =	stream.indirect.scatter.add.f32 [tilespmem:s15], [sflag:$0x1], $0x80, s31, s16, $0xb8;
	[tilespmem:$0x1A680] =	vst v63  }
0x34: {  	_ =	swait.ge [sflag:s19], $0x4000  }
0x35: {  	s21 =	simm.s32 $0xA00;
	[sflag:s19] =	ssyncset.done $0x0  }
.LBB2_2:
0x36: {  	s22 =	sshra.s32 s21, $0x2;
	[sflag:s19] =	ssyncadd.s32 $0xFFFFC000;
	p1 =	sne.s32 s21, $0xA000  }
0x37: {  	[spmem:s1] =	stream.indirect.scatter.add.f32 [tilespmem:s15], [sflag:$0x1], $0x80, s22, s16, $0xb8;
	[tilespmem:$0x1A680] =	vst v63  }
.Ltmp0:
0x38: {  	_ = 	snop;
	(pc) =	sbr.rel @p1 .LBB2_2-.Ltmp0, $4  }
0x39: {  	_ = 	snop  }
0x3a: {  	s21 =	sadd.s32 $0x200, s21  }
0x3b: {  	_ =	swait.ge [sflag:s19], $0x4000  }
0x3c: {  	[sflag:s19] =	ssyncset.done $0x0  }
0x3d: {  	[sflag:s19] =	ssyncadd.s32 $0xFFFFC000  }
0x3e: {  	_ =	swait.ge [sflag:s19], $0x4000  }
0x3f: {  	[sflag:s19] =	ssyncset.done $0x0  }
0x40: {  	[sflag:s19] =	ssyncadd.s32 $0xFFFFC000  }
0x41: {  	_ =	swait.ge [sflag:s19], $0x4000  }
0x42: {  	[sflag:s19] =	ssyncset.done $0x0  }
0x43: {  	[sflag:s19] =	ssyncadd.s32 $0xFFFFC000  }
0x44: {  	_ =	swait.ge [sflag:s19], $0x4000  }
0x45: {  	[sflag:s19] =	ssyncset.done $0x0  }
0x46: {  	[sflag:s19] =	ssyncadd.s32 $0xFFFFC000  }
0x47: {  	_ =	swait.ge [sflag:s19], $0x4000  }
0x48: {  	[sflag:s19] =	ssyncset.done $0x0  }
0x49: {  	[sflag:s19] =	ssyncadd.s32 $0xFFFFC000  }
0x4a: {  	[bflag:$0x0] =	sbarrier.arrive $0xFFFF  }
0x4b: {  	[hbm:s6], [sflag:s10] =	dma.local [spmem:s11], $0x2700  }
0x4c: {  	s20 =	sadd.s32 $0x1, s20;
	_ =	swait.ge [sflag:s9], $0x2700  }
0x4d: {  	p1 =	sne.s32 s20, s8;
	[sflag:s9] =	ssyncset.done $0x0  }
.Ltmp1:
0x4e: {  	s21 =	simm.s32 @!p0 $0x2;
	[sflag:s9] =	ssyncadd.s32 $0xFFFFD900;
	(pc) =	sbr.rel @p1 .LBB2_1-.Ltmp1, $4  }
0x4f: {  	[hbm:s7], [sflag:s10] =	dma.local @!p0 [spmem:s14], $0x100  }
0x50: {  	_ =	swait.ge @!p0 [sflag:s21], $0x100  }
0x51: {  	[sflag:s21] =	ssyncset.done @!p0 $0x0  }
0x52: {  	[sflag:s21] =	ssyncadd.s32 @!p0 $0xFFFFFF00  }
0x53: {  	_ =	sfence.sel $0x180000  }
0x54: {  	[bflag:$0x0] =	sbarrier.arrive $0xFFFF  }
0x55: {  	_ =	strace $0x90000047  }
0x56: {  	s0 =	sadd.s32 @!p0 $0x100000, s0;
	[bflag:$0x2] =	sbarrier.arrive $0xFFFF  }
0x57: {  	[sflag:s0] =	ssyncadd.tile.s32 @!p0 $0x1;
	_ =	shalt  }
.Lfunc_end2:
_tile_overlayer_lowered:
.L_overlay_start_2:
0x58: {  	(tag) =	ssettag $0x2  }
0x59: {  	s0 =	rddreg [dreg:$0x0];
	s2 =	stileid.u32  }
0x5a: {  	s1 =	rddreg [dreg:$0x1];
	p0 =	sne.s32 s2, $0x0  }
0x5b: {  	s3 =	rddreg [dreg:$0x2];
	[bflag:$0x3] =	sbarrier.arrive $0xFFFF;
	s2 =	simm.s32 @!p0 $0x1C02  }
0x5c: {  	[timem:s3], [sflag:s2] =	dma.local @!p0 [hbm:s0], s1  }
0x5d: {  	s0 =	simm.s32 @!p0 $0x2  }
0x5e: {  	_ =	swait.ge @!p0 [sflag:s0], s1  }
0x5f: {  	s1 =	ssub.s32 @!p0 $0x0, s1;
	[sflag:s0] =	ssyncset.done @!p0 $0x0  }
0x60: {  	[sflag:s0] =	ssyncadd.s32 @!p0 s1  }
0x61: {  	[bflag:$0x3] =	sbarrier.arrive $0xFFFF  }
0x62: {  	_ =	shalt  }

// kernel: kernel.26.cloned.1.call-start
scs
__scs_entry_jumppad:
0x0: {  	(pc) =	sbr.rel $0x88, $3  }
0x1: {  	(tag) =	ssettag $0x0;
	lr =	simm.s32 $0x1  }
0x2: {  	[smem:$0x3F92] =	sst lr;
	_ =	strace $0xD0000000  }
0x3: {  	_ = 	snop  }
0x4: {  	_ = 	snop  }
0x5: {  	_ = 	snop  }
0x6: {  	_ = 	snop  }
0x7: {  	_ = 	snop  }
__scs_overlays_trampoline_lowered:
0x8: {  	[smem:$0x3FA1] =	sst s0  }
0x9: {  	[smem:$0x3FA2] =	sst s1  }
0xa: {  	[smem:$0x3FA3] =	sst s2  }
0xb: {  	[smem:$0x3FA4] =	sst s3  }
0xc: {  	[smem:$0x3FA5] =	sst s4  }
0xd: {  	[smem:$0x3FA6] =	sst s5  }
0xe: {  	[smem:$0x3FA7] =	sst s6  }
0xf: {  	[smem:$0x3FA8] =	sst s7  }
0x10: {  	[smem:$0x3FA9] =	sst s8  }
0x11: {  	[smem:$0x3FAA] =	sst s9;
	s0 =	simm.s32 @!p0 $0x0  }
0x12: {  	s1 =	sld [smem:$0x3F90];
	s0 =	simm.s32 @p0 $0x1  }
0x13: {  	[smem:$0x3FAB] =	sst s0;
	s0 =	simm.s32 @!p1 $0x0  }
0x14: {  	s2 =	sld [smem:$0x3F8F];
	s0 =	simm.s32 @p1 $0x1  }
0x15: {  	[smem:$0x3FAC] =	sst s0;
	s0 =	simm.s32 @!p2 $0x0  }
0x16: {  	s3 =	sld [smem:$0x3FDB];
	s0 =	simm.s32 @p2 $0x1  }
0x17: {  	s4 =	simm.s32 $0x1BF5;
	[smem:$0x3FAE] =	sst s0  }
0x18: {  	s0 =	sld [smem:$0x3F91];
	_ =	swait.ge [sflag:s4], $0x0  }
0x19: {  	s7 =	sld [smem:$0x3F92]  }
0x1a: {  	s8 =	sadd.s32 $0xFFFFE003, lr  }
0x1b: {  	s9 =	sadd.s32 $0xFFFFFEF7, lr;
	s5 =	simm.s32 $0xFFFFFFFF;
	p2 =	slt.u32 s8, $0xFFFFF086  }
0x1c: {  	p1 =	slt.u32 s9, $0xF7A;
	s5 =	simm.s32 @!p2 $0x0  }
0x1d: {  	s5 =	simm.s32 @p1 $0x1;
	p0 =	seq.s32 s7, s2  }
0x1e: {  	s7 =	smul.u32 @!p0 $0xF7A, s2;
	p2 =	seq.s32 @!p0 s5, $0x0  }
0x1f: {  	s9 =	smul.u32 $0xF7A, s1;
	s8 =	simm.s32 @!p0 $0x1BF5;
	p2 =	por !p2, p0  }
0x20: {  	[sflag:s8] =	ssyncset.s32 @!p0 $0xFFFFF086;
	s6 =	sadd.s32 @!p0 s3, s7;
	s7 =	simm.s32 @!p0 $0x108  }
0x21: {  	s3 =	sadd.s32 s3, s9;
	s6 =	sadd.s32 @!p0 $0x88, s6;
	s7 =	simm.s32 @p2 $0x1082  }
0x22: {  	[simem:s7], [sflag:s8] =	dma.local @!p0 [hbm:s6], $0xF7A  }
0x23: {  	s9 =	sor.u32 $0xD0000000, s2;
	s6 =	simm.s32 $0x108;
	_ =	swait.ge @!p0 [sflag:s8], $0x0  }
0x24: {  	s3 =	sadd.s32 $0x88, s3;
	s6 =	simm.s32 @!p1 $0x1082;
	[sflag:s4] =	ssyncset.s32 $0xFFFFF086  }
0x25: {  	[simem:s6], [sflag:s4] =	dma.local [hbm:s3], $0xF7A  }
0x26: {  	[smem:$0x3F92] =	sst s1;
	(tag) =	ssettag s2;
	_ =	strace s9  }
0x27: {  	s1 =	sld [smem:$0x3FA2]  }
0x28: {  	s2 =	sld [smem:$0x3FA3]  }
0x29: {  	s4 =	sld [smem:$0x3FA5]  }
0x2a: {  	p0 =	seq.s32 s5, $0x0;
	s5 =	sld [smem:$0x3FA6]  }
0x2b: {  	s6 =	sld [smem:$0x3FA7]  }
0x2c: {  	s7 =	sld [smem:$0x3FA8]  }
0x2d: {  	s3 =	simm.s32 $0x108;
	s8 =	sld [smem:$0x3FA9]  }
0x2e: {  	s3 =	simm.s32 @!p0 $0x1082;
	s9 =	sld [smem:$0x3FAA]  }
0x2f: {  	lr =	sadd.s32 s0, s3;
	s0 =	sld [smem:$0x3FA1]  }
0x30: {  	s3 =	sld [smem:$0x3FA4]  }
0x31: {  	[smem:$0x3FAD] =	sst s10  }
0x32: {  	s10 =	sld [smem:$0x3FAB];
	_ =	sdelay $0x3  }
0x33: {  	p0 =	seq.s32 s10, $0x1;
	s10 =	sld [smem:$0x3FAD];
	_ =	sdelay $0x3  }
0x34: {  	[smem:$0x3FAD] =	sst s10  }
0x35: {  	s10 =	sld [smem:$0x3FAC];
	_ =	sdelay $0x3  }
0x36: {  	p1 =	seq.s32 s10, $0x1;
	s10 =	sld [smem:$0x3FAD];
	_ =	sdelay $0x3  }
0x37: {  	[smem:$0x3FAD] =	sst s10  }
0x38: {  	s10 =	sld [smem:$0x3FAE]  }
0x39: {  	_ = 	snop;
	(pc) =	sbr.ind lr, $3  }
0x3a: {  	_ = 	snop  }
0x3b: {  	_ = 	snop  }
0x3c: {  	p2 =	seq.s32 s10, $0x1;
	s10 =	sld [smem:$0x3FAD]  }
0x3d: {  	_ =	shalt  }
0x3e: {  	_ =	shalt  }
0x3f: {  	_ =	shalt  }
0x40: {  	_ =	shalt  }
0x41: {  	_ =	shalt  }
0x42: {  	_ =	shalt  }
0x43: {  	_ =	shalt  }
0x44: {  	_ =	shalt  }
0x45: {  	_ =	shalt  }
0x46: {  	_ =	shalt  }
0x47: {  	_ =	shalt  }
0x48: {  	_ =	shalt  }
0x49: {  	_ =	shalt  }
0x4a: {  	_ =	shalt  }
0x4b: {  	_ =	shalt  }
0x4c: {  	_ =	shalt  }
0x4d: {  	_ =	shalt  }
0x4e: {  	_ =	shalt  }
0x4f: {  	_ =	shalt  }
0x50: {  	_ =	shalt  }
0x51: {  	_ =	shalt  }
0x52: {  	_ =	shalt  }
0x53: {  	_ =	shalt  }
0x54: {  	_ =	shalt  }
0x55: {  	_ =	shalt  }
0x56: {  	_ =	shalt  }
0x57: {  	_ =	shalt  }
0x58: {  	_ =	shalt  }
0x59: {  	_ =	shalt  }
0x5a: {  	_ =	shalt  }
0x5b: {  	_ =	shalt  }
0x5c: {  	_ =	shalt  }
0x5d: {  	_ =	shalt  }
0x5e: {  	_ =	shalt  }
0x5f: {  	_ =	shalt  }
0x60: {  	_ =	shalt  }
0x61: {  	_ =	shalt  }
0x62: {  	_ =	shalt  }
0x63: {  	_ =	shalt  }
0x64: {  	_ =	shalt  }
0x65: {  	_ =	shalt  }
0x66: {  	_ =	shalt  }
0x67: {  	_ =	shalt  }
0x68: {  	_ =	shalt  }
0x69: {  	_ =	shalt  }
0x6a: {  	_ =	shalt  }
0x6b: {  	_ =	shalt  }
0x6c: {  	_ =	shalt  }
0x6d: {  	_ =	shalt  }
0x6e: {  	_ =	shalt  }
0x6f: {  	_ =	shalt  }
0x70: {  	_ =	shalt  }
0x71: {  	_ =	shalt  }
0x72: {  	_ =	shalt  }
0x73: {  	_ =	shalt  }
0x74: {  	_ =	shalt  }
0x75: {  	_ =	shalt  }
0x76: {  	_ =	shalt  }
0x77: {  	_ =	shalt  }
0x78: {  	_ =	shalt  }
0x79: {  	_ =	shalt  }
0x7a: {  	_ =	shalt  }
0x7b: {  	_ =	shalt  }
0x7c: {  	_ =	shalt  }
0x7d: {  	_ =	shalt  }
0x7e: {  	_ =	shalt  }
0x7f: {  	_ =	shalt  }
0x80: {  	_ =	shalt  }
0x81: {  	_ =	shalt  }
0x82: {  	_ =	shalt  }
0x83: {  	_ =	shalt  }
0x84: {  	_ =	shalt  }
0x85: {  	_ =	shalt  }
0x86: {  	_ =	shalt  }
0x87: {  	_ =	shalt  }
.Lfunc_end0:
.L_simem_size_0:
called_computation.1_lowered:
.L_overlay_start_0:
0x88: {  	s2 =	sld [smem:$0x3FD9]  }
0x89: {  	s3 =	sld [smem:$0x3FFE];
	_ =	sdelay $0x1  }
0x8a: {  	s1 =	srdreg.scid  }
0x8b: {  	s0 =	sand.u32 $0x1, s1  }
0x8c: {  	s16 =	sshll.u32 s0, $0xA;
	s2 =	sadd.s32 s3, s2  }
0x8d: {  	s2 =	sadd.s32 s2, s16  }
0x8e: {  	[smem:$0x3FB9] =	sst s2  }
0x8f: {  	_ = 	snop  }
0x90: {  	(tm) =	ssettm $0x1  }
0x91: {  	s17 =	sld [smem:$0x3FFB];
	_ =	sdelay $0x3  }
0x92: {  	_ =	strace s17  }
0x93: {  	s2 =	sld [smem:$0x3FFC];
	_ =	sdelay $0x3  }
0x94: {  	_ =	strace s2  }
0x95: {  	s2 =	sld [smem:$0x3FFD];
	_ =	sdelay $0x3  }
0x96: {  	_ =	strace s2  }
0x97: {  	_ =	strace $0x8FFFFFFF  }
0x98: {  	s18 =	sld [smem:$0x3FDB];
	_ =	sdelay $0x1  }
0x99: {  	s19 =	simm.s32 $_scs_section_size  }
0x9a: {  	s4 =	simm.s32 $_size__tile_overlayer_lowered;
	s5 =	simm.s32 $_tile_overlayer_lowered  }
0x9b: {  	s22 =	simm.s32 $0x1BFF;
	s21 =	sshll.u32 s5, $0x1;
	s2 =	sadd.s32 s19, s18  }
0x9c: {  	s6 =	simm.s32 $0x0;
	s20 =	sshll.u32 s4, $0x1;
	s4 =	sadd.s32 s21, s2  }
0x9d: {  	[timem:s6], [sflag:s22] =	dma.local [hbm:s4], s20  }
0x9e: {  	_ =	swait.ge [sflag:s22], s20  }
0x9f: {  	s3 =	ssub.s32 $0x0, s20;
	[sflag:s22] =	ssyncset.done $0x0  }
0xa0: {  	[sflag:s22] =	ssyncadd.s32 s3;
	_ =	sdelay $0x1  }
0xa1: {  	s23 =	simm.s32 $0x1B8B  }
0xa2: {  	_ =	swait.ge [sflag:s23], $0x1  }
0xa3: {  	[sflag:s23] =	ssyncset.done $0x0  }
0xa4: {  	s25 =	simm.s32 $0x1B8E;
	s24 =	sld [smem:$0x3FFE];
	[sflag:s23] =	ssyncadd.s32 $0xFFFFFFFF  }
0xa5: {  	s26 =	simm.s32 $execute0_lowered;
	[smem:$0x3FD2] =	sst s25  }
0xa6: {  	s4 =	sshll.u32 s26, $0x1;
	_ =	strace $0x80000049;
	[dreg:$0x1] =	wrdreg $0xFFFFFFFF  }
0xa7: {  	s28 =	simm.s32 $_size_execute0_lowered;
	s2 =	sadd.s32 s2, s4;
	[dreg:$0x0] =	wrdreg $0x0  }
0xa8: {  	s4 =	sshll.u32 s28, $0x1;
	[dreg:$0x2] =	wrdreg s2  }
0xa9: {  	[dreg:$0x3] =	wrdreg s4  }
0xaa: {  	[dreg:$0x4] =	wrdreg $0xC0  }
0xab: {  	_ =	task [dreg:s6], $0x5FFFF  }
0xac: {  	[dreg:$0x1] =	wrdreg $0xFFFFFFFF  }
0xad: {  	[dreg:$0x0] =	wrdreg $0x60  }
0xae: {  	[dreg:$0x2] =	wrdreg s24  }
0xaf: {  	[dreg:$0x3] =	wrdreg $0xC3000  }
0xb0: {  	[dreg:$0x4] =	wrdreg $0x9  }
0xb1: {  	_ =	task.clear_ibuf [dreg:s6], $0x5FFFF;
	_ =	strace $0x90000049  }
0xb2: {  	s29 =	simm.s32 $0x9;
	_ =	strace $0x8000004B  }
0xb3: {  	_ =	swait.ge [sflag:s29], $0x1  }
0xb4: {  	[sflag:s29] =	ssyncadd.s32 $0xFFFFFFFF  }
0xb5: {  	_ =	strace $0x9000004B  }
0xb6: {  	_ =	sfence  }
0xb7: {  	s30 =	sld [smem:$0x0];
	_ =	sdelay $0x2  }
0xb8: {  	s31 =	sshll.u32 s1, $0xD;
	s1 =	sshrl.u32 s1, $0x2  }
0xb9: {  	s3 =	sand.u32 $0x4000, s31;
	s1 =	sadd.s32 s1, s30  }
0xba: {  	s0 =	sor.u32 s3, s0;
	s1 =	sshll.u32 s1, $0x11  }
0xbb: {  	s0 =	sor.u32 s1, s0  }
0xbc: {  	s0 =	sadd.s32 $0x8F2B, s0  }
0xbd: {  	[sflag:s0] =	ssyncadd.remote.s32 $0x1  }
0xbe: {  	_ =	sfence.sel $0xFFFF  }
0xbf: {  	[dreg:$0x0] =	wrdreg $0xFFFFFFFF;
	(pc) =	sbr.abs _section_cstart, $3  }
0xc0: {  	[dreg:$0x1] =	wrdreg $0xFFFFFFFF  }
0xc1: {  	_ =	task.clear_ibuf [dreg:s6], $0x2FFFF;
	_ =	strace $0x9FFFFFFF  }
0xc2: {  	(tm) =	ssettm $0x7FFFFFFF  }
0xc3: {  	_ =	shalt  }
tec
execute0_lowered:
.L_overlay_start_1:
0x0: {  	(tag) =	ssettag $0x1  }
0x1: {  	s0 =	rddreg [dreg:$0x0]  }
0x2: {  	s1 =	rddreg [dreg:$0x1]  }
0x3: {  	s2 =	simm.s32 $0x0;
	s4 =	srdreg.scid;
	s9 =	stileid.u32  }
0x4: {  	s28 =	simm.s32 $0x200;
	s29 =	simm.s32 $0x8300;
	s30 =	simm.s32 $0x180  }
0x5: {  	s31 =	simm.s32 $0x2;
	[smem:$0x7FF] =	sst s2;
	s3 =	sadd.s32 $0x12600, s0  }
0x6: {  	s6 =	sadd.s32 $0x61000, s0;
	s8 =	sand.u32 $0x1, s4;
	s11 =	smul.u32 $0x4E000, s9  }
0x7: {  	s4 =	sadd.s32 $0x11800, s0;
	s0 =	sadd.s32 $0x75400, s0;
	s22 =	smul.u32 $0x13800, s9  }
0x8: {  	s15 =	sshll.u32 s9, $0x6;
	s23 =	smul.u32 $0x5100, s9;
	p0 =	sne.s32 s9, $0x0  }
0x9: {  	_ =	strace $0x8000004A;
	s5 =	ssub.s32 $0x2, s8;
	s17 =	smul.u32 $0x138800, s8  }
0xa: {  	s10 =	sshll.u32 s8, $0x4;
	s8 =	smul.u32 $0x51000, s8;
	s7 =	sshrl.u32 s5, $0x1  }
0xb: {  	s13 =	sor.u32 s9, s10;
	s14 =	sshrl.u32 s11, $0x2;
	s12 =	ssub.s32 s5, s7  }
0xc: {  	s16 =	smul.u32 $0x5100, s13;
	s18 =	sadd.s32 s14, s1;
	s5 =	sor.u32 $0x1C03, s15  }
0xd: {  	s13 =	sadd.s32 $0x138000, s1;
	s11 =	sadd.s32 s22, s17;
	s10 =	sshrl.u32 s17, $0x3  }
0xe: {  	s25 =	sadd.s32 s23, s8;
	s22 =	simm.s32 $0x80;
	s23 =	simm.s32 $0x300  }
0xf: {  	s20 =	sadd.s32 $0x6800, s18;
	s21 =	sadd.s32 $0xD000, s18;
	[dreg:$0x3] =	wrdreg s13  }
0x10: {  	s11 =	sshrl.u32 s11, $0x3;
	s10 =	sadd.s32 s0, s10;
	s8 =	sadd.s32 $0x700, s25  }
0x11: {  	s18 =	sshrl.u32 s18, $0x3;
	s19 =	sshrl.u32 s16, $0x3;
	s0 =	sadd.s32 s0, s11  }
0x12: {  	s24 =	sadd.s32 $0x27000, s10;
	s11 =	smax.u32 s12, $0x1;
	s8 =	sshrl.u32 s8, $0x3  }
0x13: {  	s16 =	sadd.s32 $0x600, s25;
	s20 =	sshrl.u32 s20, $0x3;
	[dreg:$0x5] =	wrdreg s0  }
0x14: {  	s21 =	sshrl.u32 s21, $0x3;
	s7 =	sadd.s32 s6, s19;
	[dreg:$0x6] =	wrdreg s24  }
0x15: {  	s0 =	sadd.s32 $0x500, s25;
	s15 =	sadd.s32 s8, s6;
	s26 =	sshrl.u32 s16, $0x3  }
.Ltmp0:
0x16: {  	s19 =	simm.s32 $0x3;
	s24 =	simm.s32 $0x100;
	(pc) =	sbr.rel .LBB2_1-.Ltmp0, $4  }
0x17: {  	s25 =	simm.s32 $0x4300;
	s14 =	sadd.s32 $0x20, s7;
	s12 =	sadd.s32 $0x40, s7  }
0x18: {  	s13 =	sadd.s32 $0x60, s7;
	s0 =	sshrl.u32 s0, $0x3;
	s16 =	sadd.s32 s26, s6  }
0x19: {  	s26 =	simm.s32 $0x1;
	[dreg:$0x4] =	wrdreg s14;
	s14 =	sadd.s32 $0x80, s7  }
0x1a: {  	s17 =	sadd.s32 s0, s6;
	s0 =	simm.s32 $0x280;
	s6 =	simm.s32 $0x0  }
.LBB2_4:
0x1b: {  	_ =	swait.ge [sflag:s26], $0x4000  }
0x1c: {  	[sflag:s26] =	ssyncset.done $0x0  }
0x1d: {  	[sflag:s26] =	ssyncadd.s32 $0xFFFFC000  }
0x1e: {  	[spmem:s1] =	stream.indirect.scatter.add.f32 [tilespmem:s29], [sflag:$0x2], $0x80, s0, s22, $0xb8;
	[tilespmem:$0x1FD80] =	vst v63  }
0x1f: {  	_ =	swait.ge [sflag:s31], $0x4000  }
0x20: {  	[sflag:s31] =	ssyncset.done $0x0  }
0x21: {  	[sflag:s31] =	ssyncadd.s32 $0xFFFFC000  }
0x22: {  	_ =	swait.ge [sflag:s31], $0x4000  }
0x23: {  	[sflag:s31] =	ssyncset.done $0x0  }
0x24: {  	[sflag:s31] =	ssyncadd.s32 $0xFFFFC000  }
0x25: {  	[bflag:$0x0] =	sbarrier.arrive $0xFFFF  }
0x26: {  	s9 =	rddreg [dreg:$0x5]  }
0x27: {  	[hbm:s9], [sflag:s5] =	dma.local [spmem:s18], $0x2700  }
0x28: {  	_ =	swait.ge [sflag:s19], $0x2700  }
0x29: {  	s6 =	sadd.s32 $0x1, s6;
	[sflag:s19] =	ssyncset.done $0x0  }
0x2a: {  	p1 =	sne.s32 s6, s11;
	s9 =	rddreg [dreg:$0x6];
	[sflag:s19] =	ssyncadd.s32 $0xFFFFD900  }
0x2b: {  	[hbm:s9], [sflag:s5] =	dma.local @!p0 [spmem:s8], $0x100  }
.Ltmp1:
0x2c: {  	_ = 	snop;
	(pc) =	sbr.rel @!p1 .LBB2_5-.Ltmp1, $4  }
0x2d: {  	s8 =	simm.s32 @!p0 $0x3  }
0x2e: {  	_ =	swait.ge @!p0 [sflag:s8], $0x100  }
0x2f: {  	[sflag:s8] =	ssyncset.done @!p0 $0x0  }
0x30: {  	[sflag:s8] =	ssyncadd.s32 @!p0 $0xFFFFFF00  }
.LBB2_1:
0x31: {  	[spmem:s18], [sflag:s5] =	dma.local [hbm:s4], $0xD00  }
0x32: {  	_ =	swait.ge [sflag:s19], $0xD00  }
0x33: {  	[sflag:s19] =	ssyncset.done $0x0  }
0x34: {  	[sflag:s19] =	ssyncadd.s32 $0xFFFFF300  }
0x35: {  	[spmem:s20], [sflag:s5] =	dma.local [hbm:s4], $0xD00  }
0x36: {  	_ =	swait.ge [sflag:s19], $0xD00  }
0x37: {  	[sflag:s19] =	ssyncset.done $0x0  }
0x38: {  	[sflag:s19] =	ssyncadd.s32 $0xFFFFF300  }
0x39: {  	[spmem:s21], [sflag:s5] =	dma.local [hbm:s4], $0xD00  }
0x3a: {  	_ =	swait.ge [sflag:s19], $0xD00  }
0x3b: {  	[sflag:s19] =	ssyncset.done $0x0;
	s8 =	rddreg [dreg:$0x3]  }
0x3c: {  	s9 =	simm.s32 @!p0 $0x3;
	[sflag:s19] =	ssyncadd.s32 $0xFFFFF300;
	s8 =	sshrl.u32 @!p0 s8, $0x3  }
0x3d: {  	[spmem:s8], [sflag:s5] =	dma.local @!p0 [hbm:s4], $0x100  }
0x3e: {  	_ =	swait.ge @!p0 [sflag:s9], $0x100  }
0x3f: {  	[sflag:s9] =	ssyncset.done @!p0 $0x0  }
0x40: {  	[sflag:s9] =	ssyncadd.s32 @!p0 $0xFFFFFF00  }
0x41: {  	[bflag:$0x0] =	sbarrier.arrive $0xFFFF  }
0x42: {  	[tilespmem:s2], [sflag:$0x3] =	stream.linear.gather [hbm4b:s7+s2], $0x100, $0x38;
	[tilespmem:$0x1FD80] =	vst v63  }
0x43: {  	_ =	swait.ge [sflag:s19], $0x100  }
0x44: {  	[sflag:s19] =	ssyncset.done $0x0  }
0x45: {  	[sflag:s19] =	ssyncadd.s32 $0xFFFFFF00  }
0x46: {  	[tilespmem:s23], [sflag:$0x1] =	stream.indirect.gather [hbm4b:s3+s22], $0x80, s2, s22, $0xb8;
	[tilespmem:$0x1FD80] =	vst v63  }
0x47: {  	s10 =	rddreg [dreg:$0x4]  }
0x48: {  	[tilespmem:s24], [sflag:$0x3] =	stream.linear.gather [hbm4b:s10+s2], $0x100, $0x38;
	[tilespmem:$0x1FD80] =	vst v63  }
0x49: {  	_ =	swait.ge [sflag:s19], $0x100  }
0x4a: {  	[sflag:s19] =	ssyncset.done $0x0  }
0x4b: {  	[sflag:s19] =	ssyncadd.s32 $0xFFFFFF00  }
0x4c: {  	[tilespmem:s25], [sflag:$0x1] =	stream.indirect.gather [hbm4b:s3+s22], $0x80, s24, s22, $0xb8;
	[tilespmem:$0x1FD80] =	vst v63  }
0x4d: {  	_ =	swait.ge [sflag:s26], $0x4000  }
0x4e: {  	[sflag:s26] =	ssyncset.done $0x0  }
0x4f: {  	[sflag:s26] =	ssyncadd.s32 $0xFFFFC000  }
0x50: {  	[spmem:s1] =	stream.indirect.scatter.add.f32 [tilespmem:s23], [sflag:$0x2], $0x80, s22, s22, $0xb8;
	[tilespmem:$0x1FD80] =	vst v63  }
0x51: {  	_ = 	snop  }
0x52: {  	[tilespmem:s28], [sflag:$0x3] =	stream.linear.gather [hbm4b:s12+s2], $0x100, $0x38;
	[tilespmem:$0x1FD80] =	vst v63  }
0x53: {  	_ =	swait.ge [sflag:s19], $0x100  }
0x54: {  	[sflag:s19] =	ssyncset.done $0x0  }
0x55: {  	[sflag:s19] =	ssyncadd.s32 $0xFFFFFF00  }
0x56: {  	[tilespmem:s29], [sflag:$0x1] =	stream.indirect.gather [hbm4b:s3+s22], $0x80, s28, s22, $0xb8;
	[tilespmem:$0x1FD80] =	vst v63  }
0x57: {  	_ =	swait.ge [sflag:s26], $0x4000  }
0x58: {  	[sflag:s26] =	ssyncset.done $0x0  }
0x59: {  	[sflag:s26] =	ssyncadd.s32 $0xFFFFC000  }
0x5a: {  	[spmem:s1] =	stream.indirect.scatter.add.f32 [tilespmem:s25], [sflag:$0x2], $0x80, s30, s22, $0xb8;
	[tilespmem:$0x1FD80] =	vst v63  }
0x5b: {  	_ =	swait.ge [sflag:s31], $0x4000  }
0x5c: {  	[sflag:s31] =	ssyncset.done $0x0  }
0x5d: {  	[sflag:s31] =	ssyncadd.s32 $0xFFFFC000  }
0x5e: {  	[tilespmem:s2], [sflag:$0x3] =	stream.linear.gather [hbm4b:s13+s2], $0x100, $0x38;
	[tilespmem:$0x1FD80] =	vst v63  }
0x5f: {  	_ =	swait.ge [sflag:s19], $0x100  }
0x60: {  	[sflag:s19] =	ssyncset.done $0x0  }
0x61: {  	[sflag:s19] =	ssyncadd.s32 $0xFFFFFF00  }
0x62: {  	[tilespmem:s23], [sflag:$0x1] =	stream.indirect.gather [hbm4b:s3+s22], $0x80, s2, s22, $0xb8;
	[tilespmem:$0x1FD80] =	vst v63  }
0x63: {  	_ =	swait.ge [sflag:s26], $0x4000  }
0x64: {  	[sflag:s26] =	ssyncset.done $0x0  }
0x65: {  	[sflag:s26] =	ssyncadd.s32 $0xFFFFC000  }
0x66: {  	[spmem:s1] =	stream.indirect.scatter.add.f32 [tilespmem:s29], [sflag:$0x2], $0x80, s0, s22, $0xb8;
	[tilespmem:$0x1FD80] =	vst v63  }
0x67: {  	_ =	swait.ge [sflag:s31], $0x4000  }
0x68: {  	[sflag:s31] =	ssyncset.done $0x0  }
0x69: {  	[sflag:s31] =	ssyncadd.s32 $0xFFFFC000  }
0x6a: {  	[tilespmem:s24], [sflag:$0x3] =	stream.linear.gather [hbm4b:s14+s2], $0x100, $0x38;
	[tilespmem:$0x1FD80] =	vst v63  }
0x6b: {  	_ =	swait.ge [sflag:s19], $0x100  }
0x6c: {  	[sflag:s19] =	ssyncset.done $0x0  }
0x6d: {  	s9 =	simm.s32 $0x0;
	[sflag:s19] =	ssyncadd.s32 $0xFFFFFF00  }
0x6e: {  	[tilespmem:s25], [sflag:$0x1] =	stream.indirect.gather [hbm4b:s3+s22], $0x80, s24, s22, $0xb8;
	[tilespmem:$0x1FD80] =	vst v63  }
.LBB2_2:
0x6f: {  	_ =	swait.ge [sflag:s26], $0x4000  }
0x70: {  	[sflag:s26] =	ssyncset.done $0x0  }
0x71: {  	[sflag:s26] =	ssyncadd.s32 $0xFFFFC000  }
0x72: {  	[spmem:s1] =	stream.indirect.scatter.add.f32 [tilespmem:s23], [sflag:$0x2], $0x80, s22, s22, $0xb8;
	[tilespmem:$0x1FD80] =	vst v63  }
0x73: {  	_ =	swait.ge [sflag:s31], $0x4000  }
0x74: {  	[sflag:s31] =	ssyncset.done $0x0  }
0x75: {  	s10 =	sadd.s32 s9, s17;
	[sflag:s31] =	ssyncadd.s32 $0xFFFFC000  }
0x76: {  	[tilespmem:s28], [sflag:$0x3] =	stream.linear.gather [hbm4b:s10+s2], $0x100, $0x38;
	[tilespmem:$0x1FD80] =	vst v63  }
0x77: {  	_ =	swait.ge [sflag:s19], $0x100  }
0x78: {  	[sflag:s19] =	ssyncset.done $0x0  }
0x79: {  	[sflag:s19] =	ssyncadd.s32 $0xFFFFFF00  }
0x7a: {  	[tilespmem:s29], [sflag:$0x1] =	stream.indirect.gather [hbm4b:s3+s22], $0x80, s28, s22, $0xb8;
	[tilespmem:$0x1FD80] =	vst v63  }
0x7b: {  	_ =	swait.ge [sflag:s26], $0x4000  }
0x7c: {  	p1 =	seq.s32 s9, $0x960;
	[sflag:s26] =	ssyncset.done $0x0  }
.Ltmp2:
0x7d: {  	[sflag:s26] =	ssyncadd.s32 $0xFFFFC000;
	(pc) =	sbr.rel @p1 .LBB2_4-.Ltmp2, $4  }
0x7e: {  	[spmem:s1] =	stream.indirect.scatter.add.f32 [tilespmem:s25], [sflag:$0x2], $0x80, s30, s22, $0xb8;
	[tilespmem:$0x1FD80] =	vst v63  }
0x7f: {  	_ =	swait.ge [sflag:s31], $0x4000  }
0x80: {  	[sflag:s31] =	ssyncset.done $0x0  }
0x81: {  	[sflag:s31] =	ssyncadd.s32 $0xFFFFC000  }
0x82: {  	s10 =	sadd.s32 s9, s16  }
0x83: {  	[tilespmem:s2], [sflag:$0x3] =	stream.linear.gather [hbm4b:s10+s2], $0x100, $0x38;
	[tilespmem:$0x1FD80] =	vst v63  }
0x84: {  	_ =	swait.ge [sflag:s19], $0x100  }
0x85: {  	[sflag:s19] =	ssyncset.done $0x0  }
0x86: {  	[sflag:s19] =	ssyncadd.s32 $0xFFFFFF00  }
0x87: {  	[tilespmem:s23], [sflag:$0x1] =	stream.indirect.gather [hbm4b:s3+s22], $0x80, s2, s22, $0xb8;
	[tilespmem:$0x1FD80] =	vst v63  }
0x88: {  	_ =	swait.ge [sflag:s26], $0x4000  }
0x89: {  	[sflag:s26] =	ssyncset.done $0x0  }
0x8a: {  	[sflag:s26] =	ssyncadd.s32 $0xFFFFC000  }
0x8b: {  	[spmem:s1] =	stream.indirect.scatter.add.f32 [tilespmem:s29], [sflag:$0x2], $0x80, s0, s22, $0xb8;
	[tilespmem:$0x1FD80] =	vst v63  }
0x8c: {  	_ =	swait.ge [sflag:s31], $0x4000  }
0x8d: {  	[sflag:s31] =	ssyncset.done $0x0  }
0x8e: {  	s10 =	sadd.s32 s9, s15;
	[sflag:s31] =	ssyncadd.s32 $0xFFFFC000  }
0x8f: {  	[tilespmem:s24], [sflag:$0x3] =	stream.linear.gather [hbm4b:s10+s2], $0x100, $0x38;
	[tilespmem:$0x1FD80] =	vst v63  }
.Ltmp3:
0x90: {  	_ = 	snop;
	(pc) =	sbr.rel .LBB2_2-.Ltmp3, $4  }
0x91: {  	_ =	swait.ge [sflag:s19], $0x100  }
0x92: {  	[sflag:s19] =	ssyncset.done $0x0  }
0x93: {  	s9 =	sadd.s32 $0x60, s9;
	[sflag:s19] =	ssyncadd.s32 $0xFFFFFF00  }
0x94: {  	[tilespmem:s25], [sflag:$0x1] =	stream.indirect.gather [hbm4b:s3+s22], $0x80, s24, s22, $0xb8;
	[tilespmem:$0x1FD80] =	vst v63  }
.LBB2_5:
0x95: {  	_ =	sfence.sel $0x180000  }
0x96: {  	[bflag:$0x0] =	sbarrier.arrive $0xFFFF  }
0x97: {  	_ =	strace $0x9000004A  }
0x98: {  	[bflag:$0x2] =	sbarrier.arrive $0xFFFF  }
0x99: {  	s0 =	rddreg [dreg:$0x2]  }
0x9a: {  	s0 =	sadd.s32 @!p0 $0x100000, s0  }
0x9b: {  	[sflag:s0] =	ssyncadd.tile.s32 @!p0 $0x1;
	_ =	shalt  }
.Lfunc_end2:
_tile_overlayer_lowered:
.L_overlay_start_2:
0x9c: {  	(tag) =	ssettag $0x2  }
0x9d: {  	s0 =	rddreg [dreg:$0x0];
	s2 =	stileid.u32  }
0x9e: {  	s1 =	rddreg [dreg:$0x1];
	p0 =	sne.s32 s2, $0x0  }
0x9f: {  	s3 =	rddreg [dreg:$0x2];
	[bflag:$0x3] =	sbarrier.arrive $0xFFFF;
	s2 =	simm.s32 @!p0 $0x1C03  }
0xa0: {  	[timem:s3], [sflag:s2] =	dma.local @!p0 [hbm:s0], s1  }
0xa1: {  	s0 =	simm.s32 @!p0 $0x3  }
0xa2: {  	_ =	swait.ge @!p0 [sflag:s0], s1  }
0xa3: {  	s1 =	ssub.s32 @!p0 $0x0, s1;
	[sflag:s0] =	ssyncset.done @!p0 $0x0  }
0xa4: {  	[sflag:s0] =	ssyncadd.s32 @!p0 s1  }
0xa5: {  	[bflag:$0x3] =	sbarrier.arrive $0xFFFF  }
0xa6: {  	_ =	shalt  }

// kernel: kernel.29.cloned.1.call-start
scs
__scs_entry_jumppad:
0x0: {  	(pc) =	sbr.rel $0x88, $3  }
0x1: {  	(tag) =	ssettag $0x0;
	lr =	simm.s32 $0x1  }
0x2: {  	[smem:$0x3F92] =	sst lr;
	_ =	strace $0xD0000000  }
0x3: {  	_ = 	snop  }
0x4: {  	_ = 	snop  }
0x5: {  	_ = 	snop  }
0x6: {  	_ = 	snop  }
0x7: {  	_ = 	snop  }
__scs_overlays_trampoline_lowered:
0x8: {  	[smem:$0x3FA1] =	sst s0  }
0x9: {  	[smem:$0x3FA2] =	sst s1  }
0xa: {  	[smem:$0x3FA3] =	sst s2  }
0xb: {  	[smem:$0x3FA4] =	sst s3  }
0xc: {  	[smem:$0x3FA5] =	sst s4  }
0xd: {  	[smem:$0x3FA6] =	sst s5  }
0xe: {  	[smem:$0x3FA7] =	sst s6  }
0xf: {  	[smem:$0x3FA8] =	sst s7  }
0x10: {  	[smem:$0x3FA9] =	sst s8  }
0x11: {  	[smem:$0x3FAA] =	sst s9;
	s0 =	simm.s32 @!p0 $0x0  }
0x12: {  	s1 =	sld [smem:$0x3F90];
	s0 =	simm.s32 @p0 $0x1  }
0x13: {  	[smem:$0x3FAB] =	sst s0;
	s0 =	simm.s32 @!p1 $0x0  }
0x14: {  	s2 =	sld [smem:$0x3F8F];
	s0 =	simm.s32 @p1 $0x1  }
0x15: {  	[smem:$0x3FAC] =	sst s0;
	s0 =	simm.s32 @!p2 $0x0  }
0x16: {  	s3 =	sld [smem:$0x3FDB];
	s0 =	simm.s32 @p2 $0x1  }
0x17: {  	s4 =	simm.s32 $0x1BF5;
	[smem:$0x3FAE] =	sst s0  }
0x18: {  	s0 =	sld [smem:$0x3F91];
	_ =	swait.ge [sflag:s4], $0x0  }
0x19: {  	s7 =	sld [smem:$0x3F92]  }
0x1a: {  	s8 =	sadd.s32 $0xFFFFE003, lr  }
0x1b: {  	s9 =	sadd.s32 $0xFFFFFEF7, lr;
	s5 =	simm.s32 $0xFFFFFFFF;
	p2 =	slt.u32 s8, $0xFFFFF086  }
0x1c: {  	p1 =	slt.u32 s9, $0xF7A;
	s5 =	simm.s32 @!p2 $0x0  }
0x1d: {  	s5 =	simm.s32 @p1 $0x1;
	p0 =	seq.s32 s7, s2  }
0x1e: {  	s7 =	smul.u32 @!p0 $0xF7A, s2;
	p2 =	seq.s32 @!p0 s5, $0x0  }
0x1f: {  	s9 =	smul.u32 $0xF7A, s1;
	s8 =	simm.s32 @!p0 $0x1BF5;
	p2 =	por !p2, p0  }
0x20: {  	[sflag:s8] =	ssyncset.s32 @!p0 $0xFFFFF086;
	s6 =	sadd.s32 @!p0 s3, s7;
	s7 =	simm.s32 @!p0 $0x108  }
0x21: {  	s3 =	sadd.s32 s3, s9;
	s6 =	sadd.s32 @!p0 $0x88, s6;
	s7 =	simm.s32 @p2 $0x1082  }
0x22: {  	[simem:s7], [sflag:s8] =	dma.local @!p0 [hbm:s6], $0xF7A  }
0x23: {  	s9 =	sor.u32 $0xD0000000, s2;
	s6 =	simm.s32 $0x108;
	_ =	swait.ge @!p0 [sflag:s8], $0x0  }
0x24: {  	s3 =	sadd.s32 $0x88, s3;
	s6 =	simm.s32 @!p1 $0x1082;
	[sflag:s4] =	ssyncset.s32 $0xFFFFF086  }
0x25: {  	[simem:s6], [sflag:s4] =	dma.local [hbm:s3], $0xF7A  }
0x26: {  	[smem:$0x3F92] =	sst s1;
	(tag) =	ssettag s2;
	_ =	strace s9  }
0x27: {  	s1 =	sld [smem:$0x3FA2]  }
0x28: {  	s2 =	sld [smem:$0x3FA3]  }
0x29: {  	s4 =	sld [smem:$0x3FA5]  }
0x2a: {  	p0 =	seq.s32 s5, $0x0;
	s5 =	sld [smem:$0x3FA6]  }
0x2b: {  	s6 =	sld [smem:$0x3FA7]  }
0x2c: {  	s7 =	sld [smem:$0x3FA8]  }
0x2d: {  	s3 =	simm.s32 $0x108;
	s8 =	sld [smem:$0x3FA9]  }
0x2e: {  	s3 =	simm.s32 @!p0 $0x1082;
	s9 =	sld [smem:$0x3FAA]  }
0x2f: {  	lr =	sadd.s32 s0, s3;
	s0 =	sld [smem:$0x3FA1]  }
0x30: {  	s3 =	sld [smem:$0x3FA4]  }
0x31: {  	[smem:$0x3FAD] =	sst s10  }
0x32: {  	s10 =	sld [smem:$0x3FAB];
	_ =	sdelay $0x3  }
0x33: {  	p0 =	seq.s32 s10, $0x1;
	s10 =	sld [smem:$0x3FAD];
	_ =	sdelay $0x3  }
0x34: {  	[smem:$0x3FAD] =	sst s10  }
0x35: {  	s10 =	sld [smem:$0x3FAC];
	_ =	sdelay $0x3  }
0x36: {  	p1 =	seq.s32 s10, $0x1;
	s10 =	sld [smem:$0x3FAD];
	_ =	sdelay $0x3  }
0x37: {  	[smem:$0x3FAD] =	sst s10  }
0x38: {  	s10 =	sld [smem:$0x3FAE]  }
0x39: {  	_ = 	snop;
	(pc) =	sbr.ind lr, $3  }
0x3a: {  	_ = 	snop  }
0x3b: {  	_ = 	snop  }
0x3c: {  	p2 =	seq.s32 s10, $0x1;
	s10 =	sld [smem:$0x3FAD]  }
0x3d: {  	_ =	shalt  }
0x3e: {  	_ =	shalt  }
0x3f: {  	_ =	shalt  }
0x40: {  	_ =	shalt  }
0x41: {  	_ =	shalt  }
0x42: {  	_ =	shalt  }
0x43: {  	_ =	shalt  }
0x44: {  	_ =	shalt  }
0x45: {  	_ =	shalt  }
0x46: {  	_ =	shalt  }
0x47: {  	_ =	shalt  }
0x48: {  	_ =	shalt  }
0x49: {  	_ =	shalt  }
0x4a: {  	_ =	shalt  }
0x4b: {  	_ =	shalt  }
0x4c: {  	_ =	shalt  }
0x4d: {  	_ =	shalt  }
0x4e: {  	_ =	shalt  }
0x4f: {  	_ =	shalt  }
0x50: {  	_ =	shalt  }
0x51: {  	_ =	shalt  }
0x52: {  	_ =	shalt  }
0x53: {  	_ =	shalt  }
0x54: {  	_ =	shalt  }
0x55: {  	_ =	shalt  }
0x56: {  	_ =	shalt  }
0x57: {  	_ =	shalt  }
0x58: {  	_ =	shalt  }
0x59: {  	_ =	shalt  }
0x5a: {  	_ =	shalt  }
0x5b: {  	_ =	shalt  }
0x5c: {  	_ =	shalt  }
0x5d: {  	_ =	shalt  }
0x5e: {  	_ =	shalt  }
0x5f: {  	_ =	shalt  }
0x60: {  	_ =	shalt  }
0x61: {  	_ =	shalt  }
0x62: {  	_ =	shalt  }
0x63: {  	_ =	shalt  }
0x64: {  	_ =	shalt  }
0x65: {  	_ =	shalt  }
0x66: {  	_ =	shalt  }
0x67: {  	_ =	shalt  }
0x68: {  	_ =	shalt  }
0x69: {  	_ =	shalt  }
0x6a: {  	_ =	shalt  }
0x6b: {  	_ =	shalt  }
0x6c: {  	_ =	shalt  }
0x6d: {  	_ =	shalt  }
0x6e: {  	_ =	shalt  }
0x6f: {  	_ =	shalt  }
0x70: {  	_ =	shalt  }
0x71: {  	_ =	shalt  }
0x72: {  	_ =	shalt  }
0x73: {  	_ =	shalt  }
0x74: {  	_ =	shalt  }
0x75: {  	_ =	shalt  }
0x76: {  	_ =	shalt  }
0x77: {  	_ =	shalt  }
0x78: {  	_ =	shalt  }
0x79: {  	_ =	shalt  }
0x7a: {  	_ =	shalt  }
0x7b: {  	_ =	shalt  }
0x7c: {  	_ =	shalt  }
0x7d: {  	_ =	shalt  }
0x7e: {  	_ =	shalt  }
0x7f: {  	_ =	shalt  }
0x80: {  	_ =	shalt  }
0x81: {  	_ =	shalt  }
0x82: {  	_ =	shalt  }
0x83: {  	_ =	shalt  }
0x84: {  	_ =	shalt  }
0x85: {  	_ =	shalt  }
0x86: {  	_ =	shalt  }
0x87: {  	_ =	shalt  }
.Lfunc_end0:
.L_simem_size_0:
called_computation.2_lowered:
.L_overlay_start_0:
0x88: {  	s2 =	sld [smem:$0x3FD9]  }
0x89: {  	s3 =	sld [smem:$0x3FFE];
	_ =	sdelay $0x1  }
0x8a: {  	s1 =	srdreg.scid  }
0x8b: {  	s0 =	sand.u32 $0x1, s1  }
0x8c: {  	s16 =	sshll.u32 s0, $0xA;
	s2 =	sadd.s32 s3, s2  }
0x8d: {  	s2 =	sadd.s32 s2, s16  }
0x8e: {  	[smem:$0x3FB9] =	sst s2  }
0x8f: {  	_ = 	snop  }
0x90: {  	(tm) =	ssettm $0x1  }
0x91: {  	s17 =	sld [smem:$0x3FFB];
	_ =	sdelay $0x3  }
0x92: {  	_ =	strace s17  }
0x93: {  	s2 =	sld [smem:$0x3FFC];
	_ =	sdelay $0x3  }
0x94: {  	_ =	strace s2  }
0x95: {  	s2 =	sld [smem:$0x3FFD];
	_ =	sdelay $0x3  }
0x96: {  	_ =	strace s2  }
0x97: {  	_ =	strace $0x8FFFFFFF  }
0x98: {  	s18 =	sld [smem:$0x3FDB];
	_ =	sdelay $0x1  }
0x99: {  	s19 =	simm.s32 $_scs_section_size  }
0x9a: {  	s4 =	simm.s32 $_size__tile_overlayer_lowered;
	s5 =	simm.s32 $_tile_overlayer_lowered  }
0x9b: {  	s22 =	simm.s32 $0x1BFF;
	s21 =	sshll.u32 s5, $0x1;
	s2 =	sadd.s32 s19, s18  }
0x9c: {  	s6 =	simm.s32 $0x0;
	s20 =	sshll.u32 s4, $0x1;
	s4 =	sadd.s32 s21, s2  }
0x9d: {  	[timem:s6], [sflag:s22] =	dma.local [hbm:s4], s20  }
0x9e: {  	_ =	swait.ge [sflag:s22], s20  }
0x9f: {  	s3 =	ssub.s32 $0x0, s20;
	[sflag:s22] =	ssyncset.done $0x0  }
0xa0: {  	[sflag:s22] =	ssyncadd.s32 s3;
	_ =	sdelay $0x1  }
0xa1: {  	s23 =	simm.s32 $0x1B8B  }
0xa2: {  	_ =	swait.ge [sflag:s23], $0x1  }
0xa3: {  	[sflag:s23] =	ssyncset.done $0x0  }
0xa4: {  	s25 =	simm.s32 $0x1B8E;
	s24 =	sld [smem:$0x3FFE];
	[sflag:s23] =	ssyncadd.s32 $0xFFFFFFFF  }
0xa5: {  	s26 =	simm.s32 $execute0_lowered;
	[smem:$0x3FD2] =	sst s25  }
0xa6: {  	s4 =	sshll.u32 s26, $0x1;
	_ =	strace $0x8000004C;
	[dreg:$0x1] =	wrdreg $0xFFFFFFFF  }
0xa7: {  	s28 =	simm.s32 $_size_execute0_lowered;
	s2 =	sadd.s32 s2, s4;
	[dreg:$0x0] =	wrdreg $0x0  }
0xa8: {  	s4 =	sshll.u32 s28, $0x1;
	[dreg:$0x2] =	wrdreg s2  }
0xa9: {  	[dreg:$0x3] =	wrdreg s4  }
0xaa: {  	[dreg:$0x4] =	wrdreg $0xC0  }
0xab: {  	_ =	task [dreg:s6], $0x5FFFF  }
0xac: {  	[dreg:$0x1] =	wrdreg $0xFFFFFFFF  }
0xad: {  	[dreg:$0x0] =	wrdreg $0x60  }
0xae: {  	[dreg:$0x2] =	wrdreg s24  }
0xaf: {  	[dreg:$0x3] =	wrdreg $0xC3000  }
0xb0: {  	[dreg:$0x4] =	wrdreg $0x9  }
0xb1: {  	_ =	task.clear_ibuf [dreg:s6], $0x5FFFF;
	_ =	strace $0x9000004C  }
0xb2: {  	s29 =	simm.s32 $0x9;
	_ =	strace $0x8000004E  }
0xb3: {  	_ =	swait.ge [sflag:s29], $0x1  }
0xb4: {  	[sflag:s29] =	ssyncadd.s32 $0xFFFFFFFF  }
0xb5: {  	_ =	strace $0x9000004E  }
0xb6: {  	_ =	sfence  }
0xb7: {  	s30 =	sld [smem:$0x0];
	_ =	sdelay $0x2  }
0xb8: {  	s31 =	sshll.u32 s1, $0xD;
	s1 =	sshrl.u32 s1, $0x2  }
0xb9: {  	s3 =	sand.u32 $0x4000, s31;
	s1 =	sadd.s32 s1, s30  }
0xba: {  	s0 =	sor.u32 s3, s0;
	s1 =	sshll.u32 s1, $0x11  }
0xbb: {  	s0 =	sor.u32 s1, s0  }
0xbc: {  	s0 =	sadd.s32 $0x8F2B, s0  }
0xbd: {  	[sflag:s0] =	ssyncadd.remote.s32 $0x1  }
0xbe: {  	_ =	sfence.sel $0xFFFF  }
0xbf: {  	[dreg:$0x0] =	wrdreg $0xFFFFFFFF;
	(pc) =	sbr.abs _section_cstart, $3  }
0xc0: {  	[dreg:$0x1] =	wrdreg $0xFFFFFFFF  }
0xc1: {  	_ =	task.clear_ibuf [dreg:s6], $0x2FFFF;
	_ =	strace $0x9FFFFFFF  }
0xc2: {  	(tm) =	ssettm $0x7FFFFFFF  }
0xc3: {  	_ =	shalt  }
tec
execute0_lowered:
.L_overlay_start_1:
0x0: {  	(tag) =	ssettag $0x1  }
0x1: {  	s0 =	rddreg [dreg:$0x0]  }
0x2: {  	s1 =	rddreg [dreg:$0x1]  }
0x3: {  	s2 =	simm.s32 $0x0;
	s4 =	srdreg.scid;
	s9 =	stileid.u32  }
0x4: {  	s28 =	simm.s32 $0x200;
	s29 =	simm.s32 $0x8300;
	s30 =	simm.s32 $0x180  }
0x5: {  	s31 =	simm.s32 $0x2;
	[smem:$0x7FF] =	sst s2;
	s3 =	sadd.s32 $0x12600, s0  }
0x6: {  	s6 =	sadd.s32 $0x61000, s0;
	s8 =	sand.u32 $0x1, s4;
	s11 =	smul.u32 $0x4E000, s9  }
0x7: {  	s4 =	sadd.s32 $0x11800, s0;
	s0 =	sadd.s32 $0x75400, s0;
	s22 =	smul.u32 $0x13800, s9  }
0x8: {  	s15 =	sshll.u32 s9, $0x6;
	s23 =	smul.u32 $0x5100, s9;
	p0 =	sne.s32 s9, $0x0  }
0x9: {  	_ =	strace $0x8000004D;
	s5 =	ssub.s32 $0x2, s8;
	s17 =	smul.u32 $0x138800, s8  }
0xa: {  	s10 =	sshll.u32 s8, $0x4;
	s8 =	smul.u32 $0x51000, s8;
	s7 =	sshrl.u32 s5, $0x1  }
0xb: {  	s13 =	sor.u32 s9, s10;
	s14 =	sshrl.u32 s11, $0x2;
	s12 =	ssub.s32 s5, s7  }
0xc: {  	s16 =	smul.u32 $0x5100, s13;
	s18 =	sadd.s32 s14, s1;
	s5 =	sor.u32 $0x1C03, s15  }
0xd: {  	s13 =	sadd.s32 $0x138000, s1;
	s11 =	sadd.s32 s22, s17;
	s10 =	sshrl.u32 s17, $0x3  }
0xe: {  	s25 =	sadd.s32 s23, s8;
	s22 =	simm.s32 $0x80;
	s23 =	simm.s32 $0x300  }
0xf: {  	s20 =	sadd.s32 $0x6800, s18;
	s21 =	sadd.s32 $0xD000, s18;
	[dreg:$0x3] =	wrdreg s13  }
0x10: {  	s11 =	sshrl.u32 s11, $0x3;
	s10 =	sadd.s32 s0, s10;
	s8 =	sadd.s32 $0x700, s25  }
0x11: {  	s18 =	sshrl.u32 s18, $0x3;
	s19 =	sshrl.u32 s16, $0x3;
	s0 =	sadd.s32 s0, s11  }
0x12: {  	s24 =	sadd.s32 $0x27000, s10;
	s11 =	smax.u32 s12, $0x1;
	s8 =	sshrl.u32 s8, $0x3  }
0x13: {  	s16 =	sadd.s32 $0x600, s25;
	s20 =	sshrl.u32 s20, $0x3;
	[dreg:$0x5] =	wrdreg s0  }
0x14: {  	s21 =	sshrl.u32 s21, $0x3;
	s7 =	sadd.s32 s6, s19;
	[dreg:$0x6] =	wrdreg s24  }
0x15: {  	s0 =	sadd.s32 $0x500, s25;
	s15 =	sadd.s32 s8, s6;
	s26 =	sshrl.u32 s16, $0x3  }
.Ltmp0:
0x16: {  	s19 =	simm.s32 $0x3;
	s24 =	simm.s32 $0x100;
	(pc) =	sbr.rel .LBB2_1-.Ltmp0, $4  }
0x17: {  	s25 =	simm.s32 $0x4300;
	s14 =	sadd.s32 $0x20, s7;
	s12 =	sadd.s32 $0x40, s7  }
0x18: {  	s13 =	sadd.s32 $0x60, s7;
	s0 =	sshrl.u32 s0, $0x3;
	s16 =	sadd.s32 s26, s6  }
0x19: {  	s26 =	simm.s32 $0x1;
	[dreg:$0x4] =	wrdreg s14;
	s14 =	sadd.s32 $0x80, s7  }
0x1a: {  	s17 =	sadd.s32 s0, s6;
	s0 =	simm.s32 $0x280;
	s6 =	simm.s32 $0x0  }
.LBB2_4:
0x1b: {  	_ =	swait.ge [sflag:s26], $0x4000  }
0x1c: {  	[sflag:s26] =	ssyncset.done $0x0  }
0x1d: {  	[sflag:s26] =	ssyncadd.s32 $0xFFFFC000  }
0x1e: {  	[spmem:s1] =	stream.indirect.scatter.add.f32 [tilespmem:s29], [sflag:$0x2], $0x80, s0, s22, $0xb8;
	[tilespmem:$0x1FD80] =	vst v63  }
0x1f: {  	_ =	swait.ge [sflag:s31], $0x4000  }
0x20: {  	[sflag:s31] =	ssyncset.done $0x0  }
0x21: {  	[sflag:s31] =	ssyncadd.s32 $0xFFFFC000  }
0x22: {  	_ =	swait.ge [sflag:s31], $0x4000  }
0x23: {  	[sflag:s31] =	ssyncset.done $0x0  }
0x24: {  	[sflag:s31] =	ssyncadd.s32 $0xFFFFC000  }
0x25: {  	[bflag:$0x0] =	sbarrier.arrive $0xFFFF  }
0x26: {  	s9 =	rddreg [dreg:$0x5]  }
0x27: {  	[hbm:s9], [sflag:s5] =	dma.local [spmem:s18], $0x2700  }
0x28: {  	_ =	swait.ge [sflag:s19], $0x2700  }
0x29: {  	s6 =	sadd.s32 $0x1, s6;
	[sflag:s19] =	ssyncset.done $0x0  }
0x2a: {  	p1 =	sne.s32 s6, s11;
	s9 =	rddreg [dreg:$0x6];
	[sflag:s19] =	ssyncadd.s32 $0xFFFFD900  }
0x2b: {  	[hbm:s9], [sflag:s5] =	dma.local @!p0 [spmem:s8], $0x100  }
.Ltmp1:
0x2c: {  	_ = 	snop;
	(pc) =	sbr.rel @!p1 .LBB2_5-.Ltmp1, $4  }
0x2d: {  	s8 =	simm.s32 @!p0 $0x3  }
0x2e: {  	_ =	swait.ge @!p0 [sflag:s8], $0x100  }
0x2f: {  	[sflag:s8] =	ssyncset.done @!p0 $0x0  }
0x30: {  	[sflag:s8] =	ssyncadd.s32 @!p0 $0xFFFFFF00  }
.LBB2_1:
0x31: {  	[spmem:s18], [sflag:s5] =	dma.local [hbm:s4], $0xD00  }
0x32: {  	_ =	swait.ge [sflag:s19], $0xD00  }
0x33: {  	[sflag:s19] =	ssyncset.done $0x0  }
0x34: {  	[sflag:s19] =	ssyncadd.s32 $0xFFFFF300  }
0x35: {  	[spmem:s20], [sflag:s5] =	dma.local [hbm:s4], $0xD00  }
0x36: {  	_ =	swait.ge [sflag:s19], $0xD00  }
0x37: {  	[sflag:s19] =	ssyncset.done $0x0  }
0x38: {  	[sflag:s19] =	ssyncadd.s32 $0xFFFFF300  }
0x39: {  	[spmem:s21], [sflag:s5] =	dma.local [hbm:s4], $0xD00  }
0x3a: {  	_ =	swait.ge [sflag:s19], $0xD00  }
0x3b: {  	[sflag:s19] =	ssyncset.done $0x0;
	s8 =	rddreg [dreg:$0x3]  }
0x3c: {  	s9 =	simm.s32 @!p0 $0x3;
	[sflag:s19] =	ssyncadd.s32 $0xFFFFF300;
	s8 =	sshrl.u32 @!p0 s8, $0x3  }
0x3d: {  	[spmem:s8], [sflag:s5] =	dma.local @!p0 [hbm:s4], $0x100  }
0x3e: {  	_ =	swait.ge @!p0 [sflag:s9], $0x100  }
0x3f: {  	[sflag:s9] =	ssyncset.done @!p0 $0x0  }
0x40: {  	[sflag:s9] =	ssyncadd.s32 @!p0 $0xFFFFFF00  }
0x41: {  	[bflag:$0x0] =	sbarrier.arrive $0xFFFF  }
0x42: {  	[tilespmem:s2], [sflag:$0x3] =	stream.linear.gather [hbm4b:s7+s2], $0x100, $0x38;
	[tilespmem:$0x1FD80] =	vst v63  }
0x43: {  	_ =	swait.ge [sflag:s19], $0x100  }
0x44: {  	[sflag:s19] =	ssyncset.done $0x0  }
0x45: {  	[sflag:s19] =	ssyncadd.s32 $0xFFFFFF00  }
0x46: {  	[tilespmem:s23], [sflag:$0x1] =	stream.indirect.gather [hbm4b:s3+s22], $0x80, s2, s22, $0xb8;
	[tilespmem:$0x1FD80] =	vst v63  }
0x47: {  	s10 =	rddreg [dreg:$0x4]  }
0x48: {  	[tilespmem:s24], [sflag:$0x3] =	stream.linear.gather [hbm4b:s10+s2], $0x100, $0x38;
	[tilespmem:$0x1FD80] =	vst v63  }
0x49: {  	_ =	swait.ge [sflag:s19], $0x100  }
0x4a: {  	[sflag:s19] =	ssyncset.done $0x0  }
0x4b: {  	[sflag:s19] =	ssyncadd.s32 $0xFFFFFF00  }
0x4c: {  	[tilespmem:s25], [sflag:$0x1] =	stream.indirect.gather [hbm4b:s3+s22], $0x80, s24, s22, $0xb8;
	[tilespmem:$0x1FD80] =	vst v63  }
0x4d: {  	_ =	swait.ge [sflag:s26], $0x4000  }
0x4e: {  	[sflag:s26] =	ssyncset.done $0x0  }
0x4f: {  	[sflag:s26] =	ssyncadd.s32 $0xFFFFC000  }
0x50: {  	[spmem:s1] =	stream.indirect.scatter.add.f32 [tilespmem:s23], [sflag:$0x2], $0x80, s22, s22, $0xb8;
	[tilespmem:$0x1FD80] =	vst v63  }
0x51: {  	_ = 	snop  }
0x52: {  	[tilespmem:s28], [sflag:$0x3] =	stream.linear.gather [hbm4b:s12+s2], $0x100, $0x38;
	[tilespmem:$0x1FD80] =	vst v63  }
0x53: {  	_ =	swait.ge [sflag:s19], $0x100  }
0x54: {  	[sflag:s19] =	ssyncset.done $0x0  }
0x55: {  	[sflag:s19] =	ssyncadd.s32 $0xFFFFFF00  }
0x56: {  	[tilespmem:s29], [sflag:$0x1] =	stream.indirect.gather [hbm4b:s3+s22], $0x80, s28, s22, $0xb8;
	[tilespmem:$0x1FD80] =	vst v63  }
0x57: {  	_ =	swait.ge [sflag:s26], $0x4000  }
0x58: {  	[sflag:s26] =	ssyncset.done $0x0  }
0x59: {  	[sflag:s26] =	ssyncadd.s32 $0xFFFFC000  }
0x5a: {  	[spmem:s1] =	stream.indirect.scatter.add.f32 [tilespmem:s25], [sflag:$0x2], $0x80, s30, s22, $0xb8;
	[tilespmem:$0x1FD80] =	vst v63  }
0x5b: {  	_ =	swait.ge [sflag:s31], $0x4000  }
0x5c: {  	[sflag:s31] =	ssyncset.done $0x0  }
0x5d: {  	[sflag:s31] =	ssyncadd.s32 $0xFFFFC000  }
0x5e: {  	[tilespmem:s2], [sflag:$0x3] =	stream.linear.gather [hbm4b:s13+s2], $0x100, $0x38;
	[tilespmem:$0x1FD80] =	vst v63  }
0x5f: {  	_ =	swait.ge [sflag:s19], $0x100  }
0x60: {  	[sflag:s19] =	ssyncset.done $0x0  }
0x61: {  	[sflag:s19] =	ssyncadd.s32 $0xFFFFFF00  }
0x62: {  	[tilespmem:s23], [sflag:$0x1] =	stream.indirect.gather [hbm4b:s3+s22], $0x80, s2, s22, $0xb8;
	[tilespmem:$0x1FD80] =	vst v63  }
0x63: {  	_ =	swait.ge [sflag:s26], $0x4000  }
0x64: {  	[sflag:s26] =	ssyncset.done $0x0  }
0x65: {  	[sflag:s26] =	ssyncadd.s32 $0xFFFFC000  }
0x66: {  	[spmem:s1] =	stream.indirect.scatter.add.f32 [tilespmem:s29], [sflag:$0x2], $0x80, s0, s22, $0xb8;
	[tilespmem:$0x1FD80] =	vst v63  }
0x67: {  	_ =	swait.ge [sflag:s31], $0x4000  }
0x68: {  	[sflag:s31] =	ssyncset.done $0x0  }
0x69: {  	[sflag:s31] =	ssyncadd.s32 $0xFFFFC000  }
0x6a: {  	[tilespmem:s24], [sflag:$0x3] =	stream.linear.gather [hbm4b:s14+s2], $0x100, $0x38;
	[tilespmem:$0x1FD80] =	vst v63  }
0x6b: {  	_ =	swait.ge [sflag:s19], $0x100  }
0x6c: {  	[sflag:s19] =	ssyncset.done $0x0  }
0x6d: {  	s9 =	simm.s32 $0x0;
	[sflag:s19] =	ssyncadd.s32 $0xFFFFFF00  }
0x6e: {  	[tilespmem:s25], [sflag:$0x1] =	stream.indirect.gather [hbm4b:s3+s22], $0x80, s24, s22, $0xb8;
	[tilespmem:$0x1FD80] =	vst v63  }
.LBB2_2:
0x6f: {  	_ =	swait.ge [sflag:s26], $0x4000  }
0x70: {  	[sflag:s26] =	ssyncset.done $0x0  }
0x71: {  	[sflag:s26] =	ssyncadd.s32 $0xFFFFC000  }
0x72: {  	[spmem:s1] =	stream.indirect.scatter.add.f32 [tilespmem:s23], [sflag:$0x2], $0x80, s22, s22, $0xb8;
	[tilespmem:$0x1FD80] =	vst v63  }
0x73: {  	_ =	swait.ge [sflag:s31], $0x4000  }
0x74: {  	[sflag:s31] =	ssyncset.done $0x0  }
0x75: {  	s10 =	sadd.s32 s9, s17;
	[sflag:s31] =	ssyncadd.s32 $0xFFFFC000  }
0x76: {  	[tilespmem:s28], [sflag:$0x3] =	stream.linear.gather [hbm4b:s10+s2], $0x100, $0x38;
	[tilespmem:$0x1FD80] =	vst v63  }
0x77: {  	_ =	swait.ge [sflag:s19], $0x100  }
0x78: {  	[sflag:s19] =	ssyncset.done $0x0  }
0x79: {  	[sflag:s19] =	ssyncadd.s32 $0xFFFFFF00  }
0x7a: {  	[tilespmem:s29], [sflag:$0x1] =	stream.indirect.gather [hbm4b:s3+s22], $0x80, s28, s22, $0xb8;
	[tilespmem:$0x1FD80] =	vst v63  }
0x7b: {  	_ =	swait.ge [sflag:s26], $0x4000  }
0x7c: {  	p1 =	seq.s32 s9, $0x960;
	[sflag:s26] =	ssyncset.done $0x0  }
.Ltmp2:
0x7d: {  	[sflag:s26] =	ssyncadd.s32 $0xFFFFC000;
	(pc) =	sbr.rel @p1 .LBB2_4-.Ltmp2, $4  }
0x7e: {  	[spmem:s1] =	stream.indirect.scatter.add.f32 [tilespmem:s25], [sflag:$0x2], $0x80, s30, s22, $0xb8;
	[tilespmem:$0x1FD80] =	vst v63  }
0x7f: {  	_ =	swait.ge [sflag:s31], $0x4000  }
0x80: {  	[sflag:s31] =	ssyncset.done $0x0  }
0x81: {  	[sflag:s31] =	ssyncadd.s32 $0xFFFFC000  }
0x82: {  	s10 =	sadd.s32 s9, s16  }
0x83: {  	[tilespmem:s2], [sflag:$0x3] =	stream.linear.gather [hbm4b:s10+s2], $0x100, $0x38;
	[tilespmem:$0x1FD80] =	vst v63  }
0x84: {  	_ =	swait.ge [sflag:s19], $0x100  }
0x85: {  	[sflag:s19] =	ssyncset.done $0x0  }
0x86: {  	[sflag:s19] =	ssyncadd.s32 $0xFFFFFF00  }
0x87: {  	[tilespmem:s23], [sflag:$0x1] =	stream.indirect.gather [hbm4b:s3+s22], $0x80, s2, s22, $0xb8;
	[tilespmem:$0x1FD80] =	vst v63  }
0x88: {  	_ =	swait.ge [sflag:s26], $0x4000  }
0x89: {  	[sflag:s26] =	ssyncset.done $0x0  }
0x8a: {  	[sflag:s26] =	ssyncadd.s32 $0xFFFFC000  }
0x8b: {  	[spmem:s1] =	stream.indirect.scatter.add.f32 [tilespmem:s29], [sflag:$0x2], $0x80, s0, s22, $0xb8;
	[tilespmem:$0x1FD80] =	vst v63  }
0x8c: {  	_ =	swait.ge [sflag:s31], $0x4000  }
0x8d: {  	[sflag:s31] =	ssyncset.done $0x0  }
0x8e: {  	s10 =	sadd.s32 s9, s15;
	[sflag:s31] =	ssyncadd.s32 $0xFFFFC000  }
0x8f: {  	[tilespmem:s24], [sflag:$0x3] =	stream.linear.gather [hbm4b:s10+s2], $0x100, $0x38;
	[tilespmem:$0x1FD80] =	vst v63  }
.Ltmp3:
0x90: {  	_ = 	snop;
	(pc) =	sbr.rel .LBB2_2-.Ltmp3, $4  }
0x91: {  	_ =	swait.ge [sflag:s19], $0x100  }
0x92: {  	[sflag:s19] =	ssyncset.done $0x0  }
0x93: {  	s9 =	sadd.s32 $0x60, s9;
	[sflag:s19] =	ssyncadd.s32 $0xFFFFFF00  }
0x94: {  	[tilespmem:s25], [sflag:$0x1] =	stream.indirect.gather [hbm4b:s3+s22], $0x80, s24, s22, $0xb8;
	[tilespmem:$0x1FD80] =	vst v63  }
.LBB2_5:
0x95: {  	_ =	sfence.sel $0x180000  }
0x96: {  	[bflag:$0x0] =	sbarrier.arrive $0xFFFF  }
0x97: {  	_ =	strace $0x9000004D  }
0x98: {  	[bflag:$0x2] =	sbarrier.arrive $0xFFFF  }
0x99: {  	s0 =	rddreg [dreg:$0x2]  }
0x9a: {  	s0 =	sadd.s32 @!p0 $0x100000, s0  }
0x9b: {  	[sflag:s0] =	ssyncadd.tile.s32 @!p0 $0x1;
	_ =	shalt  }
.Lfunc_end2:
_tile_overlayer_lowered:
.L_overlay_start_2:
0x9c: {  	(tag) =	ssettag $0x2  }
0x9d: {  	s0 =	rddreg [dreg:$0x0];
	s2 =	stileid.u32  }
0x9e: {  	s1 =	rddreg [dreg:$0x1];
	p0 =	sne.s32 s2, $0x0  }
0x9f: {  	s3 =	rddreg [dreg:$0x2];
	[bflag:$0x3] =	sbarrier.arrive $0xFFFF;
	s2 =	simm.s32 @!p0 $0x1C03  }
0xa0: {  	[timem:s3], [sflag:s2] =	dma.local @!p0 [hbm:s0], s1  }
0xa1: {  	s0 =	simm.s32 @!p0 $0x3  }
0xa2: {  	_ =	swait.ge @!p0 [sflag:s0], s1  }
0xa3: {  	s1 =	ssub.s32 @!p0 $0x0, s1;
	[sflag:s0] =	ssyncset.done @!p0 $0x0  }
0xa4: {  	[sflag:s0] =	ssyncadd.s32 @!p0 s1  }
0xa5: {  	[bflag:$0x3] =	sbarrier.arrive $0xFFFF  }
0xa6: {  	_ =	shalt  }

// kernel: kernel.32.cloned.1.call-start
scs
__scs_entry_jumppad:
0x0: {  	(pc) =	sbr.rel $0x88, $3  }
0x1: {  	(tag) =	ssettag $0x0;
	lr =	simm.s32 $0x1  }
0x2: {  	[smem:$0x3F92] =	sst lr;
	_ =	strace $0xD0000000  }
0x3: {  	_ = 	snop  }
0x4: {  	_ = 	snop  }
0x5: {  	_ = 	snop  }
0x6: {  	_ = 	snop  }
0x7: {  	_ = 	snop  }
__scs_overlays_trampoline_lowered:
0x8: {  	[smem:$0x3FA1] =	sst s0  }
0x9: {  	[smem:$0x3FA2] =	sst s1  }
0xa: {  	[smem:$0x3FA3] =	sst s2  }
0xb: {  	[smem:$0x3FA4] =	sst s3  }
0xc: {  	[smem:$0x3FA5] =	sst s4  }
0xd: {  	[smem:$0x3FA6] =	sst s5  }
0xe: {  	[smem:$0x3FA7] =	sst s6  }
0xf: {  	[smem:$0x3FA8] =	sst s7  }
0x10: {  	[smem:$0x3FA9] =	sst s8  }
0x11: {  	[smem:$0x3FAA] =	sst s9;
	s0 =	simm.s32 @!p0 $0x0  }
0x12: {  	s1 =	sld [smem:$0x3F90];
	s0 =	simm.s32 @p0 $0x1  }
0x13: {  	[smem:$0x3FAB] =	sst s0;
	s0 =	simm.s32 @!p1 $0x0  }
0x14: {  	s2 =	sld [smem:$0x3F8F];
	s0 =	simm.s32 @p1 $0x1  }
0x15: {  	[smem:$0x3FAC] =	sst s0;
	s0 =	simm.s32 @!p2 $0x0  }
0x16: {  	s3 =	sld [smem:$0x3FDB];
	s0 =	simm.s32 @p2 $0x1  }
0x17: {  	s4 =	simm.s32 $0x1BF5;
	[smem:$0x3FAE] =	sst s0  }
0x18: {  	s0 =	sld [smem:$0x3F91];
	_ =	swait.ge [sflag:s4], $0x0  }
0x19: {  	s7 =	sld [smem:$0x3F92]  }
0x1a: {  	s8 =	sadd.s32 $0xFFFFE003, lr  }
0x1b: {  	s9 =	sadd.s32 $0xFFFFFEF7, lr;
	s5 =	simm.s32 $0xFFFFFFFF;
	p2 =	slt.u32 s8, $0xFFFFF086  }
0x1c: {  	p1 =	slt.u32 s9, $0xF7A;
	s5 =	simm.s32 @!p2 $0x0  }
0x1d: {  	s5 =	simm.s32 @p1 $0x1;
	p0 =	seq.s32 s7, s2  }
0x1e: {  	s7 =	smul.u32 @!p0 $0xF7A, s2;
	p2 =	seq.s32 @!p0 s5, $0x0  }
0x1f: {  	s9 =	smul.u32 $0xF7A, s1;
	s8 =	simm.s32 @!p0 $0x1BF5;
	p2 =	por !p2, p0  }
0x20: {  	[sflag:s8] =	ssyncset.s32 @!p0 $0xFFFFF086;
	s6 =	sadd.s32 @!p0 s3, s7;
	s7 =	simm.s32 @!p0 $0x108  }
0x21: {  	s3 =	sadd.s32 s3, s9;
	s6 =	sadd.s32 @!p0 $0x88, s6;
	s7 =	simm.s32 @p2 $0x1082  }
0x22: {  	[simem:s7], [sflag:s8] =	dma.local @!p0 [hbm:s6], $0xF7A  }
0x23: {  	s9 =	sor.u32 $0xD0000000, s2;
	s6 =	simm.s32 $0x108;
	_ =	swait.ge @!p0 [sflag:s8], $0x0  }
0x24: {  	s3 =	sadd.s32 $0x88, s3;
	s6 =	simm.s32 @!p1 $0x1082;
	[sflag:s4] =	ssyncset.s32 $0xFFFFF086  }
0x25: {  	[simem:s6], [sflag:s4] =	dma.local [hbm:s3], $0xF7A  }
0x26: {  	[smem:$0x3F92] =	sst s1;
	(tag) =	ssettag s2;
	_ =	strace s9  }
0x27: {  	s1 =	sld [smem:$0x3FA2]  }
0x28: {  	s2 =	sld [smem:$0x3FA3]  }
0x29: {  	s4 =	sld [smem:$0x3FA5]  }
0x2a: {  	p0 =	seq.s32 s5, $0x0;
	s5 =	sld [smem:$0x3FA6]  }
0x2b: {  	s6 =	sld [smem:$0x3FA7]  }
0x2c: {  	s7 =	sld [smem:$0x3FA8]  }
0x2d: {  	s3 =	simm.s32 $0x108;
	s8 =	sld [smem:$0x3FA9]  }
0x2e: {  	s3 =	simm.s32 @!p0 $0x1082;
	s9 =	sld [smem:$0x3FAA]  }
0x2f: {  	lr =	sadd.s32 s0, s3;
	s0 =	sld [smem:$0x3FA1]  }
0x30: {  	s3 =	sld [smem:$0x3FA4]  }
0x31: {  	[smem:$0x3FAD] =	sst s10  }
0x32: {  	s10 =	sld [smem:$0x3FAB];
	_ =	sdelay $0x3  }
0x33: {  	p0 =	seq.s32 s10, $0x1;
	s10 =	sld [smem:$0x3FAD];
	_ =	sdelay $0x3  }
0x34: {  	[smem:$0x3FAD] =	sst s10  }
0x35: {  	s10 =	sld [smem:$0x3FAC];
	_ =	sdelay $0x3  }
0x36: {  	p1 =	seq.s32 s10, $0x1;
	s10 =	sld [smem:$0x3FAD];
	_ =	sdelay $0x3  }
0x37: {  	[smem:$0x3FAD] =	sst s10  }
0x38: {  	s10 =	sld [smem:$0x3FAE]  }
0x39: {  	_ = 	snop;
	(pc) =	sbr.ind lr, $3  }
0x3a: {  	_ = 	snop  }
0x3b: {  	_ = 	snop  }
0x3c: {  	p2 =	seq.s32 s10, $0x1;
	s10 =	sld [smem:$0x3FAD]  }
0x3d: {  	_ =	shalt  }
0x3e: {  	_ =	shalt  }
0x3f: {  	_ =	shalt  }
0x40: {  	_ =	shalt  }
0x41: {  	_ =	shalt  }
0x42: {  	_ =	shalt  }
0x43: {  	_ =	shalt  }
0x44: {  	_ =	shalt  }
0x45: {  	_ =	shalt  }
0x46: {  	_ =	shalt  }
0x47: {  	_ =	shalt  }
0x48: {  	_ =	shalt  }
0x49: {  	_ =	shalt  }
0x4a: {  	_ =	shalt  }
0x4b: {  	_ =	shalt  }
0x4c: {  	_ =	shalt  }
0x4d: {  	_ =	shalt  }
0x4e: {  	_ =	shalt  }
0x4f: {  	_ =	shalt  }
0x50: {  	_ =	shalt  }
0x51: {  	_ =	shalt  }
0x52: {  	_ =	shalt  }
0x53: {  	_ =	shalt  }
0x54: {  	_ =	shalt  }
0x55: {  	_ =	shalt  }
0x56: {  	_ =	shalt  }
0x57: {  	_ =	shalt  }
0x58: {  	_ =	shalt  }
0x59: {  	_ =	shalt  }
0x5a: {  	_ =	shalt  }
0x5b: {  	_ =	shalt  }
0x5c: {  	_ =	shalt  }
0x5d: {  	_ =	shalt  }
0x5e: {  	_ =	shalt  }
0x5f: {  	_ =	shalt  }
0x60: {  	_ =	shalt  }
0x61: {  	_ =	shalt  }
0x62: {  	_ =	shalt  }
0x63: {  	_ =	shalt  }
0x64: {  	_ =	shalt  }
0x65: {  	_ =	shalt  }
0x66: {  	_ =	shalt  }
0x67: {  	_ =	shalt  }
0x68: {  	_ =	shalt  }
0x69: {  	_ =	shalt  }
0x6a: {  	_ =	shalt  }
0x6b: {  	_ =	shalt  }
0x6c: {  	_ =	shalt  }
0x6d: {  	_ =	shalt  }
0x6e: {  	_ =	shalt  }
0x6f: {  	_ =	shalt  }
0x70: {  	_ =	shalt  }
0x71: {  	_ =	shalt  }
0x72: {  	_ =	shalt  }
0x73: {  	_ =	shalt  }
0x74: {  	_ =	shalt  }
0x75: {  	_ =	shalt  }
0x76: {  	_ =	shalt  }
0x77: {  	_ =	shalt  }
0x78: {  	_ =	shalt  }
0x79: {  	_ =	shalt  }
0x7a: {  	_ =	shalt  }
0x7b: {  	_ =	shalt  }
0x7c: {  	_ =	shalt  }
0x7d: {  	_ =	shalt  }
0x7e: {  	_ =	shalt  }
0x7f: {  	_ =	shalt  }
0x80: {  	_ =	shalt  }
0x81: {  	_ =	shalt  }
0x82: {  	_ =	shalt  }
0x83: {  	_ =	shalt  }
0x84: {  	_ =	shalt  }
0x85: {  	_ =	shalt  }
0x86: {  	_ =	shalt  }
0x87: {  	_ =	shalt  }
.Lfunc_end0:
.L_simem_size_0:
called_computation.3_lowered:
.L_overlay_start_0:
0x88: {  	s2 =	sld [smem:$0x3FD9]  }
0x89: {  	s3 =	sld [smem:$0x3FFE];
	_ =	sdelay $0x1  }
0x8a: {  	s1 =	srdreg.scid  }
0x8b: {  	s0 =	sand.u32 $0x1, s1  }
0x8c: {  	s16 =	sshll.u32 s0, $0xA;
	s2 =	sadd.s32 s3, s2  }
0x8d: {  	s2 =	sadd.s32 s2, s16  }
0x8e: {  	[smem:$0x3FB9] =	sst s2  }
0x8f: {  	_ = 	snop  }
0x90: {  	(tm) =	ssettm $0x1  }
0x91: {  	s17 =	sld [smem:$0x3FFB];
	_ =	sdelay $0x3  }
0x92: {  	_ =	strace s17  }
0x93: {  	s2 =	sld [smem:$0x3FFC];
	_ =	sdelay $0x3  }
0x94: {  	_ =	strace s2  }
0x95: {  	s2 =	sld [smem:$0x3FFD];
	_ =	sdelay $0x3  }
0x96: {  	_ =	strace s2  }
0x97: {  	_ =	strace $0x8FFFFFFF  }
0x98: {  	s18 =	sld [smem:$0x3FDB];
	_ =	sdelay $0x1  }
0x99: {  	s19 =	simm.s32 $_scs_section_size  }
0x9a: {  	s4 =	simm.s32 $_size__tile_overlayer_lowered;
	s5 =	simm.s32 $_tile_overlayer_lowered  }
0x9b: {  	s22 =	simm.s32 $0x1BFF;
	s21 =	sshll.u32 s5, $0x1;
	s2 =	sadd.s32 s19, s18  }
0x9c: {  	s6 =	simm.s32 $0x0;
	s20 =	sshll.u32 s4, $0x1;
	s4 =	sadd.s32 s21, s2  }
0x9d: {  	[timem:s6], [sflag:s22] =	dma.local [hbm:s4], s20  }
0x9e: {  	_ =	swait.ge [sflag:s22], s20  }
0x9f: {  	s3 =	ssub.s32 $0x0, s20;
	[sflag:s22] =	ssyncset.done $0x0  }
0xa0: {  	[sflag:s22] =	ssyncadd.s32 s3;
	_ =	sdelay $0x1  }
0xa1: {  	s23 =	simm.s32 $0x1B8B  }
0xa2: {  	_ =	swait.ge [sflag:s23], $0x1  }
0xa3: {  	[sflag:s23] =	ssyncset.done $0x0  }
0xa4: {  	s25 =	simm.s32 $0x1B8E;
	s24 =	sld [smem:$0x3FFE];
	[sflag:s23] =	ssyncadd.s32 $0xFFFFFFFF  }
0xa5: {  	s26 =	simm.s32 $execute0_lowered;
	[smem:$0x3FD2] =	sst s25  }
0xa6: {  	s4 =	sshll.u32 s26, $0x1;
	_ =	strace $0x8000004F;
	[dreg:$0x1] =	wrdreg $0xFFFFFFFF  }
0xa7: {  	s28 =	simm.s32 $_size_execute0_lowered;
	s2 =	sadd.s32 s2, s4;
	[dreg:$0x0] =	wrdreg $0x0  }
0xa8: {  	s4 =	sshll.u32 s28, $0x1;
	[dreg:$0x2] =	wrdreg s2  }
0xa9: {  	[dreg:$0x3] =	wrdreg s4  }
0xaa: {  	[dreg:$0x4] =	wrdreg $0xC0  }
0xab: {  	_ =	task [dreg:s6], $0x5FFFF  }
0xac: {  	[dreg:$0x1] =	wrdreg $0xFFFFFFFF  }
0xad: {  	[dreg:$0x0] =	wrdreg $0x60  }
0xae: {  	[dreg:$0x2] =	wrdreg s24  }
0xaf: {  	[dreg:$0x3] =	wrdreg $0xC3000  }
0xb0: {  	[dreg:$0x4] =	wrdreg $0x9  }
0xb1: {  	_ =	task.clear_ibuf [dreg:s6], $0x5FFFF;
	_ =	strace $0x9000004F  }
0xb2: {  	s29 =	simm.s32 $0x9;
	_ =	strace $0x80000051  }
0xb3: {  	_ =	swait.ge [sflag:s29], $0x1  }
0xb4: {  	[sflag:s29] =	ssyncadd.s32 $0xFFFFFFFF  }
0xb5: {  	_ =	strace $0x90000051  }
0xb6: {  	_ =	sfence  }
0xb7: {  	s30 =	sld [smem:$0x0];
	_ =	sdelay $0x2  }
0xb8: {  	s31 =	sshll.u32 s1, $0xD;
	s1 =	sshrl.u32 s1, $0x2  }
0xb9: {  	s3 =	sand.u32 $0x4000, s31;
	s1 =	sadd.s32 s1, s30  }
0xba: {  	s0 =	sor.u32 s3, s0;
	s1 =	sshll.u32 s1, $0x11  }
0xbb: {  	s0 =	sor.u32 s1, s0  }
0xbc: {  	s0 =	sadd.s32 $0x8F2B, s0  }
0xbd: {  	[sflag:s0] =	ssyncadd.remote.s32 $0x1  }
0xbe: {  	_ =	sfence.sel $0xFFFF  }
0xbf: {  	[dreg:$0x0] =	wrdreg $0xFFFFFFFF;
	(pc) =	sbr.abs _section_cstart, $3  }
0xc0: {  	[dreg:$0x1] =	wrdreg $0xFFFFFFFF  }
0xc1: {  	_ =	task.clear_ibuf [dreg:s6], $0x2FFFF;
	_ =	strace $0x9FFFFFFF  }
0xc2: {  	(tm) =	ssettm $0x7FFFFFFF  }
0xc3: {  	_ =	shalt  }
tec
execute0_lowered:
.L_overlay_start_1:
0x0: {  	(tag) =	ssettag $0x1  }
0x1: {  	s0 =	rddreg [dreg:$0x0]  }
0x2: {  	s1 =	rddreg [dreg:$0x1]  }
0x3: {  	s2 =	simm.s32 $0x0;
	s4 =	srdreg.scid;
	s9 =	stileid.u32  }
0x4: {  	s28 =	simm.s32 $0x200;
	s29 =	simm.s32 $0x8300;
	s30 =	simm.s32 $0x180  }
0x5: {  	s31 =	simm.s32 $0x2;
	[smem:$0x7FF] =	sst s2;
	s3 =	sadd.s32 $0x12600, s0  }
0x6: {  	s6 =	sadd.s32 $0x61000, s0;
	s8 =	sand.u32 $0x1, s4;
	s11 =	smul.u32 $0x4E000, s9  }
0x7: {  	s4 =	sadd.s32 $0x11800, s0;
	s0 =	sadd.s32 $0x75400, s0;
	s22 =	smul.u32 $0x13800, s9  }
0x8: {  	s15 =	sshll.u32 s9, $0x6;
	s23 =	smul.u32 $0x5100, s9;
	p0 =	sne.s32 s9, $0x0  }
0x9: {  	_ =	strace $0x80000050;
	s5 =	ssub.s32 $0x2, s8;
	s17 =	smul.u32 $0x138800, s8  }
0xa: {  	s10 =	sshll.u32 s8, $0x4;
	s8 =	smul.u32 $0x51000, s8;
	s7 =	sshrl.u32 s5, $0x1  }
0xb: {  	s13 =	sor.u32 s9, s10;
	s14 =	sshrl.u32 s11, $0x2;
	s12 =	ssub.s32 s5, s7  }
0xc: {  	s16 =	smul.u32 $0x5100, s13;
	s18 =	sadd.s32 s14, s1;
	s5 =	sor.u32 $0x1C03, s15  }
0xd: {  	s13 =	sadd.s32 $0x138000, s1;
	s11 =	sadd.s32 s22, s17;
	s10 =	sshrl.u32 s17, $0x3  }
0xe: {  	s25 =	sadd.s32 s23, s8;
	s22 =	simm.s32 $0x80;
	s23 =	simm.s32 $0x300  }
0xf: {  	s20 =	sadd.s32 $0x6800, s18;
	s21 =	sadd.s32 $0xD000, s18;
	[dreg:$0x3] =	wrdreg s13  }
0x10: {  	s11 =	sshrl.u32 s11, $0x3;
	s10 =	sadd.s32 s0, s10;
	s8 =	sadd.s32 $0x700, s25  }
0x11: {  	s18 =	sshrl.u32 s18, $0x3;
	s19 =	sshrl.u32 s16, $0x3;
	s0 =	sadd.s32 s0, s11  }
0x12: {  	s24 =	sadd.s32 $0x27000, s10;
	s11 =	smax.u32 s12, $0x1;
	s8 =	sshrl.u32 s8, $0x3  }
0x13: {  	s16 =	sadd.s32 $0x600, s25;
	s20 =	sshrl.u32 s20, $0x3;
	[dreg:$0x5] =	wrdreg s0  }
0x14: {  	s21 =	sshrl.u32 s21, $0x3;
	s7 =	sadd.s32 s6, s19;
	[dreg:$0x6] =	wrdreg s24  }
0x15: {  	s0 =	sadd.s32 $0x500, s25;
	s15 =	sadd.s32 s8, s6;
	s26 =	sshrl.u32 s16, $0x3  }
.Ltmp0:
0x16: {  	s19 =	simm.s32 $0x3;
	s24 =	simm.s32 $0x100;
	(pc) =	sbr.rel .LBB2_1-.Ltmp0, $4  }
0x17: {  	s25 =	simm.s32 $0x4300;
	s14 =	sadd.s32 $0x20, s7;
	s12 =	sadd.s32 $0x40, s7  }
0x18: {  	s13 =	sadd.s32 $0x60, s7;
	s0 =	sshrl.u32 s0, $0x3;
	s16 =	sadd.s32 s26, s6  }
0x19: {  	s26 =	simm.s32 $0x1;
	[dreg:$0x4] =	wrdreg s14;
	s14 =	sadd.s32 $0x80, s7  }
0x1a: {  	s17 =	sadd.s32 s0, s6;
	s0 =	simm.s32 $0x280;
	s6 =	simm.s32 $0x0  }
.LBB2_4:
0x1b: {  	_ =	swait.ge [sflag:s26], $0x4000  }
0x1c: {  	[sflag:s26] =	ssyncset.done $0x0  }
0x1d: {  	[sflag:s26] =	ssyncadd.s32 $0xFFFFC000  }
0x1e: {  	[spmem:s1] =	stream.indirect.scatter.add.f32 [tilespmem:s29], [sflag:$0x2], $0x80, s0, s22, $0xb8;
	[tilespmem:$0x1FD80] =	vst v63  }
0x1f: {  	_ =	swait.ge [sflag:s31], $0x4000  }
0x20: {  	[sflag:s31] =	ssyncset.done $0x0  }
0x21: {  	[sflag:s31] =	ssyncadd.s32 $0xFFFFC000  }
0x22: {  	_ =	swait.ge [sflag:s31], $0x4000  }
0x23: {  	[sflag:s31] =	ssyncset.done $0x0  }
0x24: {  	[sflag:s31] =	ssyncadd.s32 $0xFFFFC000  }
0x25: {  	[bflag:$0x0] =	sbarrier.arrive $0xFFFF  }
0x26: {  	s9 =	rddreg [dreg:$0x5]  }
0x27: {  	[hbm:s9], [sflag:s5] =	dma.local [spmem:s18], $0x2700  }
0x28: {  	_ =	swait.ge [sflag:s19], $0x2700  }
0x29: {  	s6 =	sadd.s32 $0x1, s6;
	[sflag:s19] =	ssyncset.done $0x0  }
0x2a: {  	p1 =	sne.s32 s6, s11;
	s9 =	rddreg [dreg:$0x6];
	[sflag:s19] =	ssyncadd.s32 $0xFFFFD900  }
0x2b: {  	[hbm:s9], [sflag:s5] =	dma.local @!p0 [spmem:s8], $0x100  }
.Ltmp1:
0x2c: {  	_ = 	snop;
	(pc) =	sbr.rel @!p1 .LBB2_5-.Ltmp1, $4  }
0x2d: {  	s8 =	simm.s32 @!p0 $0x3  }
0x2e: {  	_ =	swait.ge @!p0 [sflag:s8], $0x100  }
0x2f: {  	[sflag:s8] =	ssyncset.done @!p0 $0x0  }
0x30: {  	[sflag:s8] =	ssyncadd.s32 @!p0 $0xFFFFFF00  }
.LBB2_1:
0x31: {  	[spmem:s18], [sflag:s5] =	dma.local [hbm:s4], $0xD00  }
0x32: {  	_ =	swait.ge [sflag:s19], $0xD00  }
0x33: {  	[sflag:s19] =	ssyncset.done $0x0  }
0x34: {  	[sflag:s19] =	ssyncadd.s32 $0xFFFFF300  }
0x35: {  	[spmem:s20], [sflag:s5] =	dma.local [hbm:s4], $0xD00  }
0x36: {  	_ =	swait.ge [sflag:s19], $0xD00  }
0x37: {  	[sflag:s19] =	ssyncset.done $0x0  }
0x38: {  	[sflag:s19] =	ssyncadd.s32 $0xFFFFF300  }
0x39: {  	[spmem:s21], [sflag:s5] =	dma.local [hbm:s4], $0xD00  }
0x3a: {  	_ =	swait.ge [sflag:s19], $0xD00  }
0x3b: {  	[sflag:s19] =	ssyncset.done $0x0;
	s8 =	rddreg [dreg:$0x3]  }
0x3c: {  	s9 =	simm.s32 @!p0 $0x3;
	[sflag:s19] =	ssyncadd.s32 $0xFFFFF300;
	s8 =	sshrl.u32 @!p0 s8, $0x3  }
0x3d: {  	[spmem:s8], [sflag:s5] =	dma.local @!p0 [hbm:s4], $0x100  }
0x3e: {  	_ =	swait.ge @!p0 [sflag:s9], $0x100  }
0x3f: {  	[sflag:s9] =	ssyncset.done @!p0 $0x0  }
0x40: {  	[sflag:s9] =	ssyncadd.s32 @!p0 $0xFFFFFF00  }
0x41: {  	[bflag:$0x0] =	sbarrier.arrive $0xFFFF  }
0x42: {  	[tilespmem:s2], [sflag:$0x3] =	stream.linear.gather [hbm4b:s7+s2], $0x100, $0x38;
	[tilespmem:$0x1FD80] =	vst v63  }
0x43: {  	_ =	swait.ge [sflag:s19], $0x100  }
0x44: {  	[sflag:s19] =	ssyncset.done $0x0  }
0x45: {  	[sflag:s19] =	ssyncadd.s32 $0xFFFFFF00  }
0x46: {  	[tilespmem:s23], [sflag:$0x1] =	stream.indirect.gather [hbm4b:s3+s22], $0x80, s2, s22, $0xb8;
	[tilespmem:$0x1FD80] =	vst v63  }
0x47: {  	s10 =	rddreg [dreg:$0x4]  }
0x48: {  	[tilespmem:s24], [sflag:$0x3] =	stream.linear.gather [hbm4b:s10+s2], $0x100, $0x38;
	[tilespmem:$0x1FD80] =	vst v63  }
0x49: {  	_ =	swait.ge [sflag:s19], $0x100  }
0x4a: {  	[sflag:s19] =	ssyncset.done $0x0  }
0x4b: {  	[sflag:s19] =	ssyncadd.s32 $0xFFFFFF00  }
0x4c: {  	[tilespmem:s25], [sflag:$0x1] =	stream.indirect.gather [hbm4b:s3+s22], $0x80, s24, s22, $0xb8;
	[tilespmem:$0x1FD80] =	vst v63  }
0x4d: {  	_ =	swait.ge [sflag:s26], $0x4000  }
0x4e: {  	[sflag:s26] =	ssyncset.done $0x0  }
0x4f: {  	[sflag:s26] =	ssyncadd.s32 $0xFFFFC000  }
0x50: {  	[spmem:s1] =	stream.indirect.scatter.add.f32 [tilespmem:s23], [sflag:$0x2], $0x80, s22, s22, $0xb8;
	[tilespmem:$0x1FD80] =	vst v63  }
0x51: {  	_ = 	snop  }
0x52: {  	[tilespmem:s28], [sflag:$0x3] =	stream.linear.gather [hbm4b:s12+s2], $0x100, $0x38;
	[tilespmem:$0x1FD80] =	vst v63  }
0x53: {  	_ =	swait.ge [sflag:s19], $0x100  }
0x54: {  	[sflag:s19] =	ssyncset.done $0x0  }
0x55: {  	[sflag:s19] =	ssyncadd.s32 $0xFFFFFF00  }
0x56: {  	[tilespmem:s29], [sflag:$0x1] =	stream.indirect.gather [hbm4b:s3+s22], $0x80, s28, s22, $0xb8;
	[tilespmem:$0x1FD80] =	vst v63  }
0x57: {  	_ =	swait.ge [sflag:s26], $0x4000  }
0x58: {  	[sflag:s26] =	ssyncset.done $0x0  }
0x59: {  	[sflag:s26] =	ssyncadd.s32 $0xFFFFC000  }
0x5a: {  	[spmem:s1] =	stream.indirect.scatter.add.f32 [tilespmem:s25], [sflag:$0x2], $0x80, s30, s22, $0xb8;
	[tilespmem:$0x1FD80] =	vst v63  }
0x5b: {  	_ =	swait.ge [sflag:s31], $0x4000  }
0x5c: {  	[sflag:s31] =	ssyncset.done $0x0  }
0x5d: {  	[sflag:s31] =	ssyncadd.s32 $0xFFFFC000  }
0x5e: {  	[tilespmem:s2], [sflag:$0x3] =	stream.linear.gather [hbm4b:s13+s2], $0x100, $0x38;
	[tilespmem:$0x1FD80] =	vst v63  }
0x5f: {  	_ =	swait.ge [sflag:s19], $0x100  }
0x60: {  	[sflag:s19] =	ssyncset.done $0x0  }
0x61: {  	[sflag:s19] =	ssyncadd.s32 $0xFFFFFF00  }
0x62: {  	[tilespmem:s23], [sflag:$0x1] =	stream.indirect.gather [hbm4b:s3+s22], $0x80, s2, s22, $0xb8;
	[tilespmem:$0x1FD80] =	vst v63  }
0x63: {  	_ =	swait.ge [sflag:s26], $0x4000  }
0x64: {  	[sflag:s26] =	ssyncset.done $0x0  }
0x65: {  	[sflag:s26] =	ssyncadd.s32 $0xFFFFC000  }
0x66: {  	[spmem:s1] =	stream.indirect.scatter.add.f32 [tilespmem:s29], [sflag:$0x2], $0x80, s0, s22, $0xb8;
	[tilespmem:$0x1FD80] =	vst v63  }
0x67: {  	_ =	swait.ge [sflag:s31], $0x4000  }
0x68: {  	[sflag:s31] =	ssyncset.done $0x0  }
0x69: {  	[sflag:s31] =	ssyncadd.s32 $0xFFFFC000  }
0x6a: {  	[tilespmem:s24], [sflag:$0x3] =	stream.linear.gather [hbm4b:s14+s2], $0x100, $0x38;
	[tilespmem:$0x1FD80] =	vst v63  }
0x6b: {  	_ =	swait.ge [sflag:s19], $0x100  }
0x6c: {  	[sflag:s19] =	ssyncset.done $0x0  }
0x6d: {  	s9 =	simm.s32 $0x0;
	[sflag:s19] =	ssyncadd.s32 $0xFFFFFF00  }
0x6e: {  	[tilespmem:s25], [sflag:$0x1] =	stream.indirect.gather [hbm4b:s3+s22], $0x80, s24, s22, $0xb8;
	[tilespmem:$0x1FD80] =	vst v63  }
.LBB2_2:
0x6f: {  	_ =	swait.ge [sflag:s26], $0x4000  }
0x70: {  	[sflag:s26] =	ssyncset.done $0x0  }
0x71: {  	[sflag:s26] =	ssyncadd.s32 $0xFFFFC000  }
0x72: {  	[spmem:s1] =	stream.indirect.scatter.add.f32 [tilespmem:s23], [sflag:$0x2], $0x80, s22, s22, $0xb8;
	[tilespmem:$0x1FD80] =	vst v63  }
0x73: {  	_ =	swait.ge [sflag:s31], $0x4000  }
0x74: {  	[sflag:s31] =	ssyncset.done $0x0  }
0x75: {  	s10 =	sadd.s32 s9, s17;
	[sflag:s31] =	ssyncadd.s32 $0xFFFFC000  }
0x76: {  	[tilespmem:s28], [sflag:$0x3] =	stream.linear.gather [hbm4b:s10+s2], $0x100, $0x38;
	[tilespmem:$0x1FD80] =	vst v63  }
0x77: {  	_ =	swait.ge [sflag:s19], $0x100  }
0x78: {  	[sflag:s19] =	ssyncset.done $0x0  }
0x79: {  	[sflag:s19] =	ssyncadd.s32 $0xFFFFFF00  }
0x7a: {  	[tilespmem:s29], [sflag:$0x1] =	stream.indirect.gather [hbm4b:s3+s22], $0x80, s28, s22, $0xb8;
	[tilespmem:$0x1FD80] =	vst v63  }
0x7b: {  	_ =	swait.ge [sflag:s26], $0x4000  }
0x7c: {  	p1 =	seq.s32 s9, $0x960;
	[sflag:s26] =	ssyncset.done $0x0  }
.Ltmp2:
0x7d: {  	[sflag:s26] =	ssyncadd.s32 $0xFFFFC000;
	(pc) =	sbr.rel @p1 .LBB2_4-.Ltmp2, $4  }
0x7e: {  	[spmem:s1] =	stream.indirect.scatter.add.f32 [tilespmem:s25], [sflag:$0x2], $0x80, s30, s22, $0xb8;
	[tilespmem:$0x1FD80] =	vst v63  }
0x7f: {  	_ =	swait.ge [sflag:s31], $0x4000  }
0x80: {  	[sflag:s31] =	ssyncset.done $0x0  }
0x81: {  	[sflag:s31] =	ssyncadd.s32 $0xFFFFC000  }
0x82: {  	s10 =	sadd.s32 s9, s16  }
0x83: {  	[tilespmem:s2], [sflag:$0x3] =	stream.linear.gather [hbm4b:s10+s2], $0x100, $0x38;
	[tilespmem:$0x1FD80] =	vst v63  }
0x84: {  	_ =	swait.ge [sflag:s19], $0x100  }
0x85: {  	[sflag:s19] =	ssyncset.done $0x0  }
0x86: {  	[sflag:s19] =	ssyncadd.s32 $0xFFFFFF00  }
0x87: {  	[tilespmem:s23], [sflag:$0x1] =	stream.indirect.gather [hbm4b:s3+s22], $0x80, s2, s22, $0xb8;
	[tilespmem:$0x1FD80] =	vst v63  }
0x88: {  	_ =	swait.ge [sflag:s26], $0x4000  }
0x89: {  	[sflag:s26] =	ssyncset.done $0x0  }
0x8a: {  	[sflag:s26] =	ssyncadd.s32 $0xFFFFC000  }
0x8b: {  	[spmem:s1] =	stream.indirect.scatter.add.f32 [tilespmem:s29], [sflag:$0x2], $0x80, s0, s22, $0xb8;
	[tilespmem:$0x1FD80] =	vst v63  }
0x8c: {  	_ =	swait.ge [sflag:s31], $0x4000  }
0x8d: {  	[sflag:s31] =	ssyncset.done $0x0  }
0x8e: {  	s10 =	sadd.s32 s9, s15;
	[sflag:s31] =	ssyncadd.s32 $0xFFFFC000  }
0x8f: {  	[tilespmem:s24], [sflag:$0x3] =	stream.linear.gather [hbm4b:s10+s2], $0x100, $0x38;
	[tilespmem:$0x1FD80] =	vst v63  }
.Ltmp3:
0x90: {  	_ = 	snop;
	(pc) =	sbr.rel .LBB2_2-.Ltmp3, $4  }
0x91: {  	_ =	swait.ge [sflag:s19], $0x100  }
0x92: {  	[sflag:s19] =	ssyncset.done $0x0  }
0x93: {  	s9 =	sadd.s32 $0x60, s9;
	[sflag:s19] =	ssyncadd.s32 $0xFFFFFF00  }
0x94: {  	[tilespmem:s25], [sflag:$0x1] =	stream.indirect.gather [hbm4b:s3+s22], $0x80, s24, s22, $0xb8;
	[tilespmem:$0x1FD80] =	vst v63  }
.LBB2_5:
0x95: {  	_ =	sfence.sel $0x180000  }
0x96: {  	[bflag:$0x0] =	sbarrier.arrive $0xFFFF  }
0x97: {  	_ =	strace $0x90000050  }
0x98: {  	[bflag:$0x2] =	sbarrier.arrive $0xFFFF  }
0x99: {  	s0 =	rddreg [dreg:$0x2]  }
0x9a: {  	s0 =	sadd.s32 @!p0 $0x100000, s0  }
0x9b: {  	[sflag:s0] =	ssyncadd.tile.s32 @!p0 $0x1;
	_ =	shalt  }
.Lfunc_end2:
_tile_overlayer_lowered:
.L_overlay_start_2:
0x9c: {  	(tag) =	ssettag $0x2  }
0x9d: {  	s0 =	rddreg [dreg:$0x0];
	s2 =	stileid.u32  }
0x9e: {  	s1 =	rddreg [dreg:$0x1];
	p0 =	sne.s32 s2, $0x0  }
0x9f: {  	s3 =	rddreg [dreg:$0x2];
	[bflag:$0x3] =	sbarrier.arrive $0xFFFF;
	s2 =	simm.s32 @!p0 $0x1C03  }
0xa0: {  	[timem:s3], [sflag:s2] =	dma.local @!p0 [hbm:s0], s1  }
0xa1: {  	s0 =	simm.s32 @!p0 $0x3  }
0xa2: {  	_ =	swait.ge @!p0 [sflag:s0], s1  }
0xa3: {  	s1 =	ssub.s32 @!p0 $0x0, s1;
	[sflag:s0] =	ssyncset.done @!p0 $0x0  }
0xa4: {  	[sflag:s0] =	ssyncadd.s32 @!p0 s1  }
0xa5: {  	[bflag:$0x3] =	sbarrier.arrive $0xFFFF  }
0xa6: {  	_ =	shalt  }

// kernel: kernel.35.cloned.1.call-start
scs
__scs_entry_jumppad:
0x0: {  	(pc) =	sbr.rel $0x88, $3  }
0x1: {  	(tag) =	ssettag $0x0;
	lr =	simm.s32 $0x1  }
0x2: {  	[smem:$0x3F92] =	sst lr;
	_ =	strace $0xD0000000  }
0x3: {  	_ = 	snop  }
0x4: {  	_ = 	snop  }
0x5: {  	_ = 	snop  }
0x6: {  	_ = 	snop  }
0x7: {  	_ = 	snop  }
__scs_overlays_trampoline_lowered:
0x8: {  	[smem:$0x3FA1] =	sst s0  }
0x9: {  	[smem:$0x3FA2] =	sst s1  }
0xa: {  	[smem:$0x3FA3] =	sst s2  }
0xb: {  	[smem:$0x3FA4] =	sst s3  }
0xc: {  	[smem:$0x3FA5] =	sst s4  }
0xd: {  	[smem:$0x3FA6] =	sst s5  }
0xe: {  	[smem:$0x3FA7] =	sst s6  }
0xf: {  	[smem:$0x3FA8] =	sst s7  }
0x10: {  	[smem:$0x3FA9] =	sst s8  }
0x11: {  	[smem:$0x3FAA] =	sst s9;
	s0 =	simm.s32 @!p0 $0x0  }
0x12: {  	s1 =	sld [smem:$0x3F90];
	s0 =	simm.s32 @p0 $0x1  }
0x13: {  	[smem:$0x3FAB] =	sst s0;
	s0 =	simm.s32 @!p1 $0x0  }
0x14: {  	s2 =	sld [smem:$0x3F8F];
	s0 =	simm.s32 @p1 $0x1  }
0x15: {  	[smem:$0x3FAC] =	sst s0;
	s0 =	simm.s32 @!p2 $0x0  }
0x16: {  	s3 =	sld [smem:$0x3FDB];
	s0 =	simm.s32 @p2 $0x1  }
0x17: {  	s4 =	simm.s32 $0x1BF5;
	[smem:$0x3FAE] =	sst s0  }
0x18: {  	s0 =	sld [smem:$0x3F91];
	_ =	swait.ge [sflag:s4], $0x0  }
0x19: {  	s7 =	sld [smem:$0x3F92]  }
0x1a: {  	s8 =	sadd.s32 $0xFFFFE003, lr  }
0x1b: {  	s9 =	sadd.s32 $0xFFFFFEF7, lr;
	s5 =	simm.s32 $0xFFFFFFFF;
	p2 =	slt.u32 s8, $0xFFFFF086  }
0x1c: {  	p1 =	slt.u32 s9, $0xF7A;
	s5 =	simm.s32 @!p2 $0x0  }
0x1d: {  	s5 =	simm.s32 @p1 $0x1;
	p0 =	seq.s32 s7, s2  }
0x1e: {  	s7 =	smul.u32 @!p0 $0xF7A, s2;
	p2 =	seq.s32 @!p0 s5, $0x0  }
0x1f: {  	s9 =	smul.u32 $0xF7A, s1;
	s8 =	simm.s32 @!p0 $0x1BF5;
	p2 =	por !p2, p0  }
0x20: {  	[sflag:s8] =	ssyncset.s32 @!p0 $0xFFFFF086;
	s6 =	sadd.s32 @!p0 s3, s7;
	s7 =	simm.s32 @!p0 $0x108  }
0x21: {  	s3 =	sadd.s32 s3, s9;
	s6 =	sadd.s32 @!p0 $0x88, s6;
	s7 =	simm.s32 @p2 $0x1082  }
0x22: {  	[simem:s7], [sflag:s8] =	dma.local @!p0 [hbm:s6], $0xF7A  }
0x23: {  	s9 =	sor.u32 $0xD0000000, s2;
	s6 =	simm.s32 $0x108;
	_ =	swait.ge @!p0 [sflag:s8], $0x0  }
0x24: {  	s3 =	sadd.s32 $0x88, s3;
	s6 =	simm.s32 @!p1 $0x1082;
	[sflag:s4] =	ssyncset.s32 $0xFFFFF086  }
0x25: {  	[simem:s6], [sflag:s4] =	dma.local [hbm:s3], $0xF7A  }
0x26: {  	[smem:$0x3F92] =	sst s1;
	(tag) =	ssettag s2;
	_ =	strace s9  }
0x27: {  	s1 =	sld [smem:$0x3FA2]  }
0x28: {  	s2 =	sld [smem:$0x3FA3]  }
0x29: {  	s4 =	sld [smem:$0x3FA5]  }
0x2a: {  	p0 =	seq.s32 s5, $0x0;
	s5 =	sld [smem:$0x3FA6]  }
0x2b: {  	s6 =	sld [smem:$0x3FA7]  }
0x2c: {  	s7 =	sld [smem:$0x3FA8]  }
0x2d: {  	s3 =	simm.s32 $0x108;
	s8 =	sld [smem:$0x3FA9]  }
0x2e: {  	s3 =	simm.s32 @!p0 $0x1082;
	s9 =	sld [smem:$0x3FAA]  }
0x2f: {  	lr =	sadd.s32 s0, s3;
	s0 =	sld [smem:$0x3FA1]  }
0x30: {  	s3 =	sld [smem:$0x3FA4]  }
0x31: {  	[smem:$0x3FAD] =	sst s10  }
0x32: {  	s10 =	sld [smem:$0x3FAB];
	_ =	sdelay $0x3  }
0x33: {  	p0 =	seq.s32 s10, $0x1;
	s10 =	sld [smem:$0x3FAD];
	_ =	sdelay $0x3  }
0x34: {  	[smem:$0x3FAD] =	sst s10  }
0x35: {  	s10 =	sld [smem:$0x3FAC];
	_ =	sdelay $0x3  }
0x36: {  	p1 =	seq.s32 s10, $0x1;
	s10 =	sld [smem:$0x3FAD];
	_ =	sdelay $0x3  }
0x37: {  	[smem:$0x3FAD] =	sst s10  }
0x38: {  	s10 =	sld [smem:$0x3FAE]  }
0x39: {  	_ = 	snop;
	(pc) =	sbr.ind lr, $3  }
0x3a: {  	_ = 	snop  }
0x3b: {  	_ = 	snop  }
0x3c: {  	p2 =	seq.s32 s10, $0x1;
	s10 =	sld [smem:$0x3FAD]  }
0x3d: {  	_ =	shalt  }
0x3e: {  	_ =	shalt  }
0x3f: {  	_ =	shalt  }
0x40: {  	_ =	shalt  }
0x41: {  	_ =	shalt  }
0x42: {  	_ =	shalt  }
0x43: {  	_ =	shalt  }
0x44: {  	_ =	shalt  }
0x45: {  	_ =	shalt  }
0x46: {  	_ =	shalt  }
0x47: {  	_ =	shalt  }
0x48: {  	_ =	shalt  }
0x49: {  	_ =	shalt  }
0x4a: {  	_ =	shalt  }
0x4b: {  	_ =	shalt  }
0x4c: {  	_ =	shalt  }
0x4d: {  	_ =	shalt  }
0x4e: {  	_ =	shalt  }
0x4f: {  	_ =	shalt  }
0x50: {  	_ =	shalt  }
0x51: {  	_ =	shalt  }
0x52: {  	_ =	shalt  }
0x53: {  	_ =	shalt  }
0x54: {  	_ =	shalt  }
0x55: {  	_ =	shalt  }
0x56: {  	_ =	shalt  }
0x57: {  	_ =	shalt  }
0x58: {  	_ =	shalt  }
0x59: {  	_ =	shalt  }
0x5a: {  	_ =	shalt  }
0x5b: {  	_ =	shalt  }
0x5c: {  	_ =	shalt  }
0x5d: {  	_ =	shalt  }
0x5e: {  	_ =	shalt  }
0x5f: {  	_ =	shalt  }
0x60: {  	_ =	shalt  }
0x61: {  	_ =	shalt  }
0x62: {  	_ =	shalt  }
0x63: {  	_ =	shalt  }
0x64: {  	_ =	shalt  }
0x65: {  	_ =	shalt  }
0x66: {  	_ =	shalt  }
0x67: {  	_ =	shalt  }
0x68: {  	_ =	shalt  }
0x69: {  	_ =	shalt  }
0x6a: {  	_ =	shalt  }
0x6b: {  	_ =	shalt  }
0x6c: {  	_ =	shalt  }
0x6d: {  	_ =	shalt  }
0x6e: {  	_ =	shalt  }
0x6f: {  	_ =	shalt  }
0x70: {  	_ =	shalt  }
0x71: {  	_ =	shalt  }
0x72: {  	_ =	shalt  }
0x73: {  	_ =	shalt  }
0x74: {  	_ =	shalt  }
0x75: {  	_ =	shalt  }
0x76: {  	_ =	shalt  }
0x77: {  	_ =	shalt  }
0x78: {  	_ =	shalt  }
0x79: {  	_ =	shalt  }
0x7a: {  	_ =	shalt  }
0x7b: {  	_ =	shalt  }
0x7c: {  	_ =	shalt  }
0x7d: {  	_ =	shalt  }
0x7e: {  	_ =	shalt  }
0x7f: {  	_ =	shalt  }
0x80: {  	_ =	shalt  }
0x81: {  	_ =	shalt  }
0x82: {  	_ =	shalt  }
0x83: {  	_ =	shalt  }
0x84: {  	_ =	shalt  }
0x85: {  	_ =	shalt  }
0x86: {  	_ =	shalt  }
0x87: {  	_ =	shalt  }
.Lfunc_end0:
.L_simem_size_0:
called_computation.4_lowered:
.L_overlay_start_0:
0x88: {  	s2 =	sld [smem:$0x3FD9]  }
0x89: {  	s3 =	sld [smem:$0x3FFE];
	_ =	sdelay $0x1  }
0x8a: {  	s1 =	srdreg.scid  }
0x8b: {  	s0 =	sand.u32 $0x1, s1  }
0x8c: {  	s16 =	sshll.u32 s0, $0xA;
	s2 =	sadd.s32 s3, s2  }
0x8d: {  	s2 =	sadd.s32 s2, s16  }
0x8e: {  	[smem:$0x3FB9] =	sst s2  }
0x8f: {  	_ = 	snop  }
0x90: {  	(tm) =	ssettm $0x1  }
0x91: {  	s17 =	sld [smem:$0x3FFB];
	_ =	sdelay $0x3  }
0x92: {  	_ =	strace s17  }
0x93: {  	s2 =	sld [smem:$0x3FFC];
	_ =	sdelay $0x3  }
0x94: {  	_ =	strace s2  }
0x95: {  	s2 =	sld [smem:$0x3FFD];
	_ =	sdelay $0x3  }
0x96: {  	_ =	strace s2  }
0x97: {  	_ =	strace $0x8FFFFFFF  }
0x98: {  	s18 =	sld [smem:$0x3FDB];
	_ =	sdelay $0x1  }
0x99: {  	s19 =	simm.s32 $_scs_section_size  }
0x9a: {  	s4 =	simm.s32 $_size__tile_overlayer_lowered;
	s5 =	simm.s32 $_tile_overlayer_lowered  }
0x9b: {  	s22 =	simm.s32 $0x1BFF;
	s21 =	sshll.u32 s5, $0x1;
	s2 =	sadd.s32 s19, s18  }
0x9c: {  	s6 =	simm.s32 $0x0;
	s20 =	sshll.u32 s4, $0x1;
	s4 =	sadd.s32 s21, s2  }
0x9d: {  	[timem:s6], [sflag:s22] =	dma.local [hbm:s4], s20  }
0x9e: {  	_ =	swait.ge [sflag:s22], s20  }
0x9f: {  	s3 =	ssub.s32 $0x0, s20;
	[sflag:s22] =	ssyncset.done $0x0  }
0xa0: {  	[sflag:s22] =	ssyncadd.s32 s3;
	_ =	sdelay $0x1  }
0xa1: {  	s23 =	simm.s32 $0x1B8B  }
0xa2: {  	_ =	swait.ge [sflag:s23], $0x1  }
0xa3: {  	[sflag:s23] =	ssyncset.done $0x0  }
0xa4: {  	s25 =	simm.s32 $0x1B8E;
	s24 =	sld [smem:$0x3FFE];
	[sflag:s23] =	ssyncadd.s32 $0xFFFFFFFF  }
0xa5: {  	s26 =	simm.s32 $execute0_lowered;
	[smem:$0x3FD2] =	sst s25  }
0xa6: {  	s4 =	sshll.u32 s26, $0x1;
	_ =	strace $0x80000052;
	[dreg:$0x1] =	wrdreg $0xFFFFFFFF  }
0xa7: {  	s28 =	simm.s32 $_size_execute0_lowered;
	s2 =	sadd.s32 s2, s4;
	[dreg:$0x0] =	wrdreg $0x0  }
0xa8: {  	s4 =	sshll.u32 s28, $0x1;
	[dreg:$0x2] =	wrdreg s2  }
0xa9: {  	[dreg:$0x3] =	wrdreg s4  }
0xaa: {  	[dreg:$0x4] =	wrdreg $0xC0  }
0xab: {  	_ =	task [dreg:s6], $0x5FFFF  }
0xac: {  	[dreg:$0x1] =	wrdreg $0xFFFFFFFF  }
0xad: {  	[dreg:$0x0] =	wrdreg $0x60  }
0xae: {  	[dreg:$0x2] =	wrdreg s24  }
0xaf: {  	[dreg:$0x3] =	wrdreg $0xC3000  }
0xb0: {  	[dreg:$0x4] =	wrdreg $0x9  }
0xb1: {  	_ =	task.clear_ibuf [dreg:s6], $0x5FFFF;
	_ =	strace $0x90000052  }
0xb2: {  	s29 =	simm.s32 $0x9;
	_ =	strace $0x80000054  }
0xb3: {  	_ =	swait.ge [sflag:s29], $0x1  }
0xb4: {  	[sflag:s29] =	ssyncadd.s32 $0xFFFFFFFF  }
0xb5: {  	_ =	strace $0x90000054  }
0xb6: {  	_ =	sfence  }
0xb7: {  	s30 =	sld [smem:$0x0];
	_ =	sdelay $0x2  }
0xb8: {  	s31 =	sshll.u32 s1, $0xD;
	s1 =	sshrl.u32 s1, $0x2  }
0xb9: {  	s3 =	sand.u32 $0x4000, s31;
	s1 =	sadd.s32 s1, s30  }
0xba: {  	s0 =	sor.u32 s3, s0;
	s1 =	sshll.u32 s1, $0x11  }
0xbb: {  	s0 =	sor.u32 s1, s0  }
0xbc: {  	s0 =	sadd.s32 $0x8F2B, s0  }
0xbd: {  	[sflag:s0] =	ssyncadd.remote.s32 $0x1  }
0xbe: {  	_ =	sfence.sel $0xFFFF  }
0xbf: {  	[dreg:$0x0] =	wrdreg $0xFFFFFFFF;
	(pc) =	sbr.abs _section_cstart, $3  }
0xc0: {  	[dreg:$0x1] =	wrdreg $0xFFFFFFFF  }
0xc1: {  	_ =	task.clear_ibuf [dreg:s6], $0x2FFFF;
	_ =	strace $0x9FFFFFFF  }
0xc2: {  	(tm) =	ssettm $0x7FFFFFFF  }
0xc3: {  	_ =	shalt  }
tec
execute0_lowered:
.L_overlay_start_1:
0x0: {  	(tag) =	ssettag $0x1  }
0x1: {  	s0 =	rddreg [dreg:$0x0]  }
0x2: {  	s1 =	rddreg [dreg:$0x1]  }
0x3: {  	s2 =	simm.s32 $0x0;
	s4 =	srdreg.scid;
	s9 =	stileid.u32  }
0x4: {  	s28 =	simm.s32 $0x200;
	s29 =	simm.s32 $0x8300;
	s30 =	simm.s32 $0x180  }
0x5: {  	s31 =	simm.s32 $0x2;
	[smem:$0x7FF] =	sst s2;
	s3 =	sadd.s32 $0x12600, s0  }
0x6: {  	s6 =	sadd.s32 $0x61000, s0;
	s8 =	sand.u32 $0x1, s4;
	s11 =	smul.u32 $0x4E000, s9  }
0x7: {  	s4 =	sadd.s32 $0x11800, s0;
	s0 =	sadd.s32 $0x75400, s0;
	s22 =	smul.u32 $0x13800, s9  }
0x8: {  	s15 =	sshll.u32 s9, $0x6;
	s23 =	smul.u32 $0x5100, s9;
	p0 =	sne.s32 s9, $0x0  }
0x9: {  	_ =	strace $0x80000053;
	s5 =	ssub.s32 $0x2, s8;
	s17 =	smul.u32 $0x138800, s8  }
0xa: {  	s10 =	sshll.u32 s8, $0x4;
	s8 =	smul.u32 $0x51000, s8;
	s7 =	sshrl.u32 s5, $0x1  }
0xb: {  	s13 =	sor.u32 s9, s10;
	s14 =	sshrl.u32 s11, $0x2;
	s12 =	ssub.s32 s5, s7  }
0xc: {  	s16 =	smul.u32 $0x5100, s13;
	s18 =	sadd.s32 s14, s1;
	s5 =	sor.u32 $0x1C03, s15  }
0xd: {  	s13 =	sadd.s32 $0x138000, s1;
	s11 =	sadd.s32 s22, s17;
	s10 =	sshrl.u32 s17, $0x3  }
0xe: {  	s25 =	sadd.s32 s23, s8;
	s22 =	simm.s32 $0x80;
	s23 =	simm.s32 $0x300  }
0xf: {  	s20 =	sadd.s32 $0x6800, s18;
	s21 =	sadd.s32 $0xD000, s18;
	[dreg:$0x3] =	wrdreg s13  }
0x10: {  	s11 =	sshrl.u32 s11, $0x3;
	s10 =	sadd.s32 s0, s10;
	s8 =	sadd.s32 $0x700, s25  }
0x11: {  	s18 =	sshrl.u32 s18, $0x3;
	s19 =	sshrl.u32 s16, $0x3;
	s0 =	sadd.s32 s0, s11  }
0x12: {  	s24 =	sadd.s32 $0x27000, s10;
	s11 =	smax.u32 s12, $0x1;
	s8 =	sshrl.u32 s8, $0x3  }
0x13: {  	s16 =	sadd.s32 $0x600, s25;
	s20 =	sshrl.u32 s20, $0x3;
	[dreg:$0x5] =	wrdreg s0  }
0x14: {  	s21 =	sshrl.u32 s21, $0x3;
	s7 =	sadd.s32 s6, s19;
	[dreg:$0x6] =	wrdreg s24  }
0x15: {  	s0 =	sadd.s32 $0x500, s25;
	s15 =	sadd.s32 s8, s6;
	s26 =	sshrl.u32 s16, $0x3  }
.Ltmp0:
0x16: {  	s19 =	simm.s32 $0x3;
	s24 =	simm.s32 $0x100;
	(pc) =	sbr.rel .LBB2_1-.Ltmp0, $4  }
0x17: {  	s25 =	simm.s32 $0x4300;
	s14 =	sadd.s32 $0x20, s7;
	s12 =	sadd.s32 $0x40, s7  }
0x18: {  	s13 =	sadd.s32 $0x60, s7;
	s0 =	sshrl.u32 s0, $0x3;
	s16 =	sadd.s32 s26, s6  }
0x19: {  	s26 =	simm.s32 $0x1;
	[dreg:$0x4] =	wrdreg s14;
	s14 =	sadd.s32 $0x80, s7  }
0x1a: {  	s17 =	sadd.s32 s0, s6;
	s0 =	simm.s32 $0x280;
	s6 =	simm.s32 $0x0  }
.LBB2_4:
0x1b: {  	_ =	swait.ge [sflag:s26], $0x4000  }
0x1c: {  	[sflag:s26] =	ssyncset.done $0x0  }
0x1d: {  	[sflag:s26] =	ssyncadd.s32 $0xFFFFC000  }
0x1e: {  	[spmem:s1] =	stream.indirect.scatter.add.f32 [tilespmem:s29], [sflag:$0x2], $0x80, s0, s22, $0xb8;
	[tilespmem:$0x1FD80] =	vst v63  }
0x1f: {  	_ =	swait.ge [sflag:s31], $0x4000  }
0x20: {  	[sflag:s31] =	ssyncset.done $0x0  }
0x21: {  	[sflag:s31] =	ssyncadd.s32 $0xFFFFC000  }
0x22: {  	_ =	swait.ge [sflag:s31], $0x4000  }
0x23: {  	[sflag:s31] =	ssyncset.done $0x0  }
0x24: {  	[sflag:s31] =	ssyncadd.s32 $0xFFFFC000  }
0x25: {  	[bflag:$0x0] =	sbarrier.arrive $0xFFFF  }
0x26: {  	s9 =	rddreg [dreg:$0x5]  }
0x27: {  	[hbm:s9], [sflag:s5] =	dma.local [spmem:s18], $0x2700  }
0x28: {  	_ =	swait.ge [sflag:s19], $0x2700  }
0x29: {  	s6 =	sadd.s32 $0x1, s6;
	[sflag:s19] =	ssyncset.done $0x0  }
0x2a: {  	p1 =	sne.s32 s6, s11;
	s9 =	rddreg [dreg:$0x6];
	[sflag:s19] =	ssyncadd.s32 $0xFFFFD900  }
0x2b: {  	[hbm:s9], [sflag:s5] =	dma.local @!p0 [spmem:s8], $0x100  }
.Ltmp1:
0x2c: {  	_ = 	snop;
	(pc) =	sbr.rel @!p1 .LBB2_5-.Ltmp1, $4  }
0x2d: {  	s8 =	simm.s32 @!p0 $0x3  }
0x2e: {  	_ =	swait.ge @!p0 [sflag:s8], $0x100  }
0x2f: {  	[sflag:s8] =	ssyncset.done @!p0 $0x0  }
0x30: {  	[sflag:s8] =	ssyncadd.s32 @!p0 $0xFFFFFF00  }
.LBB2_1:
0x31: {  	[spmem:s18], [sflag:s5] =	dma.local [hbm:s4], $0xD00  }
0x32: {  	_ =	swait.ge [sflag:s19], $0xD00  }
0x33: {  	[sflag:s19] =	ssyncset.done $0x0  }
0x34: {  	[sflag:s19] =	ssyncadd.s32 $0xFFFFF300  }
0x35: {  	[spmem:s20], [sflag:s5] =	dma.local [hbm:s4], $0xD00  }
0x36: {  	_ =	swait.ge [sflag:s19], $0xD00  }
0x37: {  	[sflag:s19] =	ssyncset.done $0x0  }
0x38: {  	[sflag:s19] =	ssyncadd.s32 $0xFFFFF300  }
0x39: {  	[spmem:s21], [sflag:s5] =	dma.local [hbm:s4], $0xD00  }
0x3a: {  	_ =	swait.ge [sflag:s19], $0xD00  }
0x3b: {  	[sflag:s19] =	ssyncset.done $0x0;
	s8 =	rddreg [dreg:$0x3]  }
0x3c: {  	s9 =	simm.s32 @!p0 $0x3;
	[sflag:s19] =	ssyncadd.s32 $0xFFFFF300;
	s8 =	sshrl.u32 @!p0 s8, $0x3  }
0x3d: {  	[spmem:s8], [sflag:s5] =	dma.local @!p0 [hbm:s4], $0x100  }
0x3e: {  	_ =	swait.ge @!p0 [sflag:s9], $0x100  }
0x3f: {  	[sflag:s9] =	ssyncset.done @!p0 $0x0  }
0x40: {  	[sflag:s9] =	ssyncadd.s32 @!p0 $0xFFFFFF00  }
0x41: {  	[bflag:$0x0] =	sbarrier.arrive $0xFFFF  }
0x42: {  	[tilespmem:s2], [sflag:$0x3] =	stream.linear.gather [hbm4b:s7+s2], $0x100, $0x38;
	[tilespmem:$0x1FD80] =	vst v63  }
0x43: {  	_ =	swait.ge [sflag:s19], $0x100  }
0x44: {  	[sflag:s19] =	ssyncset.done $0x0  }
0x45: {  	[sflag:s19] =	ssyncadd.s32 $0xFFFFFF00  }
0x46: {  	[tilespmem:s23], [sflag:$0x1] =	stream.indirect.gather [hbm4b:s3+s22], $0x80, s2, s22, $0xb8;
	[tilespmem:$0x1FD80] =	vst v63  }
0x47: {  	s10 =	rddreg [dreg:$0x4]  }
0x48: {  	[tilespmem:s24], [sflag:$0x3] =	stream.linear.gather [hbm4b:s10+s2], $0x100, $0x38;
	[tilespmem:$0x1FD80] =	vst v63  }
0x49: {  	_ =	swait.ge [sflag:s19], $0x100  }
0x4a: {  	[sflag:s19] =	ssyncset.done $0x0  }
0x4b: {  	[sflag:s19] =	ssyncadd.s32 $0xFFFFFF00  }
0x4c: {  	[tilespmem:s25], [sflag:$0x1] =	stream.indirect.gather [hbm4b:s3+s22], $0x80, s24, s22, $0xb8;
	[tilespmem:$0x1FD80] =	vst v63  }
0x4d: {  	_ =	swait.ge [sflag:s26], $0x4000  }
0x4e: {  	[sflag:s26] =	ssyncset.done $0x0  }
0x4f: {  	[sflag:s26] =	ssyncadd.s32 $0xFFFFC000  }
0x50: {  	[spmem:s1] =	stream.indirect.scatter.add.f32 [tilespmem:s23], [sflag:$0x2], $0x80, s22, s22, $0xb8;
	[tilespmem:$0x1FD80] =	vst v63  }
0x51: {  	_ = 	snop  }
0x52: {  	[tilespmem:s28], [sflag:$0x3] =	stream.linear.gather [hbm4b:s12+s2], $0x100, $0x38;
	[tilespmem:$0x1FD80] =	vst v63  }
0x53: {  	_ =	swait.ge [sflag:s19], $0x100  }
0x54: {  	[sflag:s19] =	ssyncset.done $0x0  }
0x55: {  	[sflag:s19] =	ssyncadd.s32 $0xFFFFFF00  }
0x56: {  	[tilespmem:s29], [sflag:$0x1] =	stream.indirect.gather [hbm4b:s3+s22], $0x80, s28, s22, $0xb8;
	[tilespmem:$0x1FD80] =	vst v63  }
0x57: {  	_ =	swait.ge [sflag:s26], $0x4000  }
0x58: {  	[sflag:s26] =	ssyncset.done $0x0  }
0x59: {  	[sflag:s26] =	ssyncadd.s32 $0xFFFFC000  }
0x5a: {  	[spmem:s1] =	stream.indirect.scatter.add.f32 [tilespmem:s25], [sflag:$0x2], $0x80, s30, s22, $0xb8;
	[tilespmem:$0x1FD80] =	vst v63  }
0x5b: {  	_ =	swait.ge [sflag:s31], $0x4000  }
0x5c: {  	[sflag:s31] =	ssyncset.done $0x0  }
0x5d: {  	[sflag:s31] =	ssyncadd.s32 $0xFFFFC000  }
0x5e: {  	[tilespmem:s2], [sflag:$0x3] =	stream.linear.gather [hbm4b:s13+s2], $0x100, $0x38;
	[tilespmem:$0x1FD80] =	vst v63  }
0x5f: {  	_ =	swait.ge [sflag:s19], $0x100  }
0x60: {  	[sflag:s19] =	ssyncset.done $0x0  }
0x61: {  	[sflag:s19] =	ssyncadd.s32 $0xFFFFFF00  }
0x62: {  	[tilespmem:s23], [sflag:$0x1] =	stream.indirect.gather [hbm4b:s3+s22], $0x80, s2, s22, $0xb8;
	[tilespmem:$0x1FD80] =	vst v63  }
0x63: {  	_ =	swait.ge [sflag:s26], $0x4000  }
0x64: {  	[sflag:s26] =	ssyncset.done $0x0  }
0x65: {  	[sflag:s26] =	ssyncadd.s32 $0xFFFFC000  }
0x66: {  	[spmem:s1] =	stream.indirect.scatter.add.f32 [tilespmem:s29], [sflag:$0x2], $0x80, s0, s22, $0xb8;
	[tilespmem:$0x1FD80] =	vst v63  }
0x67: {  	_ =	swait.ge [sflag:s31], $0x4000  }
0x68: {  	[sflag:s31] =	ssyncset.done $0x0  }
0x69: {  	[sflag:s31] =	ssyncadd.s32 $0xFFFFC000  }
0x6a: {  	[tilespmem:s24], [sflag:$0x3] =	stream.linear.gather [hbm4b:s14+s2], $0x100, $0x38;
	[tilespmem:$0x1FD80] =	vst v63  }
0x6b: {  	_ =	swait.ge [sflag:s19], $0x100  }
0x6c: {  	[sflag:s19] =	ssyncset.done $0x0  }
0x6d: {  	s9 =	simm.s32 $0x0;
	[sflag:s19] =	ssyncadd.s32 $0xFFFFFF00  }
0x6e: {  	[tilespmem:s25], [sflag:$0x1] =	stream.indirect.gather [hbm4b:s3+s22], $0x80, s24, s22, $0xb8;
	[tilespmem:$0x1FD80] =	vst v63  }
.LBB2_2:
0x6f: {  	_ =	swait.ge [sflag:s26], $0x4000  }
0x70: {  	[sflag:s26] =	ssyncset.done $0x0  }
0x71: {  	[sflag:s26] =	ssyncadd.s32 $0xFFFFC000  }
0x72: {  	[spmem:s1] =	stream.indirect.scatter.add.f32 [tilespmem:s23], [sflag:$0x2], $0x80, s22, s22, $0xb8;
	[tilespmem:$0x1FD80] =	vst v63  }
0x73: {  	_ =	swait.ge [sflag:s31], $0x4000  }
0x74: {  	[sflag:s31] =	ssyncset.done $0x0  }
0x75: {  	s10 =	sadd.s32 s9, s17;
	[sflag:s31] =	ssyncadd.s32 $0xFFFFC000  }
0x76: {  	[tilespmem:s28], [sflag:$0x3] =	stream.linear.gather [hbm4b:s10+s2], $0x100, $0x38;
	[tilespmem:$0x1FD80] =	vst v63  }
0x77: {  	_ =	swait.ge [sflag:s19], $0x100  }
0x78: {  	[sflag:s19] =	ssyncset.done $0x0  }
0x79: {  	[sflag:s19] =	ssyncadd.s32 $0xFFFFFF00  }
0x7a: {  	[tilespmem:s29], [sflag:$0x1] =	stream.indirect.gather [hbm4b:s3+s22], $0x80, s28, s22, $0xb8;
	[tilespmem:$0x1FD80] =	vst v63  }
0x7b: {  	_ =	swait.ge [sflag:s26], $0x4000  }
0x7c: {  	p1 =	seq.s32 s9, $0x960;
	[sflag:s26] =	ssyncset.done $0x0  }
.Ltmp2:
0x7d: {  	[sflag:s26] =	ssyncadd.s32 $0xFFFFC000;
	(pc) =	sbr.rel @p1 .LBB2_4-.Ltmp2, $4  }
0x7e: {  	[spmem:s1] =	stream.indirect.scatter.add.f32 [tilespmem:s25], [sflag:$0x2], $0x80, s30, s22, $0xb8;
	[tilespmem:$0x1FD80] =	vst v63  }
0x7f: {  	_ =	swait.ge [sflag:s31], $0x4000  }
0x80: {  	[sflag:s31] =	ssyncset.done $0x0  }
0x81: {  	[sflag:s31] =	ssyncadd.s32 $0xFFFFC000  }
0x82: {  	s10 =	sadd.s32 s9, s16  }
0x83: {  	[tilespmem:s2], [sflag:$0x3] =	stream.linear.gather [hbm4b:s10+s2], $0x100, $0x38;
	[tilespmem:$0x1FD80] =	vst v63  }
0x84: {  	_ =	swait.ge [sflag:s19], $0x100  }
0x85: {  	[sflag:s19] =	ssyncset.done $0x0  }
0x86: {  	[sflag:s19] =	ssyncadd.s32 $0xFFFFFF00  }
0x87: {  	[tilespmem:s23], [sflag:$0x1] =	stream.indirect.gather [hbm4b:s3+s22], $0x80, s2, s22, $0xb8;
	[tilespmem:$0x1FD80] =	vst v63  }
0x88: {  	_ =	swait.ge [sflag:s26], $0x4000  }
0x89: {  	[sflag:s26] =	ssyncset.done $0x0  }
0x8a: {  	[sflag:s26] =	ssyncadd.s32 $0xFFFFC000  }
0x8b: {  	[spmem:s1] =	stream.indirect.scatter.add.f32 [tilespmem:s29], [sflag:$0x2], $0x80, s0, s22, $0xb8;
	[tilespmem:$0x1FD80] =	vst v63  }
0x8c: {  	_ =	swait.ge [sflag:s31], $0x4000  }
0x8d: {  	[sflag:s31] =	ssyncset.done $0x0  }
0x8e: {  	s10 =	sadd.s32 s9, s15;
	[sflag:s31] =	ssyncadd.s32 $0xFFFFC000  }
0x8f: {  	[tilespmem:s24], [sflag:$0x3] =	stream.linear.gather [hbm4b:s10+s2], $0x100, $0x38;
	[tilespmem:$0x1FD80] =	vst v63  }
.Ltmp3:
0x90: {  	_ = 	snop;
	(pc) =	sbr.rel .LBB2_2-.Ltmp3, $4  }
0x91: {  	_ =	swait.ge [sflag:s19], $0x100  }
0x92: {  	[sflag:s19] =	ssyncset.done $0x0  }
0x93: {  	s9 =	sadd.s32 $0x60, s9;
	[sflag:s19] =	ssyncadd.s32 $0xFFFFFF00  }
0x94: {  	[tilespmem:s25], [sflag:$0x1] =	stream.indirect.gather [hbm4b:s3+s22], $0x80, s24, s22, $0xb8;
	[tilespmem:$0x1FD80] =	vst v63  }
.LBB2_5:
0x95: {  	_ =	sfence.sel $0x180000  }
0x96: {  	[bflag:$0x0] =	sbarrier.arrive $0xFFFF  }
0x97: {  	_ =	strace $0x90000053  }
0x98: {  	[bflag:$0x2] =	sbarrier.arrive $0xFFFF  }
0x99: {  	s0 =	rddreg [dreg:$0x2]  }
0x9a: {  	s0 =	sadd.s32 @!p0 $0x100000, s0  }
0x9b: {  	[sflag:s0] =	ssyncadd.tile.s32 @!p0 $0x1;
	_ =	shalt  }
.Lfunc_end2:
_tile_overlayer_lowered:
.L_overlay_start_2:
0x9c: {  	(tag) =	ssettag $0x2  }
0x9d: {  	s0 =	rddreg [dreg:$0x0];
	s2 =	stileid.u32  }
0x9e: {  	s1 =	rddreg [dreg:$0x1];
	p0 =	sne.s32 s2, $0x0  }
0x9f: {  	s3 =	rddreg [dreg:$0x2];
	[bflag:$0x3] =	sbarrier.arrive $0xFFFF;
	s2 =	simm.s32 @!p0 $0x1C03  }
0xa0: {  	[timem:s3], [sflag:s2] =	dma.local @!p0 [hbm:s0], s1  }
0xa1: {  	s0 =	simm.s32 @!p0 $0x3  }
0xa2: {  	_ =	swait.ge @!p0 [sflag:s0], s1  }
0xa3: {  	s1 =	ssub.s32 @!p0 $0x0, s1;
	[sflag:s0] =	ssyncset.done @!p0 $0x0  }
0xa4: {  	[sflag:s0] =	ssyncadd.s32 @!p0 s1  }
0xa5: {  	[bflag:$0x3] =	sbarrier.arrive $0xFFFF  }
0xa6: {  	_ =	shalt  }

// kernel: kernel.38.cloned.1.call-start
scs
__scs_entry_jumppad:
0x0: {  	(pc) =	sbr.rel $0x88, $3  }
0x1: {  	(tag) =	ssettag $0x0;
	lr =	simm.s32 $0x1  }
0x2: {  	[smem:$0x3F92] =	sst lr;
	_ =	strace $0xD0000000  }
0x3: {  	_ = 	snop  }
0x4: {  	_ = 	snop  }
0x5: {  	_ = 	snop  }
0x6: {  	_ = 	snop  }
0x7: {  	_ = 	snop  }
__scs_overlays_trampoline_lowered:
0x8: {  	[smem:$0x3FA1] =	sst s0  }
0x9: {  	[smem:$0x3FA2] =	sst s1  }
0xa: {  	[smem:$0x3FA3] =	sst s2  }
0xb: {  	[smem:$0x3FA4] =	sst s3  }
0xc: {  	[smem:$0x3FA5] =	sst s4  }
0xd: {  	[smem:$0x3FA6] =	sst s5  }
0xe: {  	[smem:$0x3FA7] =	sst s6  }
0xf: {  	[smem:$0x3FA8] =	sst s7  }
0x10: {  	[smem:$0x3FA9] =	sst s8  }
0x11: {  	[smem:$0x3FAA] =	sst s9;
	s0 =	simm.s32 @!p0 $0x0  }
0x12: {  	s1 =	sld [smem:$0x3F90];
	s0 =	simm.s32 @p0 $0x1  }
0x13: {  	[smem:$0x3FAB] =	sst s0;
	s0 =	simm.s32 @!p1 $0x0  }
0x14: {  	s2 =	sld [smem:$0x3F8F];
	s0 =	simm.s32 @p1 $0x1  }
0x15: {  	[smem:$0x3FAC] =	sst s0;
	s0 =	simm.s32 @!p2 $0x0  }
0x16: {  	s3 =	sld [smem:$0x3FDB];
	s0 =	simm.s32 @p2 $0x1  }
0x17: {  	s4 =	simm.s32 $0x1BF5;
	[smem:$0x3FAE] =	sst s0  }
0x18: {  	s0 =	sld [smem:$0x3F91];
	_ =	swait.ge [sflag:s4], $0x0  }
0x19: {  	s7 =	sld [smem:$0x3F92]  }
0x1a: {  	s8 =	sadd.s32 $0xFFFFE003, lr  }
0x1b: {  	s9 =	sadd.s32 $0xFFFFFEF7, lr;
	s5 =	simm.s32 $0xFFFFFFFF;
	p2 =	slt.u32 s8, $0xFFFFF086  }
0x1c: {  	p1 =	slt.u32 s9, $0xF7A;
	s5 =	simm.s32 @!p2 $0x0  }
0x1d: {  	s5 =	simm.s32 @p1 $0x1;
	p0 =	seq.s32 s7, s2  }
0x1e: {  	s7 =	smul.u32 @!p0 $0xF7A, s2;
	p2 =	seq.s32 @!p0 s5, $0x0  }
0x1f: {  	s9 =	smul.u32 $0xF7A, s1;
	s8 =	simm.s32 @!p0 $0x1BF5;
	p2 =	por !p2, p0  }
0x20: {  	[sflag:s8] =	ssyncset.s32 @!p0 $0xFFFFF086;
	s6 =	sadd.s32 @!p0 s3, s7;
	s7 =	simm.s32 @!p0 $0x108  }
0x21: {  	s3 =	sadd.s32 s3, s9;
	s6 =	sadd.s32 @!p0 $0x88, s6;
	s7 =	simm.s32 @p2 $0x1082  }
0x22: {  	[simem:s7], [sflag:s8] =	dma.local @!p0 [hbm:s6], $0xF7A  }
0x23: {  	s9 =	sor.u32 $0xD0000000, s2;
	s6 =	simm.s32 $0x108;
	_ =	swait.ge @!p0 [sflag:s8], $0x0  }
0x24: {  	s3 =	sadd.s32 $0x88, s3;
	s6 =	simm.s32 @!p1 $0x1082;
	[sflag:s4] =	ssyncset.s32 $0xFFFFF086  }
0x25: {  	[simem:s6], [sflag:s4] =	dma.local [hbm:s3], $0xF7A  }
0x26: {  	[smem:$0x3F92] =	sst s1;
	(tag) =	ssettag s2;
	_ =	strace s9  }
0x27: {  	s1 =	sld [smem:$0x3FA2]  }
0x28: {  	s2 =	sld [smem:$0x3FA3]  }
0x29: {  	s4 =	sld [smem:$0x3FA5]  }
0x2a: {  	p0 =	seq.s32 s5, $0x0;
	s5 =	sld [smem:$0x3FA6]  }
0x2b: {  	s6 =	sld [smem:$0x3FA7]  }
0x2c: {  	s7 =	sld [smem:$0x3FA8]  }
0x2d: {  	s3 =	simm.s32 $0x108;
	s8 =	sld [smem:$0x3FA9]  }
0x2e: {  	s3 =	simm.s32 @!p0 $0x1082;
	s9 =	sld [smem:$0x3FAA]  }
0x2f: {  	lr =	sadd.s32 s0, s3;
	s0 =	sld [smem:$0x3FA1]  }
0x30: {  	s3 =	sld [smem:$0x3FA4]  }
0x31: {  	[smem:$0x3FAD] =	sst s10  }
0x32: {  	s10 =	sld [smem:$0x3FAB];
	_ =	sdelay $0x3  }
0x33: {  	p0 =	seq.s32 s10, $0x1;
	s10 =	sld [smem:$0x3FAD];
	_ =	sdelay $0x3  }
0x34: {  	[smem:$0x3FAD] =	sst s10  }
0x35: {  	s10 =	sld [smem:$0x3FAC];
	_ =	sdelay $0x3  }
0x36: {  	p1 =	seq.s32 s10, $0x1;
	s10 =	sld [smem:$0x3FAD];
	_ =	sdelay $0x3  }
0x37: {  	[smem:$0x3FAD] =	sst s10  }
0x38: {  	s10 =	sld [smem:$0x3FAE]  }
0x39: {  	_ = 	snop;
	(pc) =	sbr.ind lr, $3  }
0x3a: {  	_ = 	snop  }
0x3b: {  	_ = 	snop  }
0x3c: {  	p2 =	seq.s32 s10, $0x1;
	s10 =	sld [smem:$0x3FAD]  }
0x3d: {  	_ =	shalt  }
0x3e: {  	_ =	shalt  }
0x3f: {  	_ =	shalt  }
0x40: {  	_ =	shalt  }
0x41: {  	_ =	shalt  }
0x42: {  	_ =	shalt  }
0x43: {  	_ =	shalt  }
0x44: {  	_ =	shalt  }
0x45: {  	_ =	shalt  }
0x46: {  	_ =	shalt  }
0x47: {  	_ =	shalt  }
0x48: {  	_ =	shalt  }
0x49: {  	_ =	shalt  }
0x4a: {  	_ =	shalt  }
0x4b: {  	_ =	shalt  }
0x4c: {  	_ =	shalt  }
0x4d: {  	_ =	shalt  }
0x4e: {  	_ =	shalt  }
0x4f: {  	_ =	shalt  }
0x50: {  	_ =	shalt  }
0x51: {  	_ =	shalt  }
0x52: {  	_ =	shalt  }
0x53: {  	_ =	shalt  }
0x54: {  	_ =	shalt  }
0x55: {  	_ =	shalt  }
0x56: {  	_ =	shalt  }
0x57: {  	_ =	shalt  }
0x58: {  	_ =	shalt  }
0x59: {  	_ =	shalt  }
0x5a: {  	_ =	shalt  }
0x5b: {  	_ =	shalt  }
0x5c: {  	_ =	shalt  }
0x5d: {  	_ =	shalt  }
0x5e: {  	_ =	shalt  }
0x5f: {  	_ =	shalt  }
0x60: {  	_ =	shalt  }
0x61: {  	_ =	shalt  }
0x62: {  	_ =	shalt  }
0x63: {  	_ =	shalt  }
0x64: {  	_ =	shalt  }
0x65: {  	_ =	shalt  }
0x66: {  	_ =	shalt  }
0x67: {  	_ =	shalt  }
0x68: {  	_ =	shalt  }
0x69: {  	_ =	shalt  }
0x6a: {  	_ =	shalt  }
0x6b: {  	_ =	shalt  }
0x6c: {  	_ =	shalt  }
0x6d: {  	_ =	shalt  }
0x6e: {  	_ =	shalt  }
0x6f: {  	_ =	shalt  }
0x70: {  	_ =	shalt  }
0x71: {  	_ =	shalt  }
0x72: {  	_ =	shalt  }
0x73: {  	_ =	shalt  }
0x74: {  	_ =	shalt  }
0x75: {  	_ =	shalt  }
0x76: {  	_ =	shalt  }
0x77: {  	_ =	shalt  }
0x78: {  	_ =	shalt  }
0x79: {  	_ =	shalt  }
0x7a: {  	_ =	shalt  }
0x7b: {  	_ =	shalt  }
0x7c: {  	_ =	shalt  }
0x7d: {  	_ =	shalt  }
0x7e: {  	_ =	shalt  }
0x7f: {  	_ =	shalt  }
0x80: {  	_ =	shalt  }
0x81: {  	_ =	shalt  }
0x82: {  	_ =	shalt  }
0x83: {  	_ =	shalt  }
0x84: {  	_ =	shalt  }
0x85: {  	_ =	shalt  }
0x86: {  	_ =	shalt  }
0x87: {  	_ =	shalt  }
.Lfunc_end0:
.L_simem_size_0:
called_computation.5_lowered:
.L_overlay_start_0:
0x88: {  	s2 =	sld [smem:$0x3FD9]  }
0x89: {  	s3 =	sld [smem:$0x3FFE];
	_ =	sdelay $0x1  }
0x8a: {  	s1 =	srdreg.scid  }
0x8b: {  	s0 =	sand.u32 $0x1, s1  }
0x8c: {  	s16 =	sshll.u32 s0, $0xA;
	s2 =	sadd.s32 s3, s2  }
0x8d: {  	s2 =	sadd.s32 s2, s16  }
0x8e: {  	[smem:$0x3FB9] =	sst s2  }
0x8f: {  	_ = 	snop  }
0x90: {  	(tm) =	ssettm $0x1  }
0x91: {  	s17 =	sld [smem:$0x3FFB];
	_ =	sdelay $0x3  }
0x92: {  	_ =	strace s17  }
0x93: {  	s2 =	sld [smem:$0x3FFC];
	_ =	sdelay $0x3  }
0x94: {  	_ =	strace s2  }
0x95: {  	s2 =	sld [smem:$0x3FFD];
	_ =	sdelay $0x3  }
0x96: {  	_ =	strace s2  }
0x97: {  	_ =	strace $0x8FFFFFFF  }
0x98: {  	s18 =	sld [smem:$0x3FDB];
	_ =	sdelay $0x1  }
0x99: {  	s19 =	simm.s32 $_scs_section_size  }
0x9a: {  	s4 =	simm.s32 $_size__tile_overlayer_lowered;
	s5 =	simm.s32 $_tile_overlayer_lowered  }
0x9b: {  	s22 =	simm.s32 $0x1BFF;
	s21 =	sshll.u32 s5, $0x1;
	s2 =	sadd.s32 s19, s18  }
0x9c: {  	s6 =	simm.s32 $0x0;
	s20 =	sshll.u32 s4, $0x1;
	s4 =	sadd.s32 s21, s2  }
0x9d: {  	[timem:s6], [sflag:s22] =	dma.local [hbm:s4], s20  }
0x9e: {  	_ =	swait.ge [sflag:s22], s20  }
0x9f: {  	s3 =	ssub.s32 $0x0, s20;
	[sflag:s22] =	ssyncset.done $0x0  }
0xa0: {  	[sflag:s22] =	ssyncadd.s32 s3;
	_ =	sdelay $0x1  }
0xa1: {  	s23 =	simm.s32 $0x1B8B  }
0xa2: {  	_ =	swait.ge [sflag:s23], $0x1  }
0xa3: {  	[sflag:s23] =	ssyncset.done $0x0  }
0xa4: {  	s25 =	simm.s32 $0x1B8E;
	s24 =	sld [smem:$0x3FFE];
	[sflag:s23] =	ssyncadd.s32 $0xFFFFFFFF  }
0xa5: {  	s26 =	simm.s32 $execute0_lowered;
	[smem:$0x3FD2] =	sst s25  }
0xa6: {  	s4 =	sshll.u32 s26, $0x1;
	_ =	strace $0x80000055;
	[dreg:$0x1] =	wrdreg $0xFFFFFFFF  }
0xa7: {  	s28 =	simm.s32 $_size_execute0_lowered;
	s2 =	sadd.s32 s2, s4;
	[dreg:$0x0] =	wrdreg $0x0  }
0xa8: {  	s4 =	sshll.u32 s28, $0x1;
	[dreg:$0x2] =	wrdreg s2  }
0xa9: {  	[dreg:$0x3] =	wrdreg s4  }
0xaa: {  	[dreg:$0x4] =	wrdreg $0xC0  }
0xab: {  	_ =	task [dreg:s6], $0x5FFFF  }
0xac: {  	[dreg:$0x1] =	wrdreg $0xFFFFFFFF  }
0xad: {  	[dreg:$0x0] =	wrdreg $0x60  }
0xae: {  	[dreg:$0x2] =	wrdreg s24  }
0xaf: {  	[dreg:$0x3] =	wrdreg $0xC3000  }
0xb0: {  	[dreg:$0x4] =	wrdreg $0x9  }
0xb1: {  	_ =	task.clear_ibuf [dreg:s6], $0x5FFFF;
	_ =	strace $0x90000055  }
0xb2: {  	s29 =	simm.s32 $0x9;
	_ =	strace $0x80000057  }
0xb3: {  	_ =	swait.ge [sflag:s29], $0x1  }
0xb4: {  	[sflag:s29] =	ssyncadd.s32 $0xFFFFFFFF  }
0xb5: {  	_ =	strace $0x90000057  }
0xb6: {  	_ =	sfence  }
0xb7: {  	s30 =	sld [smem:$0x0];
	_ =	sdelay $0x2  }
0xb8: {  	s31 =	sshll.u32 s1, $0xD;
	s1 =	sshrl.u32 s1, $0x2  }
0xb9: {  	s3 =	sand.u32 $0x4000, s31;
	s1 =	sadd.s32 s1, s30  }
0xba: {  	s0 =	sor.u32 s3, s0;
	s1 =	sshll.u32 s1, $0x11  }
0xbb: {  	s0 =	sor.u32 s1, s0  }
0xbc: {  	s0 =	sadd.s32 $0x8F2B, s0  }
0xbd: {  	[sflag:s0] =	ssyncadd.remote.s32 $0x1  }
0xbe: {  	_ =	sfence.sel $0xFFFF  }
0xbf: {  	[dreg:$0x0] =	wrdreg $0xFFFFFFFF;
	(pc) =	sbr.abs _section_cstart, $3  }
0xc0: {  	[dreg:$0x1] =	wrdreg $0xFFFFFFFF  }
0xc1: {  	_ =	task.clear_ibuf [dreg:s6], $0x2FFFF;
	_ =	strace $0x9FFFFFFF  }
0xc2: {  	(tm) =	ssettm $0x7FFFFFFF  }
0xc3: {  	_ =	shalt  }
tec
execute0_lowered:
.L_overlay_start_1:
0x0: {  	(tag) =	ssettag $0x1  }
0x1: {  	s0 =	rddreg [dreg:$0x0]  }
0x2: {  	s1 =	rddreg [dreg:$0x1]  }
0x3: {  	s2 =	simm.s32 $0x0;
	s4 =	srdreg.scid;
	s9 =	stileid.u32  }
0x4: {  	s28 =	simm.s32 $0x200;
	s29 =	simm.s32 $0x8300;
	s30 =	simm.s32 $0x180  }
0x5: {  	s31 =	simm.s32 $0x2;
	[smem:$0x7FF] =	sst s2;
	s3 =	sadd.s32 $0x12600, s0  }
0x6: {  	s6 =	sadd.s32 $0x61000, s0;
	s8 =	sand.u32 $0x1, s4;
	s11 =	smul.u32 $0x4E000, s9  }
0x7: {  	s4 =	sadd.s32 $0x11800, s0;
	s0 =	sadd.s32 $0x75400, s0;
	s22 =	smul.u32 $0x13800, s9  }
0x8: {  	s15 =	sshll.u32 s9, $0x6;
	s23 =	smul.u32 $0x5100, s9;
	p0 =	sne.s32 s9, $0x0  }
0x9: {  	_ =	strace $0x80000056;
	s5 =	ssub.s32 $0x2, s8;
	s17 =	smul.u32 $0x138800, s8  }
0xa: {  	s10 =	sshll.u32 s8, $0x4;
	s8 =	smul.u32 $0x51000, s8;
	s7 =	sshrl.u32 s5, $0x1  }
0xb: {  	s13 =	sor.u32 s9, s10;
	s14 =	sshrl.u32 s11, $0x2;
	s12 =	ssub.s32 s5, s7  }
0xc: {  	s16 =	smul.u32 $0x5100, s13;
	s18 =	sadd.s32 s14, s1;
	s5 =	sor.u32 $0x1C03, s15  }
0xd: {  	s13 =	sadd.s32 $0x138000, s1;
	s11 =	sadd.s32 s22, s17;
	s10 =	sshrl.u32 s17, $0x3  }
0xe: {  	s25 =	sadd.s32 s23, s8;
	s22 =	simm.s32 $0x80;
	s23 =	simm.s32 $0x300  }
0xf: {  	s20 =	sadd.s32 $0x6800, s18;
	s21 =	sadd.s32 $0xD000, s18;
	[dreg:$0x3] =	wrdreg s13  }
0x10: {  	s11 =	sshrl.u32 s11, $0x3;
	s10 =	sadd.s32 s0, s10;
	s8 =	sadd.s32 $0x700, s25  }
0x11: {  	s18 =	sshrl.u32 s18, $0x3;
	s19 =	sshrl.u32 s16, $0x3;
	s0 =	sadd.s32 s0, s11  }
0x12: {  	s24 =	sadd.s32 $0x27000, s10;
	s11 =	smax.u32 s12, $0x1;
	s8 =	sshrl.u32 s8, $0x3  }
0x13: {  	s16 =	sadd.s32 $0x600, s25;
	s20 =	sshrl.u32 s20, $0x3;
	[dreg:$0x5] =	wrdreg s0  }
0x14: {  	s21 =	sshrl.u32 s21, $0x3;
	s7 =	sadd.s32 s6, s19;
	[dreg:$0x6] =	wrdreg s24  }
0x15: {  	s0 =	sadd.s32 $0x500, s25;
	s15 =	sadd.s32 s8, s6;
	s26 =	sshrl.u32 s16, $0x3  }
.Ltmp0:
0x16: {  	s19 =	simm.s32 $0x3;
	s24 =	simm.s32 $0x100;
	(pc) =	sbr.rel .LBB2_1-.Ltmp0, $4  }
0x17: {  	s25 =	simm.s32 $0x4300;
	s14 =	sadd.s32 $0x20, s7;
	s12 =	sadd.s32 $0x40, s7  }
0x18: {  	s13 =	sadd.s32 $0x60, s7;
	s0 =	sshrl.u32 s0, $0x3;
	s16 =	sadd.s32 s26, s6  }
0x19: {  	s26 =	simm.s32 $0x1;
	[dreg:$0x4] =	wrdreg s14;
	s14 =	sadd.s32 $0x80, s7  }
0x1a: {  	s17 =	sadd.s32 s0, s6;
	s0 =	simm.s32 $0x280;
	s6 =	simm.s32 $0x0  }
.LBB2_4:
0x1b: {  	_ =	swait.ge [sflag:s26], $0x4000  }
0x1c: {  	[sflag:s26] =	ssyncset.done $0x0  }
0x1d: {  	[sflag:s26] =	ssyncadd.s32 $0xFFFFC000  }
0x1e: {  	[spmem:s1] =	stream.indirect.scatter.add.f32 [tilespmem:s29], [sflag:$0x2], $0x80, s0, s22, $0xb8;
	[tilespmem:$0x1FD80] =	vst v63  }
0x1f: {  	_ =	swait.ge [sflag:s31], $0x4000  }
0x20: {  	[sflag:s31] =	ssyncset.done $0x0  }
0x21: {  	[sflag:s31] =	ssyncadd.s32 $0xFFFFC000  }
0x22: {  	_ =	swait.ge [sflag:s31], $0x4000  }
0x23: {  	[sflag:s31] =	ssyncset.done $0x0  }
0x24: {  	[sflag:s31] =	ssyncadd.s32 $0xFFFFC000  }
0x25: {  	[bflag:$0x0] =	sbarrier.arrive $0xFFFF  }
0x26: {  	s9 =	rddreg [dreg:$0x5]  }
0x27: {  	[hbm:s9], [sflag:s5] =	dma.local [spmem:s18], $0x2700  }
0x28: {  	_ =	swait.ge [sflag:s19], $0x2700  }
0x29: {  	s6 =	sadd.s32 $0x1, s6;
	[sflag:s19] =	ssyncset.done $0x0  }
0x2a: {  	p1 =	sne.s32 s6, s11;
	s9 =	rddreg [dreg:$0x6];
	[sflag:s19] =	ssyncadd.s32 $0xFFFFD900  }
0x2b: {  	[hbm:s9], [sflag:s5] =	dma.local @!p0 [spmem:s8], $0x100  }
.Ltmp1:
0x2c: {  	_ = 	snop;
	(pc) =	sbr.rel @!p1 .LBB2_5-.Ltmp1, $4  }
0x2d: {  	s8 =	simm.s32 @!p0 $0x3  }
0x2e: {  	_ =	swait.ge @!p0 [sflag:s8], $0x100  }
0x2f: {  	[sflag:s8] =	ssyncset.done @!p0 $0x0  }
0x30: {  	[sflag:s8] =	ssyncadd.s32 @!p0 $0xFFFFFF00  }
.LBB2_1:
0x31: {  	[spmem:s18], [sflag:s5] =	dma.local [hbm:s4], $0xD00  }
0x32: {  	_ =	swait.ge [sflag:s19], $0xD00  }
0x33: {  	[sflag:s19] =	ssyncset.done $0x0  }
0x34: {  	[sflag:s19] =	ssyncadd.s32 $0xFFFFF300  }
0x35: {  	[spmem:s20], [sflag:s5] =	dma.local [hbm:s4], $0xD00  }
0x36: {  	_ =	swait.ge [sflag:s19], $0xD00  }
0x37: {  	[sflag:s19] =	ssyncset.done $0x0  }
0x38: {  	[sflag:s19] =	ssyncadd.s32 $0xFFFFF300  }
0x39: {  	[spmem:s21], [sflag:s5] =	dma.local [hbm:s4], $0xD00  }
0x3a: {  	_ =	swait.ge [sflag:s19], $0xD00  }
0x3b: {  	[sflag:s19] =	ssyncset.done $0x0;
	s8 =	rddreg [dreg:$0x3]  }
0x3c: {  	s9 =	simm.s32 @!p0 $0x3;
	[sflag:s19] =	ssyncadd.s32 $0xFFFFF300;
	s8 =	sshrl.u32 @!p0 s8, $0x3  }
0x3d: {  	[spmem:s8], [sflag:s5] =	dma.local @!p0 [hbm:s4], $0x100  }
0x3e: {  	_ =	swait.ge @!p0 [sflag:s9], $0x100  }
0x3f: {  	[sflag:s9] =	ssyncset.done @!p0 $0x0  }
0x40: {  	[sflag:s9] =	ssyncadd.s32 @!p0 $0xFFFFFF00  }
0x41: {  	[bflag:$0x0] =	sbarrier.arrive $0xFFFF  }
0x42: {  	[tilespmem:s2], [sflag:$0x3] =	stream.linear.gather [hbm4b:s7+s2], $0x100, $0x38;
	[tilespmem:$0x1FD80] =	vst v63  }
0x43: {  	_ =	swait.ge [sflag:s19], $0x100  }
0x44: {  	[sflag:s19] =	ssyncset.done $0x0  }
0x45: {  	[sflag:s19] =	ssyncadd.s32 $0xFFFFFF00  }
0x46: {  	[tilespmem:s23], [sflag:$0x1] =	stream.indirect.gather [hbm4b:s3+s22], $0x80, s2, s22, $0xb8;
	[tilespmem:$0x1FD80] =	vst v63  }
0x47: {  	s10 =	rddreg [dreg:$0x4]  }
0x48: {  	[tilespmem:s24], [sflag:$0x3] =	stream.linear.gather [hbm4b:s10+s2], $0x100, $0x38;
	[tilespmem:$0x1FD80] =	vst v63  }
0x49: {  	_ =	swait.ge [sflag:s19], $0x100  }
0x4a: {  	[sflag:s19] =	ssyncset.done $0x0  }
0x4b: {  	[sflag:s19] =	ssyncadd.s32 $0xFFFFFF00  }
0x4c: {  	[tilespmem:s25], [sflag:$0x1] =	stream.indirect.gather [hbm4b:s3+s22], $0x80, s24, s22, $0xb8;
	[tilespmem:$0x1FD80] =	vst v63  }
0x4d: {  	_ =	swait.ge [sflag:s26], $0x4000  }
0x4e: {  	[sflag:s26] =	ssyncset.done $0x0  }
0x4f: {  	[sflag:s26] =	ssyncadd.s32 $0xFFFFC000  }
0x50: {  	[spmem:s1] =	stream.indirect.scatter.add.f32 [tilespmem:s23], [sflag:$0x2], $0x80, s22, s22, $0xb8;
	[tilespmem:$0x1FD80] =	vst v63  }
0x51: {  	_ = 	snop  }
0x52: {  	[tilespmem:s28], [sflag:$0x3] =	stream.linear.gather [hbm4b:s12+s2], $0x100, $0x38;
	[tilespmem:$0x1FD80] =	vst v63  }
0x53: {  	_ =	swait.ge [sflag:s19], $0x100  }
0x54: {  	[sflag:s19] =	ssyncset.done $0x0  }
0x55: {  	[sflag:s19] =	ssyncadd.s32 $0xFFFFFF00  }
0x56: {  	[tilespmem:s29], [sflag:$0x1] =	stream.indirect.gather [hbm4b:s3+s22], $0x80, s28, s22, $0xb8;
	[tilespmem:$0x1FD80] =	vst v63  }
0x57: {  	_ =	swait.ge [sflag:s26], $0x4000  }
0x58: {  	[sflag:s26] =	ssyncset.done $0x0  }
0x59: {  	[sflag:s26] =	ssyncadd.s32 $0xFFFFC000  }
0x5a: {  	[spmem:s1] =	stream.indirect.scatter.add.f32 [tilespmem:s25], [sflag:$0x2], $0x80, s30, s22, $0xb8;
	[tilespmem:$0x1FD80] =	vst v63  }
0x5b: {  	_ =	swait.ge [sflag:s31], $0x4000  }
0x5c: {  	[sflag:s31] =	ssyncset.done $0x0  }
0x5d: {  	[sflag:s31] =	ssyncadd.s32 $0xFFFFC000  }
0x5e: {  	[tilespmem:s2], [sflag:$0x3] =	stream.linear.gather [hbm4b:s13+s2], $0x100, $0x38;
	[tilespmem:$0x1FD80] =	vst v63  }
0x5f: {  	_ =	swait.ge [sflag:s19], $0x100  }
0x60: {  	[sflag:s19] =	ssyncset.done $0x0  }
0x61: {  	[sflag:s19] =	ssyncadd.s32 $0xFFFFFF00  }
0x62: {  	[tilespmem:s23], [sflag:$0x1] =	stream.indirect.gather [hbm4b:s3+s22], $0x80, s2, s22, $0xb8;
	[tilespmem:$0x1FD80] =	vst v63  }
0x63: {  	_ =	swait.ge [sflag:s26], $0x4000  }
0x64: {  	[sflag:s26] =	ssyncset.done $0x0  }
0x65: {  	[sflag:s26] =	ssyncadd.s32 $0xFFFFC000  }
0x66: {  	[spmem:s1] =	stream.indirect.scatter.add.f32 [tilespmem:s29], [sflag:$0x2], $0x80, s0, s22, $0xb8;
	[tilespmem:$0x1FD80] =	vst v63  }
0x67: {  	_ =	swait.ge [sflag:s31], $0x4000  }
0x68: {  	[sflag:s31] =	ssyncset.done $0x0  }
0x69: {  	[sflag:s31] =	ssyncadd.s32 $0xFFFFC000  }
0x6a: {  	[tilespmem:s24], [sflag:$0x3] =	stream.linear.gather [hbm4b:s14+s2], $0x100, $0x38;
	[tilespmem:$0x1FD80] =	vst v63  }
0x6b: {  	_ =	swait.ge [sflag:s19], $0x100  }
0x6c: {  	[sflag:s19] =	ssyncset.done $0x0  }
0x6d: {  	s9 =	simm.s32 $0x0;
	[sflag:s19] =	ssyncadd.s32 $0xFFFFFF00  }
0x6e: {  	[tilespmem:s25], [sflag:$0x1] =	stream.indirect.gather [hbm4b:s3+s22], $0x80, s24, s22, $0xb8;
	[tilespmem:$0x1FD80] =	vst v63  }
.LBB2_2:
0x6f: {  	_ =	swait.ge [sflag:s26], $0x4000  }
0x70: {  	[sflag:s26] =	ssyncset.done $0x0  }
0x71: {  	[sflag:s26] =	ssyncadd.s32 $0xFFFFC000  }
0x72: {  	[spmem:s1] =	stream.indirect.scatter.add.f32 [tilespmem:s23], [sflag:$0x2], $0x80, s22, s22, $0xb8;
	[tilespmem:$0x1FD80] =	vst v63  }
0x73: {  	_ =	swait.ge [sflag:s31], $0x4000  }
0x74: {  	[sflag:s31] =	ssyncset.done $0x0  }
0x75: {  	s10 =	sadd.s32 s9, s17;
	[sflag:s31] =	ssyncadd.s32 $0xFFFFC000  }
0x76: {  	[tilespmem:s28], [sflag:$0x3] =	stream.linear.gather [hbm4b:s10+s2], $0x100, $0x38;
	[tilespmem:$0x1FD80] =	vst v63  }
0x77: {  	_ =	swait.ge [sflag:s19], $0x100  }
0x78: {  	[sflag:s19] =	ssyncset.done $0x0  }
0x79: {  	[sflag:s19] =	ssyncadd.s32 $0xFFFFFF00  }
0x7a: {  	[tilespmem:s29], [sflag:$0x1] =	stream.indirect.gather [hbm4b:s3+s22], $0x80, s28, s22, $0xb8;
	[tilespmem:$0x1FD80] =	vst v63  }
0x7b: {  	_ =	swait.ge [sflag:s26], $0x4000  }
0x7c: {  	p1 =	seq.s32 s9, $0x960;
	[sflag:s26] =	ssyncset.done $0x0  }
.Ltmp2:
0x7d: {  	[sflag:s26] =	ssyncadd.s32 $0xFFFFC000;
	(pc) =	sbr.rel @p1 .LBB2_4-.Ltmp2, $4  }
0x7e: {  	[spmem:s1] =	stream.indirect.scatter.add.f32 [tilespmem:s25], [sflag:$0x2], $0x80, s30, s22, $0xb8;
	[tilespmem:$0x1FD80] =	vst v63  }
0x7f: {  	_ =	swait.ge [sflag:s31], $0x4000  }
0x80: {  	[sflag:s31] =	ssyncset.done $0x0  }
0x81: {  	[sflag:s31] =	ssyncadd.s32 $0xFFFFC000  }
0x82: {  	s10 =	sadd.s32 s9, s16  }
0x83: {  	[tilespmem:s2], [sflag:$0x3] =	stream.linear.gather [hbm4b:s10+s2], $0x100, $0x38;
	[tilespmem:$0x1FD80] =	vst v63  }
0x84: {  	_ =	swait.ge [sflag:s19], $0x100  }
0x85: {  	[sflag:s19] =	ssyncset.done $0x0  }
0x86: {  	[sflag:s19] =	ssyncadd.s32 $0xFFFFFF00  }
0x87: {  	[tilespmem:s23], [sflag:$0x1] =	stream.indirect.gather [hbm4b:s3+s22], $0x80, s2, s22, $0xb8;
	[tilespmem:$0x1FD80] =	vst v63  }
0x88: {  	_ =	swait.ge [sflag:s26], $0x4000  }
0x89: {  	[sflag:s26] =	ssyncset.done $0x0  }
0x8a: {  	[sflag:s26] =	ssyncadd.s32 $0xFFFFC000  }
0x8b: {  	[spmem:s1] =	stream.indirect.scatter.add.f32 [tilespmem:s29], [sflag:$0x2], $0x80, s0, s22, $0xb8;
	[tilespmem:$0x1FD80] =	vst v63  }
0x8c: {  	_ =	swait.ge [sflag:s31], $0x4000  }
0x8d: {  	[sflag:s31] =	ssyncset.done $0x0  }
0x8e: {  	s10 =	sadd.s32 s9, s15;
	[sflag:s31] =	ssyncadd.s32 $0xFFFFC000  }
0x8f: {  	[tilespmem:s24], [sflag:$0x3] =	stream.linear.gather [hbm4b:s10+s2], $0x100, $0x38;
	[tilespmem:$0x1FD80] =	vst v63  }
.Ltmp3:
0x90: {  	_ = 	snop;
	(pc) =	sbr.rel .LBB2_2-.Ltmp3, $4  }
0x91: {  	_ =	swait.ge [sflag:s19], $0x100  }
0x92: {  	[sflag:s19] =	ssyncset.done $0x0  }
0x93: {  	s9 =	sadd.s32 $0x60, s9;
	[sflag:s19] =	ssyncadd.s32 $0xFFFFFF00  }
0x94: {  	[tilespmem:s25], [sflag:$0x1] =	stream.indirect.gather [hbm4b:s3+s22], $0x80, s24, s22, $0xb8;
	[tilespmem:$0x1FD80] =	vst v63  }
.LBB2_5:
0x95: {  	_ =	sfence.sel $0x180000  }
0x96: {  	[bflag:$0x0] =	sbarrier.arrive $0xFFFF  }
0x97: {  	_ =	strace $0x90000056  }
0x98: {  	[bflag:$0x2] =	sbarrier.arrive $0xFFFF  }
0x99: {  	s0 =	rddreg [dreg:$0x2]  }
0x9a: {  	s0 =	sadd.s32 @!p0 $0x100000, s0  }
0x9b: {  	[sflag:s0] =	ssyncadd.tile.s32 @!p0 $0x1;
	_ =	shalt  }
.Lfunc_end2:
_tile_overlayer_lowered:
.L_overlay_start_2:
0x9c: {  	(tag) =	ssettag $0x2  }
0x9d: {  	s0 =	rddreg [dreg:$0x0];
	s2 =	stileid.u32  }
0x9e: {  	s1 =	rddreg [dreg:$0x1];
	p0 =	sne.s32 s2, $0x0  }
0x9f: {  	s3 =	rddreg [dreg:$0x2];
	[bflag:$0x3] =	sbarrier.arrive $0xFFFF;
	s2 =	simm.s32 @!p0 $0x1C03  }
0xa0: {  	[timem:s3], [sflag:s2] =	dma.local @!p0 [hbm:s0], s1  }
0xa1: {  	s0 =	simm.s32 @!p0 $0x3  }
0xa2: {  	_ =	swait.ge @!p0 [sflag:s0], s1  }
0xa3: {  	s1 =	ssub.s32 @!p0 $0x0, s1;
	[sflag:s0] =	ssyncset.done @!p0 $0x0  }
0xa4: {  	[sflag:s0] =	ssyncadd.s32 @!p0 s1  }
0xa5: {  	[bflag:$0x3] =	sbarrier.arrive $0xFFFF  }
0xa6: {  	_ =	shalt  }

// kernel: kernel.41.cloned.1.call-start
scs
__scs_entry_jumppad:
0x0: {  	(pc) =	sbr.rel $0x88, $3  }
0x1: {  	(tag) =	ssettag $0x0;
	lr =	simm.s32 $0x1  }
0x2: {  	[smem:$0x3F92] =	sst lr;
	_ =	strace $0xD0000000  }
0x3: {  	_ = 	snop  }
0x4: {  	_ = 	snop  }
0x5: {  	_ = 	snop  }
0x6: {  	_ = 	snop  }
0x7: {  	_ = 	snop  }
__scs_overlays_trampoline_lowered:
0x8: {  	[smem:$0x3FA1] =	sst s0  }
0x9: {  	[smem:$0x3FA2] =	sst s1  }
0xa: {  	[smem:$0x3FA3] =	sst s2  }
0xb: {  	[smem:$0x3FA4] =	sst s3  }
0xc: {  	[smem:$0x3FA5] =	sst s4  }
0xd: {  	[smem:$0x3FA6] =	sst s5  }
0xe: {  	[smem:$0x3FA7] =	sst s6  }
0xf: {  	[smem:$0x3FA8] =	sst s7  }
0x10: {  	[smem:$0x3FA9] =	sst s8  }
0x11: {  	[smem:$0x3FAA] =	sst s9;
	s0 =	simm.s32 @!p0 $0x0  }
0x12: {  	s1 =	sld [smem:$0x3F90];
	s0 =	simm.s32 @p0 $0x1  }
0x13: {  	[smem:$0x3FAB] =	sst s0;
	s0 =	simm.s32 @!p1 $0x0  }
0x14: {  	s2 =	sld [smem:$0x3F8F];
	s0 =	simm.s32 @p1 $0x1  }
0x15: {  	[smem:$0x3FAC] =	sst s0;
	s0 =	simm.s32 @!p2 $0x0  }
0x16: {  	s3 =	sld [smem:$0x3FDB];
	s0 =	simm.s32 @p2 $0x1  }
0x17: {  	s4 =	simm.s32 $0x1BF5;
	[smem:$0x3FAE] =	sst s0  }
0x18: {  	s0 =	sld [smem:$0x3F91];
	_ =	swait.ge [sflag:s4], $0x0  }
0x19: {  	s7 =	sld [smem:$0x3F92]  }
0x1a: {  	s8 =	sadd.s32 $0xFFFFE003, lr  }
0x1b: {  	s9 =	sadd.s32 $0xFFFFFEF7, lr;
	s5 =	simm.s32 $0xFFFFFFFF;
	p2 =	slt.u32 s8, $0xFFFFF086  }
0x1c: {  	p1 =	slt.u32 s9, $0xF7A;
	s5 =	simm.s32 @!p2 $0x0  }
0x1d: {  	s5 =	simm.s32 @p1 $0x1;
	p0 =	seq.s32 s7, s2  }
0x1e: {  	s7 =	smul.u32 @!p0 $0xF7A, s2;
	p2 =	seq.s32 @!p0 s5, $0x0  }
0x1f: {  	s9 =	smul.u32 $0xF7A, s1;
	s8 =	simm.s32 @!p0 $0x1BF5;
	p2 =	por !p2, p0  }
0x20: {  	[sflag:s8] =	ssyncset.s32 @!p0 $0xFFFFF086;
	s6 =	sadd.s32 @!p0 s3, s7;
	s7 =	simm.s32 @!p0 $0x108  }
0x21: {  	s3 =	sadd.s32 s3, s9;
	s6 =	sadd.s32 @!p0 $0x88, s6;
	s7 =	simm.s32 @p2 $0x1082  }
0x22: {  	[simem:s7], [sflag:s8] =	dma.local @!p0 [hbm:s6], $0xF7A  }
0x23: {  	s9 =	sor.u32 $0xD0000000, s2;
	s6 =	simm.s32 $0x108;
	_ =	swait.ge @!p0 [sflag:s8], $0x0  }
0x24: {  	s3 =	sadd.s32 $0x88, s3;
	s6 =	simm.s32 @!p1 $0x1082;
	[sflag:s4] =	ssyncset.s32 $0xFFFFF086  }
0x25: {  	[simem:s6], [sflag:s4] =	dma.local [hbm:s3], $0xF7A  }
0x26: {  	[smem:$0x3F92] =	sst s1;
	(tag) =	ssettag s2;
	_ =	strace s9  }
0x27: {  	s1 =	sld [smem:$0x3FA2]  }
0x28: {  	s2 =	sld [smem:$0x3FA3]  }
0x29: {  	s4 =	sld [smem:$0x3FA5]  }
0x2a: {  	p0 =	seq.s32 s5, $0x0;
	s5 =	sld [smem:$0x3FA6]  }
0x2b: {  	s6 =	sld [smem:$0x3FA7]  }
0x2c: {  	s7 =	sld [smem:$0x3FA8]  }
0x2d: {  	s3 =	simm.s32 $0x108;
	s8 =	sld [smem:$0x3FA9]  }
0x2e: {  	s3 =	simm.s32 @!p0 $0x1082;
	s9 =	sld [smem:$0x3FAA]  }
0x2f: {  	lr =	sadd.s32 s0, s3;
	s0 =	sld [smem:$0x3FA1]  }
0x30: {  	s3 =	sld [smem:$0x3FA4]  }
0x31: {  	[smem:$0x3FAD] =	sst s10  }
0x32: {  	s10 =	sld [smem:$0x3FAB];
	_ =	sdelay $0x3  }
0x33: {  	p0 =	seq.s32 s10, $0x1;
	s10 =	sld [smem:$0x3FAD];
	_ =	sdelay $0x3  }
0x34: {  	[smem:$0x3FAD] =	sst s10  }
0x35: {  	s10 =	sld [smem:$0x3FAC];
	_ =	sdelay $0x3  }
0x36: {  	p1 =	seq.s32 s10, $0x1;
	s10 =	sld [smem:$0x3FAD];
	_ =	sdelay $0x3  }
0x37: {  	[smem:$0x3FAD] =	sst s10  }
0x38: {  	s10 =	sld [smem:$0x3FAE]  }
0x39: {  	_ = 	snop;
	(pc) =	sbr.ind lr, $3  }
0x3a: {  	_ = 	snop  }
0x3b: {  	_ = 	snop  }
0x3c: {  	p2 =	seq.s32 s10, $0x1;
	s10 =	sld [smem:$0x3FAD]  }
0x3d: {  	_ =	shalt  }
0x3e: {  	_ =	shalt  }
0x3f: {  	_ =	shalt  }
0x40: {  	_ =	shalt  }
0x41: {  	_ =	shalt  }
0x42: {  	_ =	shalt  }
0x43: {  	_ =	shalt  }
0x44: {  	_ =	shalt  }
0x45: {  	_ =	shalt  }
0x46: {  	_ =	shalt  }
0x47: {  	_ =	shalt  }
0x48: {  	_ =	shalt  }
0x49: {  	_ =	shalt  }
0x4a: {  	_ =	shalt  }
0x4b: {  	_ =	shalt  }
0x4c: {  	_ =	shalt  }
0x4d: {  	_ =	shalt  }
0x4e: {  	_ =	shalt  }
0x4f: {  	_ =	shalt  }
0x50: {  	_ =	shalt  }
0x51: {  	_ =	shalt  }
0x52: {  	_ =	shalt  }
0x53: {  	_ =	shalt  }
0x54: {  	_ =	shalt  }
0x55: {  	_ =	shalt  }
0x56: {  	_ =	shalt  }
0x57: {  	_ =	shalt  }
0x58: {  	_ =	shalt  }
0x59: {  	_ =	shalt  }
0x5a: {  	_ =	shalt  }
0x5b: {  	_ =	shalt  }
0x5c: {  	_ =	shalt  }
0x5d: {  	_ =	shalt  }
0x5e: {  	_ =	shalt  }
0x5f: {  	_ =	shalt  }
0x60: {  	_ =	shalt  }
0x61: {  	_ =	shalt  }
0x62: {  	_ =	shalt  }
0x63: {  	_ =	shalt  }
0x64: {  	_ =	shalt  }
0x65: {  	_ =	shalt  }
0x66: {  	_ =	shalt  }
0x67: {  	_ =	shalt  }
0x68: {  	_ =	shalt  }
0x69: {  	_ =	shalt  }
0x6a: {  	_ =	shalt  }
0x6b: {  	_ =	shalt  }
0x6c: {  	_ =	shalt  }
0x6d: {  	_ =	shalt  }
0x6e: {  	_ =	shalt  }
0x6f: {  	_ =	shalt  }
0x70: {  	_ =	shalt  }
0x71: {  	_ =	shalt  }
0x72: {  	_ =	shalt  }
0x73: {  	_ =	shalt  }
0x74: {  	_ =	shalt  }
0x75: {  	_ =	shalt  }
0x76: {  	_ =	shalt  }
0x77: {  	_ =	shalt  }
0x78: {  	_ =	shalt  }
0x79: {  	_ =	shalt  }
0x7a: {  	_ =	shalt  }
0x7b: {  	_ =	shalt  }
0x7c: {  	_ =	shalt  }
0x7d: {  	_ =	shalt  }
0x7e: {  	_ =	shalt  }
0x7f: {  	_ =	shalt  }
0x80: {  	_ =	shalt  }
0x81: {  	_ =	shalt  }
0x82: {  	_ =	shalt  }
0x83: {  	_ =	shalt  }
0x84: {  	_ =	shalt  }
0x85: {  	_ =	shalt  }
0x86: {  	_ =	shalt  }
0x87: {  	_ =	shalt  }
.Lfunc_end0:
.L_simem_size_0:
called_computation.6_lowered:
.L_overlay_start_0:
0x88: {  	s2 =	sld [smem:$0x3FD9]  }
0x89: {  	s3 =	sld [smem:$0x3FFE];
	_ =	sdelay $0x1  }
0x8a: {  	s1 =	srdreg.scid  }
0x8b: {  	s0 =	sand.u32 $0x1, s1  }
0x8c: {  	s16 =	sshll.u32 s0, $0xA;
	s2 =	sadd.s32 s3, s2  }
0x8d: {  	s2 =	sadd.s32 s2, s16  }
0x8e: {  	[smem:$0x3FB9] =	sst s2  }
0x8f: {  	_ = 	snop  }
0x90: {  	(tm) =	ssettm $0x1  }
0x91: {  	s17 =	sld [smem:$0x3FFB];
	_ =	sdelay $0x3  }
0x92: {  	_ =	strace s17  }
0x93: {  	s2 =	sld [smem:$0x3FFC];
	_ =	sdelay $0x3  }
0x94: {  	_ =	strace s2  }
0x95: {  	s2 =	sld [smem:$0x3FFD];
	_ =	sdelay $0x3  }
0x96: {  	_ =	strace s2  }
0x97: {  	_ =	strace $0x8FFFFFFF  }
0x98: {  	s18 =	sld [smem:$0x3FDB];
	_ =	sdelay $0x1  }
0x99: {  	s19 =	simm.s32 $_scs_section_size  }
0x9a: {  	s4 =	simm.s32 $_size__tile_overlayer_lowered;
	s5 =	simm.s32 $_tile_overlayer_lowered  }
0x9b: {  	s22 =	simm.s32 $0x1BFF;
	s21 =	sshll.u32 s5, $0x1;
	s2 =	sadd.s32 s19, s18  }
0x9c: {  	s6 =	simm.s32 $0x0;
	s20 =	sshll.u32 s4, $0x1;
	s4 =	sadd.s32 s21, s2  }
0x9d: {  	[timem:s6], [sflag:s22] =	dma.local [hbm:s4], s20  }
0x9e: {  	_ =	swait.ge [sflag:s22], s20  }
0x9f: {  	s3 =	ssub.s32 $0x0, s20;
	[sflag:s22] =	ssyncset.done $0x0  }
0xa0: {  	[sflag:s22] =	ssyncadd.s32 s3;
	_ =	sdelay $0x1  }
0xa1: {  	s23 =	simm.s32 $0x1B8B  }
0xa2: {  	_ =	swait.ge [sflag:s23], $0x1  }
0xa3: {  	[sflag:s23] =	ssyncset.done $0x0  }
0xa4: {  	s25 =	simm.s32 $0x1B8E;
	s24 =	sld [smem:$0x3FFE];
	[sflag:s23] =	ssyncadd.s32 $0xFFFFFFFF  }
0xa5: {  	s26 =	simm.s32 $execute0_lowered;
	[smem:$0x3FD2] =	sst s25  }
0xa6: {  	s4 =	sshll.u32 s26, $0x1;
	_ =	strace $0x80000058;
	[dreg:$0x1] =	wrdreg $0xFFFFFFFF  }
0xa7: {  	s28 =	simm.s32 $_size_execute0_lowered;
	s2 =	sadd.s32 s2, s4;
	[dreg:$0x0] =	wrdreg $0x0  }
0xa8: {  	s4 =	sshll.u32 s28, $0x1;
	[dreg:$0x2] =	wrdreg s2  }
0xa9: {  	[dreg:$0x3] =	wrdreg s4  }
0xaa: {  	[dreg:$0x4] =	wrdreg $0xC0  }
0xab: {  	_ =	task [dreg:s6], $0x5FFFF  }
0xac: {  	[dreg:$0x1] =	wrdreg $0xFFFFFFFF  }
0xad: {  	[dreg:$0x0] =	wrdreg $0x60  }
0xae: {  	[dreg:$0x2] =	wrdreg s24  }
0xaf: {  	[dreg:$0x3] =	wrdreg $0xC3000  }
0xb0: {  	[dreg:$0x4] =	wrdreg $0x9  }
0xb1: {  	_ =	task.clear_ibuf [dreg:s6], $0x5FFFF;
	_ =	strace $0x90000058  }
0xb2: {  	s29 =	simm.s32 $0x9;
	_ =	strace $0x8000005A  }
0xb3: {  	_ =	swait.ge [sflag:s29], $0x1  }
0xb4: {  	[sflag:s29] =	ssyncadd.s32 $0xFFFFFFFF  }
0xb5: {  	_ =	strace $0x9000005A  }
0xb6: {  	_ =	sfence  }
0xb7: {  	s30 =	sld [smem:$0x0];
	_ =	sdelay $0x2  }
0xb8: {  	s31 =	sshll.u32 s1, $0xD;
	s1 =	sshrl.u32 s1, $0x2  }
0xb9: {  	s3 =	sand.u32 $0x4000, s31;
	s1 =	sadd.s32 s1, s30  }
0xba: {  	s0 =	sor.u32 s3, s0;
	s1 =	sshll.u32 s1, $0x11  }
0xbb: {  	s0 =	sor.u32 s1, s0  }
0xbc: {  	s0 =	sadd.s32 $0x8F2B, s0  }
0xbd: {  	[sflag:s0] =	ssyncadd.remote.s32 $0x1  }
0xbe: {  	_ =	sfence.sel $0xFFFF  }
0xbf: {  	[dreg:$0x0] =	wrdreg $0xFFFFFFFF;
	(pc) =	sbr.abs _section_cstart, $3  }
0xc0: {  	[dreg:$0x1] =	wrdreg $0xFFFFFFFF  }
0xc1: {  	_ =	task.clear_ibuf [dreg:s6], $0x2FFFF;
	_ =	strace $0x9FFFFFFF  }
0xc2: {  	(tm) =	ssettm $0x7FFFFFFF  }
0xc3: {  	_ =	shalt  }
tec
execute0_lowered:
.L_overlay_start_1:
0x0: {  	(tag) =	ssettag $0x1  }
0x1: {  	s0 =	rddreg [dreg:$0x0]  }
0x2: {  	s1 =	rddreg [dreg:$0x1]  }
0x3: {  	s2 =	simm.s32 $0x0;
	s4 =	srdreg.scid;
	s9 =	stileid.u32  }
0x4: {  	s28 =	simm.s32 $0x200;
	s29 =	simm.s32 $0x8300;
	s30 =	simm.s32 $0x180  }
0x5: {  	s31 =	simm.s32 $0x2;
	[smem:$0x7FF] =	sst s2;
	s3 =	sadd.s32 $0x12600, s0  }
0x6: {  	s6 =	sadd.s32 $0x61000, s0;
	s8 =	sand.u32 $0x1, s4;
	s11 =	smul.u32 $0x4E000, s9  }
0x7: {  	s4 =	sadd.s32 $0x11800, s0;
	s0 =	sadd.s32 $0x75400, s0;
	s22 =	smul.u32 $0x13800, s9  }
0x8: {  	s15 =	sshll.u32 s9, $0x6;
	s23 =	smul.u32 $0x5100, s9;
	p0 =	sne.s32 s9, $0x0  }
0x9: {  	_ =	strace $0x80000059;
	s5 =	ssub.s32 $0x2, s8;
	s17 =	smul.u32 $0x138800, s8  }
0xa: {  	s10 =	sshll.u32 s8, $0x4;
	s8 =	smul.u32 $0x51000, s8;
	s7 =	sshrl.u32 s5, $0x1  }
0xb: {  	s13 =	sor.u32 s9, s10;
	s14 =	sshrl.u32 s11, $0x2;
	s12 =	ssub.s32 s5, s7  }
0xc: {  	s16 =	smul.u32 $0x5100, s13;
	s18 =	sadd.s32 s14, s1;
	s5 =	sor.u32 $0x1C03, s15  }
0xd: {  	s13 =	sadd.s32 $0x138000, s1;
	s11 =	sadd.s32 s22, s17;
	s10 =	sshrl.u32 s17, $0x3  }
0xe: {  	s25 =	sadd.s32 s23, s8;
	s22 =	simm.s32 $0x80;
	s23 =	simm.s32 $0x300  }
0xf: {  	s20 =	sadd.s32 $0x6800, s18;
	s21 =	sadd.s32 $0xD000, s18;
	[dreg:$0x3] =	wrdreg s13  }
0x10: {  	s11 =	sshrl.u32 s11, $0x3;
	s10 =	sadd.s32 s0, s10;
	s8 =	sadd.s32 $0x700, s25  }
0x11: {  	s18 =	sshrl.u32 s18, $0x3;
	s19 =	sshrl.u32 s16, $0x3;
	s0 =	sadd.s32 s0, s11  }
0x12: {  	s24 =	sadd.s32 $0x27000, s10;
	s11 =	smax.u32 s12, $0x1;
	s8 =	sshrl.u32 s8, $0x3  }
0x13: {  	s16 =	sadd.s32 $0x600, s25;
	s20 =	sshrl.u32 s20, $0x3;
	[dreg:$0x5] =	wrdreg s0  }
0x14: {  	s21 =	sshrl.u32 s21, $0x3;
	s7 =	sadd.s32 s6, s19;
	[dreg:$0x6] =	wrdreg s24  }
0x15: {  	s0 =	sadd.s32 $0x500, s25;
	s15 =	sadd.s32 s8, s6;
	s26 =	sshrl.u32 s16, $0x3  }
.Ltmp0:
0x16: {  	s19 =	simm.s32 $0x3;
	s24 =	simm.s32 $0x100;
	(pc) =	sbr.rel .LBB2_1-.Ltmp0, $4  }
0x17: {  	s25 =	simm.s32 $0x4300;
	s14 =	sadd.s32 $0x20, s7;
	s12 =	sadd.s32 $0x40, s7  }
0x18: {  	s13 =	sadd.s32 $0x60, s7;
	s0 =	sshrl.u32 s0, $0x3;
	s16 =	sadd.s32 s26, s6  }
0x19: {  	s26 =	simm.s32 $0x1;
	[dreg:$0x4] =	wrdreg s14;
	s14 =	sadd.s32 $0x80, s7  }
0x1a: {  	s17 =	sadd.s32 s0, s6;
	s0 =	simm.s32 $0x280;
	s6 =	simm.s32 $0x0  }
.LBB2_4:
0x1b: {  	_ =	swait.ge [sflag:s26], $0x4000  }
0x1c: {  	[sflag:s26] =	ssyncset.done $0x0  }
0x1d: {  	[sflag:s26] =	ssyncadd.s32 $0xFFFFC000  }
0x1e: {  	[spmem:s1] =	stream.indirect.scatter.add.f32 [tilespmem:s29], [sflag:$0x2], $0x80, s0, s22, $0xb8;
	[tilespmem:$0x1FD80] =	vst v63  }
0x1f: {  	_ =	swait.ge [sflag:s31], $0x4000  }
0x20: {  	[sflag:s31] =	ssyncset.done $0x0  }
0x21: {  	[sflag:s31] =	ssyncadd.s32 $0xFFFFC000  }
0x22: {  	_ =	swait.ge [sflag:s31], $0x4000  }
0x23: {  	[sflag:s31] =	ssyncset.done $0x0  }
0x24: {  	[sflag:s31] =	ssyncadd.s32 $0xFFFFC000  }
0x25: {  	[bflag:$0x0] =	sbarrier.arrive $0xFFFF  }
0x26: {  	s9 =	rddreg [dreg:$0x5]  }
0x27: {  	[hbm:s9], [sflag:s5] =	dma.local [spmem:s18], $0x2700  }
0x28: {  	_ =	swait.ge [sflag:s19], $0x2700  }
0x29: {  	s6 =	sadd.s32 $0x1, s6;
	[sflag:s19] =	ssyncset.done $0x0  }
0x2a: {  	p1 =	sne.s32 s6, s11;
	s9 =	rddreg [dreg:$0x6];
	[sflag:s19] =	ssyncadd.s32 $0xFFFFD900  }
0x2b: {  	[hbm:s9], [sflag:s5] =	dma.local @!p0 [spmem:s8], $0x100  }
.Ltmp1:
0x2c: {  	_ = 	snop;
	(pc) =	sbr.rel @!p1 .LBB2_5-.Ltmp1, $4  }
0x2d: {  	s8 =	simm.s32 @!p0 $0x3  }
0x2e: {  	_ =	swait.ge @!p0 [sflag:s8], $0x100  }
0x2f: {  	[sflag:s8] =	ssyncset.done @!p0 $0x0  }
0x30: {  	[sflag:s8] =	ssyncadd.s32 @!p0 $0xFFFFFF00  }
.LBB2_1:
0x31: {  	[spmem:s18], [sflag:s5] =	dma.local [hbm:s4], $0xD00  }
0x32: {  	_ =	swait.ge [sflag:s19], $0xD00  }
0x33: {  	[sflag:s19] =	ssyncset.done $0x0  }
0x34: {  	[sflag:s19] =	ssyncadd.s32 $0xFFFFF300  }
0x35: {  	[spmem:s20], [sflag:s5] =	dma.local [hbm:s4], $0xD00  }
0x36: {  	_ =	swait.ge [sflag:s19], $0xD00  }
0x37: {  	[sflag:s19] =	ssyncset.done $0x0  }
0x38: {  	[sflag:s19] =	ssyncadd.s32 $0xFFFFF300  }
0x39: {  	[spmem:s21], [sflag:s5] =	dma.local [hbm:s4], $0xD00  }
0x3a: {  	_ =	swait.ge [sflag:s19], $0xD00  }
0x3b: {  	[sflag:s19] =	ssyncset.done $0x0;
	s8 =	rddreg [dreg:$0x3]  }
0x3c: {  	s9 =	simm.s32 @!p0 $0x3;
	[sflag:s19] =	ssyncadd.s32 $0xFFFFF300;
	s8 =	sshrl.u32 @!p0 s8, $0x3  }
0x3d: {  	[spmem:s8], [sflag:s5] =	dma.local @!p0 [hbm:s4], $0x100  }
0x3e: {  	_ =	swait.ge @!p0 [sflag:s9], $0x100  }
0x3f: {  	[sflag:s9] =	ssyncset.done @!p0 $0x0  }
0x40: {  	[sflag:s9] =	ssyncadd.s32 @!p0 $0xFFFFFF00  }
0x41: {  	[bflag:$0x0] =	sbarrier.arrive $0xFFFF  }
0x42: {  	[tilespmem:s2], [sflag:$0x3] =	stream.linear.gather [hbm4b:s7+s2], $0x100, $0x38;
	[tilespmem:$0x1FD80] =	vst v63  }
0x43: {  	_ =	swait.ge [sflag:s19], $0x100  }
0x44: {  	[sflag:s19] =	ssyncset.done $0x0  }
0x45: {  	[sflag:s19] =	ssyncadd.s32 $0xFFFFFF00  }
0x46: {  	[tilespmem:s23], [sflag:$0x1] =	stream.indirect.gather [hbm4b:s3+s22], $0x80, s2, s22, $0xb8;
	[tilespmem:$0x1FD80] =	vst v63  }
0x47: {  	s10 =	rddreg [dreg:$0x4]  }
0x48: {  	[tilespmem:s24], [sflag:$0x3] =	stream.linear.gather [hbm4b:s10+s2], $0x100, $0x38;
	[tilespmem:$0x1FD80] =	vst v63  }
0x49: {  	_ =	swait.ge [sflag:s19], $0x100  }
0x4a: {  	[sflag:s19] =	ssyncset.done $0x0  }
0x4b: {  	[sflag:s19] =	ssyncadd.s32 $0xFFFFFF00  }
0x4c: {  	[tilespmem:s25], [sflag:$0x1] =	stream.indirect.gather [hbm4b:s3+s22], $0x80, s24, s22, $0xb8;
	[tilespmem:$0x1FD80] =	vst v63  }
0x4d: {  	_ =	swait.ge [sflag:s26], $0x4000  }
0x4e: {  	[sflag:s26] =	ssyncset.done $0x0  }
0x4f: {  	[sflag:s26] =	ssyncadd.s32 $0xFFFFC000  }
0x50: {  	[spmem:s1] =	stream.indirect.scatter.add.f32 [tilespmem:s23], [sflag:$0x2], $0x80, s22, s22, $0xb8;
	[tilespmem:$0x1FD80] =	vst v63  }
0x51: {  	_ = 	snop  }
0x52: {  	[tilespmem:s28], [sflag:$0x3] =	stream.linear.gather [hbm4b:s12+s2], $0x100, $0x38;
	[tilespmem:$0x1FD80] =	vst v63  }
0x53: {  	_ =	swait.ge [sflag:s19], $0x100  }
0x54: {  	[sflag:s19] =	ssyncset.done $0x0  }
0x55: {  	[sflag:s19] =	ssyncadd.s32 $0xFFFFFF00  }
0x56: {  	[tilespmem:s29], [sflag:$0x1] =	stream.indirect.gather [hbm4b:s3+s22], $0x80, s28, s22, $0xb8;
	[tilespmem:$0x1FD80] =	vst v63  }
0x57: {  	_ =	swait.ge [sflag:s26], $0x4000  }
0x58: {  	[sflag:s26] =	ssyncset.done $0x0  }
0x59: {  	[sflag:s26] =	ssyncadd.s32 $0xFFFFC000  }
0x5a: {  	[spmem:s1] =	stream.indirect.scatter.add.f32 [tilespmem:s25], [sflag:$0x2], $0x80, s30, s22, $0xb8;
	[tilespmem:$0x1FD80] =	vst v63  }
0x5b: {  	_ =	swait.ge [sflag:s31], $0x4000  }
0x5c: {  	[sflag:s31] =	ssyncset.done $0x0  }
0x5d: {  	[sflag:s31] =	ssyncadd.s32 $0xFFFFC000  }
0x5e: {  	[tilespmem:s2], [sflag:$0x3] =	stream.linear.gather [hbm4b:s13+s2], $0x100, $0x38;
	[tilespmem:$0x1FD80] =	vst v63  }
0x5f: {  	_ =	swait.ge [sflag:s19], $0x100  }
0x60: {  	[sflag:s19] =	ssyncset.done $0x0  }
0x61: {  	[sflag:s19] =	ssyncadd.s32 $0xFFFFFF00  }
0x62: {  	[tilespmem:s23], [sflag:$0x1] =	stream.indirect.gather [hbm4b:s3+s22], $0x80, s2, s22, $0xb8;
	[tilespmem:$0x1FD80] =	vst v63  }
0x63: {  	_ =	swait.ge [sflag:s26], $0x4000  }
0x64: {  	[sflag:s26] =	ssyncset.done $0x0  }
0x65: {  	[sflag:s26] =	ssyncadd.s32 $0xFFFFC000  }
0x66: {  	[spmem:s1] =	stream.indirect.scatter.add.f32 [tilespmem:s29], [sflag:$0x2], $0x80, s0, s22, $0xb8;
	[tilespmem:$0x1FD80] =	vst v63  }
0x67: {  	_ =	swait.ge [sflag:s31], $0x4000  }
0x68: {  	[sflag:s31] =	ssyncset.done $0x0  }
0x69: {  	[sflag:s31] =	ssyncadd.s32 $0xFFFFC000  }
0x6a: {  	[tilespmem:s24], [sflag:$0x3] =	stream.linear.gather [hbm4b:s14+s2], $0x100, $0x38;
	[tilespmem:$0x1FD80] =	vst v63  }
0x6b: {  	_ =	swait.ge [sflag:s19], $0x100  }
0x6c: {  	[sflag:s19] =	ssyncset.done $0x0  }
0x6d: {  	s9 =	simm.s32 $0x0;
	[sflag:s19] =	ssyncadd.s32 $0xFFFFFF00  }
0x6e: {  	[tilespmem:s25], [sflag:$0x1] =	stream.indirect.gather [hbm4b:s3+s22], $0x80, s24, s22, $0xb8;
	[tilespmem:$0x1FD80] =	vst v63  }
.LBB2_2:
0x6f: {  	_ =	swait.ge [sflag:s26], $0x4000  }
0x70: {  	[sflag:s26] =	ssyncset.done $0x0  }
0x71: {  	[sflag:s26] =	ssyncadd.s32 $0xFFFFC000  }
0x72: {  	[spmem:s1] =	stream.indirect.scatter.add.f32 [tilespmem:s23], [sflag:$0x2], $0x80, s22, s22, $0xb8;
	[tilespmem:$0x1FD80] =	vst v63  }
0x73: {  	_ =	swait.ge [sflag:s31], $0x4000  }
0x74: {  	[sflag:s31] =	ssyncset.done $0x0  }
0x75: {  	s10 =	sadd.s32 s9, s17;
	[sflag:s31] =	ssyncadd.s32 $0xFFFFC000  }
0x76: {  	[tilespmem:s28], [sflag:$0x3] =	stream.linear.gather [hbm4b:s10+s2], $0x100, $0x38;
	[tilespmem:$0x1FD80] =	vst v63  }
0x77: {  	_ =	swait.ge [sflag:s19], $0x100  }
0x78: {  	[sflag:s19] =	ssyncset.done $0x0  }
0x79: {  	[sflag:s19] =	ssyncadd.s32 $0xFFFFFF00  }
0x7a: {  	[tilespmem:s29], [sflag:$0x1] =	stream.indirect.gather [hbm4b:s3+s22], $0x80, s28, s22, $0xb8;
	[tilespmem:$0x1FD80] =	vst v63  }
0x7b: {  	_ =	swait.ge [sflag:s26], $0x4000  }
0x7c: {  	p1 =	seq.s32 s9, $0x960;
	[sflag:s26] =	ssyncset.done $0x0  }
.Ltmp2:
0x7d: {  	[sflag:s26] =	ssyncadd.s32 $0xFFFFC000;
	(pc) =	sbr.rel @p1 .LBB2_4-.Ltmp2, $4  }
0x7e: {  	[spmem:s1] =	stream.indirect.scatter.add.f32 [tilespmem:s25], [sflag:$0x2], $0x80, s30, s22, $0xb8;
	[tilespmem:$0x1FD80] =	vst v63  }
0x7f: {  	_ =	swait.ge [sflag:s31], $0x4000  }
0x80: {  	[sflag:s31] =	ssyncset.done $0x0  }
0x81: {  	[sflag:s31] =	ssyncadd.s32 $0xFFFFC000  }
0x82: {  	s10 =	sadd.s32 s9, s16  }
0x83: {  	[tilespmem:s2], [sflag:$0x3] =	stream.linear.gather [hbm4b:s10+s2], $0x100, $0x38;
	[tilespmem:$0x1FD80] =	vst v63  }
0x84: {  	_ =	swait.ge [sflag:s19], $0x100  }
0x85: {  	[sflag:s19] =	ssyncset.done $0x0  }
0x86: {  	[sflag:s19] =	ssyncadd.s32 $0xFFFFFF00  }
0x87: {  	[tilespmem:s23], [sflag:$0x1] =	stream.indirect.gather [hbm4b:s3+s22], $0x80, s2, s22, $0xb8;
	[tilespmem:$0x1FD80] =	vst v63  }
0x88: {  	_ =	swait.ge [sflag:s26], $0x4000  }
0x89: {  	[sflag:s26] =	ssyncset.done $0x0  }
0x8a: {  	[sflag:s26] =	ssyncadd.s32 $0xFFFFC000  }
0x8b: {  	[spmem:s1] =	stream.indirect.scatter.add.f32 [tilespmem:s29], [sflag:$0x2], $0x80, s0, s22, $0xb8;
	[tilespmem:$0x1FD80] =	vst v63  }
0x8c: {  	_ =	swait.ge [sflag:s31], $0x4000  }
0x8d: {  	[sflag:s31] =	ssyncset.done $0x0  }
0x8e: {  	s10 =	sadd.s32 s9, s15;
	[sflag:s31] =	ssyncadd.s32 $0xFFFFC000  }
0x8f: {  	[tilespmem:s24], [sflag:$0x3] =	stream.linear.gather [hbm4b:s10+s2], $0x100, $0x38;
	[tilespmem:$0x1FD80] =	vst v63  }
.Ltmp3:
0x90: {  	_ = 	snop;
	(pc) =	sbr.rel .LBB2_2-.Ltmp3, $4  }
0x91: {  	_ =	swait.ge [sflag:s19], $0x100  }
0x92: {  	[sflag:s19] =	ssyncset.done $0x0  }
0x93: {  	s9 =	sadd.s32 $0x60, s9;
	[sflag:s19] =	ssyncadd.s32 $0xFFFFFF00  }
0x94: {  	[tilespmem:s25], [sflag:$0x1] =	stream.indirect.gather [hbm4b:s3+s22], $0x80, s24, s22, $0xb8;
	[tilespmem:$0x1FD80] =	vst v63  }
.LBB2_5:
0x95: {  	_ =	sfence.sel $0x180000  }
0x96: {  	[bflag:$0x0] =	sbarrier.arrive $0xFFFF  }
0x97: {  	_ =	strace $0x90000059  }
0x98: {  	[bflag:$0x2] =	sbarrier.arrive $0xFFFF  }
0x99: {  	s0 =	rddreg [dreg:$0x2]  }
0x9a: {  	s0 =	sadd.s32 @!p0 $0x100000, s0  }
0x9b: {  	[sflag:s0] =	ssyncadd.tile.s32 @!p0 $0x1;
	_ =	shalt  }
.Lfunc_end2:
_tile_overlayer_lowered:
.L_overlay_start_2:
0x9c: {  	(tag) =	ssettag $0x2  }
0x9d: {  	s0 =	rddreg [dreg:$0x0];
	s2 =	stileid.u32  }
0x9e: {  	s1 =	rddreg [dreg:$0x1];
	p0 =	sne.s32 s2, $0x0  }
0x9f: {  	s3 =	rddreg [dreg:$0x2];
	[bflag:$0x3] =	sbarrier.arrive $0xFFFF;
	s2 =	simm.s32 @!p0 $0x1C03  }
0xa0: {  	[timem:s3], [sflag:s2] =	dma.local @!p0 [hbm:s0], s1  }
0xa1: {  	s0 =	simm.s32 @!p0 $0x3  }
0xa2: {  	_ =	swait.ge @!p0 [sflag:s0], s1  }
0xa3: {  	s1 =	ssub.s32 @!p0 $0x0, s1;
	[sflag:s0] =	ssyncset.done @!p0 $0x0  }
0xa4: {  	[sflag:s0] =	ssyncadd.s32 @!p0 s1  }
0xa5: {  	[bflag:$0x3] =	sbarrier.arrive $0xFFFF  }
0xa6: {  	_ =	shalt  }

</sc_bundles>
